<compile_context>
chip_gen: v7x
topology: tpu7x:2x2x1
jax: 0.10.2.dev20260603
libtpu: 0.0.44.dev20260713+nightly
codegen_flags: <defaults>
</compile_context>

<pallas_src>
import functools

import jax
import jax.numpy as jnp
from jax import lax
from jax.experimental import pallas as pl
from jax.experimental.pallas import tpu as pltpu
from jax.experimental.pallas import tpu_sc as plsc

N_NODES_K = 10000
N_EDGES_K = 320000
NC = 2
NS = 16
NW = NC * NS
CH = 128
NCH_TOT = N_EDGES_K // CH
BASE_CH = NCH_TOT // NW
EXTRA_W = NCH_TOT - BASE_CH * NW
STRIPE = 640
LAST_STRIPE = N_NODES_K - (NS - 1) * STRIPE
SUB = 80
DEG_W = 16
NBUF = 8
DEPTH = 4
DEG_DEPTH = 16

_mesh = plsc.VectorSubcoreMesh(core_axis_name="c", subcore_axis_name="s")
_sc_params = pltpu.CompilerParams(use_tc_tiling_on_sc=False)


def _zero_rows(ref, nrows, width):

    def body(i, _):
        for k in range(width // 16):
            ref[i, pl.ds(k * 16, 16)] = jnp.zeros((16,), jnp.float32)
        return 0

    lax.fori_loop(0, nrows, body, 0)


def _load_worker_indices(idx2_hbm, idx_v, wid):
    base = wid * BASE_CH
    pltpu.sync_copy(idx2_hbm.at[pl.ds(base, BASE_CH)],
                    idx_v.at[pl.ds(0, BASE_CH)])

    @pl.when(wid < EXTRA_W)
    def _():
        pltpu.sync_copy(idx2_hbm.at[NW * BASE_CH + wid], idx_v.at[BASE_CH])


@functools.partial(
    pl.kernel,
    out_type=jax.ShapeDtypeStruct((NC, N_NODES_K, DEG_W), jnp.float32),
    mesh=_mesh,
    scratch_types=[
        pltpu.VMEM((BASE_CH + 1, CH), jnp.int32),
        pltpu.VMEM((CH, DEG_W), jnp.float32),
        pltpu.VMEM((SUB, DEG_W), jnp.float32),
        pltpu.VMEM_SHARED((N_NODES_K, DEG_W), jnp.float32),
        pltpu.SemaphoreType.DMA,
    ],
    compiler_params=_sc_params,
)
def _deg_partials(dst2_hbm, out_hbm, dst_v, ones_v, zbuf_v, acc_sh, sem):
    cid = lax.axis_index("c")
    tid = lax.axis_index("s")
    wid = tid * NC + cid

    def fill(i, _):
        ones_v[i, pl.ds(0, 16)] = jnp.full((16,), 1.0, jnp.float32)
        return 0

    lax.fori_loop(0, CH, fill, 0)
    _zero_rows(zbuf_v, SUB, DEG_W)

    row0 = tid * STRIPE
    nsub = jnp.where(tid == NS - 1, LAST_STRIPE // SUB, STRIPE // SUB)

    def zero_sub(k, _):
        r = pl.multiple_of(row0 + k * SUB, 8)
        pltpu.async_copy(zbuf_v, acc_sh.at[pl.ds(r, SUB)], sem)
        return 0

    lax.fori_loop(0, nsub, zero_sub, 0)

    _load_worker_indices(dst2_hbm, dst_v, wid)

    def zero_drain(k, _):
        pltpu.make_async_copy(zbuf_v, acc_sh.at[pl.ds(0, SUB)], sem).wait()
        return 0

    lax.fori_loop(0, nsub, zero_drain, 0)

    plsc.subcore_barrier()

    def chunk(j, _):
        pltpu.async_copy(ones_v, acc_sh.at[dst_v.at[j]], sem, add=True)

        @pl.when(j >= DEG_DEPTH)
        def _():
            pltpu.make_async_copy(
                ones_v, acc_sh.at[dst_v.at[0]], sem).wait()
        return 0

    lax.fori_loop(0, BASE_CH, chunk, 0)

    @pl.when(wid < EXTRA_W)
    def _():
        pltpu.async_copy(ones_v, acc_sh.at[dst_v.at[BASE_CH]], sem, add=True)

    def drain(j, _):
        pltpu.make_async_copy(ones_v, acc_sh.at[dst_v.at[0]], sem).wait()
        return 0

    lax.fori_loop(0, DEG_DEPTH, drain, 0)

    @pl.when(wid < EXTRA_W)
    def _():
        pltpu.make_async_copy(ones_v, acc_sh.at[dst_v.at[0]], sem).wait()

    plsc.subcore_barrier()

    @pl.when(tid < NS - 1)
    def _():
        r = pl.multiple_of(row0, 8)
        pltpu.sync_copy(acc_sh.at[pl.ds(r, STRIPE)],
                        out_hbm.at[cid, pl.ds(r, STRIPE)])

    @pl.when(tid == NS - 1)
    def _():
        r = pl.multiple_of(row0, 8)
        pltpu.sync_copy(acc_sh.at[pl.ds(r, LAST_STRIPE)],
                        out_hbm.at[cid, pl.ds(r, LAST_STRIPE)])


@functools.partial(
    pl.kernel,
    out_type=jax.ShapeDtypeStruct((NC, N_NODES_K, 64), jnp.float32),
    mesh=_mesh,
    scratch_types=[
        pltpu.VMEM((BASE_CH + 1, CH), jnp.int32),
        pltpu.VMEM((BASE_CH + 1, CH), jnp.int32),
        pltpu.VMEM((NBUF, CH, 64), jnp.float32),
        pltpu.VMEM((SUB, 64), jnp.float32),
        pltpu.VMEM_SHARED((N_NODES_K, 64), jnp.float32),
        pltpu.SemaphoreType.DMA,
        pltpu.SemaphoreType.DMA,
    ],
    compiler_params=_sc_params,
)
def _msg_partials(htp_hbm, src2_hbm, dst2_hbm, out_hbm,
                  src_v, dst_v, rows_v, zbuf_v, acc_sh, sem_g, sem_s):
    cid = lax.axis_index("c")
    tid = lax.axis_index("s")
    wid = tid * NC + cid

    htv = htp_hbm
    outv = out_hbm.at[cid]

    _zero_rows(zbuf_v, SUB, 64)

    row0 = tid * STRIPE
    nsub = jnp.where(tid == NS - 1, LAST_STRIPE // SUB, STRIPE // SUB)

    def zero_sub(k, _):
        r = pl.multiple_of(row0 + k * SUB, 8)
        pltpu.async_copy(zbuf_v, acc_sh.at[pl.ds(r, SUB)], sem_s)
        return 0

    lax.fori_loop(0, nsub, zero_sub, 0)

    _load_worker_indices(src2_hbm, src_v, wid)
    _load_worker_indices(dst2_hbm, dst_v, wid)

    def zero_drain(k, _):
        pltpu.make_async_copy(zbuf_v, acc_sh.at[pl.ds(0, SUB)], sem_s).wait()
        return 0

    lax.fori_loop(0, nsub, zero_drain, 0)

    plsc.subcore_barrier()

    for b in range(DEPTH):
        pltpu.async_copy(htv.at[src_v.at[b]], rows_v.at[b], sem_g)

    def group(g, _):
        j0 = NBUF * g
        for b in range(NBUF):
            j = j0 + b

            @pl.when(j < BASE_CH)
            def _():
                pltpu.make_async_copy(
                    htv.at[src_v.at[0]], rows_v.at[b], sem_g).wait()
                pltpu.async_copy(rows_v.at[b], acc_sh.at[dst_v.at[j]],
                                 sem_s, add=True)

                @pl.when(j >= DEPTH)
                def _():
                    pltpu.make_async_copy(
                        rows_v.at[0], acc_sh.at[dst_v.at[0]], sem_s).wait()

                @pl.when(j + DEPTH < BASE_CH)
                def _():
                    pltpu.async_copy(htv.at[src_v.at[j + DEPTH]],
                                     rows_v.at[(b + DEPTH) % NBUF], sem_g)
        return 0

    lax.fori_loop(0, (BASE_CH + NBUF - 1) // NBUF, group, 0)

    for _ in range(DEPTH):
        pltpu.make_async_copy(
            rows_v.at[0], acc_sh.at[dst_v.at[0]], sem_s).wait()

    @pl.when(wid < EXTRA_W)
    def _():
        pltpu.sync_copy(htv.at[src_v.at[BASE_CH]], rows_v.at[0])
        pltpu.sync_copy(rows_v.at[0], acc_sh.at[dst_v.at[BASE_CH]], add=True)

    plsc.subcore_barrier()

    @pl.when(tid < NS - 1)
    def _():
        r = pl.multiple_of(row0, 8)
        pltpu.sync_copy(acc_sh.at[pl.ds(r, STRIPE)],
                        outv.at[pl.ds(r, STRIPE)])

    @pl.when(tid == NS - 1)
    def _():
        r = pl.multiple_of(row0, 8)
        pltpu.sync_copy(acc_sh.at[pl.ds(r, LAST_STRIPE)],
                        outv.at[pl.ds(r, LAST_STRIPE)])




def _mm_scale_body(degp_ref, x_ref, w1_ref, ht_ref, dinv_ref):
    degp = degp_ref[...]
    deg = degp[0, :, 0] + degp[1, :, 0] + 1.0
    dinv = lax.rsqrt(deg)
    h = jnp.dot(x_ref[...], w1_ref[...], preferred_element_type=jnp.float32)
    ht_ref[...] = h * dinv[:, None]
    dinv_ref[...] = dinv[:, None]


def _tc2_body(rv_ref, ht_ref, dinv_ref, b1_ref, w2_ref, ht2_ref):
    rv = rv_ref[...]
    t = rv[0] + rv[1] + ht_ref[...]
    dinv = dinv_ref[...]
    out1 = dinv * t + b1_ref[...]
    h1 = jnp.maximum(out1, 0.0)
    h2 = jnp.dot(h1, w2_ref[...], preferred_element_type=jnp.float32)
    ht2_ref[...] = h2 * dinv


def _tc3_body(rv_ref, ht2_ref, dinv_ref, b2_ref, out_ref):
    rv = rv_ref[...]
    t = rv[0] + rv[1] + ht2_ref[...]
    out_ref[...] = dinv_ref[...] * t + b2_ref[...]


@jax.jit
def kernel(x, edge_index, W1, b1, W2, b2):
    n = N_NODES_K
    src2 = edge_index[0].reshape(NCH_TOT, CH)
    dst2 = edge_index[1].reshape(NCH_TOT, CH)

    degp = _deg_partials(dst2)

    ht, dinv = pl.pallas_call(
        _mm_scale_body,
        out_shape=[
            jax.ShapeDtypeStruct((n, 64), jnp.float32),
            jax.ShapeDtypeStruct((n, 1), jnp.float32),
        ],
    )(degp, x, W1)

    r1 = _msg_partials(ht, src2, dst2)

    ht2 = pl.pallas_call(
        _tc2_body,
        out_shape=jax.ShapeDtypeStruct((n, 64), jnp.float32),
    )(r1, ht, dinv, b1.reshape(1, 64), W2)

    r2 = _msg_partials(ht2, src2, dst2)

    out = pl.pallas_call(
        _tc3_body,
        out_shape=jax.ShapeDtypeStruct((n, 64), jnp.float32),
    )(r2, ht2, dinv, b2.reshape(1, 64))

    return out

# --- scband reference (transcript-rebuilt; emitter-appended) ---
"""Pipeline reference for scband-single-gcnencoder-89850715832383 (READ-ONLY COPY).

The authoritative reference and input builder live on the scoring server;
editing this copy changes nothing except your own understanding.
"""

import jax, jax.numpy as jnp
import numpy as np

N_NODES = 10000
N_EDGES = 320000
IN_DIM = 128
HID_DIM = 64
LAT_DIM = 64


def gcn_conv(x, edge_index, W, b, num_nodes):
    # torch_geometric GCNConv default: add self-loops, symmetric normalization
    src = edge_index[0]
    dst = edge_index[1]
    loop = jnp.arange(num_nodes, dtype=edge_index.dtype)
    src = jnp.concatenate([src, loop])
    dst = jnp.concatenate([dst, loop])
    deg = jnp.zeros((num_nodes,), dtype=x.dtype).at[dst].add(1.0)
    deg_inv_sqrt = jnp.where(deg > 0, deg ** -0.5, 0.0)
    norm = deg_inv_sqrt[src] * deg_inv_sqrt[dst]
    h = x @ W
    msg = h[src] * norm[:, None]
    out = jnp.zeros((num_nodes, W.shape[1]), dtype=x.dtype).at[dst].add(msg)
    return out + b


def setup_inputs(seed: int = 0) -> dict:
    key = jax.random.key(seed)
    k_x, k_e, k_w1, k_b1, k_w2, k_b2 = jax.random.split(key, 6)
    x = jax.random.normal(k_x, (N_NODES, IN_DIM), dtype=jnp.float32)
    edge_index = jax.random.randint(k_e, (2, N_EDGES), 0, N_NODES, dtype=jnp.int64 if jax.config.jax_enable_x64 else jnp.int32).astype(jnp.int32)
    s1 = 1.0 / np.sqrt(IN_DIM)
    s2 = 1.0 / np.sqrt(HID_DIM)
    W1 = jax.random.uniform(k_w1, (IN_DIM, HID_DIM), minval=-s1, maxval=s1, dtype=jnp.float32)
    b1 = jax.random.uniform(k_b1, (HID_DIM,), minval=-s1, maxval=s1, dtype=jnp.float32)
    W2 = jax.random.uniform(k_w2, (HID_DIM, LAT_DIM), minval=-s2, maxval=s2, dtype=jnp.float32)
    b2 = jax.random.uniform(k_b2, (LAT_DIM,), minval=-s2, maxval=s2, dtype=jnp.float32)
    return {"x": x, "edge_index": edge_index, "W1": W1, "b1": b1, "W2": W2, "b2": b2}


def reference(x, edge_index, W1, b1, W2, b2):
    h = gcn_conv(x, edge_index, W1, b1, N_NODES)
    h = jax.nn.relu(h)
    out = gcn_conv(h, edge_index, W2, b2, N_NODES)
    return out

if __name__ == "__main__":
    import jax
    _d = setup_inputs()
    print(jax.jit(kernel)(*tuple(_d.values())))

</pallas_src>

<mosaic_0001>
#map = affine_map<(d0, d1) -> (0, 0)>
#map1 = affine_map<(d0, d1) -> (0, 0, 0)>
module attributes {stable_mosaic.version = 14 : i64} {
  func.func @_deg_partials(%arg0: i32, %arg1: i32, %arg2: memref<2500x128xi32, #tpu.memory_space<hbm>>, %arg3: memref<2x10000x16xf32, #tpu.memory_space<hbm>>, %arg4: memref<79x128xi32, #tpu.memory_space<vmem>>, %arg5: memref<128x16xf32, #tpu.memory_space<vmem>>, %arg6: memref<80x16xf32, #tpu.memory_space<vmem>>, %arg7: memref<10000x16xf32, #tpu.memory_space<vmem_shared>>, %arg8: memref<!tpu.dma_semaphore, #tpu.memory_space<semaphore_mem>>) attributes {dimension_semantics = [#tpu.dimension_semantics<core_parallel>, #tpu.dimension_semantics<subcore_parallel>], iteration_bounds = array<i64: 2, 16>, scalar_prefetch = 0 : i64, scratch_operands = 5 : i64, tpu.core_type = #tpu.core_type<sc_vector_subcore>, window_params = [{transform_indices = #map}, {transform_indices = #map1}]} {
    %mul3A = arith.constant 2 : i32
    %mul3A_0 = arith.muli %arg1, %mul3A : i32
    %add3A = arith.addi %mul3A_0, %arg0 : i32
    %scan3A = arith.constant 0 : i32
    %scan3A_1 = arith.constant 0 : i32
    %scan3A_2 = arith.constant 128 : i32
    %scan3A_3 = arith.addi %scan3A_1, %scan3A_2 : i32
    %scan3A_4 = arith.constant 1 : i32
    %scan3A_5 = scf.for %scan3A_80 = %scan3A_1 to %scan3A_3 step %scan3A_4 iter_args(%scan3A_81 = %scan3A) -> (i32)  : i32 {
      %broadcast_in_dim3A = arith.constant 1.000000e+00 : f32
      %broadcast_in_dim3A_82 = vector.broadcast %broadcast_in_dim3A : f32 to vector<16xf32>
      %swap3A = arith.index_cast %scan3A_80 : i32 to index
      %swap3A_83 = arith.constant 0 : index
      %swap3A_84 = tpu.vector_load %arg5[%swap3A, %swap3A_83] {strides = array<i32>} : memref<128x16xf32, #tpu.memory_space<vmem>>, vector<1x16xf32>,
      %swap3A_85 = vector.shape_cast %swap3A_84 : vector<1x16xf32> to vector<16xf32>
      %swap3A_86 = vector.shape_cast %broadcast_in_dim3A_82 : vector<16xf32> to vector<1x16xf32>
      tpu.vector_store %arg5[%swap3A, %swap3A_83], %swap3A_86 {strides = array<i32>} : memref<128x16xf32, #tpu.memory_space<vmem>>, vector<1x16xf32>,
      %scan3A_87 = arith.constant 0 : i32
      scf.yield %scan3A_87 : i32
    }
    %scan3A_6 = arith.constant 128 : i32
    %scan3A_7 = arith.constant 0 : i32
    %scan3A_8 = arith.constant 0 : i32
    %scan3A_9 = arith.constant 80 : i32
    %scan3A_10 = arith.addi %scan3A_8, %scan3A_9 : i32
    %scan3A_11 = arith.constant 1 : i32
    %scan3A_12 = scf.for %scan3A_80 = %scan3A_8 to %scan3A_10 step %scan3A_11 iter_args(%scan3A_81 = %scan3A_7) -> (i32)  : i32 {
      %broadcast_in_dim3A = arith.constant 0.000000e+00 : f32
      %broadcast_in_dim3A_82 = vector.broadcast %broadcast_in_dim3A : f32 to vector<16xf32>
      %swap3A = arith.index_cast %scan3A_80 : i32 to index
      %swap3A_83 = arith.constant 0 : index
      %swap3A_84 = tpu.vector_load %arg6[%swap3A, %swap3A_83] {strides = array<i32>} : memref<80x16xf32, #tpu.memory_space<vmem>>, vector<1x16xf32>,
      %swap3A_85 = vector.shape_cast %swap3A_84 : vector<1x16xf32> to vector<16xf32>
      %swap3A_86 = vector.shape_cast %broadcast_in_dim3A_82 : vector<16xf32> to vector<1x16xf32>
      tpu.vector_store %arg6[%swap3A, %swap3A_83], %swap3A_86 {strides = array<i32>} : memref<80x16xf32, #tpu.memory_space<vmem>>, vector<1x16xf32>,
      %scan3A_87 = arith.constant 0 : i32
      scf.yield %scan3A_87 : i32
    }
    %scan3A_13 = arith.constant 80 : i32
    %mul3A_14 = arith.constant 640 : i32
    %mul3A_15 = arith.muli %arg1, %mul3A_14 : i32
    %eq3A = arith.constant 15 : i32
    %eq3A_16 = arith.cmpi eq, %arg1, %eq3A : i32
    %jit3A = arith.constant 5 : i32
    %jit3A_17 = arith.constant 8 : i32
    %select_n3A = arith.select %eq3A_16, %jit3A, %jit3A_17 : i32
    %while3A = arith.constant 0 : i32
    %while3A_18 = arith.constant 0 : i32
    %while3A_19 = arith.subi %select_n3A, %while3A : i32
    %while3A_20 = arith.addi %while3A, %while3A_19 : i32
    %while3A_21 = arith.constant 1 : i32
    %while3A_22 = arith.divsi %while3A_19, %while3A_21 : i32
    %while3A_23 = arith.muli %while3A_22, %while3A_21 : i32
    %while3A_24 = arith.addi %while3A, %while3A_23 : i32
    %while3A_25 = arith.constant 1 : i32
    %while3A_26 = scf.for %while3A_80 = %while3A to %while3A_24 step %while3A_25 iter_args(%while3A_81 = %while3A_18) -> (i32)  : i32 {
      %mul3A_82 = arith.constant 80 : i32
      %mul3A_83 = arith.muli %while3A_80, %mul3A_82 : i32
      %add3A_84 = arith.addi %mul3A_15, %mul3A_83 : i32
      %multiple_of3A = tpu.assume_multiple %add3A_84, 8 : i32
      %dma_start3A = arith.constant 0 : i32
      %dma_start3A_85 = tpu.memref_slice %arg7[%multiple_of3A, %dma_start3A] : memref<10000x16xf32, #tpu.memory_space<vmem_shared>> -> memref<80x16xf32, #tpu.memory_space<vmem_shared>>
      %dma_start3A_86 = arith.constant 0 : i32
      %dma_start3A_87 = tpu.memref_slice %arg7[%multiple_of3A, %dma_start3A_86] : memref<10000x16xf32, #tpu.memory_space<vmem_shared>> -> memref<80x16xf32, #tpu.memory_space<vmem_shared>>
      tpu.enqueue_dma source(%arg6 : memref<80x16xf32, #tpu.memory_space<vmem>>) target(%dma_start3A_87 : memref<80x16xf32, #tpu.memory_space<vmem_shared>>) target_semaphore(%arg8 : memref<!tpu.dma_semaphore, #tpu.memory_space<semaphore_mem>>)
      %while3A_88 = arith.constant 0 : i32
      scf.yield %while3A_88 : i32
    }
    %while3A_27 = arith.constant 1 : i32
    %while3A_28 = scf.for %while3A_80 = %while3A_24 to %while3A_20 step %while3A_27 iter_args(%while3A_81 = %while3A_26) -> (i32)  : i32 {
      %mul3A_82 = arith.constant 80 : i32
      %mul3A_83 = arith.muli %while3A_80, %mul3A_82 : i32
      %add3A_84 = arith.addi %mul3A_15, %mul3A_83 : i32
      %multiple_of3A = tpu.assume_multiple %add3A_84, 8 : i32
      %dma_start3A = arith.constant 0 : i32
      %dma_start3A_85 = tpu.memref_slice %arg7[%multiple_of3A, %dma_start3A] : memref<10000x16xf32, #tpu.memory_space<vmem_shared>> -> memref<80x16xf32, #tpu.memory_space<vmem_shared>>
      %dma_start3A_86 = arith.constant 0 : i32
      %dma_start3A_87 = tpu.memref_slice %arg7[%multiple_of3A, %dma_start3A_86] : memref<10000x16xf32, #tpu.memory_space<vmem_shared>> -> memref<80x16xf32, #tpu.memory_space<vmem_shared>>
      tpu.enqueue_dma source(%arg6 : memref<80x16xf32, #tpu.memory_space<vmem>>) target(%dma_start3A_87 : memref<80x16xf32, #tpu.memory_space<vmem_shared>>) target_semaphore(%arg8 : memref<!tpu.dma_semaphore, #tpu.memory_space<semaphore_mem>>)
      %while3A_88 = arith.constant 0 : i32
      scf.yield %while3A_88 : i32
    }
    %mul3A_29 = arith.constant 78 : i32
    %mul3A_30 = arith.muli %add3A, %mul3A_29 : i32
    "tpu.region"() ({
      %run_scoped3A = tpu.sem_alloc : memref<!tpu.dma_semaphore, #tpu.memory_space<semaphore_mem>>
      %dma_start3A = arith.constant 0 : i32
      %dma_start3A_80 = arith.constant 0 : i32
      %dma_start3A_81 = tpu.memref_slice %arg4[%dma_start3A, %dma_start3A_80] : memref<79x128xi32, #tpu.memory_space<vmem>> -> memref<78x128xi32, #tpu.memory_space<vmem>>
      %dma_start3A_82 = arith.constant 0 : i32
      %dma_start3A_83 = tpu.memref_slice %arg2[%mul3A_30, %dma_start3A_82] : memref<2500x128xi32, #tpu.memory_space<hbm>> -> memref<78x128xi32, #tpu.memory_space<hbm>>
      %dma_start3A_84 = arith.constant 0 : i32
      %dma_start3A_85 = arith.constant 0 : i32
      %dma_start3A_86 = tpu.memref_slice %arg4[%dma_start3A_84, %dma_start3A_85] : memref<79x128xi32, #tpu.memory_space<vmem>> -> memref<78x128xi32, #tpu.memory_space<vmem>>
      %dma_start3A_87 = arith.constant 0 : i32
      %dma_start3A_88 = tpu.memref_slice %arg2[%mul3A_30, %dma_start3A_87] : memref<2500x128xi32, #tpu.memory_space<hbm>> -> memref<78x128xi32, #tpu.memory_space<hbm>>
      tpu.enqueue_dma source(%dma_start3A_88 : memref<78x128xi32, #tpu.memory_space<hbm>>) target(%dma_start3A_86 : memref<78x128xi32, #tpu.memory_space<vmem>>) target_semaphore(%run_scoped3A : memref<!tpu.dma_semaphore, #tpu.memory_space<semaphore_mem>>)
      %dma_wait3A = arith.constant 0 : i32
      %dma_wait3A_89 = arith.constant 0 : i32
      %dma_wait3A_90 = tpu.memref_slice %arg4[%dma_wait3A, %dma_wait3A_89] : memref<79x128xi32, #tpu.memory_space<vmem>> -> memref<78x128xi32, #tpu.memory_space<vmem>>
      %dma_wait3A_91 = arith.constant 0 : i32
      %dma_wait3A_92 = tpu.memref_slice %arg2[%mul3A_30, %dma_wait3A_91] : memref<2500x128xi32, #tpu.memory_space<hbm>> -> memref<78x128xi32, #tpu.memory_space<hbm>>
      %dma_wait3A_93 = arith.constant 0 : i32
      %dma_wait3A_94 = arith.constant 0 : i32
      %dma_wait3A_95 = tpu.memref_slice %arg4[%dma_wait3A_93, %dma_wait3A_94] : memref<79x128xi32, #tpu.memory_space<vmem>> -> memref<78x128xi32, #tpu.memory_space<vmem>>
      %dma_wait3A_96 = arith.constant 0 : i32
      %dma_wait3A_97 = tpu.memref_slice %arg2[%mul3A_30, %dma_wait3A_96] : memref<2500x128xi32, #tpu.memory_space<hbm>> -> memref<78x128xi32, #tpu.memory_space<hbm>>
      tpu.wait_dma2 semaphore(%run_scoped3A : memref<!tpu.dma_semaphore, #tpu.memory_space<semaphore_mem>>) src(%dma_wait3A_97 : memref<78x128xi32, #tpu.memory_space<hbm>>) dst(%dma_wait3A_95 : memref<78x128xi32, #tpu.memory_space<vmem>>)
      tpu.yield
    }) : () -> ()
    %lt3A = arith.constant 4 : i32
    %lt3A_31 = arith.cmpi slt, %add3A, %lt3A : i32
    %convert_element_type3A = arith.extui %lt3A_31 : i1 to i32
    %cond3A = arith.constant 0 : i32
    %cond3A_32 = arith.cmpi ne, %convert_element_type3A, %cond3A : i32
    scf.if %cond3A_32 {
      %add3A_80 = arith.constant 2496 : i32
      %add3A_81 = arith.addi %add3A_80, %add3A : i32
      %run_scoped3A = arith.constant 78 : i32
      "tpu.region"() ({
        %run_scoped3A_82 = tpu.sem_alloc : memref<!tpu.dma_semaphore, #tpu.memory_space<semaphore_mem>>
        %dma_start3A = arith.constant 0 : i32
        %dma_start3A_83 = tpu.memref_slice %arg4[%run_scoped3A, %dma_start3A] : memref<79x128xi32, #tpu.memory_space<vmem>> -> memref<1x128xi32, #tpu.memory_space<vmem>>
        %dma_start3A_84 = tpu.memref_squeeze %dma_start3A_83 : memref<1x128xi32, #tpu.memory_space<vmem>> -> memref<128xi32, #tpu.memory_space<vmem>>
        %dma_start3A_85 = arith.constant 0 : i32
        %dma_start3A_86 = tpu.memref_slice %arg2[%add3A_81, %dma_start3A_85] : memref<2500x128xi32, #tpu.memory_space<hbm>> -> memref<1x128xi32, #tpu.memory_space<hbm>>
        %dma_start3A_87 = tpu.memref_squeeze %dma_start3A_86 : memref<1x128xi32, #tpu.memory_space<hbm>> -> memref<128xi32, #tpu.memory_space<hbm>>
        %dma_start3A_88 = arith.constant 0 : i32
        %dma_start3A_89 = tpu.memref_slice %arg4[%run_scoped3A, %dma_start3A_88] : memref<79x128xi32, #tpu.memory_space<vmem>> -> memref<1x128xi32, #tpu.memory_space<vmem>>
        %dma_start3A_90 = tpu.memref_squeeze %dma_start3A_89 : memref<1x128xi32, #tpu.memory_space<vmem>> -> memref<128xi32, #tpu.memory_space<vmem>>
        %dma_start3A_91 = arith.constant 0 : i32
        %dma_start3A_92 = tpu.memref_slice %arg2[%add3A_81, %dma_start3A_91] : memref<2500x128xi32, #tpu.memory_space<hbm>> -> memref<1x128xi32, #tpu.memory_space<hbm>>
        %dma_start3A_93 = tpu.memref_squeeze %dma_start3A_92 : memref<1x128xi32, #tpu.memory_space<hbm>> -> memref<128xi32, #tpu.memory_space<hbm>>
        tpu.enqueue_dma source(%dma_start3A_93 : memref<128xi32, #tpu.memory_space<hbm>>) target(%dma_start3A_90 : memref<128xi32, #tpu.memory_space<vmem>>) target_semaphore(%run_scoped3A_82 : memref<!tpu.dma_semaphore, #tpu.memory_space<semaphore_mem>>)
        %dma_wait3A = arith.constant 0 : i32
        %dma_wait3A_94 = tpu.memref_slice %arg4[%run_scoped3A, %dma_wait3A] : memref<79x128xi32, #tpu.memory_space<vmem>> -> memref<1x128xi32, #tpu.memory_space<vmem>>
        %dma_wait3A_95 = tpu.memref_squeeze %dma_wait3A_94 : memref<1x128xi32, #tpu.memory_space<vmem>> -> memref<128xi32, #tpu.memory_space<vmem>>
        %dma_wait3A_96 = arith.constant 0 : i32
        %dma_wait3A_97 = tpu.memref_slice %arg2[%add3A_81, %dma_wait3A_96] : memref<2500x128xi32, #tpu.memory_space<hbm>> -> memref<1x128xi32, #tpu.memory_space<hbm>>
        %dma_wait3A_98 = tpu.memref_squeeze %dma_wait3A_97 : memref<1x128xi32, #tpu.memory_space<hbm>> -> memref<128xi32, #tpu.memory_space<hbm>>
        %dma_wait3A_99 = arith.constant 0 : i32
        %dma_wait3A_100 = tpu.memref_slice %arg4[%run_scoped3A, %dma_wait3A_99] : memref<79x128xi32, #tpu.memory_space<vmem>> -> memref<1x128xi32, #tpu.memory_space<vmem>>
        %dma_wait3A_101 = tpu.memref_squeeze %dma_wait3A_100 : memref<1x128xi32, #tpu.memory_space<vmem>> -> memref<128xi32, #tpu.memory_space<vmem>>
        %dma_wait3A_102 = arith.constant 0 : i32
        %dma_wait3A_103 = tpu.memref_slice %arg2[%add3A_81, %dma_wait3A_102] : memref<2500x128xi32, #tpu.memory_space<hbm>> -> memref<1x128xi32, #tpu.memory_space<hbm>>
        %dma_wait3A_104 = tpu.memref_squeeze %dma_wait3A_103 : memref<1x128xi32, #tpu.memory_space<hbm>> -> memref<128xi32, #tpu.memory_space<hbm>>
        tpu.wait_dma2 semaphore(%run_scoped3A_82 : memref<!tpu.dma_semaphore, #tpu.memory_space<semaphore_mem>>) src(%dma_wait3A_104 : memref<128xi32, #tpu.memory_space<hbm>>) dst(%dma_wait3A_101 : memref<128xi32, #tpu.memory_space<vmem>>)
        tpu.yield
      }) : () -> ()
    } else {
    }
    %while3A_33 = arith.constant 0 : i32
    %while3A_34 = arith.constant 0 : i32
    %while3A_35 = arith.subi %select_n3A, %while3A_33 : i32
    %while3A_36 = arith.addi %while3A_33, %while3A_35 : i32
    %while3A_37 = arith.constant 1 : i32
    %while3A_38 = arith.divsi %while3A_35, %while3A_37 : i32
    %while3A_39 = arith.muli %while3A_38, %while3A_37 : i32
    %while3A_40 = arith.addi %while3A_33, %while3A_39 : i32
    %while3A_41 = arith.constant 1 : i32
    %while3A_42 = scf.for %while3A_80 = %while3A_33 to %while3A_40 step %while3A_41 iter_args(%while3A_81 = %while3A_34) -> (i32)  : i32 {
      %dma_wait3A = arith.constant 0 : i32
      %dma_wait3A_82 = arith.constant 0 : i32
      %dma_wait3A_83 = tpu.memref_slice %arg7[%dma_wait3A, %dma_wait3A_82] : memref<10000x16xf32, #tpu.memory_space<vmem_shared>> -> memref<80x16xf32, #tpu.memory_space<vmem_shared>>
      %dma_wait3A_84 = arith.constant 0 : i32
      %dma_wait3A_85 = arith.constant 0 : i32
      %dma_wait3A_86 = tpu.memref_slice %arg7[%dma_wait3A_84, %dma_wait3A_85] : memref<10000x16xf32, #tpu.memory_space<vmem_shared>> -> memref<80x16xf32, #tpu.memory_space<vmem_shared>>
      tpu.wait_dma2 semaphore(%arg8 : memref<!tpu.dma_semaphore, #tpu.memory_space<semaphore_mem>>) src(%arg6 : memref<80x16xf32, #tpu.memory_space<vmem>>) dst(%dma_wait3A_86 : memref<80x16xf32, #tpu.memory_space<vmem_shared>>)
      %while3A_87 = arith.constant 0 : i32
      scf.yield %while3A_87 : i32
    }
    %while3A_43 = arith.constant 1 : i32
    %while3A_44 = scf.for %while3A_80 = %while3A_40 to %while3A_36 step %while3A_43 iter_args(%while3A_81 = %while3A_42) -> (i32)  : i32 {
      %dma_wait3A = arith.constant 0 : i32
      %dma_wait3A_82 = arith.constant 0 : i32
      %dma_wait3A_83 = tpu.memref_slice %arg7[%dma_wait3A, %dma_wait3A_82] : memref<10000x16xf32, #tpu.memory_space<vmem_shared>> -> memref<80x16xf32, #tpu.memory_space<vmem_shared>>
      %dma_wait3A_84 = arith.constant 0 : i32
      %dma_wait3A_85 = arith.constant 0 : i32
      %dma_wait3A_86 = tpu.memref_slice %arg7[%dma_wait3A_84, %dma_wait3A_85] : memref<10000x16xf32, #tpu.memory_space<vmem_shared>> -> memref<80x16xf32, #tpu.memory_space<vmem_shared>>
      tpu.wait_dma2 semaphore(%arg8 : memref<!tpu.dma_semaphore, #tpu.memory_space<semaphore_mem>>) src(%arg6 : memref<80x16xf32, #tpu.memory_space<vmem>>) dst(%dma_wait3A_86 : memref<80x16xf32, #tpu.memory_space<vmem_shared>>)
      %while3A_87 = arith.constant 0 : i32
      scf.yield %while3A_87 : i32
    }
    %barrier3A = arith.constant 0 : index
    tpu.barrier barrier_id(%barrier3A)
    %scan3A_45 = arith.constant 0 : i32
    %scan3A_46 = arith.constant 0 : i32
    %scan3A_47 = arith.constant 78 : i32
    %scan3A_48 = arith.addi %scan3A_46, %scan3A_47 : i32
    %scan3A_49 = arith.constant 1 : i32
    %scan3A_50 = scf.for %scan3A_80 = %scan3A_46 to %scan3A_48 step %scan3A_49 iter_args(%scan3A_81 = %scan3A_45) -> (i32)  : i32 {
      %dma_start3A = arith.constant 0 : i32
      %dma_start3A_82 = tpu.memref_slice %arg4[%scan3A_80, %dma_start3A] : memref<79x128xi32, #tpu.memory_space<vmem>> -> memref<1x128xi32, #tpu.memory_space<vmem>>
      %dma_start3A_83 = tpu.memref_squeeze %dma_start3A_82 : memref<1x128xi32, #tpu.memory_space<vmem>> -> memref<128xi32, #tpu.memory_space<vmem>>
      %dma_start3A_84 = arith.constant 0 : i32
      %dma_start3A_85 = arith.constant 0 : i32
      %dma_start3A_86 = tpu.memref_slice %arg7[%dma_start3A_84, %dma_start3A_85] : memref<10000x16xf32, #tpu.memory_space<vmem_shared>> -> memref<10000x16xf32, #tpu.memory_space<vmem_shared>>
      tpu.enqueue_indirect_dma source(%arg5 : memref<128x16xf32, #tpu.memory_space<vmem>>) target(%dma_start3A_86 : memref<10000x16xf32, #tpu.memory_space<vmem_shared>>) offsets(%dma_start3A_83 : memref<128xi32, #tpu.memory_space<vmem>>) semaphore(%arg8 : memref<!tpu.dma_semaphore, #tpu.memory_space<semaphore_mem>>) {add = true}
      %ge3A = arith.constant 16 : i32
      %ge3A_87 = arith.cmpi sge, %scan3A_80, %ge3A : i32
      %convert_element_type3A_88 = arith.extui %ge3A_87 : i1 to i32
      %cond3A_89 = arith.constant 0 : i32
      %cond3A_90 = arith.cmpi ne, %convert_element_type3A_88, %cond3A_89 : i32
      scf.if %cond3A_90 {
        %dma_wait3A = arith.constant 0 : i32
        %dma_wait3A_92 = arith.constant 0 : i32
        %dma_wait3A_93 = tpu.memref_slice %arg4[%dma_wait3A, %dma_wait3A_92] : memref<79x128xi32, #tpu.memory_space<vmem>> -> memref<1x128xi32, #tpu.memory_space<vmem>>
        %dma_wait3A_94 = tpu.memref_squeeze %dma_wait3A_93 : memref<1x128xi32, #tpu.memory_space<vmem>> -> memref<128xi32, #tpu.memory_space<vmem>>
        %dma_wait3A_95 = arith.constant 0 : i32
        %dma_wait3A_96 = arith.constant 0 : i32
        %dma_wait3A_97 = tpu.memref_slice %arg7[%dma_wait3A_95, %dma_wait3A_96] : memref<10000x16xf32, #tpu.memory_space<vmem_shared>> -> memref<10000x16xf32, #tpu.memory_space<vmem_shared>>
        tpu.wait_indirect_dma semaphore(%arg8 : memref<!tpu.dma_semaphore, #tpu.memory_space<semaphore_mem>>) src(%arg5 : memref<128x16xf32, #tpu.memory_space<vmem>>) dst(%dma_wait3A_97 : memref<10000x16xf32, #tpu.memory_space<vmem_shared>>)
      } else {
      }
      %scan3A_91 = arith.constant 0 : i32
      scf.yield %scan3A_91 : i32
    }
    %scan3A_51 = arith.constant 78 : i32
    %lt3A_52 = arith.constant 4 : i32
    %lt3A_53 = arith.cmpi slt, %add3A, %lt3A_52 : i32
    %convert_element_type3A_54 = arith.extui %lt3A_53 : i1 to i32
    %cond3A_55 = arith.constant 0 : i32
    %cond3A_56 = arith.cmpi ne, %convert_element_type3A_54, %cond3A_55 : i32
    scf.if %cond3A_56 {
      %dma_start3A = arith.constant 78 : i32
      %dma_start3A_80 = arith.constant 0 : i32
      %dma_start3A_81 = tpu.memref_slice %arg4[%dma_start3A, %dma_start3A_80] : memref<79x128xi32, #tpu.memory_space<vmem>> -> memref<1x128xi32, #tpu.memory_space<vmem>>
      %dma_start3A_82 = tpu.memref_squeeze %dma_start3A_81 : memref<1x128xi32, #tpu.memory_space<vmem>> -> memref<128xi32, #tpu.memory_space<vmem>>
      %dma_start3A_83 = arith.constant 0 : i32
      %dma_start3A_84 = arith.constant 0 : i32
      %dma_start3A_85 = tpu.memref_slice %arg7[%dma_start3A_83, %dma_start3A_84] : memref<10000x16xf32, #tpu.memory_space<vmem_shared>> -> memref<10000x16xf32, #tpu.memory_space<vmem_shared>>
      tpu.enqueue_indirect_dma source(%arg5 : memref<128x16xf32, #tpu.memory_space<vmem>>) target(%dma_start3A_85 : memref<10000x16xf32, #tpu.memory_space<vmem_shared>>) offsets(%dma_start3A_82 : memref<128xi32, #tpu.memory_space<vmem>>) semaphore(%arg8 : memref<!tpu.dma_semaphore, #tpu.memory_space<semaphore_mem>>) {add = true}
    } else {
    }
    %scan3A_57 = arith.constant 0 : i32
    %scan3A_58 = arith.constant 0 : i32
    %scan3A_59 = arith.constant 16 : i32
    %scan3A_60 = arith.addi %scan3A_58, %scan3A_59 : i32
    %scan3A_61 = arith.constant 1 : i32
    %scan3A_62 = scf.for %scan3A_80 = %scan3A_58 to %scan3A_60 step %scan3A_61 iter_args(%scan3A_81 = %scan3A_57) -> (i32)  : i32 {
      %dma_wait3A = arith.constant 0 : i32
      %dma_wait3A_82 = arith.constant 0 : i32
      %dma_wait3A_83 = tpu.memref_slice %arg4[%dma_wait3A, %dma_wait3A_82] : memref<79x128xi32, #tpu.memory_space<vmem>> -> memref<1x128xi32, #tpu.memory_space<vmem>>
      %dma_wait3A_84 = tpu.memref_squeeze %dma_wait3A_83 : memref<1x128xi32, #tpu.memory_space<vmem>> -> memref<128xi32, #tpu.memory_space<vmem>>
      %dma_wait3A_85 = arith.constant 0 : i32
      %dma_wait3A_86 = arith.constant 0 : i32
      %dma_wait3A_87 = tpu.memref_slice %arg7[%dma_wait3A_85, %dma_wait3A_86] : memref<10000x16xf32, #tpu.memory_space<vmem_shared>> -> memref<10000x16xf32, #tpu.memory_space<vmem_shared>>
      tpu.wait_indirect_dma semaphore(%arg8 : memref<!tpu.dma_semaphore, #tpu.memory_space<semaphore_mem>>) src(%arg5 : memref<128x16xf32, #tpu.memory_space<vmem>>) dst(%dma_wait3A_87 : memref<10000x16xf32, #tpu.memory_space<vmem_shared>>)
      %scan3A_88 = arith.constant 0 : i32
      scf.yield %scan3A_88 : i32
    }
    %scan3A_63 = arith.constant 16 : i32
    %lt3A_64 = arith.constant 4 : i32
    %lt3A_65 = arith.cmpi slt, %add3A, %lt3A_64 : i32
    %convert_element_type3A_66 = arith.extui %lt3A_65 : i1 to i32
    %cond3A_67 = arith.constant 0 : i32
    %cond3A_68 = arith.cmpi ne, %convert_element_type3A_66, %cond3A_67 : i32
    scf.if %cond3A_68 {
      %dma_wait3A = arith.constant 0 : i32
      %dma_wait3A_80 = arith.constant 0 : i32
      %dma_wait3A_81 = tpu.memref_slice %arg4[%dma_wait3A, %dma_wait3A_80] : memref<79x128xi32, #tpu.memory_space<vmem>> -> memref<1x128xi32, #tpu.memory_space<vmem>>
      %dma_wait3A_82 = tpu.memref_squeeze %dma_wait3A_81 : memref<1x128xi32, #tpu.memory_space<vmem>> -> memref<128xi32, #tpu.memory_space<vmem>>
      %dma_wait3A_83 = arith.constant 0 : i32
      %dma_wait3A_84 = arith.constant 0 : i32
      %dma_wait3A_85 = tpu.memref_slice %arg7[%dma_wait3A_83, %dma_wait3A_84] : memref<10000x16xf32, #tpu.memory_space<vmem_shared>> -> memref<10000x16xf32, #tpu.memory_space<vmem_shared>>
      tpu.wait_indirect_dma semaphore(%arg8 : memref<!tpu.dma_semaphore, #tpu.memory_space<semaphore_mem>>) src(%arg5 : memref<128x16xf32, #tpu.memory_space<vmem>>) dst(%dma_wait3A_85 : memref<10000x16xf32, #tpu.memory_space<vmem_shared>>)
    } else {
    }
    %barrier3A_69 = arith.constant 0 : index
    tpu.barrier barrier_id(%barrier3A_69)
    %lt3A_70 = arith.constant 15 : i32
    %lt3A_71 = arith.cmpi slt, %arg1, %lt3A_70 : i32
    %convert_element_type3A_72 = arith.extui %lt3A_71 : i1 to i32
    %cond3A_73 = arith.constant 0 : i32
    %cond3A_74 = arith.cmpi ne, %convert_element_type3A_72, %cond3A_73 : i32
    scf.if %cond3A_74 {
      %multiple_of3A = tpu.assume_multiple %mul3A_15, 8 : i32
      "tpu.region"() ({
        %run_scoped3A = tpu.sem_alloc : memref<!tpu.dma_semaphore, #tpu.memory_space<semaphore_mem>>
        %dma_start3A = arith.constant 0 : i32
        %dma_start3A_80 = tpu.memref_slice %arg3[%arg0, %multiple_of3A, %dma_start3A] : memref<2x10000x16xf32, #tpu.memory_space<hbm>> -> memref<1x640x16xf32, #tpu.memory_space<hbm>>
        %dma_start3A_81 = tpu.memref_squeeze %dma_start3A_80 : memref<1x640x16xf32, #tpu.memory_space<hbm>> -> memref<640x16xf32, #tpu.memory_space<hbm>>
        %dma_start3A_82 = arith.constant 0 : i32
        %dma_start3A_83 = tpu.memref_slice %arg7[%multiple_of3A, %dma_start3A_82] : memref<10000x16xf32, #tpu.memory_space<vmem_shared>> -> memref<640x16xf32, #tpu.memory_space<vmem_shared>>
        tpu.enqueue_dma source(%dma_start3A_83 : memref<640x16xf32, #tpu.memory_space<vmem_shared>>) target(%dma_start3A_81 : memref<640x16xf32, #tpu.memory_space<hbm>>) target_semaphore(%run_scoped3A : memref<!tpu.dma_semaphore, #tpu.memory_space<semaphore_mem>>)
        %dma_wait3A = arith.constant 0 : i32
        %dma_wait3A_84 = tpu.memref_slice %arg3[%arg0, %multiple_of3A, %dma_wait3A] : memref<2x10000x16xf32, #tpu.memory_space<hbm>> -> memref<1x640x16xf32, #tpu.memory_space<hbm>>
        %dma_wait3A_85 = tpu.memref_squeeze %dma_wait3A_84 : memref<1x640x16xf32, #tpu.memory_space<hbm>> -> memref<640x16xf32, #tpu.memory_space<hbm>>
        %dma_wait3A_86 = arith.constant 0 : i32
        %dma_wait3A_87 = tpu.memref_slice %arg7[%multiple_of3A, %dma_wait3A_86] : memref<10000x16xf32, #tpu.memory_space<vmem_shared>> -> memref<640x16xf32, #tpu.memory_space<vmem_shared>>
        tpu.wait_dma2 semaphore(%run_scoped3A : memref<!tpu.dma_semaphore, #tpu.memory_space<semaphore_mem>>) src(%dma_wait3A_87 : memref<640x16xf32, #tpu.memory_space<vmem_shared>>) dst(%dma_wait3A_85 : memref<640x16xf32, #tpu.memory_space<hbm>>)
        tpu.yield
      }) : () -> ()
    } else {
    }
    %eq3A_75 = arith.constant 15 : i32
    %eq3A_76 = arith.cmpi eq, %arg1, %eq3A_75 : i32
    %convert_element_type3A_77 = arith.extui %eq3A_76 : i1 to i32
    %cond3A_78 = arith.constant 0 : i32
    %cond3A_79 = arith.cmpi ne, %convert_element_type3A_77, %cond3A_78 : i32
    scf.if %cond3A_79 {
      %multiple_of3A = tpu.assume_multiple %mul3A_15, 8 : i32
      "tpu.region"() ({
        %run_scoped3A = tpu.sem_alloc : memref<!tpu.dma_semaphore, #tpu.memory_space<semaphore_mem>>
        %dma_start3A = arith.constant 0 : i32
        %dma_start3A_80 = tpu.memref_slice %arg3[%arg0, %multiple_of3A, %dma_start3A] : memref<2x10000x16xf32, #tpu.memory_space<hbm>> -> memref<1x400x16xf32, #tpu.memory_space<hbm>>
        %dma_start3A_81 = tpu.memref_squeeze %dma_start3A_80 : memref<1x400x16xf32, #tpu.memory_space<hbm>> -> memref<400x16xf32, #tpu.memory_space<hbm>>
        %dma_start3A_82 = arith.constant 0 : i32
        %dma_start3A_83 = tpu.memref_slice %arg7[%multiple_of3A, %dma_start3A_82] : memref<10000x16xf32, #tpu.memory_space<vmem_shared>> -> memref<400x16xf32, #tpu.memory_space<vmem_shared>>
        tpu.enqueue_dma source(%dma_start3A_83 : memref<400x16xf32, #tpu.memory_space<vmem_shared>>) target(%dma_start3A_81 : memref<400x16xf32, #tpu.memory_space<hbm>>) target_semaphore(%run_scoped3A : memref<!tpu.dma_semaphore, #tpu.memory_space<semaphore_mem>>)
        %dma_wait3A = arith.constant 0 : i32
        %dma_wait3A_84 = tpu.memref_slice %arg3[%arg0, %multiple_of3A, %dma_wait3A] : memref<2x10000x16xf32, #tpu.memory_space<hbm>> -> memref<1x400x16xf32, #tpu.memory_space<hbm>>
        %dma_wait3A_85 = tpu.memref_squeeze %dma_wait3A_84 : memref<1x400x16xf32, #tpu.memory_space<hbm>> -> memref<400x16xf32, #tpu.memory_space<hbm>>
        %dma_wait3A_86 = arith.constant 0 : i32
        %dma_wait3A_87 = tpu.memref_slice %arg7[%multiple_of3A, %dma_wait3A_86] : memref<10000x16xf32, #tpu.memory_space<vmem_shared>> -> memref<400x16xf32, #tpu.memory_space<vmem_shared>>
        tpu.wait_dma2 semaphore(%run_scoped3A : memref<!tpu.dma_semaphore, #tpu.memory_space<semaphore_mem>>) src(%dma_wait3A_87 : memref<400x16xf32, #tpu.memory_space<vmem_shared>>) dst(%dma_wait3A_85 : memref<400x16xf32, #tpu.memory_space<hbm>>)
        tpu.yield
      }) : () -> ()
    } else {
    }
    return
  }
}

#map = affine_map<(d0, d1) -> (0, 0)>
#map1 = affine_map<(d0, d1) -> (0, 0, 0)>
module attributes {stable_mosaic.version = 14 : i64} {
  func.func @_msg_partials(%arg0: i32, %arg1: i32, %arg2: memref<10000x64xf32, #tpu.memory_space<hbm>>, %arg3: memref<2500x128xi32, #tpu.memory_space<hbm>>, %arg4: memref<2500x128xi32, #tpu.memory_space<hbm>>, %arg5: memref<2x10000x64xf32, #tpu.memory_space<hbm>>, %arg6: memref<79x128xi32, #tpu.memory_space<vmem>>, %arg7: memref<79x128xi32, #tpu.memory_space<vmem>>, %arg8: memref<8x128x64xf32, #tpu.memory_space<vmem>>, %arg9: memref<80x64xf32, #tpu.memory_space<vmem>>, %arg10: memref<10000x64xf32, #tpu.memory_space<vmem_shared>>, %arg11: memref<!tpu.dma_semaphore, #tpu.memory_space<semaphore_mem>>, %arg12: memref<!tpu.dma_semaphore, #tpu.memory_space<semaphore_mem>>) attributes {dimension_semantics = [#tpu.dimension_semantics<core_parallel>, #tpu.dimension_semantics<subcore_parallel>], iteration_bounds = array<i64: 2, 16>, scalar_prefetch = 0 : i64, scratch_operands = 7 : i64, tpu.core_type = #tpu.core_type<sc_vector_subcore>, window_params = [{transform_indices = #map}, {transform_indices = #map}, {transform_indices = #map}, {transform_indices = #map1}]} {
    %mul3A = arith.constant 2 : i32
    %mul3A_0 = arith.muli %arg1, %mul3A : i32
    %add3A = arith.addi %mul3A_0, %arg0 : i32
    %scan3A = arith.constant 0 : i32
    %scan3A_1 = arith.constant 0 : i32
    %scan3A_2 = arith.constant 80 : i32
    %scan3A_3 = arith.addi %scan3A_1, %scan3A_2 : i32
    %scan3A_4 = arith.constant 1 : i32
    %scan3A_5 = scf.for %scan3A_162 = %scan3A_1 to %scan3A_3 step %scan3A_4 iter_args(%scan3A_163 = %scan3A) -> (i32)  : i32 {
      %broadcast_in_dim3A = arith.constant 0.000000e+00 : f32
      %broadcast_in_dim3A_164 = vector.broadcast %broadcast_in_dim3A : f32 to vector<16xf32>
      %swap3A = arith.index_cast %scan3A_162 : i32 to index
      %swap3A_165 = arith.constant 0 : index
      %swap3A_166 = tpu.vector_load %arg9[%swap3A, %swap3A_165] {strides = array<i32>} : memref<80x64xf32, #tpu.memory_space<vmem>>, vector<1x16xf32>,
      %swap3A_167 = vector.shape_cast %swap3A_166 : vector<1x16xf32> to vector<16xf32>
      %swap3A_168 = vector.shape_cast %broadcast_in_dim3A_164 : vector<16xf32> to vector<1x16xf32>
      tpu.vector_store %arg9[%swap3A, %swap3A_165], %swap3A_168 {strides = array<i32>} : memref<80x64xf32, #tpu.memory_space<vmem>>, vector<1x16xf32>,
      %broadcast_in_dim3A_169 = arith.constant 0.000000e+00 : f32
      %broadcast_in_dim3A_170 = vector.broadcast %broadcast_in_dim3A_169 : f32 to vector<16xf32>
      %swap3A_171 = arith.index_cast %scan3A_162 : i32 to index
      %swap3A_172 = arith.constant 16 : index
      %swap3A_173 = tpu.vector_load %arg9[%swap3A_171, %swap3A_172] {strides = array<i32>} : memref<80x64xf32, #tpu.memory_space<vmem>>, vector<1x16xf32>,
      %swap3A_174 = vector.shape_cast %swap3A_173 : vector<1x16xf32> to vector<16xf32>
      %swap3A_175 = vector.shape_cast %broadcast_in_dim3A_170 : vector<16xf32> to vector<1x16xf32>
      tpu.vector_store %arg9[%swap3A_171, %swap3A_172], %swap3A_175 {strides = array<i32>} : memref<80x64xf32, #tpu.memory_space<vmem>>, vector<1x16xf32>,
      %broadcast_in_dim3A_176 = arith.constant 0.000000e+00 : f32
      %broadcast_in_dim3A_177 = vector.broadcast %broadcast_in_dim3A_176 : f32 to vector<16xf32>
      %swap3A_178 = arith.index_cast %scan3A_162 : i32 to index
      %swap3A_179 = arith.constant 32 : index
      %swap3A_180 = tpu.vector_load %arg9[%swap3A_178, %swap3A_179] {strides = array<i32>} : memref<80x64xf32, #tpu.memory_space<vmem>>, vector<1x16xf32>,
      %swap3A_181 = vector.shape_cast %swap3A_180 : vector<1x16xf32> to vector<16xf32>
      %swap3A_182 = vector.shape_cast %broadcast_in_dim3A_177 : vector<16xf32> to vector<1x16xf32>
      tpu.vector_store %arg9[%swap3A_178, %swap3A_179], %swap3A_182 {strides = array<i32>} : memref<80x64xf32, #tpu.memory_space<vmem>>, vector<1x16xf32>,
      %broadcast_in_dim3A_183 = arith.constant 0.000000e+00 : f32
      %broadcast_in_dim3A_184 = vector.broadcast %broadcast_in_dim3A_183 : f32 to vector<16xf32>
      %swap3A_185 = arith.index_cast %scan3A_162 : i32 to index
      %swap3A_186 = arith.constant 48 : index
      %swap3A_187 = tpu.vector_load %arg9[%swap3A_185, %swap3A_186] {strides = array<i32>} : memref<80x64xf32, #tpu.memory_space<vmem>>, vector<1x16xf32>,
      %swap3A_188 = vector.shape_cast %swap3A_187 : vector<1x16xf32> to vector<16xf32>
      %swap3A_189 = vector.shape_cast %broadcast_in_dim3A_184 : vector<16xf32> to vector<1x16xf32>
      tpu.vector_store %arg9[%swap3A_185, %swap3A_186], %swap3A_189 {strides = array<i32>} : memref<80x64xf32, #tpu.memory_space<vmem>>, vector<1x16xf32>,
      %scan3A_190 = arith.constant 0 : i32
      scf.yield %scan3A_190 : i32
    }
    %scan3A_6 = arith.constant 80 : i32
    %mul3A_7 = arith.constant 640 : i32
    %mul3A_8 = arith.muli %arg1, %mul3A_7 : i32
    %eq3A = arith.constant 15 : i32
    %eq3A_9 = arith.cmpi eq, %arg1, %eq3A : i32
    %jit3A = arith.constant 5 : i32
    %jit3A_10 = arith.constant 8 : i32
    %select_n3A = arith.select %eq3A_9, %jit3A, %jit3A_10 : i32
    %while3A = arith.constant 0 : i32
    %while3A_11 = arith.constant 0 : i32
    %while3A_12 = arith.subi %select_n3A, %while3A : i32
    %while3A_13 = arith.addi %while3A, %while3A_12 : i32
    %while3A_14 = arith.constant 1 : i32
    %while3A_15 = arith.divsi %while3A_12, %while3A_14 : i32
    %while3A_16 = arith.muli %while3A_15, %while3A_14 : i32
    %while3A_17 = arith.addi %while3A, %while3A_16 : i32
    %while3A_18 = arith.constant 1 : i32
    %while3A_19 = scf.for %while3A_162 = %while3A to %while3A_17 step %while3A_18 iter_args(%while3A_163 = %while3A_11) -> (i32)  : i32 {
      %mul3A_164 = arith.constant 80 : i32
      %mul3A_165 = arith.muli %while3A_162, %mul3A_164 : i32
      %add3A_166 = arith.addi %mul3A_8, %mul3A_165 : i32
      %multiple_of3A = tpu.assume_multiple %add3A_166, 8 : i32
      %dma_start3A_167 = arith.constant 0 : i32
      %dma_start3A_168 = tpu.memref_slice %arg10[%multiple_of3A, %dma_start3A_167] : memref<10000x64xf32, #tpu.memory_space<vmem_shared>> -> memref<80x64xf32, #tpu.memory_space<vmem_shared>>
      %dma_start3A_169 = arith.constant 0 : i32
      %dma_start3A_170 = tpu.memref_slice %arg10[%multiple_of3A, %dma_start3A_169] : memref<10000x64xf32, #tpu.memory_space<vmem_shared>> -> memref<80x64xf32, #tpu.memory_space<vmem_shared>>
      tpu.enqueue_dma source(%arg9 : memref<80x64xf32, #tpu.memory_space<vmem>>) target(%dma_start3A_170 : memref<80x64xf32, #tpu.memory_space<vmem_shared>>) target_semaphore(%arg12 : memref<!tpu.dma_semaphore, #tpu.memory_space<semaphore_mem>>)
      %while3A_171 = arith.constant 0 : i32
      scf.yield %while3A_171 : i32
    }
    %while3A_20 = arith.constant 1 : i32
    %while3A_21 = scf.for %while3A_162 = %while3A_17 to %while3A_13 step %while3A_20 iter_args(%while3A_163 = %while3A_19) -> (i32)  : i32 {
      %mul3A_164 = arith.constant 80 : i32
      %mul3A_165 = arith.muli %while3A_162, %mul3A_164 : i32
      %add3A_166 = arith.addi %mul3A_8, %mul3A_165 : i32
      %multiple_of3A = tpu.assume_multiple %add3A_166, 8 : i32
      %dma_start3A_167 = arith.constant 0 : i32
      %dma_start3A_168 = tpu.memref_slice %arg10[%multiple_of3A, %dma_start3A_167] : memref<10000x64xf32, #tpu.memory_space<vmem_shared>> -> memref<80x64xf32, #tpu.memory_space<vmem_shared>>
      %dma_start3A_169 = arith.constant 0 : i32
      %dma_start3A_170 = tpu.memref_slice %arg10[%multiple_of3A, %dma_start3A_169] : memref<10000x64xf32, #tpu.memory_space<vmem_shared>> -> memref<80x64xf32, #tpu.memory_space<vmem_shared>>
      tpu.enqueue_dma source(%arg9 : memref<80x64xf32, #tpu.memory_space<vmem>>) target(%dma_start3A_170 : memref<80x64xf32, #tpu.memory_space<vmem_shared>>) target_semaphore(%arg12 : memref<!tpu.dma_semaphore, #tpu.memory_space<semaphore_mem>>)
      %while3A_171 = arith.constant 0 : i32
      scf.yield %while3A_171 : i32
    }
    %mul3A_22 = arith.constant 78 : i32
    %mul3A_23 = arith.muli %add3A, %mul3A_22 : i32
    "tpu.region"() ({
      %run_scoped3A = tpu.sem_alloc : memref<!tpu.dma_semaphore, #tpu.memory_space<semaphore_mem>>
      %dma_start3A_162 = arith.constant 0 : i32
      %dma_start3A_163 = arith.constant 0 : i32
      %dma_start3A_164 = tpu.memref_slice %arg6[%dma_start3A_162, %dma_start3A_163] : memref<79x128xi32, #tpu.memory_space<vmem>> -> memref<78x128xi32, #tpu.memory_space<vmem>>
      %dma_start3A_165 = arith.constant 0 : i32
      %dma_start3A_166 = tpu.memref_slice %arg3[%mul3A_23, %dma_start3A_165] : memref<2500x128xi32, #tpu.memory_space<hbm>> -> memref<78x128xi32, #tpu.memory_space<hbm>>
      %dma_start3A_167 = arith.constant 0 : i32
      %dma_start3A_168 = arith.constant 0 : i32
      %dma_start3A_169 = tpu.memref_slice %arg6[%dma_start3A_167, %dma_start3A_168] : memref<79x128xi32, #tpu.memory_space<vmem>> -> memref<78x128xi32, #tpu.memory_space<vmem>>
      %dma_start3A_170 = arith.constant 0 : i32
      %dma_start3A_171 = tpu.memref_slice %arg3[%mul3A_23, %dma_start3A_170] : memref<2500x128xi32, #tpu.memory_space<hbm>> -> memref<78x128xi32, #tpu.memory_space<hbm>>
      tpu.enqueue_dma source(%dma_start3A_171 : memref<78x128xi32, #tpu.memory_space<hbm>>) target(%dma_start3A_169 : memref<78x128xi32, #tpu.memory_space<vmem>>) target_semaphore(%run_scoped3A : memref<!tpu.dma_semaphore, #tpu.memory_space<semaphore_mem>>)
      %dma_wait3A_172 = arith.constant 0 : i32
      %dma_wait3A_173 = arith.constant 0 : i32
      %dma_wait3A_174 = tpu.memref_slice %arg6[%dma_wait3A_172, %dma_wait3A_173] : memref<79x128xi32, #tpu.memory_space<vmem>> -> memref<78x128xi32, #tpu.memory_space<vmem>>
      %dma_wait3A_175 = arith.constant 0 : i32
      %dma_wait3A_176 = tpu.memref_slice %arg3[%mul3A_23, %dma_wait3A_175] : memref<2500x128xi32, #tpu.memory_space<hbm>> -> memref<78x128xi32, #tpu.memory_space<hbm>>
      %dma_wait3A_177 = arith.constant 0 : i32
      %dma_wait3A_178 = arith.constant 0 : i32
      %dma_wait3A_179 = tpu.memref_slice %arg6[%dma_wait3A_177, %dma_wait3A_178] : memref<79x128xi32, #tpu.memory_space<vmem>> -> memref<78x128xi32, #tpu.memory_space<vmem>>
      %dma_wait3A_180 = arith.constant 0 : i32
      %dma_wait3A_181 = tpu.memref_slice %arg3[%mul3A_23, %dma_wait3A_180] : memref<2500x128xi32, #tpu.memory_space<hbm>> -> memref<78x128xi32, #tpu.memory_space<hbm>>
      tpu.wait_dma2 semaphore(%run_scoped3A : memref<!tpu.dma_semaphore, #tpu.memory_space<semaphore_mem>>) src(%dma_wait3A_181 : memref<78x128xi32, #tpu.memory_space<hbm>>) dst(%dma_wait3A_179 : memref<78x128xi32, #tpu.memory_space<vmem>>)
      tpu.yield
    }) : () -> ()
    %lt3A = arith.constant 4 : i32
    %lt3A_24 = arith.cmpi slt, %add3A, %lt3A : i32
    %convert_element_type3A = arith.extui %lt3A_24 : i1 to i32
    %cond3A = arith.constant 0 : i32
    %cond3A_25 = arith.cmpi ne, %convert_element_type3A, %cond3A : i32
    scf.if %cond3A_25 {
      %add3A_162 = arith.constant 2496 : i32
      %add3A_163 = arith.addi %add3A_162, %add3A : i32
      %run_scoped3A = arith.constant 78 : i32
      "tpu.region"() ({
        %run_scoped3A_164 = tpu.sem_alloc : memref<!tpu.dma_semaphore, #tpu.memory_space<semaphore_mem>>
        %dma_start3A_165 = arith.constant 0 : i32
        %dma_start3A_166 = tpu.memref_slice %arg6[%run_scoped3A, %dma_start3A_165] : memref<79x128xi32, #tpu.memory_space<vmem>> -> memref<1x128xi32, #tpu.memory_space<vmem>>
        %dma_start3A_167 = tpu.memref_squeeze %dma_start3A_166 : memref<1x128xi32, #tpu.memory_space<vmem>> -> memref<128xi32, #tpu.memory_space<vmem>>
        %dma_start3A_168 = arith.constant 0 : i32
        %dma_start3A_169 = tpu.memref_slice %arg3[%add3A_163, %dma_start3A_168] : memref<2500x128xi32, #tpu.memory_space<hbm>> -> memref<1x128xi32, #tpu.memory_space<hbm>>
        %dma_start3A_170 = tpu.memref_squeeze %dma_start3A_169 : memref<1x128xi32, #tpu.memory_space<hbm>> -> memref<128xi32, #tpu.memory_space<hbm>>
        %dma_start3A_171 = arith.constant 0 : i32
        %dma_start3A_172 = tpu.memref_slice %arg6[%run_scoped3A, %dma_start3A_171] : memref<79x128xi32, #tpu.memory_space<vmem>> -> memref<1x128xi32, #tpu.memory_space<vmem>>
        %dma_start3A_173 = tpu.memref_squeeze %dma_start3A_172 : memref<1x128xi32, #tpu.memory_space<vmem>> -> memref<128xi32, #tpu.memory_space<vmem>>
        %dma_start3A_174 = arith.constant 0 : i32
        %dma_start3A_175 = tpu.memref_slice %arg3[%add3A_163, %dma_start3A_174] : memref<2500x128xi32, #tpu.memory_space<hbm>> -> memref<1x128xi32, #tpu.memory_space<hbm>>
        %dma_start3A_176 = tpu.memref_squeeze %dma_start3A_175 : memref<1x128xi32, #tpu.memory_space<hbm>> -> memref<128xi32, #tpu.memory_space<hbm>>
        tpu.enqueue_dma source(%dma_start3A_176 : memref<128xi32, #tpu.memory_space<hbm>>) target(%dma_start3A_173 : memref<128xi32, #tpu.memory_space<vmem>>) target_semaphore(%run_scoped3A_164 : memref<!tpu.dma_semaphore, #tpu.memory_space<semaphore_mem>>)
        %dma_wait3A_177 = arith.constant 0 : i32
        %dma_wait3A_178 = tpu.memref_slice %arg6[%run_scoped3A, %dma_wait3A_177] : memref<79x128xi32, #tpu.memory_space<vmem>> -> memref<1x128xi32, #tpu.memory_space<vmem>>
        %dma_wait3A_179 = tpu.memref_squeeze %dma_wait3A_178 : memref<1x128xi32, #tpu.memory_space<vmem>> -> memref<128xi32, #tpu.memory_space<vmem>>
        %dma_wait3A_180 = arith.constant 0 : i32
        %dma_wait3A_181 = tpu.memref_slice %arg3[%add3A_163, %dma_wait3A_180] : memref<2500x128xi32, #tpu.memory_space<hbm>> -> memref<1x128xi32, #tpu.memory_space<hbm>>
        %dma_wait3A_182 = tpu.memref_squeeze %dma_wait3A_181 : memref<1x128xi32, #tpu.memory_space<hbm>> -> memref<128xi32, #tpu.memory_space<hbm>>
        %dma_wait3A_183 = arith.constant 0 : i32
        %dma_wait3A_184 = tpu.memref_slice %arg6[%run_scoped3A, %dma_wait3A_183] : memref<79x128xi32, #tpu.memory_space<vmem>> -> memref<1x128xi32, #tpu.memory_space<vmem>>
        %dma_wait3A_185 = tpu.memref_squeeze %dma_wait3A_184 : memref<1x128xi32, #tpu.memory_space<vmem>> -> memref<128xi32, #tpu.memory_space<vmem>>
        %dma_wait3A_186 = arith.constant 0 : i32
        %dma_wait3A_187 = tpu.memref_slice %arg3[%add3A_163, %dma_wait3A_186] : memref<2500x128xi32, #tpu.memory_space<hbm>> -> memref<1x128xi32, #tpu.memory_space<hbm>>
        %dma_wait3A_188 = tpu.memref_squeeze %dma_wait3A_187 : memref<1x128xi32, #tpu.memory_space<hbm>> -> memref<128xi32, #tpu.memory_space<hbm>>
        tpu.wait_dma2 semaphore(%run_scoped3A_164 : memref<!tpu.dma_semaphore, #tpu.memory_space<semaphore_mem>>) src(%dma_wait3A_188 : memref<128xi32, #tpu.memory_space<hbm>>) dst(%dma_wait3A_185 : memref<128xi32, #tpu.memory_space<vmem>>)
        tpu.yield
      }) : () -> ()
    } else {
    }
    %mul3A_26 = arith.constant 78 : i32
    %mul3A_27 = arith.muli %add3A, %mul3A_26 : i32
    "tpu.region"() ({
      %run_scoped3A = tpu.sem_alloc : memref<!tpu.dma_semaphore, #tpu.memory_space<semaphore_mem>>
      %dma_start3A_162 = arith.constant 0 : i32
      %dma_start3A_163 = arith.constant 0 : i32
      %dma_start3A_164 = tpu.memref_slice %arg7[%dma_start3A_162, %dma_start3A_163] : memref<79x128xi32, #tpu.memory_space<vmem>> -> memref<78x128xi32, #tpu.memory_space<vmem>>
      %dma_start3A_165 = arith.constant 0 : i32
      %dma_start3A_166 = tpu.memref_slice %arg4[%mul3A_27, %dma_start3A_165] : memref<2500x128xi32, #tpu.memory_space<hbm>> -> memref<78x128xi32, #tpu.memory_space<hbm>>
      %dma_start3A_167 = arith.constant 0 : i32
      %dma_start3A_168 = arith.constant 0 : i32
      %dma_start3A_169 = tpu.memref_slice %arg7[%dma_start3A_167, %dma_start3A_168] : memref<79x128xi32, #tpu.memory_space<vmem>> -> memref<78x128xi32, #tpu.memory_space<vmem>>
      %dma_start3A_170 = arith.constant 0 : i32
      %dma_start3A_171 = tpu.memref_slice %arg4[%mul3A_27, %dma_start3A_170] : memref<2500x128xi32, #tpu.memory_space<hbm>> -> memref<78x128xi32, #tpu.memory_space<hbm>>
      tpu.enqueue_dma source(%dma_start3A_171 : memref<78x128xi32, #tpu.memory_space<hbm>>) target(%dma_start3A_169 : memref<78x128xi32, #tpu.memory_space<vmem>>) target_semaphore(%run_scoped3A : memref<!tpu.dma_semaphore, #tpu.memory_space<semaphore_mem>>)
      %dma_wait3A_172 = arith.constant 0 : i32
      %dma_wait3A_173 = arith.constant 0 : i32
      %dma_wait3A_174 = tpu.memref_slice %arg7[%dma_wait3A_172, %dma_wait3A_173] : memref<79x128xi32, #tpu.memory_space<vmem>> -> memref<78x128xi32, #tpu.memory_space<vmem>>
      %dma_wait3A_175 = arith.constant 0 : i32
      %dma_wait3A_176 = tpu.memref_slice %arg4[%mul3A_27, %dma_wait3A_175] : memref<2500x128xi32, #tpu.memory_space<hbm>> -> memref<78x128xi32, #tpu.memory_space<hbm>>
      %dma_wait3A_177 = arith.constant 0 : i32
      %dma_wait3A_178 = arith.constant 0 : i32
      %dma_wait3A_179 = tpu.memref_slice %arg7[%dma_wait3A_177, %dma_wait3A_178] : memref<79x128xi32, #tpu.memory_space<vmem>> -> memref<78x128xi32, #tpu.memory_space<vmem>>
      %dma_wait3A_180 = arith.constant 0 : i32
      %dma_wait3A_181 = tpu.memref_slice %arg4[%mul3A_27, %dma_wait3A_180] : memref<2500x128xi32, #tpu.memory_space<hbm>> -> memref<78x128xi32, #tpu.memory_space<hbm>>
      tpu.wait_dma2 semaphore(%run_scoped3A : memref<!tpu.dma_semaphore, #tpu.memory_space<semaphore_mem>>) src(%dma_wait3A_181 : memref<78x128xi32, #tpu.memory_space<hbm>>) dst(%dma_wait3A_179 : memref<78x128xi32, #tpu.memory_space<vmem>>)
      tpu.yield
    }) : () -> ()
    %lt3A_28 = arith.constant 4 : i32
    %lt3A_29 = arith.cmpi slt, %add3A, %lt3A_28 : i32
    %convert_element_type3A_30 = arith.extui %lt3A_29 : i1 to i32
    %cond3A_31 = arith.constant 0 : i32
    %cond3A_32 = arith.cmpi ne, %convert_element_type3A_30, %cond3A_31 : i32
    scf.if %cond3A_32 {
      %add3A_162 = arith.constant 2496 : i32
      %add3A_163 = arith.addi %add3A_162, %add3A : i32
      %run_scoped3A = arith.constant 78 : i32
      "tpu.region"() ({
        %run_scoped3A_164 = tpu.sem_alloc : memref<!tpu.dma_semaphore, #tpu.memory_space<semaphore_mem>>
        %dma_start3A_165 = arith.constant 0 : i32
        %dma_start3A_166 = tpu.memref_slice %arg7[%run_scoped3A, %dma_start3A_165] : memref<79x128xi32, #tpu.memory_space<vmem>> -> memref<1x128xi32, #tpu.memory_space<vmem>>
        %dma_start3A_167 = tpu.memref_squeeze %dma_start3A_166 : memref<1x128xi32, #tpu.memory_space<vmem>> -> memref<128xi32, #tpu.memory_space<vmem>>
        %dma_start3A_168 = arith.constant 0 : i32
        %dma_start3A_169 = tpu.memref_slice %arg4[%add3A_163, %dma_start3A_168] : memref<2500x128xi32, #tpu.memory_space<hbm>> -> memref<1x128xi32, #tpu.memory_space<hbm>>
        %dma_start3A_170 = tpu.memref_squeeze %dma_start3A_169 : memref<1x128xi32, #tpu.memory_space<hbm>> -> memref<128xi32, #tpu.memory_space<hbm>>
        %dma_start3A_171 = arith.constant 0 : i32
        %dma_start3A_172 = tpu.memref_slice %arg7[%run_scoped3A, %dma_start3A_171] : memref<79x128xi32, #tpu.memory_space<vmem>> -> memref<1x128xi32, #tpu.memory_space<vmem>>
        %dma_start3A_173 = tpu.memref_squeeze %dma_start3A_172 : memref<1x128xi32, #tpu.memory_space<vmem>> -> memref<128xi32, #tpu.memory_space<vmem>>
        %dma_start3A_174 = arith.constant 0 : i32
        %dma_start3A_175 = tpu.memref_slice %arg4[%add3A_163, %dma_start3A_174] : memref<2500x128xi32, #tpu.memory_space<hbm>> -> memref<1x128xi32, #tpu.memory_space<hbm>>
        %dma_start3A_176 = tpu.memref_squeeze %dma_start3A_175 : memref<1x128xi32, #tpu.memory_space<hbm>> -> memref<128xi32, #tpu.memory_space<hbm>>
        tpu.enqueue_dma source(%dma_start3A_176 : memref<128xi32, #tpu.memory_space<hbm>>) target(%dma_start3A_173 : memref<128xi32, #tpu.memory_space<vmem>>) target_semaphore(%run_scoped3A_164 : memref<!tpu.dma_semaphore, #tpu.memory_space<semaphore_mem>>)
        %dma_wait3A_177 = arith.constant 0 : i32
        %dma_wait3A_178 = tpu.memref_slice %arg7[%run_scoped3A, %dma_wait3A_177] : memref<79x128xi32, #tpu.memory_space<vmem>> -> memref<1x128xi32, #tpu.memory_space<vmem>>
        %dma_wait3A_179 = tpu.memref_squeeze %dma_wait3A_178 : memref<1x128xi32, #tpu.memory_space<vmem>> -> memref<128xi32, #tpu.memory_space<vmem>>
        %dma_wait3A_180 = arith.constant 0 : i32
        %dma_wait3A_181 = tpu.memref_slice %arg4[%add3A_163, %dma_wait3A_180] : memref<2500x128xi32, #tpu.memory_space<hbm>> -> memref<1x128xi32, #tpu.memory_space<hbm>>
        %dma_wait3A_182 = tpu.memref_squeeze %dma_wait3A_181 : memref<1x128xi32, #tpu.memory_space<hbm>> -> memref<128xi32, #tpu.memory_space<hbm>>
        %dma_wait3A_183 = arith.constant 0 : i32
        %dma_wait3A_184 = tpu.memref_slice %arg7[%run_scoped3A, %dma_wait3A_183] : memref<79x128xi32, #tpu.memory_space<vmem>> -> memref<1x128xi32, #tpu.memory_space<vmem>>
        %dma_wait3A_185 = tpu.memref_squeeze %dma_wait3A_184 : memref<1x128xi32, #tpu.memory_space<vmem>> -> memref<128xi32, #tpu.memory_space<vmem>>
        %dma_wait3A_186 = arith.constant 0 : i32
        %dma_wait3A_187 = tpu.memref_slice %arg4[%add3A_163, %dma_wait3A_186] : memref<2500x128xi32, #tpu.memory_space<hbm>> -> memref<1x128xi32, #tpu.memory_space<hbm>>
        %dma_wait3A_188 = tpu.memref_squeeze %dma_wait3A_187 : memref<1x128xi32, #tpu.memory_space<hbm>> -> memref<128xi32, #tpu.memory_space<hbm>>
        tpu.wait_dma2 semaphore(%run_scoped3A_164 : memref<!tpu.dma_semaphore, #tpu.memory_space<semaphore_mem>>) src(%dma_wait3A_188 : memref<128xi32, #tpu.memory_space<hbm>>) dst(%dma_wait3A_185 : memref<128xi32, #tpu.memory_space<vmem>>)
        tpu.yield
      }) : () -> ()
    } else {
    }
    %while3A_33 = arith.constant 0 : i32
    %while3A_34 = arith.constant 0 : i32
    %while3A_35 = arith.subi %select_n3A, %while3A_33 : i32
    %while3A_36 = arith.addi %while3A_33, %while3A_35 : i32
    %while3A_37 = arith.constant 1 : i32
    %while3A_38 = arith.divsi %while3A_35, %while3A_37 : i32
    %while3A_39 = arith.muli %while3A_38, %while3A_37 : i32
    %while3A_40 = arith.addi %while3A_33, %while3A_39 : i32
    %while3A_41 = arith.constant 1 : i32
    %while3A_42 = scf.for %while3A_162 = %while3A_33 to %while3A_40 step %while3A_41 iter_args(%while3A_163 = %while3A_34) -> (i32)  : i32 {
      %dma_wait3A_164 = arith.constant 0 : i32
      %dma_wait3A_165 = arith.constant 0 : i32
      %dma_wait3A_166 = tpu.memref_slice %arg10[%dma_wait3A_164, %dma_wait3A_165] : memref<10000x64xf32, #tpu.memory_space<vmem_shared>> -> memref<80x64xf32, #tpu.memory_space<vmem_shared>>
      %dma_wait3A_167 = arith.constant 0 : i32
      %dma_wait3A_168 = arith.constant 0 : i32
      %dma_wait3A_169 = tpu.memref_slice %arg10[%dma_wait3A_167, %dma_wait3A_168] : memref<10000x64xf32, #tpu.memory_space<vmem_shared>> -> memref<80x64xf32, #tpu.memory_space<vmem_shared>>
      tpu.wait_dma2 semaphore(%arg12 : memref<!tpu.dma_semaphore, #tpu.memory_space<semaphore_mem>>) src(%arg9 : memref<80x64xf32, #tpu.memory_space<vmem>>) dst(%dma_wait3A_169 : memref<80x64xf32, #tpu.memory_space<vmem_shared>>)
      %while3A_170 = arith.constant 0 : i32
      scf.yield %while3A_170 : i32
    }
    %while3A_43 = arith.constant 1 : i32
    %while3A_44 = scf.for %while3A_162 = %while3A_40 to %while3A_36 step %while3A_43 iter_args(%while3A_163 = %while3A_42) -> (i32)  : i32 {
      %dma_wait3A_164 = arith.constant 0 : i32
      %dma_wait3A_165 = arith.constant 0 : i32
      %dma_wait3A_166 = tpu.memref_slice %arg10[%dma_wait3A_164, %dma_wait3A_165] : memref<10000x64xf32, #tpu.memory_space<vmem_shared>> -> memref<80x64xf32, #tpu.memory_space<vmem_shared>>
      %dma_wait3A_167 = arith.constant 0 : i32
      %dma_wait3A_168 = arith.constant 0 : i32
      %dma_wait3A_169 = tpu.memref_slice %arg10[%dma_wait3A_167, %dma_wait3A_168] : memref<10000x64xf32, #tpu.memory_space<vmem_shared>> -> memref<80x64xf32, #tpu.memory_space<vmem_shared>>
      tpu.wait_dma2 semaphore(%arg12 : memref<!tpu.dma_semaphore, #tpu.memory_space<semaphore_mem>>) src(%arg9 : memref<80x64xf32, #tpu.memory_space<vmem>>) dst(%dma_wait3A_169 : memref<80x64xf32, #tpu.memory_space<vmem_shared>>)
      %while3A_170 = arith.constant 0 : i32
      scf.yield %while3A_170 : i32
    }
    %barrier3A = arith.constant 0 : index
    tpu.barrier barrier_id(%barrier3A)
    %dma_start3A = arith.constant 0 : i32
    %dma_start3A_45 = arith.constant 0 : i32
    %dma_start3A_46 = arith.constant 0 : i32
    %dma_start3A_47 = arith.constant 0 : i32
    %dma_start3A_48 = tpu.memref_slice %arg8[%dma_start3A_45, %dma_start3A_46, %dma_start3A_47] : memref<8x128x64xf32, #tpu.memory_space<vmem>> -> memref<1x128x64xf32, #tpu.memory_space<vmem>>
    %dma_start3A_49 = tpu.memref_squeeze %dma_start3A_48 : memref<1x128x64xf32, #tpu.memory_space<vmem>> -> memref<128x64xf32, #tpu.memory_space<vmem>>
    %dma_start3A_50 = arith.constant 0 : i32
    %dma_start3A_51 = tpu.memref_slice %arg6[%dma_start3A, %dma_start3A_50] : memref<79x128xi32, #tpu.memory_space<vmem>> -> memref<1x128xi32, #tpu.memory_space<vmem>>
    %dma_start3A_52 = tpu.memref_squeeze %dma_start3A_51 : memref<1x128xi32, #tpu.memory_space<vmem>> -> memref<128xi32, #tpu.memory_space<vmem>>
    %dma_start3A_53 = arith.constant 0 : i32
    %dma_start3A_54 = arith.constant 0 : i32
    %dma_start3A_55 = tpu.memref_slice %arg2[%dma_start3A_53, %dma_start3A_54] : memref<10000x64xf32, #tpu.memory_space<hbm>> -> memref<10000x64xf32, #tpu.memory_space<hbm>>
    tpu.enqueue_indirect_dma source(%dma_start3A_55 : memref<10000x64xf32, #tpu.memory_space<hbm>>) target(%dma_start3A_49 : memref<128x64xf32, #tpu.memory_space<vmem>>) offsets(%dma_start3A_52 : memref<128xi32, #tpu.memory_space<vmem>>) semaphore(%arg11 : memref<!tpu.dma_semaphore, #tpu.memory_space<semaphore_mem>>)
    %dma_start3A_56 = arith.constant 1 : i32
    %dma_start3A_57 = arith.constant 1 : i32
    %dma_start3A_58 = arith.constant 0 : i32
    %dma_start3A_59 = arith.constant 0 : i32
    %dma_start3A_60 = tpu.memref_slice %arg8[%dma_start3A_57, %dma_start3A_58, %dma_start3A_59] : memref<8x128x64xf32, #tpu.memory_space<vmem>> -> memref<1x128x64xf32, #tpu.memory_space<vmem>>
    %dma_start3A_61 = tpu.memref_squeeze %dma_start3A_60 : memref<1x128x64xf32, #tpu.memory_space<vmem>> -> memref<128x64xf32, #tpu.memory_space<vmem>>
    %dma_start3A_62 = arith.constant 0 : i32
    %dma_start3A_63 = tpu.memref_slice %arg6[%dma_start3A_56, %dma_start3A_62] : memref<79x128xi32, #tpu.memory_space<vmem>> -> memref<1x128xi32, #tpu.memory_space<vmem>>
    %dma_start3A_64 = tpu.memref_squeeze %dma_start3A_63 : memref<1x128xi32, #tpu.memory_space<vmem>> -> memref<128xi32, #tpu.memory_space<vmem>>
    %dma_start3A_65 = arith.constant 0 : i32
    %dma_start3A_66 = arith.constant 0 : i32
    %dma_start3A_67 = tpu.memref_slice %arg2[%dma_start3A_65, %dma_start3A_66] : memref<10000x64xf32, #tpu.memory_space<hbm>> -> memref<10000x64xf32, #tpu.memory_space<hbm>>
    tpu.enqueue_indirect_dma source(%dma_start3A_67 : memref<10000x64xf32, #tpu.memory_space<hbm>>) target(%dma_start3A_61 : memref<128x64xf32, #tpu.memory_space<vmem>>) offsets(%dma_start3A_64 : memref<128xi32, #tpu.memory_space<vmem>>) semaphore(%arg11 : memref<!tpu.dma_semaphore, #tpu.memory_space<semaphore_mem>>)
    %dma_start3A_68 = arith.constant 2 : i32
    %dma_start3A_69 = arith.constant 2 : i32
    %dma_start3A_70 = arith.constant 0 : i32
    %dma_start3A_71 = arith.constant 0 : i32
    %dma_start3A_72 = tpu.memref_slice %arg8[%dma_start3A_69, %dma_start3A_70, %dma_start3A_71] : memref<8x128x64xf32, #tpu.memory_space<vmem>> -> memref<1x128x64xf32, #tpu.memory_space<vmem>>
    %dma_start3A_73 = tpu.memref_squeeze %dma_start3A_72 : memref<1x128x64xf32, #tpu.memory_space<vmem>> -> memref<128x64xf32, #tpu.memory_space<vmem>>
    %dma_start3A_74 = arith.constant 0 : i32
    %dma_start3A_75 = tpu.memref_slice %arg6[%dma_start3A_68, %dma_start3A_74] : memref<79x128xi32, #tpu.memory_space<vmem>> -> memref<1x128xi32, #tpu.memory_space<vmem>>
    %dma_start3A_76 = tpu.memref_squeeze %dma_start3A_75 : memref<1x128xi32, #tpu.memory_space<vmem>> -> memref<128xi32, #tpu.memory_space<vmem>>
    %dma_start3A_77 = arith.constant 0 : i32
    %dma_start3A_78 = arith.constant 0 : i32
    %dma_start3A_79 = tpu.memref_slice %arg2[%dma_start3A_77, %dma_start3A_78] : memref<10000x64xf32, #tpu.memory_space<hbm>> -> memref<10000x64xf32, #tpu.memory_space<hbm>>
    tpu.enqueue_indirect_dma source(%dma_start3A_79 : memref<10000x64xf32, #tpu.memory_space<hbm>>) target(%dma_start3A_73 : memref<128x64xf32, #tpu.memory_space<vmem>>) offsets(%dma_start3A_76 : memref<128xi32, #tpu.memory_space<vmem>>) semaphore(%arg11 : memref<!tpu.dma_semaphore, #tpu.memory_space<semaphore_mem>>)
    %dma_start3A_80 = arith.constant 3 : i32
    %dma_start3A_81 = arith.constant 3 : i32
    %dma_start3A_82 = arith.constant 0 : i32
    %dma_start3A_83 = arith.constant 0 : i32
    %dma_start3A_84 = tpu.memref_slice %arg8[%dma_start3A_81, %dma_start3A_82, %dma_start3A_83] : memref<8x128x64xf32, #tpu.memory_space<vmem>> -> memref<1x128x64xf32, #tpu.memory_space<vmem>>
    %dma_start3A_85 = tpu.memref_squeeze %dma_start3A_84 : memref<1x128x64xf32, #tpu.memory_space<vmem>> -> memref<128x64xf32, #tpu.memory_space<vmem>>
    %dma_start3A_86 = arith.constant 0 : i32
    %dma_start3A_87 = tpu.memref_slice %arg6[%dma_start3A_80, %dma_start3A_86] : memref<79x128xi32, #tpu.memory_space<vmem>> -> memref<1x128xi32, #tpu.memory_space<vmem>>
    %dma_start3A_88 = tpu.memref_squeeze %dma_start3A_87 : memref<1x128xi32, #tpu.memory_space<vmem>> -> memref<128xi32, #tpu.memory_space<vmem>>
    %dma_start3A_89 = arith.constant 0 : i32
    %dma_start3A_90 = arith.constant 0 : i32
    %dma_start3A_91 = tpu.memref_slice %arg2[%dma_start3A_89, %dma_start3A_90] : memref<10000x64xf32, #tpu.memory_space<hbm>> -> memref<10000x64xf32, #tpu.memory_space<hbm>>
    tpu.enqueue_indirect_dma source(%dma_start3A_91 : memref<10000x64xf32, #tpu.memory_space<hbm>>) target(%dma_start3A_85 : memref<128x64xf32, #tpu.memory_space<vmem>>) offsets(%dma_start3A_88 : memref<128xi32, #tpu.memory_space<vmem>>) semaphore(%arg11 : memref<!tpu.dma_semaphore, #tpu.memory_space<semaphore_mem>>)
    %scan3A_92 = arith.constant 0 : i32
    %scan3A_93 = arith.constant 0 : i32
    %scan3A_94 = arith.constant 10 : i32
    %scan3A_95 = arith.addi %scan3A_93, %scan3A_94 : i32
    %scan3A_96 = arith.constant 1 : i32
    %scan3A_97 = scf.for %scan3A_162 = %scan3A_93 to %scan3A_95 step %scan3A_96 iter_args(%scan3A_163 = %scan3A_92) -> (i32)  : i32 {
      %mul3A_164 = arith.constant 8 : i32
      %mul3A_165 = arith.muli %mul3A_164, %scan3A_162 : i32
      %add3A_166 = arith.constant 0 : i32
      %add3A_167 = arith.addi %mul3A_165, %add3A_166 : i32
      %lt3A_168 = arith.constant 78 : i32
      %lt3A_169 = arith.cmpi slt, %add3A_167, %lt3A_168 : i32
      %convert_element_type3A_170 = arith.extui %lt3A_169 : i1 to i32
      %cond3A_171 = arith.constant 0 : i32
      %cond3A_172 = arith.cmpi ne, %convert_element_type3A_170, %cond3A_171 : i32
      scf.if %cond3A_172 {
        %dma_wait3A_223 = arith.constant 0 : i32
        %dma_wait3A_224 = arith.constant 0 : i32
        %dma_wait3A_225 = arith.constant 0 : i32
        %dma_wait3A_226 = arith.constant 0 : i32
        %dma_wait3A_227 = tpu.memref_slice %arg8[%dma_wait3A_224, %dma_wait3A_225, %dma_wait3A_226] : memref<8x128x64xf32, #tpu.memory_space<vmem>> -> memref<1x128x64xf32, #tpu.memory_space<vmem>>
        %dma_wait3A_228 = tpu.memref_squeeze %dma_wait3A_227 : memref<1x128x64xf32, #tpu.memory_space<vmem>> -> memref<128x64xf32, #tpu.memory_space<vmem>>
        %dma_wait3A_229 = arith.constant 0 : i32
        %dma_wait3A_230 = tpu.memref_slice %arg6[%dma_wait3A_223, %dma_wait3A_229] : memref<79x128xi32, #tpu.memory_space<vmem>> -> memref<1x128xi32, #tpu.memory_space<vmem>>
        %dma_wait3A_231 = tpu.memref_squeeze %dma_wait3A_230 : memref<1x128xi32, #tpu.memory_space<vmem>> -> memref<128xi32, #tpu.memory_space<vmem>>
        %dma_wait3A_232 = arith.constant 0 : i32
        %dma_wait3A_233 = arith.constant 0 : i32
        %dma_wait3A_234 = tpu.memref_slice %arg2[%dma_wait3A_232, %dma_wait3A_233] : memref<10000x64xf32, #tpu.memory_space<hbm>> -> memref<10000x64xf32, #tpu.memory_space<hbm>>
        tpu.wait_indirect_dma semaphore(%arg11 : memref<!tpu.dma_semaphore, #tpu.memory_space<semaphore_mem>>) src(%dma_wait3A_234 : memref<10000x64xf32, #tpu.memory_space<hbm>>) dst(%dma_wait3A_228 : memref<128x64xf32, #tpu.memory_space<vmem>>)
        %dma_start3A_235 = arith.constant 0 : i32
        %dma_start3A_236 = arith.constant 0 : i32
        %dma_start3A_237 = arith.constant 0 : i32
        %dma_start3A_238 = tpu.memref_slice %arg8[%dma_start3A_235, %dma_start3A_236, %dma_start3A_237] : memref<8x128x64xf32, #tpu.memory_space<vmem>> -> memref<1x128x64xf32, #tpu.memory_space<vmem>>
        %dma_start3A_239 = tpu.memref_squeeze %dma_start3A_238 : memref<1x128x64xf32, #tpu.memory_space<vmem>> -> memref<128x64xf32, #tpu.memory_space<vmem>>
        %dma_start3A_240 = arith.constant 0 : i32
        %dma_start3A_241 = tpu.memref_slice %arg7[%add3A_167, %dma_start3A_240] : memref<79x128xi32, #tpu.memory_space<vmem>> -> memref<1x128xi32, #tpu.memory_space<vmem>>
        %dma_start3A_242 = tpu.memref_squeeze %dma_start3A_241 : memref<1x128xi32, #tpu.memory_space<vmem>> -> memref<128xi32, #tpu.memory_space<vmem>>
        %dma_start3A_243 = arith.constant 0 : i32
        %dma_start3A_244 = arith.constant 0 : i32
        %dma_start3A_245 = tpu.memref_slice %arg10[%dma_start3A_243, %dma_start3A_244] : memref<10000x64xf32, #tpu.memory_space<vmem_shared>> -> memref<10000x64xf32, #tpu.memory_space<vmem_shared>>
        tpu.enqueue_indirect_dma source(%dma_start3A_239 : memref<128x64xf32, #tpu.memory_space<vmem>>) target(%dma_start3A_245 : memref<10000x64xf32, #tpu.memory_space<vmem_shared>>) offsets(%dma_start3A_242 : memref<128xi32, #tpu.memory_space<vmem>>) semaphore(%arg12 : memref<!tpu.dma_semaphore, #tpu.memory_space<semaphore_mem>>) {add = true}
        %ge3A = arith.constant 4 : i32
        %ge3A_246 = arith.cmpi sge, %add3A_167, %ge3A : i32
        %convert_element_type3A_247 = arith.extui %ge3A_246 : i1 to i32
        %cond3A_248 = arith.constant 0 : i32
        %cond3A_249 = arith.cmpi ne, %convert_element_type3A_247, %cond3A_248 : i32
        scf.if %cond3A_249 {
          %dma_wait3A_257 = arith.constant 0 : i32
          %dma_wait3A_258 = arith.constant 0 : i32
          %dma_wait3A_259 = arith.constant 0 : i32
          %dma_wait3A_260 = arith.constant 0 : i32
          %dma_wait3A_261 = tpu.memref_slice %arg8[%dma_wait3A_257, %dma_wait3A_259, %dma_wait3A_260] : memref<8x128x64xf32, #tpu.memory_space<vmem>> -> memref<1x128x64xf32, #tpu.memory_space<vmem>>
          %dma_wait3A_262 = tpu.memref_squeeze %dma_wait3A_261 : memref<1x128x64xf32, #tpu.memory_space<vmem>> -> memref<128x64xf32, #tpu.memory_space<vmem>>
          %dma_wait3A_263 = arith.constant 0 : i32
          %dma_wait3A_264 = tpu.memref_slice %arg7[%dma_wait3A_258, %dma_wait3A_263] : memref<79x128xi32, #tpu.memory_space<vmem>> -> memref<1x128xi32, #tpu.memory_space<vmem>>
          %dma_wait3A_265 = tpu.memref_squeeze %dma_wait3A_264 : memref<1x128xi32, #tpu.memory_space<vmem>> -> memref<128xi32, #tpu.memory_space<vmem>>
          %dma_wait3A_266 = arith.constant 0 : i32
          %dma_wait3A_267 = arith.constant 0 : i32
          %dma_wait3A_268 = tpu.memref_slice %arg10[%dma_wait3A_266, %dma_wait3A_267] : memref<10000x64xf32, #tpu.memory_space<vmem_shared>> -> memref<10000x64xf32, #tpu.memory_space<vmem_shared>>
          tpu.wait_indirect_dma semaphore(%arg12 : memref<!tpu.dma_semaphore, #tpu.memory_space<semaphore_mem>>) src(%dma_wait3A_262 : memref<128x64xf32, #tpu.memory_space<vmem>>) dst(%dma_wait3A_268 : memref<10000x64xf32, #tpu.memory_space<vmem_shared>>)
        } else {
        }
        %add3A_250 = arith.constant 4 : i32
        %add3A_251 = arith.addi %add3A_167, %add3A_250 : i32
        %lt3A_252 = arith.constant 78 : i32
        %lt3A_253 = arith.cmpi slt, %add3A_251, %lt3A_252 : i32
        %convert_element_type3A_254 = arith.extui %lt3A_253 : i1 to i32
        %cond3A_255 = arith.constant 0 : i32
        %cond3A_256 = arith.cmpi ne, %convert_element_type3A_254, %cond3A_255 : i32
        scf.if %cond3A_256 {
          %add3A_257 = arith.constant 4 : i32
          %add3A_258 = arith.addi %add3A_167, %add3A_257 : i32
          %dma_start3A_259 = arith.constant 4 : i32
          %dma_start3A_260 = arith.constant 0 : i32
          %dma_start3A_261 = arith.constant 0 : i32
          %dma_start3A_262 = tpu.memref_slice %arg8[%dma_start3A_259, %dma_start3A_260, %dma_start3A_261] : memref<8x128x64xf32, #tpu.memory_space<vmem>> -> memref<1x128x64xf32, #tpu.memory_space<vmem>>
          %dma_start3A_263 = tpu.memref_squeeze %dma_start3A_262 : memref<1x128x64xf32, #tpu.memory_space<vmem>> -> memref<128x64xf32, #tpu.memory_space<vmem>>
          %dma_start3A_264 = arith.constant 0 : i32
          %dma_start3A_265 = tpu.memref_slice %arg6[%add3A_258, %dma_start3A_264] : memref<79x128xi32, #tpu.memory_space<vmem>> -> memref<1x128xi32, #tpu.memory_space<vmem>>
          %dma_start3A_266 = tpu.memref_squeeze %dma_start3A_265 : memref<1x128xi32, #tpu.memory_space<vmem>> -> memref<128xi32, #tpu.memory_space<vmem>>
          %dma_start3A_267 = arith.constant 0 : i32
          %dma_start3A_268 = arith.constant 0 : i32
          %dma_start3A_269 = tpu.memref_slice %arg2[%dma_start3A_267, %dma_start3A_268] : memref<10000x64xf32, #tpu.memory_space<hbm>> -> memref<10000x64xf32, #tpu.memory_space<hbm>>
          tpu.enqueue_indirect_dma source(%dma_start3A_269 : memref<10000x64xf32, #tpu.memory_space<hbm>>) target(%dma_start3A_263 : memref<128x64xf32, #tpu.memory_space<vmem>>) offsets(%dma_start3A_266 : memref<128xi32, #tpu.memory_space<vmem>>) semaphore(%arg11 : memref<!tpu.dma_semaphore, #tpu.memory_space<semaphore_mem>>)
        } else {
        }
      } else {
      }
      %add3A_173 = arith.constant 1 : i32
      %add3A_174 = arith.addi %mul3A_165, %add3A_173 : i32
      %lt3A_175 = arith.constant 78 : i32
      %lt3A_176 = arith.cmpi slt, %add3A_174, %lt3A_175 : i32
      %convert_element_type3A_177 = arith.extui %lt3A_176 : i1 to i32
      %cond3A_178 = arith.constant 0 : i32
      %cond3A_179 = arith.cmpi ne, %convert_element_type3A_177, %cond3A_178 : i32
      scf.if %cond3A_179 {
        %dma_wait3A_223 = arith.constant 0 : i32
        %dma_wait3A_224 = arith.constant 1 : i32
        %dma_wait3A_225 = arith.constant 0 : i32
        %dma_wait3A_226 = arith.constant 0 : i32
        %dma_wait3A_227 = tpu.memref_slice %arg8[%dma_wait3A_224, %dma_wait3A_225, %dma_wait3A_226] : memref<8x128x64xf32, #tpu.memory_space<vmem>> -> memref<1x128x64xf32, #tpu.memory_space<vmem>>
        %dma_wait3A_228 = tpu.memref_squeeze %dma_wait3A_227 : memref<1x128x64xf32, #tpu.memory_space<vmem>> -> memref<128x64xf32, #tpu.memory_space<vmem>>
        %dma_wait3A_229 = arith.constant 0 : i32
        %dma_wait3A_230 = tpu.memref_slice %arg6[%dma_wait3A_223, %dma_wait3A_229] : memref<79x128xi32, #tpu.memory_space<vmem>> -> memref<1x128xi32, #tpu.memory_space<vmem>>
        %dma_wait3A_231 = tpu.memref_squeeze %dma_wait3A_230 : memref<1x128xi32, #tpu.memory_space<vmem>> -> memref<128xi32, #tpu.memory_space<vmem>>
        %dma_wait3A_232 = arith.constant 0 : i32
        %dma_wait3A_233 = arith.constant 0 : i32
        %dma_wait3A_234 = tpu.memref_slice %arg2[%dma_wait3A_232, %dma_wait3A_233] : memref<10000x64xf32, #tpu.memory_space<hbm>> -> memref<10000x64xf32, #tpu.memory_space<hbm>>
        tpu.wait_indirect_dma semaphore(%arg11 : memref<!tpu.dma_semaphore, #tpu.memory_space<semaphore_mem>>) src(%dma_wait3A_234 : memref<10000x64xf32, #tpu.memory_space<hbm>>) dst(%dma_wait3A_228 : memref<128x64xf32, #tpu.memory_space<vmem>>)
        %dma_start3A_235 = arith.constant 1 : i32
        %dma_start3A_236 = arith.constant 0 : i32
        %dma_start3A_237 = arith.constant 0 : i32
        %dma_start3A_238 = tpu.memref_slice %arg8[%dma_start3A_235, %dma_start3A_236, %dma_start3A_237] : memref<8x128x64xf32, #tpu.memory_space<vmem>> -> memref<1x128x64xf32, #tpu.memory_space<vmem>>
        %dma_start3A_239 = tpu.memref_squeeze %dma_start3A_238 : memref<1x128x64xf32, #tpu.memory_space<vmem>> -> memref<128x64xf32, #tpu.memory_space<vmem>>
        %dma_start3A_240 = arith.constant 0 : i32
        %dma_start3A_241 = tpu.memref_slice %arg7[%add3A_174, %dma_start3A_240] : memref<79x128xi32, #tpu.memory_space<vmem>> -> memref<1x128xi32, #tpu.memory_space<vmem>>
        %dma_start3A_242 = tpu.memref_squeeze %dma_start3A_241 : memref<1x128xi32, #tpu.memory_space<vmem>> -> memref<128xi32, #tpu.memory_space<vmem>>
        %dma_start3A_243 = arith.constant 0 : i32
        %dma_start3A_244 = arith.constant 0 : i32
        %dma_start3A_245 = tpu.memref_slice %arg10[%dma_start3A_243, %dma_start3A_244] : memref<10000x64xf32, #tpu.memory_space<vmem_shared>> -> memref<10000x64xf32, #tpu.memory_space<vmem_shared>>
        tpu.enqueue_indirect_dma source(%dma_start3A_239 : memref<128x64xf32, #tpu.memory_space<vmem>>) target(%dma_start3A_245 : memref<10000x64xf32, #tpu.memory_space<vmem_shared>>) offsets(%dma_start3A_242 : memref<128xi32, #tpu.memory_space<vmem>>) semaphore(%arg12 : memref<!tpu.dma_semaphore, #tpu.memory_space<semaphore_mem>>) {add = true}
        %ge3A = arith.constant 4 : i32
        %ge3A_246 = arith.cmpi sge, %add3A_174, %ge3A : i32
        %convert_element_type3A_247 = arith.extui %ge3A_246 : i1 to i32
        %cond3A_248 = arith.constant 0 : i32
        %cond3A_249 = arith.cmpi ne, %convert_element_type3A_247, %cond3A_248 : i32
        scf.if %cond3A_249 {
          %dma_wait3A_257 = arith.constant 0 : i32
          %dma_wait3A_258 = arith.constant 0 : i32
          %dma_wait3A_259 = arith.constant 0 : i32
          %dma_wait3A_260 = arith.constant 0 : i32
          %dma_wait3A_261 = tpu.memref_slice %arg8[%dma_wait3A_257, %dma_wait3A_259, %dma_wait3A_260] : memref<8x128x64xf32, #tpu.memory_space<vmem>> -> memref<1x128x64xf32, #tpu.memory_space<vmem>>
          %dma_wait3A_262 = tpu.memref_squeeze %dma_wait3A_261 : memref<1x128x64xf32, #tpu.memory_space<vmem>> -> memref<128x64xf32, #tpu.memory_space<vmem>>
          %dma_wait3A_263 = arith.constant 0 : i32
          %dma_wait3A_264 = tpu.memref_slice %arg7[%dma_wait3A_258, %dma_wait3A_263] : memref<79x128xi32, #tpu.memory_space<vmem>> -> memref<1x128xi32, #tpu.memory_space<vmem>>
          %dma_wait3A_265 = tpu.memref_squeeze %dma_wait3A_264 : memref<1x128xi32, #tpu.memory_space<vmem>> -> memref<128xi32, #tpu.memory_space<vmem>>
          %dma_wait3A_266 = arith.constant 0 : i32
          %dma_wait3A_267 = arith.constant 0 : i32
          %dma_wait3A_268 = tpu.memref_slice %arg10[%dma_wait3A_266, %dma_wait3A_267] : memref<10000x64xf32, #tpu.memory_space<vmem_shared>> -> memref<10000x64xf32, #tpu.memory_space<vmem_shared>>
          tpu.wait_indirect_dma semaphore(%arg12 : memref<!tpu.dma_semaphore, #tpu.memory_space<semaphore_mem>>) src(%dma_wait3A_262 : memref<128x64xf32, #tpu.memory_space<vmem>>) dst(%dma_wait3A_268 : memref<10000x64xf32, #tpu.memory_space<vmem_shared>>)
        } else {
        }
        %add3A_250 = arith.constant 4 : i32
        %add3A_251 = arith.addi %add3A_174, %add3A_250 : i32
        %lt3A_252 = arith.constant 78 : i32
        %lt3A_253 = arith.cmpi slt, %add3A_251, %lt3A_252 : i32
        %convert_element_type3A_254 = arith.extui %lt3A_253 : i1 to i32
        %cond3A_255 = arith.constant 0 : i32
        %cond3A_256 = arith.cmpi ne, %convert_element_type3A_254, %cond3A_255 : i32
        scf.if %cond3A_256 {
          %add3A_257 = arith.constant 4 : i32
          %add3A_258 = arith.addi %add3A_174, %add3A_257 : i32
          %dma_start3A_259 = arith.constant 5 : i32
          %dma_start3A_260 = arith.constant 0 : i32
          %dma_start3A_261 = arith.constant 0 : i32
          %dma_start3A_262 = tpu.memref_slice %arg8[%dma_start3A_259, %dma_start3A_260, %dma_start3A_261] : memref<8x128x64xf32, #tpu.memory_space<vmem>> -> memref<1x128x64xf32, #tpu.memory_space<vmem>>
          %dma_start3A_263 = tpu.memref_squeeze %dma_start3A_262 : memref<1x128x64xf32, #tpu.memory_space<vmem>> -> memref<128x64xf32, #tpu.memory_space<vmem>>
          %dma_start3A_264 = arith.constant 0 : i32
          %dma_start3A_265 = tpu.memref_slice %arg6[%add3A_258, %dma_start3A_264] : memref<79x128xi32, #tpu.memory_space<vmem>> -> memref<1x128xi32, #tpu.memory_space<vmem>>
          %dma_start3A_266 = tpu.memref_squeeze %dma_start3A_265 : memref<1x128xi32, #tpu.memory_space<vmem>> -> memref<128xi32, #tpu.memory_space<vmem>>
          %dma_start3A_267 = arith.constant 0 : i32
          %dma_start3A_268 = arith.constant 0 : i32
          %dma_start3A_269 = tpu.memref_slice %arg2[%dma_start3A_267, %dma_start3A_268] : memref<10000x64xf32, #tpu.memory_space<hbm>> -> memref<10000x64xf32, #tpu.memory_space<hbm>>
          tpu.enqueue_indirect_dma source(%dma_start3A_269 : memref<10000x64xf32, #tpu.memory_space<hbm>>) target(%dma_start3A_263 : memref<128x64xf32, #tpu.memory_space<vmem>>) offsets(%dma_start3A_266 : memref<128xi32, #tpu.memory_space<vmem>>) semaphore(%arg11 : memref<!tpu.dma_semaphore, #tpu.memory_space<semaphore_mem>>)
        } else {
        }
      } else {
      }
      %add3A_180 = arith.constant 2 : i32
      %add3A_181 = arith.addi %mul3A_165, %add3A_180 : i32
      %lt3A_182 = arith.constant 78 : i32
      %lt3A_183 = arith.cmpi slt, %add3A_181, %lt3A_182 : i32
      %convert_element_type3A_184 = arith.extui %lt3A_183 : i1 to i32
      %cond3A_185 = arith.constant 0 : i32
      %cond3A_186 = arith.cmpi ne, %convert_element_type3A_184, %cond3A_185 : i32
      scf.if %cond3A_186 {
        %dma_wait3A_223 = arith.constant 0 : i32
        %dma_wait3A_224 = arith.constant 2 : i32
        %dma_wait3A_225 = arith.constant 0 : i32
        %dma_wait3A_226 = arith.constant 0 : i32
        %dma_wait3A_227 = tpu.memref_slice %arg8[%dma_wait3A_224, %dma_wait3A_225, %dma_wait3A_226] : memref<8x128x64xf32, #tpu.memory_space<vmem>> -> memref<1x128x64xf32, #tpu.memory_space<vmem>>
        %dma_wait3A_228 = tpu.memref_squeeze %dma_wait3A_227 : memref<1x128x64xf32, #tpu.memory_space<vmem>> -> memref<128x64xf32, #tpu.memory_space<vmem>>
        %dma_wait3A_229 = arith.constant 0 : i32
        %dma_wait3A_230 = tpu.memref_slice %arg6[%dma_wait3A_223, %dma_wait3A_229] : memref<79x128xi32, #tpu.memory_space<vmem>> -> memref<1x128xi32, #tpu.memory_space<vmem>>
        %dma_wait3A_231 = tpu.memref_squeeze %dma_wait3A_230 : memref<1x128xi32, #tpu.memory_space<vmem>> -> memref<128xi32, #tpu.memory_space<vmem>>
        %dma_wait3A_232 = arith.constant 0 : i32
        %dma_wait3A_233 = arith.constant 0 : i32
        %dma_wait3A_234 = tpu.memref_slice %arg2[%dma_wait3A_232, %dma_wait3A_233] : memref<10000x64xf32, #tpu.memory_space<hbm>> -> memref<10000x64xf32, #tpu.memory_space<hbm>>
        tpu.wait_indirect_dma semaphore(%arg11 : memref<!tpu.dma_semaphore, #tpu.memory_space<semaphore_mem>>) src(%dma_wait3A_234 : memref<10000x64xf32, #tpu.memory_space<hbm>>) dst(%dma_wait3A_228 : memref<128x64xf32, #tpu.memory_space<vmem>>)
        %dma_start3A_235 = arith.constant 2 : i32
        %dma_start3A_236 = arith.constant 0 : i32
        %dma_start3A_237 = arith.constant 0 : i32
        %dma_start3A_238 = tpu.memref_slice %arg8[%dma_start3A_235, %dma_start3A_236, %dma_start3A_237] : memref<8x128x64xf32, #tpu.memory_space<vmem>> -> memref<1x128x64xf32, #tpu.memory_space<vmem>>
        %dma_start3A_239 = tpu.memref_squeeze %dma_start3A_238 : memref<1x128x64xf32, #tpu.memory_space<vmem>> -> memref<128x64xf32, #tpu.memory_space<vmem>>
        %dma_start3A_240 = arith.constant 0 : i32
        %dma_start3A_241 = tpu.memref_slice %arg7[%add3A_181, %dma_start3A_240] : memref<79x128xi32, #tpu.memory_space<vmem>> -> memref<1x128xi32, #tpu.memory_space<vmem>>
        %dma_start3A_242 = tpu.memref_squeeze %dma_start3A_241 : memref<1x128xi32, #tpu.memory_space<vmem>> -> memref<128xi32, #tpu.memory_space<vmem>>
        %dma_start3A_243 = arith.constant 0 : i32
        %dma_start3A_244 = arith.constant 0 : i32
        %dma_start3A_245 = tpu.memref_slice %arg10[%dma_start3A_243, %dma_start3A_244] : memref<10000x64xf32, #tpu.memory_space<vmem_shared>> -> memref<10000x64xf32, #tpu.memory_space<vmem_shared>>
        tpu.enqueue_indirect_dma source(%dma_start3A_239 : memref<128x64xf32, #tpu.memory_space<vmem>>) target(%dma_start3A_245 : memref<10000x64xf32, #tpu.memory_space<vmem_shared>>) offsets(%dma_start3A_242 : memref<128xi32, #tpu.memory_space<vmem>>) semaphore(%arg12 : memref<!tpu.dma_semaphore, #tpu.memory_space<semaphore_mem>>) {add = true}
        %ge3A = arith.constant 4 : i32
        %ge3A_246 = arith.cmpi sge, %add3A_181, %ge3A : i32
        %convert_element_type3A_247 = arith.extui %ge3A_246 : i1 to i32
        %cond3A_248 = arith.constant 0 : i32
        %cond3A_249 = arith.cmpi ne, %convert_element_type3A_247, %cond3A_248 : i32
        scf.if %cond3A_249 {
          %dma_wait3A_257 = arith.constant 0 : i32
          %dma_wait3A_258 = arith.constant 0 : i32
          %dma_wait3A_259 = arith.constant 0 : i32
          %dma_wait3A_260 = arith.constant 0 : i32
          %dma_wait3A_261 = tpu.memref_slice %arg8[%dma_wait3A_257, %dma_wait3A_259, %dma_wait3A_260] : memref<8x128x64xf32, #tpu.memory_space<vmem>> -> memref<1x128x64xf32, #tpu.memory_space<vmem>>
          %dma_wait3A_262 = tpu.memref_squeeze %dma_wait3A_261 : memref<1x128x64xf32, #tpu.memory_space<vmem>> -> memref<128x64xf32, #tpu.memory_space<vmem>>
          %dma_wait3A_263 = arith.constant 0 : i32
          %dma_wait3A_264 = tpu.memref_slice %arg7[%dma_wait3A_258, %dma_wait3A_263] : memref<79x128xi32, #tpu.memory_space<vmem>> -> memref<1x128xi32, #tpu.memory_space<vmem>>
          %dma_wait3A_265 = tpu.memref_squeeze %dma_wait3A_264 : memref<1x128xi32, #tpu.memory_space<vmem>> -> memref<128xi32, #tpu.memory_space<vmem>>
          %dma_wait3A_266 = arith.constant 0 : i32
          %dma_wait3A_267 = arith.constant 0 : i32
          %dma_wait3A_268 = tpu.memref_slice %arg10[%dma_wait3A_266, %dma_wait3A_267] : memref<10000x64xf32, #tpu.memory_space<vmem_shared>> -> memref<10000x64xf32, #tpu.memory_space<vmem_shared>>
          tpu.wait_indirect_dma semaphore(%arg12 : memref<!tpu.dma_semaphore, #tpu.memory_space<semaphore_mem>>) src(%dma_wait3A_262 : memref<128x64xf32, #tpu.memory_space<vmem>>) dst(%dma_wait3A_268 : memref<10000x64xf32, #tpu.memory_space<vmem_shared>>)
        } else {
        }
        %add3A_250 = arith.constant 4 : i32
        %add3A_251 = arith.addi %add3A_181, %add3A_250 : i32
        %lt3A_252 = arith.constant 78 : i32
        %lt3A_253 = arith.cmpi slt, %add3A_251, %lt3A_252 : i32
        %convert_element_type3A_254 = arith.extui %lt3A_253 : i1 to i32
        %cond3A_255 = arith.constant 0 : i32
        %cond3A_256 = arith.cmpi ne, %convert_element_type3A_254, %cond3A_255 : i32
        scf.if %cond3A_256 {
          %add3A_257 = arith.constant 4 : i32
          %add3A_258 = arith.addi %add3A_181, %add3A_257 : i32
          %dma_start3A_259 = arith.constant 6 : i32
          %dma_start3A_260 = arith.constant 0 : i32
          %dma_start3A_261 = arith.constant 0 : i32
          %dma_start3A_262 = tpu.memref_slice %arg8[%dma_start3A_259, %dma_start3A_260, %dma_start3A_261] : memref<8x128x64xf32, #tpu.memory_space<vmem>> -> memref<1x128x64xf32, #tpu.memory_space<vmem>>
          %dma_start3A_263 = tpu.memref_squeeze %dma_start3A_262 : memref<1x128x64xf32, #tpu.memory_space<vmem>> -> memref<128x64xf32, #tpu.memory_space<vmem>>
          %dma_start3A_264 = arith.constant 0 : i32
          %dma_start3A_265 = tpu.memref_slice %arg6[%add3A_258, %dma_start3A_264] : memref<79x128xi32, #tpu.memory_space<vmem>> -> memref<1x128xi32, #tpu.memory_space<vmem>>
          %dma_start3A_266 = tpu.memref_squeeze %dma_start3A_265 : memref<1x128xi32, #tpu.memory_space<vmem>> -> memref<128xi32, #tpu.memory_space<vmem>>
          %dma_start3A_267 = arith.constant 0 : i32
          %dma_start3A_268 = arith.constant 0 : i32
          %dma_start3A_269 = tpu.memref_slice %arg2[%dma_start3A_267, %dma_start3A_268] : memref<10000x64xf32, #tpu.memory_space<hbm>> -> memref<10000x64xf32, #tpu.memory_space<hbm>>
          tpu.enqueue_indirect_dma source(%dma_start3A_269 : memref<10000x64xf32, #tpu.memory_space<hbm>>) target(%dma_start3A_263 : memref<128x64xf32, #tpu.memory_space<vmem>>) offsets(%dma_start3A_266 : memref<128xi32, #tpu.memory_space<vmem>>) semaphore(%arg11 : memref<!tpu.dma_semaphore, #tpu.memory_space<semaphore_mem>>)
        } else {
        }
      } else {
      }
      %add3A_187 = arith.constant 3 : i32
      %add3A_188 = arith.addi %mul3A_165, %add3A_187 : i32
      %lt3A_189 = arith.constant 78 : i32
      %lt3A_190 = arith.cmpi slt, %add3A_188, %lt3A_189 : i32
      %convert_element_type3A_191 = arith.extui %lt3A_190 : i1 to i32
      %cond3A_192 = arith.constant 0 : i32
      %cond3A_193 = arith.cmpi ne, %convert_element_type3A_191, %cond3A_192 : i32
      scf.if %cond3A_193 {
        %dma_wait3A_223 = arith.constant 0 : i32
        %dma_wait3A_224 = arith.constant 3 : i32
        %dma_wait3A_225 = arith.constant 0 : i32
        %dma_wait3A_226 = arith.constant 0 : i32
        %dma_wait3A_227 = tpu.memref_slice %arg8[%dma_wait3A_224, %dma_wait3A_225, %dma_wait3A_226] : memref<8x128x64xf32, #tpu.memory_space<vmem>> -> memref<1x128x64xf32, #tpu.memory_space<vmem>>
        %dma_wait3A_228 = tpu.memref_squeeze %dma_wait3A_227 : memref<1x128x64xf32, #tpu.memory_space<vmem>> -> memref<128x64xf32, #tpu.memory_space<vmem>>
        %dma_wait3A_229 = arith.constant 0 : i32
        %dma_wait3A_230 = tpu.memref_slice %arg6[%dma_wait3A_223, %dma_wait3A_229] : memref<79x128xi32, #tpu.memory_space<vmem>> -> memref<1x128xi32, #tpu.memory_space<vmem>>
        %dma_wait3A_231 = tpu.memref_squeeze %dma_wait3A_230 : memref<1x128xi32, #tpu.memory_space<vmem>> -> memref<128xi32, #tpu.memory_space<vmem>>
        %dma_wait3A_232 = arith.constant 0 : i32
        %dma_wait3A_233 = arith.constant 0 : i32
        %dma_wait3A_234 = tpu.memref_slice %arg2[%dma_wait3A_232, %dma_wait3A_233] : memref<10000x64xf32, #tpu.memory_space<hbm>> -> memref<10000x64xf32, #tpu.memory_space<hbm>>
        tpu.wait_indirect_dma semaphore(%arg11 : memref<!tpu.dma_semaphore, #tpu.memory_space<semaphore_mem>>) src(%dma_wait3A_234 : memref<10000x64xf32, #tpu.memory_space<hbm>>) dst(%dma_wait3A_228 : memref<128x64xf32, #tpu.memory_space<vmem>>)
        %dma_start3A_235 = arith.constant 3 : i32
        %dma_start3A_236 = arith.constant 0 : i32
        %dma_start3A_237 = arith.constant 0 : i32
        %dma_start3A_238 = tpu.memref_slice %arg8[%dma_start3A_235, %dma_start3A_236, %dma_start3A_237] : memref<8x128x64xf32, #tpu.memory_space<vmem>> -> memref<1x128x64xf32, #tpu.memory_space<vmem>>
        %dma_start3A_239 = tpu.memref_squeeze %dma_start3A_238 : memref<1x128x64xf32, #tpu.memory_space<vmem>> -> memref<128x64xf32, #tpu.memory_space<vmem>>
        %dma_start3A_240 = arith.constant 0 : i32
        %dma_start3A_241 = tpu.memref_slice %arg7[%add3A_188, %dma_start3A_240] : memref<79x128xi32, #tpu.memory_space<vmem>> -> memref<1x128xi32, #tpu.memory_space<vmem>>
        %dma_start3A_242 = tpu.memref_squeeze %dma_start3A_241 : memref<1x128xi32, #tpu.memory_space<vmem>> -> memref<128xi32, #tpu.memory_space<vmem>>
        %dma_start3A_243 = arith.constant 0 : i32
        %dma_start3A_244 = arith.constant 0 : i32
        %dma_start3A_245 = tpu.memref_slice %arg10[%dma_start3A_243, %dma_start3A_244] : memref<10000x64xf32, #tpu.memory_space<vmem_shared>> -> memref<10000x64xf32, #tpu.memory_space<vmem_shared>>
        tpu.enqueue_indirect_dma source(%dma_start3A_239 : memref<128x64xf32, #tpu.memory_space<vmem>>) target(%dma_start3A_245 : memref<10000x64xf32, #tpu.memory_space<vmem_shared>>) offsets(%dma_start3A_242 : memref<128xi32, #tpu.memory_space<vmem>>) semaphore(%arg12 : memref<!tpu.dma_semaphore, #tpu.memory_space<semaphore_mem>>) {add = true}
        %ge3A = arith.constant 4 : i32
        %ge3A_246 = arith.cmpi sge, %add3A_188, %ge3A : i32
        %convert_element_type3A_247 = arith.extui %ge3A_246 : i1 to i32
        %cond3A_248 = arith.constant 0 : i32
        %cond3A_249 = arith.cmpi ne, %convert_element_type3A_247, %cond3A_248 : i32
        scf.if %cond3A_249 {
          %dma_wait3A_257 = arith.constant 0 : i32
          %dma_wait3A_258 = arith.constant 0 : i32
          %dma_wait3A_259 = arith.constant 0 : i32
          %dma_wait3A_260 = arith.constant 0 : i32
          %dma_wait3A_261 = tpu.memref_slice %arg8[%dma_wait3A_257, %dma_wait3A_259, %dma_wait3A_260] : memref<8x128x64xf32, #tpu.memory_space<vmem>> -> memref<1x128x64xf32, #tpu.memory_space<vmem>>
          %dma_wait3A_262 = tpu.memref_squeeze %dma_wait3A_261 : memref<1x128x64xf32, #tpu.memory_space<vmem>> -> memref<128x64xf32, #tpu.memory_space<vmem>>
          %dma_wait3A_263 = arith.constant 0 : i32
          %dma_wait3A_264 = tpu.memref_slice %arg7[%dma_wait3A_258, %dma_wait3A_263] : memref<79x128xi32, #tpu.memory_space<vmem>> -> memref<1x128xi32, #tpu.memory_space<vmem>>
          %dma_wait3A_265 = tpu.memref_squeeze %dma_wait3A_264 : memref<1x128xi32, #tpu.memory_space<vmem>> -> memref<128xi32, #tpu.memory_space<vmem>>
          %dma_wait3A_266 = arith.constant 0 : i32
          %dma_wait3A_267 = arith.constant 0 : i32
          %dma_wait3A_268 = tpu.memref_slice %arg10[%dma_wait3A_266, %dma_wait3A_267] : memref<10000x64xf32, #tpu.memory_space<vmem_shared>> -> memref<10000x64xf32, #tpu.memory_space<vmem_shared>>
          tpu.wait_indirect_dma semaphore(%arg12 : memref<!tpu.dma_semaphore, #tpu.memory_space<semaphore_mem>>) src(%dma_wait3A_262 : memref<128x64xf32, #tpu.memory_space<vmem>>) dst(%dma_wait3A_268 : memref<10000x64xf32, #tpu.memory_space<vmem_shared>>)
        } else {
        }
        %add3A_250 = arith.constant 4 : i32
        %add3A_251 = arith.addi %add3A_188, %add3A_250 : i32
        %lt3A_252 = arith.constant 78 : i32
        %lt3A_253 = arith.cmpi slt, %add3A_251, %lt3A_252 : i32
        %convert_element_type3A_254 = arith.extui %lt3A_253 : i1 to i32
        %cond3A_255 = arith.constant 0 : i32
        %cond3A_256 = arith.cmpi ne, %convert_element_type3A_254, %cond3A_255 : i32
        scf.if %cond3A_256 {
          %add3A_257 = arith.constant 4 : i32
          %add3A_258 = arith.addi %add3A_188, %add3A_257 : i32
          %dma_start3A_259 = arith.constant 7 : i32
          %dma_start3A_260 = arith.constant 0 : i32
          %dma_start3A_261 = arith.constant 0 : i32
          %dma_start3A_262 = tpu.memref_slice %arg8[%dma_start3A_259, %dma_start3A_260, %dma_start3A_261] : memref<8x128x64xf32, #tpu.memory_space<vmem>> -> memref<1x128x64xf32, #tpu.memory_space<vmem>>
          %dma_start3A_263 = tpu.memref_squeeze %dma_start3A_262 : memref<1x128x64xf32, #tpu.memory_space<vmem>> -> memref<128x64xf32, #tpu.memory_space<vmem>>
          %dma_start3A_264 = arith.constant 0 : i32
          %dma_start3A_265 = tpu.memref_slice %arg6[%add3A_258, %dma_start3A_264] : memref<79x128xi32, #tpu.memory_space<vmem>> -> memref<1x128xi32, #tpu.memory_space<vmem>>
          %dma_start3A_266 = tpu.memref_squeeze %dma_start3A_265 : memref<1x128xi32, #tpu.memory_space<vmem>> -> memref<128xi32, #tpu.memory_space<vmem>>
          %dma_start3A_267 = arith.constant 0 : i32
          %dma_start3A_268 = arith.constant 0 : i32
          %dma_start3A_269 = tpu.memref_slice %arg2[%dma_start3A_267, %dma_start3A_268] : memref<10000x64xf32, #tpu.memory_space<hbm>> -> memref<10000x64xf32, #tpu.memory_space<hbm>>
          tpu.enqueue_indirect_dma source(%dma_start3A_269 : memref<10000x64xf32, #tpu.memory_space<hbm>>) target(%dma_start3A_263 : memref<128x64xf32, #tpu.memory_space<vmem>>) offsets(%dma_start3A_266 : memref<128xi32, #tpu.memory_space<vmem>>) semaphore(%arg11 : memref<!tpu.dma_semaphore, #tpu.memory_space<semaphore_mem>>)
        } else {
        }
      } else {
      }
      %add3A_194 = arith.constant 4 : i32
      %add3A_195 = arith.addi %mul3A_165, %add3A_194 : i32
      %lt3A_196 = arith.constant 78 : i32
      %lt3A_197 = arith.cmpi slt, %add3A_195, %lt3A_196 : i32
      %convert_element_type3A_198 = arith.extui %lt3A_197 : i1 to i32
      %cond3A_199 = arith.constant 0 : i32
      %cond3A_200 = arith.cmpi ne, %convert_element_type3A_198, %cond3A_199 : i32
      scf.if %cond3A_200 {
        %dma_wait3A_223 = arith.constant 0 : i32
        %dma_wait3A_224 = arith.constant 4 : i32
        %dma_wait3A_225 = arith.constant 0 : i32
        %dma_wait3A_226 = arith.constant 0 : i32
        %dma_wait3A_227 = tpu.memref_slice %arg8[%dma_wait3A_224, %dma_wait3A_225, %dma_wait3A_226] : memref<8x128x64xf32, #tpu.memory_space<vmem>> -> memref<1x128x64xf32, #tpu.memory_space<vmem>>
        %dma_wait3A_228 = tpu.memref_squeeze %dma_wait3A_227 : memref<1x128x64xf32, #tpu.memory_space<vmem>> -> memref<128x64xf32, #tpu.memory_space<vmem>>
        %dma_wait3A_229 = arith.constant 0 : i32
        %dma_wait3A_230 = tpu.memref_slice %arg6[%dma_wait3A_223, %dma_wait3A_229] : memref<79x128xi32, #tpu.memory_space<vmem>> -> memref<1x128xi32, #tpu.memory_space<vmem>>
        %dma_wait3A_231 = tpu.memref_squeeze %dma_wait3A_230 : memref<1x128xi32, #tpu.memory_space<vmem>> -> memref<128xi32, #tpu.memory_space<vmem>>
        %dma_wait3A_232 = arith.constant 0 : i32
        %dma_wait3A_233 = arith.constant 0 : i32
        %dma_wait3A_234 = tpu.memref_slice %arg2[%dma_wait3A_232, %dma_wait3A_233] : memref<10000x64xf32, #tpu.memory_space<hbm>> -> memref<10000x64xf32, #tpu.memory_space<hbm>>
        tpu.wait_indirect_dma semaphore(%arg11 : memref<!tpu.dma_semaphore, #tpu.memory_space<semaphore_mem>>) src(%dma_wait3A_234 : memref<10000x64xf32, #tpu.memory_space<hbm>>) dst(%dma_wait3A_228 : memref<128x64xf32, #tpu.memory_space<vmem>>)
        %dma_start3A_235 = arith.constant 4 : i32
        %dma_start3A_236 = arith.constant 0 : i32
        %dma_start3A_237 = arith.constant 0 : i32
        %dma_start3A_238 = tpu.memref_slice %arg8[%dma_start3A_235, %dma_start3A_236, %dma_start3A_237] : memref<8x128x64xf32, #tpu.memory_space<vmem>> -> memref<1x128x64xf32, #tpu.memory_space<vmem>>
        %dma_start3A_239 = tpu.memref_squeeze %dma_start3A_238 : memref<1x128x64xf32, #tpu.memory_space<vmem>> -> memref<128x64xf32, #tpu.memory_space<vmem>>
        %dma_start3A_240 = arith.constant 0 : i32
        %dma_start3A_241 = tpu.memref_slice %arg7[%add3A_195, %dma_start3A_240] : memref<79x128xi32, #tpu.memory_space<vmem>> -> memref<1x128xi32, #tpu.memory_space<vmem>>
        %dma_start3A_242 = tpu.memref_squeeze %dma_start3A_241 : memref<1x128xi32, #tpu.memory_space<vmem>> -> memref<128xi32, #tpu.memory_space<vmem>>
        %dma_start3A_243 = arith.constant 0 : i32
        %dma_start3A_244 = arith.constant 0 : i32
        %dma_start3A_245 = tpu.memref_slice %arg10[%dma_start3A_243, %dma_start3A_244] : memref<10000x64xf32, #tpu.memory_space<vmem_shared>> -> memref<10000x64xf32, #tpu.memory_space<vmem_shared>>
        tpu.enqueue_indirect_dma source(%dma_start3A_239 : memref<128x64xf32, #tpu.memory_space<vmem>>) target(%dma_start3A_245 : memref<10000x64xf32, #tpu.memory_space<vmem_shared>>) offsets(%dma_start3A_242 : memref<128xi32, #tpu.memory_space<vmem>>) semaphore(%arg12 : memref<!tpu.dma_semaphore, #tpu.memory_space<semaphore_mem>>) {add = true}
        %ge3A = arith.constant 4 : i32
        %ge3A_246 = arith.cmpi sge, %add3A_195, %ge3A : i32
        %convert_element_type3A_247 = arith.extui %ge3A_246 : i1 to i32
        %cond3A_248 = arith.constant 0 : i32
        %cond3A_249 = arith.cmpi ne, %convert_element_type3A_247, %cond3A_248 : i32
        scf.if %cond3A_249 {
          %dma_wait3A_257 = arith.constant 0 : i32
          %dma_wait3A_258 = arith.constant 0 : i32
          %dma_wait3A_259 = arith.constant 0 : i32
          %dma_wait3A_260 = arith.constant 0 : i32
          %dma_wait3A_261 = tpu.memref_slice %arg8[%dma_wait3A_257, %dma_wait3A_259, %dma_wait3A_260] : memref<8x128x64xf32, #tpu.memory_space<vmem>> -> memref<1x128x64xf32, #tpu.memory_space<vmem>>
          %dma_wait3A_262 = tpu.memref_squeeze %dma_wait3A_261 : memref<1x128x64xf32, #tpu.memory_space<vmem>> -> memref<128x64xf32, #tpu.memory_space<vmem>>
          %dma_wait3A_263 = arith.constant 0 : i32
          %dma_wait3A_264 = tpu.memref_slice %arg7[%dma_wait3A_258, %dma_wait3A_263] : memref<79x128xi32, #tpu.memory_space<vmem>> -> memref<1x128xi32, #tpu.memory_space<vmem>>
          %dma_wait3A_265 = tpu.memref_squeeze %dma_wait3A_264 : memref<1x128xi32, #tpu.memory_space<vmem>> -> memref<128xi32, #tpu.memory_space<vmem>>
          %dma_wait3A_266 = arith.constant 0 : i32
          %dma_wait3A_267 = arith.constant 0 : i32
          %dma_wait3A_268 = tpu.memref_slice %arg10[%dma_wait3A_266, %dma_wait3A_267] : memref<10000x64xf32, #tpu.memory_space<vmem_shared>> -> memref<10000x64xf32, #tpu.memory_space<vmem_shared>>
          tpu.wait_indirect_dma semaphore(%arg12 : memref<!tpu.dma_semaphore, #tpu.memory_space<semaphore_mem>>) src(%dma_wait3A_262 : memref<128x64xf32, #tpu.memory_space<vmem>>) dst(%dma_wait3A_268 : memref<10000x64xf32, #tpu.memory_space<vmem_shared>>)
        } else {
        }
        %add3A_250 = arith.constant 4 : i32
        %add3A_251 = arith.addi %add3A_195, %add3A_250 : i32
        %lt3A_252 = arith.constant 78 : i32
        %lt3A_253 = arith.cmpi slt, %add3A_251, %lt3A_252 : i32
        %convert_element_type3A_254 = arith.extui %lt3A_253 : i1 to i32
        %cond3A_255 = arith.constant 0 : i32
        %cond3A_256 = arith.cmpi ne, %convert_element_type3A_254, %cond3A_255 : i32
        scf.if %cond3A_256 {
          %add3A_257 = arith.constant 4 : i32
          %add3A_258 = arith.addi %add3A_195, %add3A_257 : i32
          %dma_start3A_259 = arith.constant 0 : i32
          %dma_start3A_260 = arith.constant 0 : i32
          %dma_start3A_261 = arith.constant 0 : i32
          %dma_start3A_262 = tpu.memref_slice %arg8[%dma_start3A_259, %dma_start3A_260, %dma_start3A_261] : memref<8x128x64xf32, #tpu.memory_space<vmem>> -> memref<1x128x64xf32, #tpu.memory_space<vmem>>
          %dma_start3A_263 = tpu.memref_squeeze %dma_start3A_262 : memref<1x128x64xf32, #tpu.memory_space<vmem>> -> memref<128x64xf32, #tpu.memory_space<vmem>>
          %dma_start3A_264 = arith.constant 0 : i32
          %dma_start3A_265 = tpu.memref_slice %arg6[%add3A_258, %dma_start3A_264] : memref<79x128xi32, #tpu.memory_space<vmem>> -> memref<1x128xi32, #tpu.memory_space<vmem>>
          %dma_start3A_266 = tpu.memref_squeeze %dma_start3A_265 : memref<1x128xi32, #tpu.memory_space<vmem>> -> memref<128xi32, #tpu.memory_space<vmem>>
          %dma_start3A_267 = arith.constant 0 : i32
          %dma_start3A_268 = arith.constant 0 : i32
          %dma_start3A_269 = tpu.memref_slice %arg2[%dma_start3A_267, %dma_start3A_268] : memref<10000x64xf32, #tpu.memory_space<hbm>> -> memref<10000x64xf32, #tpu.memory_space<hbm>>
          tpu.enqueue_indirect_dma source(%dma_start3A_269 : memref<10000x64xf32, #tpu.memory_space<hbm>>) target(%dma_start3A_263 : memref<128x64xf32, #tpu.memory_space<vmem>>) offsets(%dma_start3A_266 : memref<128xi32, #tpu.memory_space<vmem>>) semaphore(%arg11 : memref<!tpu.dma_semaphore, #tpu.memory_space<semaphore_mem>>)
        } else {
        }
      } else {
      }
      %add3A_201 = arith.constant 5 : i32
      %add3A_202 = arith.addi %mul3A_165, %add3A_201 : i32
      %lt3A_203 = arith.constant 78 : i32
      %lt3A_204 = arith.cmpi slt, %add3A_202, %lt3A_203 : i32
      %convert_element_type3A_205 = arith.extui %lt3A_204 : i1 to i32
      %cond3A_206 = arith.constant 0 : i32
      %cond3A_207 = arith.cmpi ne, %convert_element_type3A_205, %cond3A_206 : i32
      scf.if %cond3A_207 {
        %dma_wait3A_223 = arith.constant 0 : i32
        %dma_wait3A_224 = arith.constant 5 : i32
        %dma_wait3A_225 = arith.constant 0 : i32
        %dma_wait3A_226 = arith.constant 0 : i32
        %dma_wait3A_227 = tpu.memref_slice %arg8[%dma_wait3A_224, %dma_wait3A_225, %dma_wait3A_226] : memref<8x128x64xf32, #tpu.memory_space<vmem>> -> memref<1x128x64xf32, #tpu.memory_space<vmem>>
        %dma_wait3A_228 = tpu.memref_squeeze %dma_wait3A_227 : memref<1x128x64xf32, #tpu.memory_space<vmem>> -> memref<128x64xf32, #tpu.memory_space<vmem>>
        %dma_wait3A_229 = arith.constant 0 : i32
        %dma_wait3A_230 = tpu.memref_slice %arg6[%dma_wait3A_223, %dma_wait3A_229] : memref<79x128xi32, #tpu.memory_space<vmem>> -> memref<1x128xi32, #tpu.memory_space<vmem>>
        %dma_wait3A_231 = tpu.memref_squeeze %dma_wait3A_230 : memref<1x128xi32, #tpu.memory_space<vmem>> -> memref<128xi32, #tpu.memory_space<vmem>>
        %dma_wait3A_232 = arith.constant 0 : i32
        %dma_wait3A_233 = arith.constant 0 : i32
        %dma_wait3A_234 = tpu.memref_slice %arg2[%dma_wait3A_232, %dma_wait3A_233] : memref<10000x64xf32, #tpu.memory_space<hbm>> -> memref<10000x64xf32, #tpu.memory_space<hbm>>
        tpu.wait_indirect_dma semaphore(%arg11 : memref<!tpu.dma_semaphore, #tpu.memory_space<semaphore_mem>>) src(%dma_wait3A_234 : memref<10000x64xf32, #tpu.memory_space<hbm>>) dst(%dma_wait3A_228 : memref<128x64xf32, #tpu.memory_space<vmem>>)
        %dma_start3A_235 = arith.constant 5 : i32
        %dma_start3A_236 = arith.constant 0 : i32
        %dma_start3A_237 = arith.constant 0 : i32
        %dma_start3A_238 = tpu.memref_slice %arg8[%dma_start3A_235, %dma_start3A_236, %dma_start3A_237] : memref<8x128x64xf32, #tpu.memory_space<vmem>> -> memref<1x128x64xf32, #tpu.memory_space<vmem>>
        %dma_start3A_239 = tpu.memref_squeeze %dma_start3A_238 : memref<1x128x64xf32, #tpu.memory_space<vmem>> -> memref<128x64xf32, #tpu.memory_space<vmem>>
        %dma_start3A_240 = arith.constant 0 : i32
        %dma_start3A_241 = tpu.memref_slice %arg7[%add3A_202, %dma_start3A_240] : memref<79x128xi32, #tpu.memory_space<vmem>> -> memref<1x128xi32, #tpu.memory_space<vmem>>
        %dma_start3A_242 = tpu.memref_squeeze %dma_start3A_241 : memref<1x128xi32, #tpu.memory_space<vmem>> -> memref<128xi32, #tpu.memory_space<vmem>>
        %dma_start3A_243 = arith.constant 0 : i32
        %dma_start3A_244 = arith.constant 0 : i32
        %dma_start3A_245 = tpu.memref_slice %arg10[%dma_start3A_243, %dma_start3A_244] : memref<10000x64xf32, #tpu.memory_space<vmem_shared>> -> memref<10000x64xf32, #tpu.memory_space<vmem_shared>>
        tpu.enqueue_indirect_dma source(%dma_start3A_239 : memref<128x64xf32, #tpu.memory_space<vmem>>) target(%dma_start3A_245 : memref<10000x64xf32, #tpu.memory_space<vmem_shared>>) offsets(%dma_start3A_242 : memref<128xi32, #tpu.memory_space<vmem>>) semaphore(%arg12 : memref<!tpu.dma_semaphore, #tpu.memory_space<semaphore_mem>>) {add = true}
        %ge3A = arith.constant 4 : i32
        %ge3A_246 = arith.cmpi sge, %add3A_202, %ge3A : i32
        %convert_element_type3A_247 = arith.extui %ge3A_246 : i1 to i32
        %cond3A_248 = arith.constant 0 : i32
        %cond3A_249 = arith.cmpi ne, %convert_element_type3A_247, %cond3A_248 : i32
        scf.if %cond3A_249 {
          %dma_wait3A_257 = arith.constant 0 : i32
          %dma_wait3A_258 = arith.constant 0 : i32
          %dma_wait3A_259 = arith.constant 0 : i32
          %dma_wait3A_260 = arith.constant 0 : i32
          %dma_wait3A_261 = tpu.memref_slice %arg8[%dma_wait3A_257, %dma_wait3A_259, %dma_wait3A_260] : memref<8x128x64xf32, #tpu.memory_space<vmem>> -> memref<1x128x64xf32, #tpu.memory_space<vmem>>
          %dma_wait3A_262 = tpu.memref_squeeze %dma_wait3A_261 : memref<1x128x64xf32, #tpu.memory_space<vmem>> -> memref<128x64xf32, #tpu.memory_space<vmem>>
          %dma_wait3A_263 = arith.constant 0 : i32
          %dma_wait3A_264 = tpu.memref_slice %arg7[%dma_wait3A_258, %dma_wait3A_263] : memref<79x128xi32, #tpu.memory_space<vmem>> -> memref<1x128xi32, #tpu.memory_space<vmem>>
          %dma_wait3A_265 = tpu.memref_squeeze %dma_wait3A_264 : memref<1x128xi32, #tpu.memory_space<vmem>> -> memref<128xi32, #tpu.memory_space<vmem>>
          %dma_wait3A_266 = arith.constant 0 : i32
          %dma_wait3A_267 = arith.constant 0 : i32
          %dma_wait3A_268 = tpu.memref_slice %arg10[%dma_wait3A_266, %dma_wait3A_267] : memref<10000x64xf32, #tpu.memory_space<vmem_shared>> -> memref<10000x64xf32, #tpu.memory_space<vmem_shared>>
          tpu.wait_indirect_dma semaphore(%arg12 : memref<!tpu.dma_semaphore, #tpu.memory_space<semaphore_mem>>) src(%dma_wait3A_262 : memref<128x64xf32, #tpu.memory_space<vmem>>) dst(%dma_wait3A_268 : memref<10000x64xf32, #tpu.memory_space<vmem_shared>>)
        } else {
        }
        %add3A_250 = arith.constant 4 : i32
        %add3A_251 = arith.addi %add3A_202, %add3A_250 : i32
        %lt3A_252 = arith.constant 78 : i32
        %lt3A_253 = arith.cmpi slt, %add3A_251, %lt3A_252 : i32
        %convert_element_type3A_254 = arith.extui %lt3A_253 : i1 to i32
        %cond3A_255 = arith.constant 0 : i32
        %cond3A_256 = arith.cmpi ne, %convert_element_type3A_254, %cond3A_255 : i32
        scf.if %cond3A_256 {
          %add3A_257 = arith.constant 4 : i32
          %add3A_258 = arith.addi %add3A_202, %add3A_257 : i32
          %dma_start3A_259 = arith.constant 1 : i32
          %dma_start3A_260 = arith.constant 0 : i32
          %dma_start3A_261 = arith.constant 0 : i32
          %dma_start3A_262 = tpu.memref_slice %arg8[%dma_start3A_259, %dma_start3A_260, %dma_start3A_261] : memref<8x128x64xf32, #tpu.memory_space<vmem>> -> memref<1x128x64xf32, #tpu.memory_space<vmem>>
          %dma_start3A_263 = tpu.memref_squeeze %dma_start3A_262 : memref<1x128x64xf32, #tpu.memory_space<vmem>> -> memref<128x64xf32, #tpu.memory_space<vmem>>
          %dma_start3A_264 = arith.constant 0 : i32
          %dma_start3A_265 = tpu.memref_slice %arg6[%add3A_258, %dma_start3A_264] : memref<79x128xi32, #tpu.memory_space<vmem>> -> memref<1x128xi32, #tpu.memory_space<vmem>>
          %dma_start3A_266 = tpu.memref_squeeze %dma_start3A_265 : memref<1x128xi32, #tpu.memory_space<vmem>> -> memref<128xi32, #tpu.memory_space<vmem>>
          %dma_start3A_267 = arith.constant 0 : i32
          %dma_start3A_268 = arith.constant 0 : i32
          %dma_start3A_269 = tpu.memref_slice %arg2[%dma_start3A_267, %dma_start3A_268] : memref<10000x64xf32, #tpu.memory_space<hbm>> -> memref<10000x64xf32, #tpu.memory_space<hbm>>
          tpu.enqueue_indirect_dma source(%dma_start3A_269 : memref<10000x64xf32, #tpu.memory_space<hbm>>) target(%dma_start3A_263 : memref<128x64xf32, #tpu.memory_space<vmem>>) offsets(%dma_start3A_266 : memref<128xi32, #tpu.memory_space<vmem>>) semaphore(%arg11 : memref<!tpu.dma_semaphore, #tpu.memory_space<semaphore_mem>>)
        } else {
        }
      } else {
      }
      %add3A_208 = arith.constant 6 : i32
      %add3A_209 = arith.addi %mul3A_165, %add3A_208 : i32
      %lt3A_210 = arith.constant 78 : i32
      %lt3A_211 = arith.cmpi slt, %add3A_209, %lt3A_210 : i32
      %convert_element_type3A_212 = arith.extui %lt3A_211 : i1 to i32
      %cond3A_213 = arith.constant 0 : i32
      %cond3A_214 = arith.cmpi ne, %convert_element_type3A_212, %cond3A_213 : i32
      scf.if %cond3A_214 {
        %dma_wait3A_223 = arith.constant 0 : i32
        %dma_wait3A_224 = arith.constant 6 : i32
        %dma_wait3A_225 = arith.constant 0 : i32
        %dma_wait3A_226 = arith.constant 0 : i32
        %dma_wait3A_227 = tpu.memref_slice %arg8[%dma_wait3A_224, %dma_wait3A_225, %dma_wait3A_226] : memref<8x128x64xf32, #tpu.memory_space<vmem>> -> memref<1x128x64xf32, #tpu.memory_space<vmem>>
        %dma_wait3A_228 = tpu.memref_squeeze %dma_wait3A_227 : memref<1x128x64xf32, #tpu.memory_space<vmem>> -> memref<128x64xf32, #tpu.memory_space<vmem>>
        %dma_wait3A_229 = arith.constant 0 : i32
        %dma_wait3A_230 = tpu.memref_slice %arg6[%dma_wait3A_223, %dma_wait3A_229] : memref<79x128xi32, #tpu.memory_space<vmem>> -> memref<1x128xi32, #tpu.memory_space<vmem>>
        %dma_wait3A_231 = tpu.memref_squeeze %dma_wait3A_230 : memref<1x128xi32, #tpu.memory_space<vmem>> -> memref<128xi32, #tpu.memory_space<vmem>>
        %dma_wait3A_232 = arith.constant 0 : i32
        %dma_wait3A_233 = arith.constant 0 : i32
        %dma_wait3A_234 = tpu.memref_slice %arg2[%dma_wait3A_232, %dma_wait3A_233] : memref<10000x64xf32, #tpu.memory_space<hbm>> -> memref<10000x64xf32, #tpu.memory_space<hbm>>
        tpu.wait_indirect_dma semaphore(%arg11 : memref<!tpu.dma_semaphore, #tpu.memory_space<semaphore_mem>>) src(%dma_wait3A_234 : memref<10000x64xf32, #tpu.memory_space<hbm>>) dst(%dma_wait3A_228 : memref<128x64xf32, #tpu.memory_space<vmem>>)
        %dma_start3A_235 = arith.constant 6 : i32
        %dma_start3A_236 = arith.constant 0 : i32
        %dma_start3A_237 = arith.constant 0 : i32
        %dma_start3A_238 = tpu.memref_slice %arg8[%dma_start3A_235, %dma_start3A_236, %dma_start3A_237] : memref<8x128x64xf32, #tpu.memory_space<vmem>> -> memref<1x128x64xf32, #tpu.memory_space<vmem>>
        %dma_start3A_239 = tpu.memref_squeeze %dma_start3A_238 : memref<1x128x64xf32, #tpu.memory_space<vmem>> -> memref<128x64xf32, #tpu.memory_space<vmem>>
        %dma_start3A_240 = arith.constant 0 : i32
        %dma_start3A_241 = tpu.memref_slice %arg7[%add3A_209, %dma_start3A_240] : memref<79x128xi32, #tpu.memory_space<vmem>> -> memref<1x128xi32, #tpu.memory_space<vmem>>
        %dma_start3A_242 = tpu.memref_squeeze %dma_start3A_241 : memref<1x128xi32, #tpu.memory_space<vmem>> -> memref<128xi32, #tpu.memory_space<vmem>>
        %dma_start3A_243 = arith.constant 0 : i32
        %dma_start3A_244 = arith.constant 0 : i32
        %dma_start3A_245 = tpu.memref_slice %arg10[%dma_start3A_243, %dma_start3A_244] : memref<10000x64xf32, #tpu.memory_space<vmem_shared>> -> memref<10000x64xf32, #tpu.memory_space<vmem_shared>>
        tpu.enqueue_indirect_dma source(%dma_start3A_239 : memref<128x64xf32, #tpu.memory_space<vmem>>) target(%dma_start3A_245 : memref<10000x64xf32, #tpu.memory_space<vmem_shared>>) offsets(%dma_start3A_242 : memref<128xi32, #tpu.memory_space<vmem>>) semaphore(%arg12 : memref<!tpu.dma_semaphore, #tpu.memory_space<semaphore_mem>>) {add = true}
        %ge3A = arith.constant 4 : i32
        %ge3A_246 = arith.cmpi sge, %add3A_209, %ge3A : i32
        %convert_element_type3A_247 = arith.extui %ge3A_246 : i1 to i32
        %cond3A_248 = arith.constant 0 : i32
        %cond3A_249 = arith.cmpi ne, %convert_element_type3A_247, %cond3A_248 : i32
        scf.if %cond3A_249 {
          %dma_wait3A_257 = arith.constant 0 : i32
          %dma_wait3A_258 = arith.constant 0 : i32
          %dma_wait3A_259 = arith.constant 0 : i32
          %dma_wait3A_260 = arith.constant 0 : i32
          %dma_wait3A_261 = tpu.memref_slice %arg8[%dma_wait3A_257, %dma_wait3A_259, %dma_wait3A_260] : memref<8x128x64xf32, #tpu.memory_space<vmem>> -> memref<1x128x64xf32, #tpu.memory_space<vmem>>
          %dma_wait3A_262 = tpu.memref_squeeze %dma_wait3A_261 : memref<1x128x64xf32, #tpu.memory_space<vmem>> -> memref<128x64xf32, #tpu.memory_space<vmem>>
          %dma_wait3A_263 = arith.constant 0 : i32
          %dma_wait3A_264 = tpu.memref_slice %arg7[%dma_wait3A_258, %dma_wait3A_263] : memref<79x128xi32, #tpu.memory_space<vmem>> -> memref<1x128xi32, #tpu.memory_space<vmem>>
          %dma_wait3A_265 = tpu.memref_squeeze %dma_wait3A_264 : memref<1x128xi32, #tpu.memory_space<vmem>> -> memref<128xi32, #tpu.memory_space<vmem>>
          %dma_wait3A_266 = arith.constant 0 : i32
          %dma_wait3A_267 = arith.constant 0 : i32
          %dma_wait3A_268 = tpu.memref_slice %arg10[%dma_wait3A_266, %dma_wait3A_267] : memref<10000x64xf32, #tpu.memory_space<vmem_shared>> -> memref<10000x64xf32, #tpu.memory_space<vmem_shared>>
          tpu.wait_indirect_dma semaphore(%arg12 : memref<!tpu.dma_semaphore, #tpu.memory_space<semaphore_mem>>) src(%dma_wait3A_262 : memref<128x64xf32, #tpu.memory_space<vmem>>) dst(%dma_wait3A_268 : memref<10000x64xf32, #tpu.memory_space<vmem_shared>>)
        } else {
        }
        %add3A_250 = arith.constant 4 : i32
        %add3A_251 = arith.addi %add3A_209, %add3A_250 : i32
        %lt3A_252 = arith.constant 78 : i32
        %lt3A_253 = arith.cmpi slt, %add3A_251, %lt3A_252 : i32
        %convert_element_type3A_254 = arith.extui %lt3A_253 : i1 to i32
        %cond3A_255 = arith.constant 0 : i32
        %cond3A_256 = arith.cmpi ne, %convert_element_type3A_254, %cond3A_255 : i32
        scf.if %cond3A_256 {
          %add3A_257 = arith.constant 4 : i32
          %add3A_258 = arith.addi %add3A_209, %add3A_257 : i32
          %dma_start3A_259 = arith.constant 2 : i32
          %dma_start3A_260 = arith.constant 0 : i32
          %dma_start3A_261 = arith.constant 0 : i32
          %dma_start3A_262 = tpu.memref_slice %arg8[%dma_start3A_259, %dma_start3A_260, %dma_start3A_261] : memref<8x128x64xf32, #tpu.memory_space<vmem>> -> memref<1x128x64xf32, #tpu.memory_space<vmem>>
          %dma_start3A_263 = tpu.memref_squeeze %dma_start3A_262 : memref<1x128x64xf32, #tpu.memory_space<vmem>> -> memref<128x64xf32, #tpu.memory_space<vmem>>
          %dma_start3A_264 = arith.constant 0 : i32
          %dma_start3A_265 = tpu.memref_slice %arg6[%add3A_258, %dma_start3A_264] : memref<79x128xi32, #tpu.memory_space<vmem>> -> memref<1x128xi32, #tpu.memory_space<vmem>>
          %dma_start3A_266 = tpu.memref_squeeze %dma_start3A_265 : memref<1x128xi32, #tpu.memory_space<vmem>> -> memref<128xi32, #tpu.memory_space<vmem>>
          %dma_start3A_267 = arith.constant 0 : i32
          %dma_start3A_268 = arith.constant 0 : i32
          %dma_start3A_269 = tpu.memref_slice %arg2[%dma_start3A_267, %dma_start3A_268] : memref<10000x64xf32, #tpu.memory_space<hbm>> -> memref<10000x64xf32, #tpu.memory_space<hbm>>
          tpu.enqueue_indirect_dma source(%dma_start3A_269 : memref<10000x64xf32, #tpu.memory_space<hbm>>) target(%dma_start3A_263 : memref<128x64xf32, #tpu.memory_space<vmem>>) offsets(%dma_start3A_266 : memref<128xi32, #tpu.memory_space<vmem>>) semaphore(%arg11 : memref<!tpu.dma_semaphore, #tpu.memory_space<semaphore_mem>>)
        } else {
        }
      } else {
      }
      %add3A_215 = arith.constant 7 : i32
      %add3A_216 = arith.addi %mul3A_165, %add3A_215 : i32
      %lt3A_217 = arith.constant 78 : i32
      %lt3A_218 = arith.cmpi slt, %add3A_216, %lt3A_217 : i32
      %convert_element_type3A_219 = arith.extui %lt3A_218 : i1 to i32
      %cond3A_220 = arith.constant 0 : i32
      %cond3A_221 = arith.cmpi ne, %convert_element_type3A_219, %cond3A_220 : i32
      scf.if %cond3A_221 {
        %dma_wait3A_223 = arith.constant 0 : i32
        %dma_wait3A_224 = arith.constant 7 : i32
        %dma_wait3A_225 = arith.constant 0 : i32
        %dma_wait3A_226 = arith.constant 0 : i32
        %dma_wait3A_227 = tpu.memref_slice %arg8[%dma_wait3A_224, %dma_wait3A_225, %dma_wait3A_226] : memref<8x128x64xf32, #tpu.memory_space<vmem>> -> memref<1x128x64xf32, #tpu.memory_space<vmem>>
        %dma_wait3A_228 = tpu.memref_squeeze %dma_wait3A_227 : memref<1x128x64xf32, #tpu.memory_space<vmem>> -> memref<128x64xf32, #tpu.memory_space<vmem>>
        %dma_wait3A_229 = arith.constant 0 : i32
        %dma_wait3A_230 = tpu.memref_slice %arg6[%dma_wait3A_223, %dma_wait3A_229] : memref<79x128xi32, #tpu.memory_space<vmem>> -> memref<1x128xi32, #tpu.memory_space<vmem>>
        %dma_wait3A_231 = tpu.memref_squeeze %dma_wait3A_230 : memref<1x128xi32, #tpu.memory_space<vmem>> -> memref<128xi32, #tpu.memory_space<vmem>>
        %dma_wait3A_232 = arith.constant 0 : i32
        %dma_wait3A_233 = arith.constant 0 : i32
        %dma_wait3A_234 = tpu.memref_slice %arg2[%dma_wait3A_232, %dma_wait3A_233] : memref<10000x64xf32, #tpu.memory_space<hbm>> -> memref<10000x64xf32, #tpu.memory_space<hbm>>
        tpu.wait_indirect_dma semaphore(%arg11 : memref<!tpu.dma_semaphore, #tpu.memory_space<semaphore_mem>>) src(%dma_wait3A_234 : memref<10000x64xf32, #tpu.memory_space<hbm>>) dst(%dma_wait3A_228 : memref<128x64xf32, #tpu.memory_space<vmem>>)
        %dma_start3A_235 = arith.constant 7 : i32
        %dma_start3A_236 = arith.constant 0 : i32
        %dma_start3A_237 = arith.constant 0 : i32
        %dma_start3A_238 = tpu.memref_slice %arg8[%dma_start3A_235, %dma_start3A_236, %dma_start3A_237] : memref<8x128x64xf32, #tpu.memory_space<vmem>> -> memref<1x128x64xf32, #tpu.memory_space<vmem>>
        %dma_start3A_239 = tpu.memref_squeeze %dma_start3A_238 : memref<1x128x64xf32, #tpu.memory_space<vmem>> -> memref<128x64xf32, #tpu.memory_space<vmem>>
        %dma_start3A_240 = arith.constant 0 : i32
        %dma_start3A_241 = tpu.memref_slice %arg7[%add3A_216, %dma_start3A_240] : memref<79x128xi32, #tpu.memory_space<vmem>> -> memref<1x128xi32, #tpu.memory_space<vmem>>
        %dma_start3A_242 = tpu.memref_squeeze %dma_start3A_241 : memref<1x128xi32, #tpu.memory_space<vmem>> -> memref<128xi32, #tpu.memory_space<vmem>>
        %dma_start3A_243 = arith.constant 0 : i32
        %dma_start3A_244 = arith.constant 0 : i32
        %dma_start3A_245 = tpu.memref_slice %arg10[%dma_start3A_243, %dma_start3A_244] : memref<10000x64xf32, #tpu.memory_space<vmem_shared>> -> memref<10000x64xf32, #tpu.memory_space<vmem_shared>>
        tpu.enqueue_indirect_dma source(%dma_start3A_239 : memref<128x64xf32, #tpu.memory_space<vmem>>) target(%dma_start3A_245 : memref<10000x64xf32, #tpu.memory_space<vmem_shared>>) offsets(%dma_start3A_242 : memref<128xi32, #tpu.memory_space<vmem>>) semaphore(%arg12 : memref<!tpu.dma_semaphore, #tpu.memory_space<semaphore_mem>>) {add = true}
        %ge3A = arith.constant 4 : i32
        %ge3A_246 = arith.cmpi sge, %add3A_216, %ge3A : i32
        %convert_element_type3A_247 = arith.extui %ge3A_246 : i1 to i32
        %cond3A_248 = arith.constant 0 : i32
        %cond3A_249 = arith.cmpi ne, %convert_element_type3A_247, %cond3A_248 : i32
        scf.if %cond3A_249 {
          %dma_wait3A_257 = arith.constant 0 : i32
          %dma_wait3A_258 = arith.constant 0 : i32
          %dma_wait3A_259 = arith.constant 0 : i32
          %dma_wait3A_260 = arith.constant 0 : i32
          %dma_wait3A_261 = tpu.memref_slice %arg8[%dma_wait3A_257, %dma_wait3A_259, %dma_wait3A_260] : memref<8x128x64xf32, #tpu.memory_space<vmem>> -> memref<1x128x64xf32, #tpu.memory_space<vmem>>
          %dma_wait3A_262 = tpu.memref_squeeze %dma_wait3A_261 : memref<1x128x64xf32, #tpu.memory_space<vmem>> -> memref<128x64xf32, #tpu.memory_space<vmem>>
          %dma_wait3A_263 = arith.constant 0 : i32
          %dma_wait3A_264 = tpu.memref_slice %arg7[%dma_wait3A_258, %dma_wait3A_263] : memref<79x128xi32, #tpu.memory_space<vmem>> -> memref<1x128xi32, #tpu.memory_space<vmem>>
          %dma_wait3A_265 = tpu.memref_squeeze %dma_wait3A_264 : memref<1x128xi32, #tpu.memory_space<vmem>> -> memref<128xi32, #tpu.memory_space<vmem>>
          %dma_wait3A_266 = arith.constant 0 : i32
          %dma_wait3A_267 = arith.constant 0 : i32
          %dma_wait3A_268 = tpu.memref_slice %arg10[%dma_wait3A_266, %dma_wait3A_267] : memref<10000x64xf32, #tpu.memory_space<vmem_shared>> -> memref<10000x64xf32, #tpu.memory_space<vmem_shared>>
          tpu.wait_indirect_dma semaphore(%arg12 : memref<!tpu.dma_semaphore, #tpu.memory_space<semaphore_mem>>) src(%dma_wait3A_262 : memref<128x64xf32, #tpu.memory_space<vmem>>) dst(%dma_wait3A_268 : memref<10000x64xf32, #tpu.memory_space<vmem_shared>>)
        } else {
        }
        %add3A_250 = arith.constant 4 : i32
        %add3A_251 = arith.addi %add3A_216, %add3A_250 : i32
        %lt3A_252 = arith.constant 78 : i32
        %lt3A_253 = arith.cmpi slt, %add3A_251, %lt3A_252 : i32
        %convert_element_type3A_254 = arith.extui %lt3A_253 : i1 to i32
        %cond3A_255 = arith.constant 0 : i32
        %cond3A_256 = arith.cmpi ne, %convert_element_type3A_254, %cond3A_255 : i32
        scf.if %cond3A_256 {
          %add3A_257 = arith.constant 4 : i32
          %add3A_258 = arith.addi %add3A_216, %add3A_257 : i32
          %dma_start3A_259 = arith.constant 3 : i32
          %dma_start3A_260 = arith.constant 0 : i32
          %dma_start3A_261 = arith.constant 0 : i32
          %dma_start3A_262 = tpu.memref_slice %arg8[%dma_start3A_259, %dma_start3A_260, %dma_start3A_261] : memref<8x128x64xf32, #tpu.memory_space<vmem>> -> memref<1x128x64xf32, #tpu.memory_space<vmem>>
          %dma_start3A_263 = tpu.memref_squeeze %dma_start3A_262 : memref<1x128x64xf32, #tpu.memory_space<vmem>> -> memref<128x64xf32, #tpu.memory_space<vmem>>
          %dma_start3A_264 = arith.constant 0 : i32
          %dma_start3A_265 = tpu.memref_slice %arg6[%add3A_258, %dma_start3A_264] : memref<79x128xi32, #tpu.memory_space<vmem>> -> memref<1x128xi32, #tpu.memory_space<vmem>>
          %dma_start3A_266 = tpu.memref_squeeze %dma_start3A_265 : memref<1x128xi32, #tpu.memory_space<vmem>> -> memref<128xi32, #tpu.memory_space<vmem>>
          %dma_start3A_267 = arith.constant 0 : i32
          %dma_start3A_268 = arith.constant 0 : i32
          %dma_start3A_269 = tpu.memref_slice %arg2[%dma_start3A_267, %dma_start3A_268] : memref<10000x64xf32, #tpu.memory_space<hbm>> -> memref<10000x64xf32, #tpu.memory_space<hbm>>
          tpu.enqueue_indirect_dma source(%dma_start3A_269 : memref<10000x64xf32, #tpu.memory_space<hbm>>) target(%dma_start3A_263 : memref<128x64xf32, #tpu.memory_space<vmem>>) offsets(%dma_start3A_266 : memref<128xi32, #tpu.memory_space<vmem>>) semaphore(%arg11 : memref<!tpu.dma_semaphore, #tpu.memory_space<semaphore_mem>>)
        } else {
        }
      } else {
      }
      %scan3A_222 = arith.constant 0 : i32
      scf.yield %scan3A_222 : i32
    }
    %scan3A_98 = arith.constant 10 : i32
    %dma_wait3A = arith.constant 0 : i32
    %dma_wait3A_99 = arith.constant 0 : i32
    %dma_wait3A_100 = arith.constant 0 : i32
    %dma_wait3A_101 = arith.constant 0 : i32
    %dma_wait3A_102 = tpu.memref_slice %arg8[%dma_wait3A, %dma_wait3A_100, %dma_wait3A_101] : memref<8x128x64xf32, #tpu.memory_space<vmem>> -> memref<1x128x64xf32, #tpu.memory_space<vmem>>
    %dma_wait3A_103 = tpu.memref_squeeze %dma_wait3A_102 : memref<1x128x64xf32, #tpu.memory_space<vmem>> -> memref<128x64xf32, #tpu.memory_space<vmem>>
    %dma_wait3A_104 = arith.constant 0 : i32
    %dma_wait3A_105 = tpu.memref_slice %arg7[%dma_wait3A_99, %dma_wait3A_104] : memref<79x128xi32, #tpu.memory_space<vmem>> -> memref<1x128xi32, #tpu.memory_space<vmem>>
    %dma_wait3A_106 = tpu.memref_squeeze %dma_wait3A_105 : memref<1x128xi32, #tpu.memory_space<vmem>> -> memref<128xi32, #tpu.memory_space<vmem>>
    %dma_wait3A_107 = arith.constant 0 : i32
    %dma_wait3A_108 = arith.constant 0 : i32
    %dma_wait3A_109 = tpu.memref_slice %arg10[%dma_wait3A_107, %dma_wait3A_108] : memref<10000x64xf32, #tpu.memory_space<vmem_shared>> -> memref<10000x64xf32, #tpu.memory_space<vmem_shared>>
    tpu.wait_indirect_dma semaphore(%arg12 : memref<!tpu.dma_semaphore, #tpu.memory_space<semaphore_mem>>) src(%dma_wait3A_103 : memref<128x64xf32, #tpu.memory_space<vmem>>) dst(%dma_wait3A_109 : memref<10000x64xf32, #tpu.memory_space<vmem_shared>>)
    %dma_wait3A_110 = arith.constant 0 : i32
    %dma_wait3A_111 = arith.constant 0 : i32
    %dma_wait3A_112 = arith.constant 0 : i32
    %dma_wait3A_113 = arith.constant 0 : i32
    %dma_wait3A_114 = tpu.memref_slice %arg8[%dma_wait3A_110, %dma_wait3A_112, %dma_wait3A_113] : memref<8x128x64xf32, #tpu.memory_space<vmem>> -> memref<1x128x64xf32, #tpu.memory_space<vmem>>
    %dma_wait3A_115 = tpu.memref_squeeze %dma_wait3A_114 : memref<1x128x64xf32, #tpu.memory_space<vmem>> -> memref<128x64xf32, #tpu.memory_space<vmem>>
    %dma_wait3A_116 = arith.constant 0 : i32
    %dma_wait3A_117 = tpu.memref_slice %arg7[%dma_wait3A_111, %dma_wait3A_116] : memref<79x128xi32, #tpu.memory_space<vmem>> -> memref<1x128xi32, #tpu.memory_space<vmem>>
    %dma_wait3A_118 = tpu.memref_squeeze %dma_wait3A_117 : memref<1x128xi32, #tpu.memory_space<vmem>> -> memref<128xi32, #tpu.memory_space<vmem>>
    %dma_wait3A_119 = arith.constant 0 : i32
    %dma_wait3A_120 = arith.constant 0 : i32
    %dma_wait3A_121 = tpu.memref_slice %arg10[%dma_wait3A_119, %dma_wait3A_120] : memref<10000x64xf32, #tpu.memory_space<vmem_shared>> -> memref<10000x64xf32, #tpu.memory_space<vmem_shared>>
    tpu.wait_indirect_dma semaphore(%arg12 : memref<!tpu.dma_semaphore, #tpu.memory_space<semaphore_mem>>) src(%dma_wait3A_115 : memref<128x64xf32, #tpu.memory_space<vmem>>) dst(%dma_wait3A_121 : memref<10000x64xf32, #tpu.memory_space<vmem_shared>>)
    %dma_wait3A_122 = arith.constant 0 : i32
    %dma_wait3A_123 = arith.constant 0 : i32
    %dma_wait3A_124 = arith.constant 0 : i32
    %dma_wait3A_125 = arith.constant 0 : i32
    %dma_wait3A_126 = tpu.memref_slice %arg8[%dma_wait3A_122, %dma_wait3A_124, %dma_wait3A_125] : memref<8x128x64xf32, #tpu.memory_space<vmem>> -> memref<1x128x64xf32, #tpu.memory_space<vmem>>
    %dma_wait3A_127 = tpu.memref_squeeze %dma_wait3A_126 : memref<1x128x64xf32, #tpu.memory_space<vmem>> -> memref<128x64xf32, #tpu.memory_space<vmem>>
    %dma_wait3A_128 = arith.constant 0 : i32
    %dma_wait3A_129 = tpu.memref_slice %arg7[%dma_wait3A_123, %dma_wait3A_128] : memref<79x128xi32, #tpu.memory_space<vmem>> -> memref<1x128xi32, #tpu.memory_space<vmem>>
    %dma_wait3A_130 = tpu.memref_squeeze %dma_wait3A_129 : memref<1x128xi32, #tpu.memory_space<vmem>> -> memref<128xi32, #tpu.memory_space<vmem>>
    %dma_wait3A_131 = arith.constant 0 : i32
    %dma_wait3A_132 = arith.constant 0 : i32
    %dma_wait3A_133 = tpu.memref_slice %arg10[%dma_wait3A_131, %dma_wait3A_132] : memref<10000x64xf32, #tpu.memory_space<vmem_shared>> -> memref<10000x64xf32, #tpu.memory_space<vmem_shared>>
    tpu.wait_indirect_dma semaphore(%arg12 : memref<!tpu.dma_semaphore, #tpu.memory_space<semaphore_mem>>) src(%dma_wait3A_127 : memref<128x64xf32, #tpu.memory_space<vmem>>) dst(%dma_wait3A_133 : memref<10000x64xf32, #tpu.memory_space<vmem_shared>>)
    %dma_wait3A_134 = arith.constant 0 : i32
    %dma_wait3A_135 = arith.constant 0 : i32
    %dma_wait3A_136 = arith.constant 0 : i32
    %dma_wait3A_137 = arith.constant 0 : i32
    %dma_wait3A_138 = tpu.memref_slice %arg8[%dma_wait3A_134, %dma_wait3A_136, %dma_wait3A_137] : memref<8x128x64xf32, #tpu.memory_space<vmem>> -> memref<1x128x64xf32, #tpu.memory_space<vmem>>
    %dma_wait3A_139 = tpu.memref_squeeze %dma_wait3A_138 : memref<1x128x64xf32, #tpu.memory_space<vmem>> -> memref<128x64xf32, #tpu.memory_space<vmem>>
    %dma_wait3A_140 = arith.constant 0 : i32
    %dma_wait3A_141 = tpu.memref_slice %arg7[%dma_wait3A_135, %dma_wait3A_140] : memref<79x128xi32, #tpu.memory_space<vmem>> -> memref<1x128xi32, #tpu.memory_space<vmem>>
    %dma_wait3A_142 = tpu.memref_squeeze %dma_wait3A_141 : memref<1x128xi32, #tpu.memory_space<vmem>> -> memref<128xi32, #tpu.memory_space<vmem>>
    %dma_wait3A_143 = arith.constant 0 : i32
    %dma_wait3A_144 = arith.constant 0 : i32
    %dma_wait3A_145 = tpu.memref_slice %arg10[%dma_wait3A_143, %dma_wait3A_144] : memref<10000x64xf32, #tpu.memory_space<vmem_shared>> -> memref<10000x64xf32, #tpu.memory_space<vmem_shared>>
    tpu.wait_indirect_dma semaphore(%arg12 : memref<!tpu.dma_semaphore, #tpu.memory_space<semaphore_mem>>) src(%dma_wait3A_139 : memref<128x64xf32, #tpu.memory_space<vmem>>) dst(%dma_wait3A_145 : memref<10000x64xf32, #tpu.memory_space<vmem_shared>>)
    %lt3A_146 = arith.constant 4 : i32
    %lt3A_147 = arith.cmpi slt, %add3A, %lt3A_146 : i32
    %convert_element_type3A_148 = arith.extui %lt3A_147 : i1 to i32
    %cond3A_149 = arith.constant 0 : i32
    %cond3A_150 = arith.cmpi ne, %convert_element_type3A_148, %cond3A_149 : i32
    scf.if %cond3A_150 {
      %run_scoped3A = arith.constant 78 : i32
      %run_scoped3A_162 = arith.constant 0 : i32
      "tpu.region"() ({
        %run_scoped3A_165 = tpu.sem_alloc : memref<!tpu.dma_semaphore, #tpu.memory_space<semaphore_mem>>
        %dma_start3A_166 = arith.constant 0 : i32
        %dma_start3A_167 = arith.constant 0 : i32
        %dma_start3A_168 = tpu.memref_slice %arg8[%run_scoped3A_162, %dma_start3A_166, %dma_start3A_167] : memref<8x128x64xf32, #tpu.memory_space<vmem>> -> memref<1x128x64xf32, #tpu.memory_space<vmem>>
        %dma_start3A_169 = tpu.memref_squeeze %dma_start3A_168 : memref<1x128x64xf32, #tpu.memory_space<vmem>> -> memref<128x64xf32, #tpu.memory_space<vmem>>
        %dma_start3A_170 = arith.constant 0 : i32
        %dma_start3A_171 = tpu.memref_slice %arg6[%run_scoped3A, %dma_start3A_170] : memref<79x128xi32, #tpu.memory_space<vmem>> -> memref<1x128xi32, #tpu.memory_space<vmem>>
        %dma_start3A_172 = tpu.memref_squeeze %dma_start3A_171 : memref<1x128xi32, #tpu.memory_space<vmem>> -> memref<128xi32, #tpu.memory_space<vmem>>
        %dma_start3A_173 = arith.constant 0 : i32
        %dma_start3A_174 = arith.constant 0 : i32
        %dma_start3A_175 = tpu.memref_slice %arg2[%dma_start3A_173, %dma_start3A_174] : memref<10000x64xf32, #tpu.memory_space<hbm>> -> memref<10000x64xf32, #tpu.memory_space<hbm>>
        tpu.enqueue_indirect_dma source(%dma_start3A_175 : memref<10000x64xf32, #tpu.memory_space<hbm>>) target(%dma_start3A_169 : memref<128x64xf32, #tpu.memory_space<vmem>>) offsets(%dma_start3A_172 : memref<128xi32, #tpu.memory_space<vmem>>) semaphore(%run_scoped3A_165 : memref<!tpu.dma_semaphore, #tpu.memory_space<semaphore_mem>>)
        %dma_wait3A_176 = arith.constant 0 : i32
        %dma_wait3A_177 = arith.constant 0 : i32
        %dma_wait3A_178 = tpu.memref_slice %arg8[%run_scoped3A_162, %dma_wait3A_176, %dma_wait3A_177] : memref<8x128x64xf32, #tpu.memory_space<vmem>> -> memref<1x128x64xf32, #tpu.memory_space<vmem>>
        %dma_wait3A_179 = tpu.memref_squeeze %dma_wait3A_178 : memref<1x128x64xf32, #tpu.memory_space<vmem>> -> memref<128x64xf32, #tpu.memory_space<vmem>>
        %dma_wait3A_180 = arith.constant 0 : i32
        %dma_wait3A_181 = tpu.memref_slice %arg6[%run_scoped3A, %dma_wait3A_180] : memref<79x128xi32, #tpu.memory_space<vmem>> -> memref<1x128xi32, #tpu.memory_space<vmem>>
        %dma_wait3A_182 = tpu.memref_squeeze %dma_wait3A_181 : memref<1x128xi32, #tpu.memory_space<vmem>> -> memref<128xi32, #tpu.memory_space<vmem>>
        %dma_wait3A_183 = arith.constant 0 : i32
        %dma_wait3A_184 = arith.constant 0 : i32
        %dma_wait3A_185 = tpu.memref_slice %arg2[%dma_wait3A_183, %dma_wait3A_184] : memref<10000x64xf32, #tpu.memory_space<hbm>> -> memref<10000x64xf32, #tpu.memory_space<hbm>>
        tpu.wait_indirect_dma semaphore(%run_scoped3A_165 : memref<!tpu.dma_semaphore, #tpu.memory_space<semaphore_mem>>) src(%dma_wait3A_185 : memref<10000x64xf32, #tpu.memory_space<hbm>>) dst(%dma_wait3A_179 : memref<128x64xf32, #tpu.memory_space<vmem>>)
        tpu.yield
      }) : () -> ()
      %run_scoped3A_163 = arith.constant 0 : i32
      %run_scoped3A_164 = arith.constant 78 : i32
      "tpu.region"() ({
        %run_scoped3A_165 = tpu.sem_alloc : memref<!tpu.dma_semaphore, #tpu.memory_space<semaphore_mem>>
        %dma_start3A_166 = arith.constant 0 : i32
        %dma_start3A_167 = arith.constant 0 : i32
        %dma_start3A_168 = tpu.memref_slice %arg8[%run_scoped3A_163, %dma_start3A_166, %dma_start3A_167] : memref<8x128x64xf32, #tpu.memory_space<vmem>> -> memref<1x128x64xf32, #tpu.memory_space<vmem>>
        %dma_start3A_169 = tpu.memref_squeeze %dma_start3A_168 : memref<1x128x64xf32, #tpu.memory_space<vmem>> -> memref<128x64xf32, #tpu.memory_space<vmem>>
        %dma_start3A_170 = arith.constant 0 : i32
        %dma_start3A_171 = tpu.memref_slice %arg7[%run_scoped3A_164, %dma_start3A_170] : memref<79x128xi32, #tpu.memory_space<vmem>> -> memref<1x128xi32, #tpu.memory_space<vmem>>
        %dma_start3A_172 = tpu.memref_squeeze %dma_start3A_171 : memref<1x128xi32, #tpu.memory_space<vmem>> -> memref<128xi32, #tpu.memory_space<vmem>>
        %dma_start3A_173 = arith.constant 0 : i32
        %dma_start3A_174 = arith.constant 0 : i32
        %dma_start3A_175 = tpu.memref_slice %arg10[%dma_start3A_173, %dma_start3A_174] : memref<10000x64xf32, #tpu.memory_space<vmem_shared>> -> memref<10000x64xf32, #tpu.memory_space<vmem_shared>>
        tpu.enqueue_indirect_dma source(%dma_start3A_169 : memref<128x64xf32, #tpu.memory_space<vmem>>) target(%dma_start3A_175 : memref<10000x64xf32, #tpu.memory_space<vmem_shared>>) offsets(%dma_start3A_172 : memref<128xi32, #tpu.memory_space<vmem>>) semaphore(%run_scoped3A_165 : memref<!tpu.dma_semaphore, #tpu.memory_space<semaphore_mem>>) {add = true}
        %dma_wait3A_176 = arith.constant 0 : i32
        %dma_wait3A_177 = arith.constant 0 : i32
        %dma_wait3A_178 = tpu.memref_slice %arg8[%run_scoped3A_163, %dma_wait3A_176, %dma_wait3A_177] : memref<8x128x64xf32, #tpu.memory_space<vmem>> -> memref<1x128x64xf32, #tpu.memory_space<vmem>>
        %dma_wait3A_179 = tpu.memref_squeeze %dma_wait3A_178 : memref<1x128x64xf32, #tpu.memory_space<vmem>> -> memref<128x64xf32, #tpu.memory_space<vmem>>
        %dma_wait3A_180 = arith.constant 0 : i32
        %dma_wait3A_181 = tpu.memref_slice %arg7[%run_scoped3A_164, %dma_wait3A_180] : memref<79x128xi32, #tpu.memory_space<vmem>> -> memref<1x128xi32, #tpu.memory_space<vmem>>
        %dma_wait3A_182 = tpu.memref_squeeze %dma_wait3A_181 : memref<1x128xi32, #tpu.memory_space<vmem>> -> memref<128xi32, #tpu.memory_space<vmem>>
        %dma_wait3A_183 = arith.constant 0 : i32
        %dma_wait3A_184 = arith.constant 0 : i32
        %dma_wait3A_185 = tpu.memref_slice %arg10[%dma_wait3A_183, %dma_wait3A_184] : memref<10000x64xf32, #tpu.memory_space<vmem_shared>> -> memref<10000x64xf32, #tpu.memory_space<vmem_shared>>
        tpu.wait_indirect_dma semaphore(%run_scoped3A_165 : memref<!tpu.dma_semaphore, #tpu.memory_space<semaphore_mem>>) src(%dma_wait3A_179 : memref<128x64xf32, #tpu.memory_space<vmem>>) dst(%dma_wait3A_185 : memref<10000x64xf32, #tpu.memory_space<vmem_shared>>)
        tpu.yield
      }) : () -> ()
    } else {
    }
    %barrier3A_151 = arith.constant 0 : index
    tpu.barrier barrier_id(%barrier3A_151)
    %lt3A_152 = arith.constant 15 : i32
    %lt3A_153 = arith.cmpi slt, %arg1, %lt3A_152 : i32
    %convert_element_type3A_154 = arith.extui %lt3A_153 : i1 to i32
    %cond3A_155 = arith.constant 0 : i32
    %cond3A_156 = arith.cmpi ne, %convert_element_type3A_154, %cond3A_155 : i32
    scf.if %cond3A_156 {
      %multiple_of3A = tpu.assume_multiple %mul3A_8, 8 : i32
      "tpu.region"() ({
        %run_scoped3A = tpu.sem_alloc : memref<!tpu.dma_semaphore, #tpu.memory_space<semaphore_mem>>
        %dma_start3A_162 = arith.constant 0 : i32
        %dma_start3A_163 = arith.constant 0 : i32
        %dma_start3A_164 = tpu.memref_slice %arg5[%arg0, %dma_start3A_162, %dma_start3A_163] : memref<2x10000x64xf32, #tpu.memory_space<hbm>> -> memref<1x10000x64xf32, #tpu.memory_space<hbm>>
        %dma_start3A_165 = tpu.memref_squeeze %dma_start3A_164 : memref<1x10000x64xf32, #tpu.memory_space<hbm>> -> memref<10000x64xf32, #tpu.memory_space<hbm>>
        %dma_start3A_166 = arith.constant 0 : i32
        %dma_start3A_167 = tpu.memref_slice %dma_start3A_165[%multiple_of3A, %dma_start3A_166] : memref<10000x64xf32, #tpu.memory_space<hbm>> -> memref<640x64xf32, #tpu.memory_space<hbm>>
        %dma_start3A_168 = arith.constant 0 : i32
        %dma_start3A_169 = tpu.memref_slice %arg10[%multiple_of3A, %dma_start3A_168] : memref<10000x64xf32, #tpu.memory_space<vmem_shared>> -> memref<640x64xf32, #tpu.memory_space<vmem_shared>>
        tpu.enqueue_dma source(%dma_start3A_169 : memref<640x64xf32, #tpu.memory_space<vmem_shared>>) target(%dma_start3A_167 : memref<640x64xf32, #tpu.memory_space<hbm>>) target_semaphore(%run_scoped3A : memref<!tpu.dma_semaphore, #tpu.memory_space<semaphore_mem>>)
        %dma_wait3A_170 = arith.constant 0 : i32
        %dma_wait3A_171 = arith.constant 0 : i32
        %dma_wait3A_172 = tpu.memref_slice %arg5[%arg0, %dma_wait3A_170, %dma_wait3A_171] : memref<2x10000x64xf32, #tpu.memory_space<hbm>> -> memref<1x10000x64xf32, #tpu.memory_space<hbm>>
        %dma_wait3A_173 = tpu.memref_squeeze %dma_wait3A_172 : memref<1x10000x64xf32, #tpu.memory_space<hbm>> -> memref<10000x64xf32, #tpu.memory_space<hbm>>
        %dma_wait3A_174 = arith.constant 0 : i32
        %dma_wait3A_175 = tpu.memref_slice %dma_wait3A_173[%multiple_of3A, %dma_wait3A_174] : memref<10000x64xf32, #tpu.memory_space<hbm>> -> memref<640x64xf32, #tpu.memory_space<hbm>>
        %dma_wait3A_176 = arith.constant 0 : i32
        %dma_wait3A_177 = tpu.memref_slice %arg10[%multiple_of3A, %dma_wait3A_176] : memref<10000x64xf32, #tpu.memory_space<vmem_shared>> -> memref<640x64xf32, #tpu.memory_space<vmem_shared>>
        tpu.wait_dma2 semaphore(%run_scoped3A : memref<!tpu.dma_semaphore, #tpu.memory_space<semaphore_mem>>) src(%dma_wait3A_177 : memref<640x64xf32, #tpu.memory_space<vmem_shared>>) dst(%dma_wait3A_175 : memref<640x64xf32, #tpu.memory_space<hbm>>)
        tpu.yield
      }) : () -> ()
    } else {
    }
    %eq3A_157 = arith.constant 15 : i32
    %eq3A_158 = arith.cmpi eq, %arg1, %eq3A_157 : i32
    %convert_element_type3A_159 = arith.extui %eq3A_158 : i1 to i32
    %cond3A_160 = arith.constant 0 : i32
    %cond3A_161 = arith.cmpi ne, %convert_element_type3A_159, %cond3A_160 : i32
    scf.if %cond3A_161 {
      %multiple_of3A = tpu.assume_multiple %mul3A_8, 8 : i32
      "tpu.region"() ({
        %run_scoped3A = tpu.sem_alloc : memref<!tpu.dma_semaphore, #tpu.memory_space<semaphore_mem>>
        %dma_start3A_162 = arith.constant 0 : i32
        %dma_start3A_163 = arith.constant 0 : i32
        %dma_start3A_164 = tpu.memref_slice %arg5[%arg0, %dma_start3A_162, %dma_start3A_163] : memref<2x10000x64xf32, #tpu.memory_space<hbm>> -> memref<1x10000x64xf32, #tpu.memory_space<hbm>>
        %dma_start3A_165 = tpu.memref_squeeze %dma_start3A_164 : memref<1x10000x64xf32, #tpu.memory_space<hbm>> -> memref<10000x64xf32, #tpu.memory_space<hbm>>
        %dma_start3A_166 = arith.constant 0 : i32
        %dma_start3A_167 = tpu.memref_slice %dma_start3A_165[%multiple_of3A, %dma_start3A_166] : memref<10000x64xf32, #tpu.memory_space<hbm>> -> memref<400x64xf32, #tpu.memory_space<hbm>>
        %dma_start3A_168 = arith.constant 0 : i32
        %dma_start3A_169 = tpu.memref_slice %arg10[%multiple_of3A, %dma_start3A_168] : memref<10000x64xf32, #tpu.memory_space<vmem_shared>> -> memref<400x64xf32, #tpu.memory_space<vmem_shared>>
        tpu.enqueue_dma source(%dma_start3A_169 : memref<400x64xf32, #tpu.memory_space<vmem_shared>>) target(%dma_start3A_167 : memref<400x64xf32, #tpu.memory_space<hbm>>) target_semaphore(%run_scoped3A : memref<!tpu.dma_semaphore, #tpu.memory_space<semaphore_mem>>)
        %dma_wait3A_170 = arith.constant 0 : i32
        %dma_wait3A_171 = arith.constant 0 : i32
        %dma_wait3A_172 = tpu.memref_slice %arg5[%arg0, %dma_wait3A_170, %dma_wait3A_171] : memref<2x10000x64xf32, #tpu.memory_space<hbm>> -> memref<1x10000x64xf32, #tpu.memory_space<hbm>>
        %dma_wait3A_173 = tpu.memref_squeeze %dma_wait3A_172 : memref<1x10000x64xf32, #tpu.memory_space<hbm>> -> memref<10000x64xf32, #tpu.memory_space<hbm>>
        %dma_wait3A_174 = arith.constant 0 : i32
        %dma_wait3A_175 = tpu.memref_slice %dma_wait3A_173[%multiple_of3A, %dma_wait3A_174] : memref<10000x64xf32, #tpu.memory_space<hbm>> -> memref<400x64xf32, #tpu.memory_space<hbm>>
        %dma_wait3A_176 = arith.constant 0 : i32
        %dma_wait3A_177 = tpu.memref_slice %arg10[%multiple_of3A, %dma_wait3A_176] : memref<10000x64xf32, #tpu.memory_space<vmem_shared>> -> memref<400x64xf32, #tpu.memory_space<vmem_shared>>
        tpu.wait_dma2 semaphore(%run_scoped3A : memref<!tpu.dma_semaphore, #tpu.memory_space<semaphore_mem>>) src(%dma_wait3A_177 : memref<400x64xf32, #tpu.memory_space<vmem_shared>>) dst(%dma_wait3A_175 : memref<400x64xf32, #tpu.memory_space<hbm>>)
        tpu.yield
      }) : () -> ()
    } else {
    }
    return
  }
}

#map = affine_map<(d0, d1) -> (0, 0)>
#map1 = affine_map<(d0, d1) -> (0, 0, 0)>
module attributes {stable_mosaic.version = 14 : i64} {
  func.func @_msg_partials(%arg0: i32, %arg1: i32, %arg2: memref<10000x64xf32, #tpu.memory_space<hbm>>, %arg3: memref<2500x128xi32, #tpu.memory_space<hbm>>, %arg4: memref<2500x128xi32, #tpu.memory_space<hbm>>, %arg5: memref<2x10000x64xf32, #tpu.memory_space<hbm>>, %arg6: memref<79x128xi32, #tpu.memory_space<vmem>>, %arg7: memref<79x128xi32, #tpu.memory_space<vmem>>, %arg8: memref<8x128x64xf32, #tpu.memory_space<vmem>>, %arg9: memref<80x64xf32, #tpu.memory_space<vmem>>, %arg10: memref<10000x64xf32, #tpu.memory_space<vmem_shared>>, %arg11: memref<!tpu.dma_semaphore, #tpu.memory_space<semaphore_mem>>, %arg12: memref<!tpu.dma_semaphore, #tpu.memory_space<semaphore_mem>>) attributes {dimension_semantics = [#tpu.dimension_semantics<core_parallel>, #tpu.dimension_semantics<subcore_parallel>], iteration_bounds = array<i64: 2, 16>, scalar_prefetch = 0 : i64, scratch_operands = 7 : i64, tpu.core_type = #tpu.core_type<sc_vector_subcore>, window_params = [{transform_indices = #map}, {transform_indices = #map}, {transform_indices = #map}, {transform_indices = #map1}]} {
    %mul3A = arith.constant 2 : i32
    %mul3A_0 = arith.muli %arg1, %mul3A : i32
    %add3A = arith.addi %mul3A_0, %arg0 : i32
    %scan3A = arith.constant 0 : i32
    %scan3A_1 = arith.constant 0 : i32
    %scan3A_2 = arith.constant 80 : i32
    %scan3A_3 = arith.addi %scan3A_1, %scan3A_2 : i32
    %scan3A_4 = arith.constant 1 : i32
    %scan3A_5 = scf.for %scan3A_162 = %scan3A_1 to %scan3A_3 step %scan3A_4 iter_args(%scan3A_163 = %scan3A) -> (i32)  : i32 {
      %broadcast_in_dim3A = arith.constant 0.000000e+00 : f32
      %broadcast_in_dim3A_164 = vector.broadcast %broadcast_in_dim3A : f32 to vector<16xf32>
      %swap3A = arith.index_cast %scan3A_162 : i32 to index
      %swap3A_165 = arith.constant 0 : index
      %swap3A_166 = tpu.vector_load %arg9[%swap3A, %swap3A_165] {strides = array<i32>} : memref<80x64xf32, #tpu.memory_space<vmem>>, vector<1x16xf32>,
      %swap3A_167 = vector.shape_cast %swap3A_166 : vector<1x16xf32> to vector<16xf32>
      %swap3A_168 = vector.shape_cast %broadcast_in_dim3A_164 : vector<16xf32> to vector<1x16xf32>
      tpu.vector_store %arg9[%swap3A, %swap3A_165], %swap3A_168 {strides = array<i32>} : memref<80x64xf32, #tpu.memory_space<vmem>>, vector<1x16xf32>,
      %broadcast_in_dim3A_169 = arith.constant 0.000000e+00 : f32
      %broadcast_in_dim3A_170 = vector.broadcast %broadcast_in_dim3A_169 : f32 to vector<16xf32>
      %swap3A_171 = arith.index_cast %scan3A_162 : i32 to index
      %swap3A_172 = arith.constant 16 : index
      %swap3A_173 = tpu.vector_load %arg9[%swap3A_171, %swap3A_172] {strides = array<i32>} : memref<80x64xf32, #tpu.memory_space<vmem>>, vector<1x16xf32>,
      %swap3A_174 = vector.shape_cast %swap3A_173 : vector<1x16xf32> to vector<16xf32>
      %swap3A_175 = vector.shape_cast %broadcast_in_dim3A_170 : vector<16xf32> to vector<1x16xf32>
      tpu.vector_store %arg9[%swap3A_171, %swap3A_172], %swap3A_175 {strides = array<i32>} : memref<80x64xf32, #tpu.memory_space<vmem>>, vector<1x16xf32>,
      %broadcast_in_dim3A_176 = arith.constant 0.000000e+00 : f32
      %broadcast_in_dim3A_177 = vector.broadcast %broadcast_in_dim3A_176 : f32 to vector<16xf32>
      %swap3A_178 = arith.index_cast %scan3A_162 : i32 to index
      %swap3A_179 = arith.constant 32 : index
      %swap3A_180 = tpu.vector_load %arg9[%swap3A_178, %swap3A_179] {strides = array<i32>} : memref<80x64xf32, #tpu.memory_space<vmem>>, vector<1x16xf32>,
      %swap3A_181 = vector.shape_cast %swap3A_180 : vector<1x16xf32> to vector<16xf32>
      %swap3A_182 = vector.shape_cast %broadcast_in_dim3A_177 : vector<16xf32> to vector<1x16xf32>
      tpu.vector_store %arg9[%swap3A_178, %swap3A_179], %swap3A_182 {strides = array<i32>} : memref<80x64xf32, #tpu.memory_space<vmem>>, vector<1x16xf32>,
      %broadcast_in_dim3A_183 = arith.constant 0.000000e+00 : f32
      %broadcast_in_dim3A_184 = vector.broadcast %broadcast_in_dim3A_183 : f32 to vector<16xf32>
      %swap3A_185 = arith.index_cast %scan3A_162 : i32 to index
      %swap3A_186 = arith.constant 48 : index
      %swap3A_187 = tpu.vector_load %arg9[%swap3A_185, %swap3A_186] {strides = array<i32>} : memref<80x64xf32, #tpu.memory_space<vmem>>, vector<1x16xf32>,
      %swap3A_188 = vector.shape_cast %swap3A_187 : vector<1x16xf32> to vector<16xf32>
      %swap3A_189 = vector.shape_cast %broadcast_in_dim3A_184 : vector<16xf32> to vector<1x16xf32>
      tpu.vector_store %arg9[%swap3A_185, %swap3A_186], %swap3A_189 {strides = array<i32>} : memref<80x64xf32, #tpu.memory_space<vmem>>, vector<1x16xf32>,
      %scan3A_190 = arith.constant 0 : i32
      scf.yield %scan3A_190 : i32
    }
    %scan3A_6 = arith.constant 80 : i32
    %mul3A_7 = arith.constant 640 : i32
    %mul3A_8 = arith.muli %arg1, %mul3A_7 : i32
    %eq3A = arith.constant 15 : i32
    %eq3A_9 = arith.cmpi eq, %arg1, %eq3A : i32
    %jit3A = arith.constant 5 : i32
    %jit3A_10 = arith.constant 8 : i32
    %select_n3A = arith.select %eq3A_9, %jit3A, %jit3A_10 : i32
    %while3A = arith.constant 0 : i32
    %while3A_11 = arith.constant 0 : i32
    %while3A_12 = arith.subi %select_n3A, %while3A : i32
    %while3A_13 = arith.addi %while3A, %while3A_12 : i32
    %while3A_14 = arith.constant 1 : i32
    %while3A_15 = arith.divsi %while3A_12, %while3A_14 : i32
    %while3A_16 = arith.muli %while3A_15, %while3A_14 : i32
    %while3A_17 = arith.addi %while3A, %while3A_16 : i32
    %while3A_18 = arith.constant 1 : i32
    %while3A_19 = scf.for %while3A_162 = %while3A to %while3A_17 step %while3A_18 iter_args(%while3A_163 = %while3A_11) -> (i32)  : i32 {
      %mul3A_164 = arith.constant 80 : i32
      %mul3A_165 = arith.muli %while3A_162, %mul3A_164 : i32
      %add3A_166 = arith.addi %mul3A_8, %mul3A_165 : i32
      %multiple_of3A = tpu.assume_multiple %add3A_166, 8 : i32
      %dma_start3A_167 = arith.constant 0 : i32
      %dma_start3A_168 = tpu.memref_slice %arg10[%multiple_of3A, %dma_start3A_167] : memref<10000x64xf32, #tpu.memory_space<vmem_shared>> -> memref<80x64xf32, #tpu.memory_space<vmem_shared>>
      %dma_start3A_169 = arith.constant 0 : i32
      %dma_start3A_170 = tpu.memref_slice %arg10[%multiple_of3A, %dma_start3A_169] : memref<10000x64xf32, #tpu.memory_space<vmem_shared>> -> memref<80x64xf32, #tpu.memory_space<vmem_shared>>
      tpu.enqueue_dma source(%arg9 : memref<80x64xf32, #tpu.memory_space<vmem>>) target(%dma_start3A_170 : memref<80x64xf32, #tpu.memory_space<vmem_shared>>) target_semaphore(%arg12 : memref<!tpu.dma_semaphore, #tpu.memory_space<semaphore_mem>>)
      %while3A_171 = arith.constant 0 : i32
      scf.yield %while3A_171 : i32
    }
    %while3A_20 = arith.constant 1 : i32
    %while3A_21 = scf.for %while3A_162 = %while3A_17 to %while3A_13 step %while3A_20 iter_args(%while3A_163 = %while3A_19) -> (i32)  : i32 {
      %mul3A_164 = arith.constant 80 : i32
      %mul3A_165 = arith.muli %while3A_162, %mul3A_164 : i32
      %add3A_166 = arith.addi %mul3A_8, %mul3A_165 : i32
      %multiple_of3A = tpu.assume_multiple %add3A_166, 8 : i32
      %dma_start3A_167 = arith.constant 0 : i32
      %dma_start3A_168 = tpu.memref_slice %arg10[%multiple_of3A, %dma_start3A_167] : memref<10000x64xf32, #tpu.memory_space<vmem_shared>> -> memref<80x64xf32, #tpu.memory_space<vmem_shared>>
      %dma_start3A_169 = arith.constant 0 : i32
      %dma_start3A_170 = tpu.memref_slice %arg10[%multiple_of3A, %dma_start3A_169] : memref<10000x64xf32, #tpu.memory_space<vmem_shared>> -> memref<80x64xf32, #tpu.memory_space<vmem_shared>>
      tpu.enqueue_dma source(%arg9 : memref<80x64xf32, #tpu.memory_space<vmem>>) target(%dma_start3A_170 : memref<80x64xf32, #tpu.memory_space<vmem_shared>>) target_semaphore(%arg12 : memref<!tpu.dma_semaphore, #tpu.memory_space<semaphore_mem>>)
      %while3A_171 = arith.constant 0 : i32
      scf.yield %while3A_171 : i32
    }
    %mul3A_22 = arith.constant 78 : i32
    %mul3A_23 = arith.muli %add3A, %mul3A_22 : i32
    "tpu.region"() ({
      %run_scoped3A = tpu.sem_alloc : memref<!tpu.dma_semaphore, #tpu.memory_space<semaphore_mem>>
      %dma_start3A_162 = arith.constant 0 : i32
      %dma_start3A_163 = arith.constant 0 : i32
      %dma_start3A_164 = tpu.memref_slice %arg6[%dma_start3A_162, %dma_start3A_163] : memref<79x128xi32, #tpu.memory_space<vmem>> -> memref<78x128xi32, #tpu.memory_space<vmem>>
      %dma_start3A_165 = arith.constant 0 : i32
      %dma_start3A_166 = tpu.memref_slice %arg3[%mul3A_23, %dma_start3A_165] : memref<2500x128xi32, #tpu.memory_space<hbm>> -> memref<78x128xi32, #tpu.memory_space<hbm>>
      %dma_start3A_167 = arith.constant 0 : i32
      %dma_start3A_168 = arith.constant 0 : i32
      %dma_start3A_169 = tpu.memref_slice %arg6[%dma_start3A_167, %dma_start3A_168] : memref<79x128xi32, #tpu.memory_space<vmem>> -> memref<78x128xi32, #tpu.memory_space<vmem>>
      %dma_start3A_170 = arith.constant 0 : i32
      %dma_start3A_171 = tpu.memref_slice %arg3[%mul3A_23, %dma_start3A_170] : memref<2500x128xi32, #tpu.memory_space<hbm>> -> memref<78x128xi32, #tpu.memory_space<hbm>>
      tpu.enqueue_dma source(%dma_start3A_171 : memref<78x128xi32, #tpu.memory_space<hbm>>) target(%dma_start3A_169 : memref<78x128xi32, #tpu.memory_space<vmem>>) target_semaphore(%run_scoped3A : memref<!tpu.dma_semaphore, #tpu.memory_space<semaphore_mem>>)
      %dma_wait3A_172 = arith.constant 0 : i32
      %dma_wait3A_173 = arith.constant 0 : i32
      %dma_wait3A_174 = tpu.memref_slice %arg6[%dma_wait3A_172, %dma_wait3A_173] : memref<79x128xi32, #tpu.memory_space<vmem>> -> memref<78x128xi32, #tpu.memory_space<vmem>>
      %dma_wait3A_175 = arith.constant 0 : i32
      %dma_wait3A_176 = tpu.memref_slice %arg3[%mul3A_23, %dma_wait3A_175] : memref<2500x128xi32, #tpu.memory_space<hbm>> -> memref<78x128xi32, #tpu.memory_space<hbm>>
      %dma_wait3A_177 = arith.constant 0 : i32
      %dma_wait3A_178 = arith.constant 0 : i32
      %dma_wait3A_179 = tpu.memref_slice %arg6[%dma_wait3A_177, %dma_wait3A_178] : memref<79x128xi32, #tpu.memory_space<vmem>> -> memref<78x128xi32, #tpu.memory_space<vmem>>
      %dma_wait3A_180 = arith.constant 0 : i32
      %dma_wait3A_181 = tpu.memref_slice %arg3[%mul3A_23, %dma_wait3A_180] : memref<2500x128xi32, #tpu.memory_space<hbm>> -> memref<78x128xi32, #tpu.memory_space<hbm>>
      tpu.wait_dma2 semaphore(%run_scoped3A : memref<!tpu.dma_semaphore, #tpu.memory_space<semaphore_mem>>) src(%dma_wait3A_181 : memref<78x128xi32, #tpu.memory_space<hbm>>) dst(%dma_wait3A_179 : memref<78x128xi32, #tpu.memory_space<vmem>>)
      tpu.yield
    }) : () -> ()
    %lt3A = arith.constant 4 : i32
    %lt3A_24 = arith.cmpi slt, %add3A, %lt3A : i32
    %convert_element_type3A = arith.extui %lt3A_24 : i1 to i32
    %cond3A = arith.constant 0 : i32
    %cond3A_25 = arith.cmpi ne, %convert_element_type3A, %cond3A : i32
    scf.if %cond3A_25 {
      %add3A_162 = arith.constant 2496 : i32
      %add3A_163 = arith.addi %add3A_162, %add3A : i32
      %run_scoped3A = arith.constant 78 : i32
      "tpu.region"() ({
        %run_scoped3A_164 = tpu.sem_alloc : memref<!tpu.dma_semaphore, #tpu.memory_space<semaphore_mem>>
        %dma_start3A_165 = arith.constant 0 : i32
        %dma_start3A_166 = tpu.memref_slice %arg6[%run_scoped3A, %dma_start3A_165] : memref<79x128xi32, #tpu.memory_space<vmem>> -> memref<1x128xi32, #tpu.memory_space<vmem>>
        %dma_start3A_167 = tpu.memref_squeeze %dma_start3A_166 : memref<1x128xi32, #tpu.memory_space<vmem>> -> memref<128xi32, #tpu.memory_space<vmem>>
        %dma_start3A_168 = arith.constant 0 : i32
        %dma_start3A_169 = tpu.memref_slice %arg3[%add3A_163, %dma_start3A_168] : memref<2500x128xi32, #tpu.memory_space<hbm>> -> memref<1x128xi32, #tpu.memory_space<hbm>>
        %dma_start3A_170 = tpu.memref_squeeze %dma_start3A_169 : memref<1x128xi32, #tpu.memory_space<hbm>> -> memref<128xi32, #tpu.memory_space<hbm>>
        %dma_start3A_171 = arith.constant 0 : i32
        %dma_start3A_172 = tpu.memref_slice %arg6[%run_scoped3A, %dma_start3A_171] : memref<79x128xi32, #tpu.memory_space<vmem>> -> memref<1x128xi32, #tpu.memory_space<vmem>>
        %dma_start3A_173 = tpu.memref_squeeze %dma_start3A_172 : memref<1x128xi32, #tpu.memory_space<vmem>> -> memref<128xi32, #tpu.memory_space<vmem>>
        %dma_start3A_174 = arith.constant 0 : i32
        %dma_start3A_175 = tpu.memref_slice %arg3[%add3A_163, %dma_start3A_174] : memref<2500x128xi32, #tpu.memory_space<hbm>> -> memref<1x128xi32, #tpu.memory_space<hbm>>
        %dma_start3A_176 = tpu.memref_squeeze %dma_start3A_175 : memref<1x128xi32, #tpu.memory_space<hbm>> -> memref<128xi32, #tpu.memory_space<hbm>>
        tpu.enqueue_dma source(%dma_start3A_176 : memref<128xi32, #tpu.memory_space<hbm>>) target(%dma_start3A_173 : memref<128xi32, #tpu.memory_space<vmem>>) target_semaphore(%run_scoped3A_164 : memref<!tpu.dma_semaphore, #tpu.memory_space<semaphore_mem>>)
        %dma_wait3A_177 = arith.constant 0 : i32
        %dma_wait3A_178 = tpu.memref_slice %arg6[%run_scoped3A, %dma_wait3A_177] : memref<79x128xi32, #tpu.memory_space<vmem>> -> memref<1x128xi32, #tpu.memory_space<vmem>>
        %dma_wait3A_179 = tpu.memref_squeeze %dma_wait3A_178 : memref<1x128xi32, #tpu.memory_space<vmem>> -> memref<128xi32, #tpu.memory_space<vmem>>
        %dma_wait3A_180 = arith.constant 0 : i32
        %dma_wait3A_181 = tpu.memref_slice %arg3[%add3A_163, %dma_wait3A_180] : memref<2500x128xi32, #tpu.memory_space<hbm>> -> memref<1x128xi32, #tpu.memory_space<hbm>>
        %dma_wait3A_182 = tpu.memref_squeeze %dma_wait3A_181 : memref<1x128xi32, #tpu.memory_space<hbm>> -> memref<128xi32, #tpu.memory_space<hbm>>
        %dma_wait3A_183 = arith.constant 0 : i32
        %dma_wait3A_184 = tpu.memref_slice %arg6[%run_scoped3A, %dma_wait3A_183] : memref<79x128xi32, #tpu.memory_space<vmem>> -> memref<1x128xi32, #tpu.memory_space<vmem>>
        %dma_wait3A_185 = tpu.memref_squeeze %dma_wait3A_184 : memref<1x128xi32, #tpu.memory_space<vmem>> -> memref<128xi32, #tpu.memory_space<vmem>>
        %dma_wait3A_186 = arith.constant 0 : i32
        %dma_wait3A_187 = tpu.memref_slice %arg3[%add3A_163, %dma_wait3A_186] : memref<2500x128xi32, #tpu.memory_space<hbm>> -> memref<1x128xi32, #tpu.memory_space<hbm>>
        %dma_wait3A_188 = tpu.memref_squeeze %dma_wait3A_187 : memref<1x128xi32, #tpu.memory_space<hbm>> -> memref<128xi32, #tpu.memory_space<hbm>>
        tpu.wait_dma2 semaphore(%run_scoped3A_164 : memref<!tpu.dma_semaphore, #tpu.memory_space<semaphore_mem>>) src(%dma_wait3A_188 : memref<128xi32, #tpu.memory_space<hbm>>) dst(%dma_wait3A_185 : memref<128xi32, #tpu.memory_space<vmem>>)
        tpu.yield
      }) : () -> ()
    } else {
    }
    %mul3A_26 = arith.constant 78 : i32
    %mul3A_27 = arith.muli %add3A, %mul3A_26 : i32
    "tpu.region"() ({
      %run_scoped3A = tpu.sem_alloc : memref<!tpu.dma_semaphore, #tpu.memory_space<semaphore_mem>>
      %dma_start3A_162 = arith.constant 0 : i32
      %dma_start3A_163 = arith.constant 0 : i32
      %dma_start3A_164 = tpu.memref_slice %arg7[%dma_start3A_162, %dma_start3A_163] : memref<79x128xi32, #tpu.memory_space<vmem>> -> memref<78x128xi32, #tpu.memory_space<vmem>>
      %dma_start3A_165 = arith.constant 0 : i32
      %dma_start3A_166 = tpu.memref_slice %arg4[%mul3A_27, %dma_start3A_165] : memref<2500x128xi32, #tpu.memory_space<hbm>> -> memref<78x128xi32, #tpu.memory_space<hbm>>
      %dma_start3A_167 = arith.constant 0 : i32
      %dma_start3A_168 = arith.constant 0 : i32
      %dma_start3A_169 = tpu.memref_slice %arg7[%dma_start3A_167, %dma_start3A_168] : memref<79x128xi32, #tpu.memory_space<vmem>> -> memref<78x128xi32, #tpu.memory_space<vmem>>
      %dma_start3A_170 = arith.constant 0 : i32
      %dma_start3A_171 = tpu.memref_slice %arg4[%mul3A_27, %dma_start3A_170] : memref<2500x128xi32, #tpu.memory_space<hbm>> -> memref<78x128xi32, #tpu.memory_space<hbm>>
      tpu.enqueue_dma source(%dma_start3A_171 : memref<78x128xi32, #tpu.memory_space<hbm>>) target(%dma_start3A_169 : memref<78x128xi32, #tpu.memory_space<vmem>>) target_semaphore(%run_scoped3A : memref<!tpu.dma_semaphore, #tpu.memory_space<semaphore_mem>>)
      %dma_wait3A_172 = arith.constant 0 : i32
      %dma_wait3A_173 = arith.constant 0 : i32
      %dma_wait3A_174 = tpu.memref_slice %arg7[%dma_wait3A_172, %dma_wait3A_173] : memref<79x128xi32, #tpu.memory_space<vmem>> -> memref<78x128xi32, #tpu.memory_space<vmem>>
      %dma_wait3A_175 = arith.constant 0 : i32
      %dma_wait3A_176 = tpu.memref_slice %arg4[%mul3A_27, %dma_wait3A_175] : memref<2500x128xi32, #tpu.memory_space<hbm>> -> memref<78x128xi32, #tpu.memory_space<hbm>>
      %dma_wait3A_177 = arith.constant 0 : i32
      %dma_wait3A_178 = arith.constant 0 : i32
      %dma_wait3A_179 = tpu.memref_slice %arg7[%dma_wait3A_177, %dma_wait3A_178] : memref<79x128xi32, #tpu.memory_space<vmem>> -> memref<78x128xi32, #tpu.memory_space<vmem>>
      %dma_wait3A_180 = arith.constant 0 : i32
      %dma_wait3A_181 = tpu.memref_slice %arg4[%mul3A_27, %dma_wait3A_180] : memref<2500x128xi32, #tpu.memory_space<hbm>> -> memref<78x128xi32, #tpu.memory_space<hbm>>
      tpu.wait_dma2 semaphore(%run_scoped3A : memref<!tpu.dma_semaphore, #tpu.memory_space<semaphore_mem>>) src(%dma_wait3A_181 : memref<78x128xi32, #tpu.memory_space<hbm>>) dst(%dma_wait3A_179 : memref<78x128xi32, #tpu.memory_space<vmem>>)
      tpu.yield
    }) : () -> ()
    %lt3A_28 = arith.constant 4 : i32
    %lt3A_29 = arith.cmpi slt, %add3A, %lt3A_28 : i32
    %convert_element_type3A_30 = arith.extui %lt3A_29 : i1 to i32
    %cond3A_31 = arith.constant 0 : i32
    %cond3A_32 = arith.cmpi ne, %convert_element_type3A_30, %cond3A_31 : i32
    scf.if %cond3A_32 {
      %add3A_162 = arith.constant 2496 : i32
      %add3A_163 = arith.addi %add3A_162, %add3A : i32
      %run_scoped3A = arith.constant 78 : i32
      "tpu.region"() ({
        %run_scoped3A_164 = tpu.sem_alloc : memref<!tpu.dma_semaphore, #tpu.memory_space<semaphore_mem>>
        %dma_start3A_165 = arith.constant 0 : i32
        %dma_start3A_166 = tpu.memref_slice %arg7[%run_scoped3A, %dma_start3A_165] : memref<79x128xi32, #tpu.memory_space<vmem>> -> memref<1x128xi32, #tpu.memory_space<vmem>>
        %dma_start3A_167 = tpu.memref_squeeze %dma_start3A_166 : memref<1x128xi32, #tpu.memory_space<vmem>> -> memref<128xi32, #tpu.memory_space<vmem>>
        %dma_start3A_168 = arith.constant 0 : i32
        %dma_start3A_169 = tpu.memref_slice %arg4[%add3A_163, %dma_start3A_168] : memref<2500x128xi32, #tpu.memory_space<hbm>> -> memref<1x128xi32, #tpu.memory_space<hbm>>
        %dma_start3A_170 = tpu.memref_squeeze %dma_start3A_169 : memref<1x128xi32, #tpu.memory_space<hbm>> -> memref<128xi32, #tpu.memory_space<hbm>>
        %dma_start3A_171 = arith.constant 0 : i32
        %dma_start3A_172 = tpu.memref_slice %arg7[%run_scoped3A, %dma_start3A_171] : memref<79x128xi32, #tpu.memory_space<vmem>> -> memref<1x128xi32, #tpu.memory_space<vmem>>
        %dma_start3A_173 = tpu.memref_squeeze %dma_start3A_172 : memref<1x128xi32, #tpu.memory_space<vmem>> -> memref<128xi32, #tpu.memory_space<vmem>>
        %dma_start3A_174 = arith.constant 0 : i32
        %dma_start3A_175 = tpu.memref_slice %arg4[%add3A_163, %dma_start3A_174] : memref<2500x128xi32, #tpu.memory_space<hbm>> -> memref<1x128xi32, #tpu.memory_space<hbm>>
        %dma_start3A_176 = tpu.memref_squeeze %dma_start3A_175 : memref<1x128xi32, #tpu.memory_space<hbm>> -> memref<128xi32, #tpu.memory_space<hbm>>
        tpu.enqueue_dma source(%dma_start3A_176 : memref<128xi32, #tpu.memory_space<hbm>>) target(%dma_start3A_173 : memref<128xi32, #tpu.memory_space<vmem>>) target_semaphore(%run_scoped3A_164 : memref<!tpu.dma_semaphore, #tpu.memory_space<semaphore_mem>>)
        %dma_wait3A_177 = arith.constant 0 : i32
        %dma_wait3A_178 = tpu.memref_slice %arg7[%run_scoped3A, %dma_wait3A_177] : memref<79x128xi32, #tpu.memory_space<vmem>> -> memref<1x128xi32, #tpu.memory_space<vmem>>
        %dma_wait3A_179 = tpu.memref_squeeze %dma_wait3A_178 : memref<1x128xi32, #tpu.memory_space<vmem>> -> memref<128xi32, #tpu.memory_space<vmem>>
        %dma_wait3A_180 = arith.constant 0 : i32
        %dma_wait3A_181 = tpu.memref_slice %arg4[%add3A_163, %dma_wait3A_180] : memref<2500x128xi32, #tpu.memory_space<hbm>> -> memref<1x128xi32, #tpu.memory_space<hbm>>
        %dma_wait3A_182 = tpu.memref_squeeze %dma_wait3A_181 : memref<1x128xi32, #tpu.memory_space<hbm>> -> memref<128xi32, #tpu.memory_space<hbm>>
        %dma_wait3A_183 = arith.constant 0 : i32
        %dma_wait3A_184 = tpu.memref_slice %arg7[%run_scoped3A, %dma_wait3A_183] : memref<79x128xi32, #tpu.memory_space<vmem>> -> memref<1x128xi32, #tpu.memory_space<vmem>>
        %dma_wait3A_185 = tpu.memref_squeeze %dma_wait3A_184 : memref<1x128xi32, #tpu.memory_space<vmem>> -> memref<128xi32, #tpu.memory_space<vmem>>
        %dma_wait3A_186 = arith.constant 0 : i32
        %dma_wait3A_187 = tpu.memref_slice %arg4[%add3A_163, %dma_wait3A_186] : memref<2500x128xi32, #tpu.memory_space<hbm>> -> memref<1x128xi32, #tpu.memory_space<hbm>>
        %dma_wait3A_188 = tpu.memref_squeeze %dma_wait3A_187 : memref<1x128xi32, #tpu.memory_space<hbm>> -> memref<128xi32, #tpu.memory_space<hbm>>
        tpu.wait_dma2 semaphore(%run_scoped3A_164 : memref<!tpu.dma_semaphore, #tpu.memory_space<semaphore_mem>>) src(%dma_wait3A_188 : memref<128xi32, #tpu.memory_space<hbm>>) dst(%dma_wait3A_185 : memref<128xi32, #tpu.memory_space<vmem>>)
        tpu.yield
      }) : () -> ()
    } else {
    }
    %while3A_33 = arith.constant 0 : i32
    %while3A_34 = arith.constant 0 : i32
    %while3A_35 = arith.subi %select_n3A, %while3A_33 : i32
    %while3A_36 = arith.addi %while3A_33, %while3A_35 : i32
    %while3A_37 = arith.constant 1 : i32
    %while3A_38 = arith.divsi %while3A_35, %while3A_37 : i32
    %while3A_39 = arith.muli %while3A_38, %while3A_37 : i32
    %while3A_40 = arith.addi %while3A_33, %while3A_39 : i32
    %while3A_41 = arith.constant 1 : i32
    %while3A_42 = scf.for %while3A_162 = %while3A_33 to %while3A_40 step %while3A_41 iter_args(%while3A_163 = %while3A_34) -> (i32)  : i32 {
      %dma_wait3A_164 = arith.constant 0 : i32
      %dma_wait3A_165 = arith.constant 0 : i32
      %dma_wait3A_166 = tpu.memref_slice %arg10[%dma_wait3A_164, %dma_wait3A_165] : memref<10000x64xf32, #tpu.memory_space<vmem_shared>> -> memref<80x64xf32, #tpu.memory_space<vmem_shared>>
      %dma_wait3A_167 = arith.constant 0 : i32
      %dma_wait3A_168 = arith.constant 0 : i32
      %dma_wait3A_169 = tpu.memref_slice %arg10[%dma_wait3A_167, %dma_wait3A_168] : memref<10000x64xf32, #tpu.memory_space<vmem_shared>> -> memref<80x64xf32, #tpu.memory_space<vmem_shared>>
      tpu.wait_dma2 semaphore(%arg12 : memref<!tpu.dma_semaphore, #tpu.memory_space<semaphore_mem>>) src(%arg9 : memref<80x64xf32, #tpu.memory_space<vmem>>) dst(%dma_wait3A_169 : memref<80x64xf32, #tpu.memory_space<vmem_shared>>)
      %while3A_170 = arith.constant 0 : i32
      scf.yield %while3A_170 : i32
    }
    %while3A_43 = arith.constant 1 : i32
    %while3A_44 = scf.for %while3A_162 = %while3A_40 to %while3A_36 step %while3A_43 iter_args(%while3A_163 = %while3A_42) -> (i32)  : i32 {
      %dma_wait3A_164 = arith.constant 0 : i32
      %dma_wait3A_165 = arith.constant 0 : i32
      %dma_wait3A_166 = tpu.memref_slice %arg10[%dma_wait3A_164, %dma_wait3A_165] : memref<10000x64xf32, #tpu.memory_space<vmem_shared>> -> memref<80x64xf32, #tpu.memory_space<vmem_shared>>
      %dma_wait3A_167 = arith.constant 0 : i32
      %dma_wait3A_168 = arith.constant 0 : i32
      %dma_wait3A_169 = tpu.memref_slice %arg10[%dma_wait3A_167, %dma_wait3A_168] : memref<10000x64xf32, #tpu.memory_space<vmem_shared>> -> memref<80x64xf32, #tpu.memory_space<vmem_shared>>
      tpu.wait_dma2 semaphore(%arg12 : memref<!tpu.dma_semaphore, #tpu.memory_space<semaphore_mem>>) src(%arg9 : memref<80x64xf32, #tpu.memory_space<vmem>>) dst(%dma_wait3A_169 : memref<80x64xf32, #tpu.memory_space<vmem_shared>>)
      %while3A_170 = arith.constant 0 : i32
      scf.yield %while3A_170 : i32
    }
    %barrier3A = arith.constant 0 : index
    tpu.barrier barrier_id(%barrier3A)
    %dma_start3A = arith.constant 0 : i32
    %dma_start3A_45 = arith.constant 0 : i32
    %dma_start3A_46 = arith.constant 0 : i32
    %dma_start3A_47 = arith.constant 0 : i32
    %dma_start3A_48 = tpu.memref_slice %arg8[%dma_start3A_45, %dma_start3A_46, %dma_start3A_47] : memref<8x128x64xf32, #tpu.memory_space<vmem>> -> memref<1x128x64xf32, #tpu.memory_space<vmem>>
    %dma_start3A_49 = tpu.memref_squeeze %dma_start3A_48 : memref<1x128x64xf32, #tpu.memory_space<vmem>> -> memref<128x64xf32, #tpu.memory_space<vmem>>
    %dma_start3A_50 = arith.constant 0 : i32
    %dma_start3A_51 = tpu.memref_slice %arg6[%dma_start3A, %dma_start3A_50] : memref<79x128xi32, #tpu.memory_space<vmem>> -> memref<1x128xi32, #tpu.memory_space<vmem>>
    %dma_start3A_52 = tpu.memref_squeeze %dma_start3A_51 : memref<1x128xi32, #tpu.memory_space<vmem>> -> memref<128xi32, #tpu.memory_space<vmem>>
    %dma_start3A_53 = arith.constant 0 : i32
    %dma_start3A_54 = arith.constant 0 : i32
    %dma_start3A_55 = tpu.memref_slice %arg2[%dma_start3A_53, %dma_start3A_54] : memref<10000x64xf32, #tpu.memory_space<hbm>> -> memref<10000x64xf32, #tpu.memory_space<hbm>>
    tpu.enqueue_indirect_dma source(%dma_start3A_55 : memref<10000x64xf32, #tpu.memory_space<hbm>>) target(%dma_start3A_49 : memref<128x64xf32, #tpu.memory_space<vmem>>) offsets(%dma_start3A_52 : memref<128xi32, #tpu.memory_space<vmem>>) semaphore(%arg11 : memref<!tpu.dma_semaphore, #tpu.memory_space<semaphore_mem>>)
    %dma_start3A_56 = arith.constant 1 : i32
    %dma_start3A_57 = arith.constant 1 : i32
    %dma_start3A_58 = arith.constant 0 : i32
    %dma_start3A_59 = arith.constant 0 : i32
    %dma_start3A_60 = tpu.memref_slice %arg8[%dma_start3A_57, %dma_start3A_58, %dma_start3A_59] : memref<8x128x64xf32, #tpu.memory_space<vmem>> -> memref<1x128x64xf32, #tpu.memory_space<vmem>>
    %dma_start3A_61 = tpu.memref_squeeze %dma_start3A_60 : memref<1x128x64xf32, #tpu.memory_space<vmem>> -> memref<128x64xf32, #tpu.memory_space<vmem>>
    %dma_start3A_62 = arith.constant 0 : i32
    %dma_start3A_63 = tpu.memref_slice %arg6[%dma_start3A_56, %dma_start3A_62] : memref<79x128xi32, #tpu.memory_space<vmem>> -> memref<1x128xi32, #tpu.memory_space<vmem>>
    %dma_start3A_64 = tpu.memref_squeeze %dma_start3A_63 : memref<1x128xi32, #tpu.memory_space<vmem>> -> memref<128xi32, #tpu.memory_space<vmem>>
    %dma_start3A_65 = arith.constant 0 : i32
    %dma_start3A_66 = arith.constant 0 : i32
    %dma_start3A_67 = tpu.memref_slice %arg2[%dma_start3A_65, %dma_start3A_66] : memref<10000x64xf32, #tpu.memory_space<hbm>> -> memref<10000x64xf32, #tpu.memory_space<hbm>>
    tpu.enqueue_indirect_dma source(%dma_start3A_67 : memref<10000x64xf32, #tpu.memory_space<hbm>>) target(%dma_start3A_61 : memref<128x64xf32, #tpu.memory_space<vmem>>) offsets(%dma_start3A_64 : memref<128xi32, #tpu.memory_space<vmem>>) semaphore(%arg11 : memref<!tpu.dma_semaphore, #tpu.memory_space<semaphore_mem>>)
    %dma_start3A_68 = arith.constant 2 : i32
    %dma_start3A_69 = arith.constant 2 : i32
    %dma_start3A_70 = arith.constant 0 : i32
    %dma_start3A_71 = arith.constant 0 : i32
    %dma_start3A_72 = tpu.memref_slice %arg8[%dma_start3A_69, %dma_start3A_70, %dma_start3A_71] : memref<8x128x64xf32, #tpu.memory_space<vmem>> -> memref<1x128x64xf32, #tpu.memory_space<vmem>>
    %dma_start3A_73 = tpu.memref_squeeze %dma_start3A_72 : memref<1x128x64xf32, #tpu.memory_space<vmem>> -> memref<128x64xf32, #tpu.memory_space<vmem>>
    %dma_start3A_74 = arith.constant 0 : i32
    %dma_start3A_75 = tpu.memref_slice %arg6[%dma_start3A_68, %dma_start3A_74] : memref<79x128xi32, #tpu.memory_space<vmem>> -> memref<1x128xi32, #tpu.memory_space<vmem>>
    %dma_start3A_76 = tpu.memref_squeeze %dma_start3A_75 : memref<1x128xi32, #tpu.memory_space<vmem>> -> memref<128xi32, #tpu.memory_space<vmem>>
    %dma_start3A_77 = arith.constant 0 : i32
    %dma_start3A_78 = arith.constant 0 : i32
    %dma_start3A_79 = tpu.memref_slice %arg2[%dma_start3A_77, %dma_start3A_78] : memref<10000x64xf32, #tpu.memory_space<hbm>> -> memref<10000x64xf32, #tpu.memory_space<hbm>>
    tpu.enqueue_indirect_dma source(%dma_start3A_79 : memref<10000x64xf32, #tpu.memory_space<hbm>>) target(%dma_start3A_73 : memref<128x64xf32, #tpu.memory_space<vmem>>) offsets(%dma_start3A_76 : memref<128xi32, #tpu.memory_space<vmem>>) semaphore(%arg11 : memref<!tpu.dma_semaphore, #tpu.memory_space<semaphore_mem>>)
    %dma_start3A_80 = arith.constant 3 : i32
    %dma_start3A_81 = arith.constant 3 : i32
    %dma_start3A_82 = arith.constant 0 : i32
    %dma_start3A_83 = arith.constant 0 : i32
    %dma_start3A_84 = tpu.memref_slice %arg8[%dma_start3A_81, %dma_start3A_82, %dma_start3A_83] : memref<8x128x64xf32, #tpu.memory_space<vmem>> -> memref<1x128x64xf32, #tpu.memory_space<vmem>>
    %dma_start3A_85 = tpu.memref_squeeze %dma_start3A_84 : memref<1x128x64xf32, #tpu.memory_space<vmem>> -> memref<128x64xf32, #tpu.memory_space<vmem>>
    %dma_start3A_86 = arith.constant 0 : i32
    %dma_start3A_87 = tpu.memref_slice %arg6[%dma_start3A_80, %dma_start3A_86] : memref<79x128xi32, #tpu.memory_space<vmem>> -> memref<1x128xi32, #tpu.memory_space<vmem>>
    %dma_start3A_88 = tpu.memref_squeeze %dma_start3A_87 : memref<1x128xi32, #tpu.memory_space<vmem>> -> memref<128xi32, #tpu.memory_space<vmem>>
    %dma_start3A_89 = arith.constant 0 : i32
    %dma_start3A_90 = arith.constant 0 : i32
    %dma_start3A_91 = tpu.memref_slice %arg2[%dma_start3A_89, %dma_start3A_90] : memref<10000x64xf32, #tpu.memory_space<hbm>> -> memref<10000x64xf32, #tpu.memory_space<hbm>>
    tpu.enqueue_indirect_dma source(%dma_start3A_91 : memref<10000x64xf32, #tpu.memory_space<hbm>>) target(%dma_start3A_85 : memref<128x64xf32, #tpu.memory_space<vmem>>) offsets(%dma_start3A_88 : memref<128xi32, #tpu.memory_space<vmem>>) semaphore(%arg11 : memref<!tpu.dma_semaphore, #tpu.memory_space<semaphore_mem>>)
    %scan3A_92 = arith.constant 0 : i32
    %scan3A_93 = arith.constant 0 : i32
    %scan3A_94 = arith.constant 10 : i32
    %scan3A_95 = arith.addi %scan3A_93, %scan3A_94 : i32
    %scan3A_96 = arith.constant 1 : i32
    %scan3A_97 = scf.for %scan3A_162 = %scan3A_93 to %scan3A_95 step %scan3A_96 iter_args(%scan3A_163 = %scan3A_92) -> (i32)  : i32 {
      %mul3A_164 = arith.constant 8 : i32
      %mul3A_165 = arith.muli %mul3A_164, %scan3A_162 : i32
      %add3A_166 = arith.constant 0 : i32
      %add3A_167 = arith.addi %mul3A_165, %add3A_166 : i32
      %lt3A_168 = arith.constant 78 : i32
      %lt3A_169 = arith.cmpi slt, %add3A_167, %lt3A_168 : i32
      %convert_element_type3A_170 = arith.extui %lt3A_169 : i1 to i32
      %cond3A_171 = arith.constant 0 : i32
      %cond3A_172 = arith.cmpi ne, %convert_element_type3A_170, %cond3A_171 : i32
      scf.if %cond3A_172 {
        %dma_wait3A_223 = arith.constant 0 : i32
        %dma_wait3A_224 = arith.constant 0 : i32
        %dma_wait3A_225 = arith.constant 0 : i32
        %dma_wait3A_226 = arith.constant 0 : i32
        %dma_wait3A_227 = tpu.memref_slice %arg8[%dma_wait3A_224, %dma_wait3A_225, %dma_wait3A_226] : memref<8x128x64xf32, #tpu.memory_space<vmem>> -> memref<1x128x64xf32, #tpu.memory_space<vmem>>
        %dma_wait3A_228 = tpu.memref_squeeze %dma_wait3A_227 : memref<1x128x64xf32, #tpu.memory_space<vmem>> -> memref<128x64xf32, #tpu.memory_space<vmem>>
        %dma_wait3A_229 = arith.constant 0 : i32
        %dma_wait3A_230 = tpu.memref_slice %arg6[%dma_wait3A_223, %dma_wait3A_229] : memref<79x128xi32, #tpu.memory_space<vmem>> -> memref<1x128xi32, #tpu.memory_space<vmem>>
        %dma_wait3A_231 = tpu.memref_squeeze %dma_wait3A_230 : memref<1x128xi32, #tpu.memory_space<vmem>> -> memref<128xi32, #tpu.memory_space<vmem>>
        %dma_wait3A_232 = arith.constant 0 : i32
        %dma_wait3A_233 = arith.constant 0 : i32
        %dma_wait3A_234 = tpu.memref_slice %arg2[%dma_wait3A_232, %dma_wait3A_233] : memref<10000x64xf32, #tpu.memory_space<hbm>> -> memref<10000x64xf32, #tpu.memory_space<hbm>>
        tpu.wait_indirect_dma semaphore(%arg11 : memref<!tpu.dma_semaphore, #tpu.memory_space<semaphore_mem>>) src(%dma_wait3A_234 : memref<10000x64xf32, #tpu.memory_space<hbm>>) dst(%dma_wait3A_228 : memref<128x64xf32, #tpu.memory_space<vmem>>)
        %dma_start3A_235 = arith.constant 0 : i32
        %dma_start3A_236 = arith.constant 0 : i32
        %dma_start3A_237 = arith.constant 0 : i32
        %dma_start3A_238 = tpu.memref_slice %arg8[%dma_start3A_235, %dma_start3A_236, %dma_start3A_237] : memref<8x128x64xf32, #tpu.memory_space<vmem>> -> memref<1x128x64xf32, #tpu.memory_space<vmem>>
        %dma_start3A_239 = tpu.memref_squeeze %dma_start3A_238 : memref<1x128x64xf32, #tpu.memory_space<vmem>> -> memref<128x64xf32, #tpu.memory_space<vmem>>
        %dma_start3A_240 = arith.constant 0 : i32
        %dma_start3A_241 = tpu.memref_slice %arg7[%add3A_167, %dma_start3A_240] : memref<79x128xi32, #tpu.memory_space<vmem>> -> memref<1x128xi32, #tpu.memory_space<vmem>>
        %dma_start3A_242 = tpu.memref_squeeze %dma_start3A_241 : memref<1x128xi32, #tpu.memory_space<vmem>> -> memref<128xi32, #tpu.memory_space<vmem>>
        %dma_start3A_243 = arith.constant 0 : i32
        %dma_start3A_244 = arith.constant 0 : i32
        %dma_start3A_245 = tpu.memref_slice %arg10[%dma_start3A_243, %dma_start3A_244] : memref<10000x64xf32, #tpu.memory_space<vmem_shared>> -> memref<10000x64xf32, #tpu.memory_space<vmem_shared>>
        tpu.enqueue_indirect_dma source(%dma_start3A_239 : memref<128x64xf32, #tpu.memory_space<vmem>>) target(%dma_start3A_245 : memref<10000x64xf32, #tpu.memory_space<vmem_shared>>) offsets(%dma_start3A_242 : memref<128xi32, #tpu.memory_space<vmem>>) semaphore(%arg12 : memref<!tpu.dma_semaphore, #tpu.memory_space<semaphore_mem>>) {add = true}
        %ge3A = arith.constant 4 : i32
        %ge3A_246 = arith.cmpi sge, %add3A_167, %ge3A : i32
        %convert_element_type3A_247 = arith.extui %ge3A_246 : i1 to i32
        %cond3A_248 = arith.constant 0 : i32
        %cond3A_249 = arith.cmpi ne, %convert_element_type3A_247, %cond3A_248 : i32
        scf.if %cond3A_249 {
          %dma_wait3A_257 = arith.constant 0 : i32
          %dma_wait3A_258 = arith.constant 0 : i32
          %dma_wait3A_259 = arith.constant 0 : i32
          %dma_wait3A_260 = arith.constant 0 : i32
          %dma_wait3A_261 = tpu.memref_slice %arg8[%dma_wait3A_257, %dma_wait3A_259, %dma_wait3A_260] : memref<8x128x64xf32, #tpu.memory_space<vmem>> -> memref<1x128x64xf32, #tpu.memory_space<vmem>>
          %dma_wait3A_262 = tpu.memref_squeeze %dma_wait3A_261 : memref<1x128x64xf32, #tpu.memory_space<vmem>> -> memref<128x64xf32, #tpu.memory_space<vmem>>
          %dma_wait3A_263 = arith.constant 0 : i32
          %dma_wait3A_264 = tpu.memref_slice %arg7[%dma_wait3A_258, %dma_wait3A_263] : memref<79x128xi32, #tpu.memory_space<vmem>> -> memref<1x128xi32, #tpu.memory_space<vmem>>
          %dma_wait3A_265 = tpu.memref_squeeze %dma_wait3A_264 : memref<1x128xi32, #tpu.memory_space<vmem>> -> memref<128xi32, #tpu.memory_space<vmem>>
          %dma_wait3A_266 = arith.constant 0 : i32
          %dma_wait3A_267 = arith.constant 0 : i32
          %dma_wait3A_268 = tpu.memref_slice %arg10[%dma_wait3A_266, %dma_wait3A_267] : memref<10000x64xf32, #tpu.memory_space<vmem_shared>> -> memref<10000x64xf32, #tpu.memory_space<vmem_shared>>
          tpu.wait_indirect_dma semaphore(%arg12 : memref<!tpu.dma_semaphore, #tpu.memory_space<semaphore_mem>>) src(%dma_wait3A_262 : memref<128x64xf32, #tpu.memory_space<vmem>>) dst(%dma_wait3A_268 : memref<10000x64xf32, #tpu.memory_space<vmem_shared>>)
        } else {
        }
        %add3A_250 = arith.constant 4 : i32
        %add3A_251 = arith.addi %add3A_167, %add3A_250 : i32
        %lt3A_252 = arith.constant 78 : i32
        %lt3A_253 = arith.cmpi slt, %add3A_251, %lt3A_252 : i32
        %convert_element_type3A_254 = arith.extui %lt3A_253 : i1 to i32
        %cond3A_255 = arith.constant 0 : i32
        %cond3A_256 = arith.cmpi ne, %convert_element_type3A_254, %cond3A_255 : i32
        scf.if %cond3A_256 {
          %add3A_257 = arith.constant 4 : i32
          %add3A_258 = arith.addi %add3A_167, %add3A_257 : i32
          %dma_start3A_259 = arith.constant 4 : i32
          %dma_start3A_260 = arith.constant 0 : i32
          %dma_start3A_261 = arith.constant 0 : i32
          %dma_start3A_262 = tpu.memref_slice %arg8[%dma_start3A_259, %dma_start3A_260, %dma_start3A_261] : memref<8x128x64xf32, #tpu.memory_space<vmem>> -> memref<1x128x64xf32, #tpu.memory_space<vmem>>
          %dma_start3A_263 = tpu.memref_squeeze %dma_start3A_262 : memref<1x128x64xf32, #tpu.memory_space<vmem>> -> memref<128x64xf32, #tpu.memory_space<vmem>>
          %dma_start3A_264 = arith.constant 0 : i32
          %dma_start3A_265 = tpu.memref_slice %arg6[%add3A_258, %dma_start3A_264] : memref<79x128xi32, #tpu.memory_space<vmem>> -> memref<1x128xi32, #tpu.memory_space<vmem>>
          %dma_start3A_266 = tpu.memref_squeeze %dma_start3A_265 : memref<1x128xi32, #tpu.memory_space<vmem>> -> memref<128xi32, #tpu.memory_space<vmem>>
          %dma_start3A_267 = arith.constant 0 : i32
          %dma_start3A_268 = arith.constant 0 : i32
          %dma_start3A_269 = tpu.memref_slice %arg2[%dma_start3A_267, %dma_start3A_268] : memref<10000x64xf32, #tpu.memory_space<hbm>> -> memref<10000x64xf32, #tpu.memory_space<hbm>>
          tpu.enqueue_indirect_dma source(%dma_start3A_269 : memref<10000x64xf32, #tpu.memory_space<hbm>>) target(%dma_start3A_263 : memref<128x64xf32, #tpu.memory_space<vmem>>) offsets(%dma_start3A_266 : memref<128xi32, #tpu.memory_space<vmem>>) semaphore(%arg11 : memref<!tpu.dma_semaphore, #tpu.memory_space<semaphore_mem>>)
        } else {
        }
      } else {
      }
      %add3A_173 = arith.constant 1 : i32
      %add3A_174 = arith.addi %mul3A_165, %add3A_173 : i32
      %lt3A_175 = arith.constant 78 : i32
      %lt3A_176 = arith.cmpi slt, %add3A_174, %lt3A_175 : i32
      %convert_element_type3A_177 = arith.extui %lt3A_176 : i1 to i32
      %cond3A_178 = arith.constant 0 : i32
      %cond3A_179 = arith.cmpi ne, %convert_element_type3A_177, %cond3A_178 : i32
      scf.if %cond3A_179 {
        %dma_wait3A_223 = arith.constant 0 : i32
        %dma_wait3A_224 = arith.constant 1 : i32
        %dma_wait3A_225 = arith.constant 0 : i32
        %dma_wait3A_226 = arith.constant 0 : i32
        %dma_wait3A_227 = tpu.memref_slice %arg8[%dma_wait3A_224, %dma_wait3A_225, %dma_wait3A_226] : memref<8x128x64xf32, #tpu.memory_space<vmem>> -> memref<1x128x64xf32, #tpu.memory_space<vmem>>
        %dma_wait3A_228 = tpu.memref_squeeze %dma_wait3A_227 : memref<1x128x64xf32, #tpu.memory_space<vmem>> -> memref<128x64xf32, #tpu.memory_space<vmem>>
        %dma_wait3A_229 = arith.constant 0 : i32
        %dma_wait3A_230 = tpu.memref_slice %arg6[%dma_wait3A_223, %dma_wait3A_229] : memref<79x128xi32, #tpu.memory_space<vmem>> -> memref<1x128xi32, #tpu.memory_space<vmem>>
        %dma_wait3A_231 = tpu.memref_squeeze %dma_wait3A_230 : memref<1x128xi32, #tpu.memory_space<vmem>> -> memref<128xi32, #tpu.memory_space<vmem>>
        %dma_wait3A_232 = arith.constant 0 : i32
        %dma_wait3A_233 = arith.constant 0 : i32
        %dma_wait3A_234 = tpu.memref_slice %arg2[%dma_wait3A_232, %dma_wait3A_233] : memref<10000x64xf32, #tpu.memory_space<hbm>> -> memref<10000x64xf32, #tpu.memory_space<hbm>>
        tpu.wait_indirect_dma semaphore(%arg11 : memref<!tpu.dma_semaphore, #tpu.memory_space<semaphore_mem>>) src(%dma_wait3A_234 : memref<10000x64xf32, #tpu.memory_space<hbm>>) dst(%dma_wait3A_228 : memref<128x64xf32, #tpu.memory_space<vmem>>)
        %dma_start3A_235 = arith.constant 1 : i32
        %dma_start3A_236 = arith.constant 0 : i32
        %dma_start3A_237 = arith.constant 0 : i32
        %dma_start3A_238 = tpu.memref_slice %arg8[%dma_start3A_235, %dma_start3A_236, %dma_start3A_237] : memref<8x128x64xf32, #tpu.memory_space<vmem>> -> memref<1x128x64xf32, #tpu.memory_space<vmem>>
        %dma_start3A_239 = tpu.memref_squeeze %dma_start3A_238 : memref<1x128x64xf32, #tpu.memory_space<vmem>> -> memref<128x64xf32, #tpu.memory_space<vmem>>
        %dma_start3A_240 = arith.constant 0 : i32
        %dma_start3A_241 = tpu.memref_slice %arg7[%add3A_174, %dma_start3A_240] : memref<79x128xi32, #tpu.memory_space<vmem>> -> memref<1x128xi32, #tpu.memory_space<vmem>>
        %dma_start3A_242 = tpu.memref_squeeze %dma_start3A_241 : memref<1x128xi32, #tpu.memory_space<vmem>> -> memref<128xi32, #tpu.memory_space<vmem>>
        %dma_start3A_243 = arith.constant 0 : i32
        %dma_start3A_244 = arith.constant 0 : i32
        %dma_start3A_245 = tpu.memref_slice %arg10[%dma_start3A_243, %dma_start3A_244] : memref<10000x64xf32, #tpu.memory_space<vmem_shared>> -> memref<10000x64xf32, #tpu.memory_space<vmem_shared>>
        tpu.enqueue_indirect_dma source(%dma_start3A_239 : memref<128x64xf32, #tpu.memory_space<vmem>>) target(%dma_start3A_245 : memref<10000x64xf32, #tpu.memory_space<vmem_shared>>) offsets(%dma_start3A_242 : memref<128xi32, #tpu.memory_space<vmem>>) semaphore(%arg12 : memref<!tpu.dma_semaphore, #tpu.memory_space<semaphore_mem>>) {add = true}
        %ge3A = arith.constant 4 : i32
        %ge3A_246 = arith.cmpi sge, %add3A_174, %ge3A : i32
        %convert_element_type3A_247 = arith.extui %ge3A_246 : i1 to i32
        %cond3A_248 = arith.constant 0 : i32
        %cond3A_249 = arith.cmpi ne, %convert_element_type3A_247, %cond3A_248 : i32
        scf.if %cond3A_249 {
          %dma_wait3A_257 = arith.constant 0 : i32
          %dma_wait3A_258 = arith.constant 0 : i32
          %dma_wait3A_259 = arith.constant 0 : i32
          %dma_wait3A_260 = arith.constant 0 : i32
          %dma_wait3A_261 = tpu.memref_slice %arg8[%dma_wait3A_257, %dma_wait3A_259, %dma_wait3A_260] : memref<8x128x64xf32, #tpu.memory_space<vmem>> -> memref<1x128x64xf32, #tpu.memory_space<vmem>>
          %dma_wait3A_262 = tpu.memref_squeeze %dma_wait3A_261 : memref<1x128x64xf32, #tpu.memory_space<vmem>> -> memref<128x64xf32, #tpu.memory_space<vmem>>
          %dma_wait3A_263 = arith.constant 0 : i32
          %dma_wait3A_264 = tpu.memref_slice %arg7[%dma_wait3A_258, %dma_wait3A_263] : memref<79x128xi32, #tpu.memory_space<vmem>> -> memref<1x128xi32, #tpu.memory_space<vmem>>
          %dma_wait3A_265 = tpu.memref_squeeze %dma_wait3A_264 : memref<1x128xi32, #tpu.memory_space<vmem>> -> memref<128xi32, #tpu.memory_space<vmem>>
          %dma_wait3A_266 = arith.constant 0 : i32
          %dma_wait3A_267 = arith.constant 0 : i32
          %dma_wait3A_268 = tpu.memref_slice %arg10[%dma_wait3A_266, %dma_wait3A_267] : memref<10000x64xf32, #tpu.memory_space<vmem_shared>> -> memref<10000x64xf32, #tpu.memory_space<vmem_shared>>
          tpu.wait_indirect_dma semaphore(%arg12 : memref<!tpu.dma_semaphore, #tpu.memory_space<semaphore_mem>>) src(%dma_wait3A_262 : memref<128x64xf32, #tpu.memory_space<vmem>>) dst(%dma_wait3A_268 : memref<10000x64xf32, #tpu.memory_space<vmem_shared>>)
        } else {
        }
        %add3A_250 = arith.constant 4 : i32
        %add3A_251 = arith.addi %add3A_174, %add3A_250 : i32
        %lt3A_252 = arith.constant 78 : i32
        %lt3A_253 = arith.cmpi slt, %add3A_251, %lt3A_252 : i32
        %convert_element_type3A_254 = arith.extui %lt3A_253 : i1 to i32
        %cond3A_255 = arith.constant 0 : i32
        %cond3A_256 = arith.cmpi ne, %convert_element_type3A_254, %cond3A_255 : i32
        scf.if %cond3A_256 {
          %add3A_257 = arith.constant 4 : i32
          %add3A_258 = arith.addi %add3A_174, %add3A_257 : i32
          %dma_start3A_259 = arith.constant 5 : i32
          %dma_start3A_260 = arith.constant 0 : i32
          %dma_start3A_261 = arith.constant 0 : i32
          %dma_start3A_262 = tpu.memref_slice %arg8[%dma_start3A_259, %dma_start3A_260, %dma_start3A_261] : memref<8x128x64xf32, #tpu.memory_space<vmem>> -> memref<1x128x64xf32, #tpu.memory_space<vmem>>
          %dma_start3A_263 = tpu.memref_squeeze %dma_start3A_262 : memref<1x128x64xf32, #tpu.memory_space<vmem>> -> memref<128x64xf32, #tpu.memory_space<vmem>>
          %dma_start3A_264 = arith.constant 0 : i32
          %dma_start3A_265 = tpu.memref_slice %arg6[%add3A_258, %dma_start3A_264] : memref<79x128xi32, #tpu.memory_space<vmem>> -> memref<1x128xi32, #tpu.memory_space<vmem>>
          %dma_start3A_266 = tpu.memref_squeeze %dma_start3A_265 : memref<1x128xi32, #tpu.memory_space<vmem>> -> memref<128xi32, #tpu.memory_space<vmem>>
          %dma_start3A_267 = arith.constant 0 : i32
          %dma_start3A_268 = arith.constant 0 : i32
          %dma_start3A_269 = tpu.memref_slice %arg2[%dma_start3A_267, %dma_start3A_268] : memref<10000x64xf32, #tpu.memory_space<hbm>> -> memref<10000x64xf32, #tpu.memory_space<hbm>>
          tpu.enqueue_indirect_dma source(%dma_start3A_269 : memref<10000x64xf32, #tpu.memory_space<hbm>>) target(%dma_start3A_263 : memref<128x64xf32, #tpu.memory_space<vmem>>) offsets(%dma_start3A_266 : memref<128xi32, #tpu.memory_space<vmem>>) semaphore(%arg11 : memref<!tpu.dma_semaphore, #tpu.memory_space<semaphore_mem>>)
        } else {
        }
      } else {
      }
      %add3A_180 = arith.constant 2 : i32
      %add3A_181 = arith.addi %mul3A_165, %add3A_180 : i32
      %lt3A_182 = arith.constant 78 : i32
      %lt3A_183 = arith.cmpi slt, %add3A_181, %lt3A_182 : i32
      %convert_element_type3A_184 = arith.extui %lt3A_183 : i1 to i32
      %cond3A_185 = arith.constant 0 : i32
      %cond3A_186 = arith.cmpi ne, %convert_element_type3A_184, %cond3A_185 : i32
      scf.if %cond3A_186 {
        %dma_wait3A_223 = arith.constant 0 : i32
        %dma_wait3A_224 = arith.constant 2 : i32
        %dma_wait3A_225 = arith.constant 0 : i32
        %dma_wait3A_226 = arith.constant 0 : i32
        %dma_wait3A_227 = tpu.memref_slice %arg8[%dma_wait3A_224, %dma_wait3A_225, %dma_wait3A_226] : memref<8x128x64xf32, #tpu.memory_space<vmem>> -> memref<1x128x64xf32, #tpu.memory_space<vmem>>
        %dma_wait3A_228 = tpu.memref_squeeze %dma_wait3A_227 : memref<1x128x64xf32, #tpu.memory_space<vmem>> -> memref<128x64xf32, #tpu.memory_space<vmem>>
        %dma_wait3A_229 = arith.constant 0 : i32
        %dma_wait3A_230 = tpu.memref_slice %arg6[%dma_wait3A_223, %dma_wait3A_229] : memref<79x128xi32, #tpu.memory_space<vmem>> -> memref<1x128xi32, #tpu.memory_space<vmem>>
        %dma_wait3A_231 = tpu.memref_squeeze %dma_wait3A_230 : memref<1x128xi32, #tpu.memory_space<vmem>> -> memref<128xi32, #tpu.memory_space<vmem>>
        %dma_wait3A_232 = arith.constant 0 : i32
        %dma_wait3A_233 = arith.constant 0 : i32
        %dma_wait3A_234 = tpu.memref_slice %arg2[%dma_wait3A_232, %dma_wait3A_233] : memref<10000x64xf32, #tpu.memory_space<hbm>> -> memref<10000x64xf32, #tpu.memory_space<hbm>>
        tpu.wait_indirect_dma semaphore(%arg11 : memref<!tpu.dma_semaphore, #tpu.memory_space<semaphore_mem>>) src(%dma_wait3A_234 : memref<10000x64xf32, #tpu.memory_space<hbm>>) dst(%dma_wait3A_228 : memref<128x64xf32, #tpu.memory_space<vmem>>)
        %dma_start3A_235 = arith.constant 2 : i32
        %dma_start3A_236 = arith.constant 0 : i32
        %dma_start3A_237 = arith.constant 0 : i32
        %dma_start3A_238 = tpu.memref_slice %arg8[%dma_start3A_235, %dma_start3A_236, %dma_start3A_237] : memref<8x128x64xf32, #tpu.memory_space<vmem>> -> memref<1x128x64xf32, #tpu.memory_space<vmem>>
        %dma_start3A_239 = tpu.memref_squeeze %dma_start3A_238 : memref<1x128x64xf32, #tpu.memory_space<vmem>> -> memref<128x64xf32, #tpu.memory_space<vmem>>
        %dma_start3A_240 = arith.constant 0 : i32
        %dma_start3A_241 = tpu.memref_slice %arg7[%add3A_181, %dma_start3A_240] : memref<79x128xi32, #tpu.memory_space<vmem>> -> memref<1x128xi32, #tpu.memory_space<vmem>>
        %dma_start3A_242 = tpu.memref_squeeze %dma_start3A_241 : memref<1x128xi32, #tpu.memory_space<vmem>> -> memref<128xi32, #tpu.memory_space<vmem>>
        %dma_start3A_243 = arith.constant 0 : i32
        %dma_start3A_244 = arith.constant 0 : i32
        %dma_start3A_245 = tpu.memref_slice %arg10[%dma_start3A_243, %dma_start3A_244] : memref<10000x64xf32, #tpu.memory_space<vmem_shared>> -> memref<10000x64xf32, #tpu.memory_space<vmem_shared>>
        tpu.enqueue_indirect_dma source(%dma_start3A_239 : memref<128x64xf32, #tpu.memory_space<vmem>>) target(%dma_start3A_245 : memref<10000x64xf32, #tpu.memory_space<vmem_shared>>) offsets(%dma_start3A_242 : memref<128xi32, #tpu.memory_space<vmem>>) semaphore(%arg12 : memref<!tpu.dma_semaphore, #tpu.memory_space<semaphore_mem>>) {add = true}
        %ge3A = arith.constant 4 : i32
        %ge3A_246 = arith.cmpi sge, %add3A_181, %ge3A : i32
        %convert_element_type3A_247 = arith.extui %ge3A_246 : i1 to i32
        %cond3A_248 = arith.constant 0 : i32
        %cond3A_249 = arith.cmpi ne, %convert_element_type3A_247, %cond3A_248 : i32
        scf.if %cond3A_249 {
          %dma_wait3A_257 = arith.constant 0 : i32
          %dma_wait3A_258 = arith.constant 0 : i32
          %dma_wait3A_259 = arith.constant 0 : i32
          %dma_wait3A_260 = arith.constant 0 : i32
          %dma_wait3A_261 = tpu.memref_slice %arg8[%dma_wait3A_257, %dma_wait3A_259, %dma_wait3A_260] : memref<8x128x64xf32, #tpu.memory_space<vmem>> -> memref<1x128x64xf32, #tpu.memory_space<vmem>>
          %dma_wait3A_262 = tpu.memref_squeeze %dma_wait3A_261 : memref<1x128x64xf32, #tpu.memory_space<vmem>> -> memref<128x64xf32, #tpu.memory_space<vmem>>
          %dma_wait3A_263 = arith.constant 0 : i32
          %dma_wait3A_264 = tpu.memref_slice %arg7[%dma_wait3A_258, %dma_wait3A_263] : memref<79x128xi32, #tpu.memory_space<vmem>> -> memref<1x128xi32, #tpu.memory_space<vmem>>
          %dma_wait3A_265 = tpu.memref_squeeze %dma_wait3A_264 : memref<1x128xi32, #tpu.memory_space<vmem>> -> memref<128xi32, #tpu.memory_space<vmem>>
          %dma_wait3A_266 = arith.constant 0 : i32
          %dma_wait3A_267 = arith.constant 0 : i32
          %dma_wait3A_268 = tpu.memref_slice %arg10[%dma_wait3A_266, %dma_wait3A_267] : memref<10000x64xf32, #tpu.memory_space<vmem_shared>> -> memref<10000x64xf32, #tpu.memory_space<vmem_shared>>
          tpu.wait_indirect_dma semaphore(%arg12 : memref<!tpu.dma_semaphore, #tpu.memory_space<semaphore_mem>>) src(%dma_wait3A_262 : memref<128x64xf32, #tpu.memory_space<vmem>>) dst(%dma_wait3A_268 : memref<10000x64xf32, #tpu.memory_space<vmem_shared>>)
        } else {
        }
        %add3A_250 = arith.constant 4 : i32
        %add3A_251 = arith.addi %add3A_181, %add3A_250 : i32
        %lt3A_252 = arith.constant 78 : i32
        %lt3A_253 = arith.cmpi slt, %add3A_251, %lt3A_252 : i32
        %convert_element_type3A_254 = arith.extui %lt3A_253 : i1 to i32
        %cond3A_255 = arith.constant 0 : i32
        %cond3A_256 = arith.cmpi ne, %convert_element_type3A_254, %cond3A_255 : i32
        scf.if %cond3A_256 {
          %add3A_257 = arith.constant 4 : i32
          %add3A_258 = arith.addi %add3A_181, %add3A_257 : i32
          %dma_start3A_259 = arith.constant 6 : i32
          %dma_start3A_260 = arith.constant 0 : i32
          %dma_start3A_261 = arith.constant 0 : i32
          %dma_start3A_262 = tpu.memref_slice %arg8[%dma_start3A_259, %dma_start3A_260, %dma_start3A_261] : memref<8x128x64xf32, #tpu.memory_space<vmem>> -> memref<1x128x64xf32, #tpu.memory_space<vmem>>
          %dma_start3A_263 = tpu.memref_squeeze %dma_start3A_262 : memref<1x128x64xf32, #tpu.memory_space<vmem>> -> memref<128x64xf32, #tpu.memory_space<vmem>>
          %dma_start3A_264 = arith.constant 0 : i32
          %dma_start3A_265 = tpu.memref_slice %arg6[%add3A_258, %dma_start3A_264] : memref<79x128xi32, #tpu.memory_space<vmem>> -> memref<1x128xi32, #tpu.memory_space<vmem>>
          %dma_start3A_266 = tpu.memref_squeeze %dma_start3A_265 : memref<1x128xi32, #tpu.memory_space<vmem>> -> memref<128xi32, #tpu.memory_space<vmem>>
          %dma_start3A_267 = arith.constant 0 : i32
          %dma_start3A_268 = arith.constant 0 : i32
          %dma_start3A_269 = tpu.memref_slice %arg2[%dma_start3A_267, %dma_start3A_268] : memref<10000x64xf32, #tpu.memory_space<hbm>> -> memref<10000x64xf32, #tpu.memory_space<hbm>>
          tpu.enqueue_indirect_dma source(%dma_start3A_269 : memref<10000x64xf32, #tpu.memory_space<hbm>>) target(%dma_start3A_263 : memref<128x64xf32, #tpu.memory_space<vmem>>) offsets(%dma_start3A_266 : memref<128xi32, #tpu.memory_space<vmem>>) semaphore(%arg11 : memref<!tpu.dma_semaphore, #tpu.memory_space<semaphore_mem>>)
        } else {
        }
      } else {
      }
      %add3A_187 = arith.constant 3 : i32
      %add3A_188 = arith.addi %mul3A_165, %add3A_187 : i32
      %lt3A_189 = arith.constant 78 : i32
      %lt3A_190 = arith.cmpi slt, %add3A_188, %lt3A_189 : i32
      %convert_element_type3A_191 = arith.extui %lt3A_190 : i1 to i32
      %cond3A_192 = arith.constant 0 : i32
      %cond3A_193 = arith.cmpi ne, %convert_element_type3A_191, %cond3A_192 : i32
      scf.if %cond3A_193 {
        %dma_wait3A_223 = arith.constant 0 : i32
        %dma_wait3A_224 = arith.constant 3 : i32
        %dma_wait3A_225 = arith.constant 0 : i32
        %dma_wait3A_226 = arith.constant 0 : i32
        %dma_wait3A_227 = tpu.memref_slice %arg8[%dma_wait3A_224, %dma_wait3A_225, %dma_wait3A_226] : memref<8x128x64xf32, #tpu.memory_space<vmem>> -> memref<1x128x64xf32, #tpu.memory_space<vmem>>
        %dma_wait3A_228 = tpu.memref_squeeze %dma_wait3A_227 : memref<1x128x64xf32, #tpu.memory_space<vmem>> -> memref<128x64xf32, #tpu.memory_space<vmem>>
        %dma_wait3A_229 = arith.constant 0 : i32
        %dma_wait3A_230 = tpu.memref_slice %arg6[%dma_wait3A_223, %dma_wait3A_229] : memref<79x128xi32, #tpu.memory_space<vmem>> -> memref<1x128xi32, #tpu.memory_space<vmem>>
        %dma_wait3A_231 = tpu.memref_squeeze %dma_wait3A_230 : memref<1x128xi32, #tpu.memory_space<vmem>> -> memref<128xi32, #tpu.memory_space<vmem>>
        %dma_wait3A_232 = arith.constant 0 : i32
        %dma_wait3A_233 = arith.constant 0 : i32
        %dma_wait3A_234 = tpu.memref_slice %arg2[%dma_wait3A_232, %dma_wait3A_233] : memref<10000x64xf32, #tpu.memory_space<hbm>> -> memref<10000x64xf32, #tpu.memory_space<hbm>>
        tpu.wait_indirect_dma semaphore(%arg11 : memref<!tpu.dma_semaphore, #tpu.memory_space<semaphore_mem>>) src(%dma_wait3A_234 : memref<10000x64xf32, #tpu.memory_space<hbm>>) dst(%dma_wait3A_228 : memref<128x64xf32, #tpu.memory_space<vmem>>)
        %dma_start3A_235 = arith.constant 3 : i32
        %dma_start3A_236 = arith.constant 0 : i32
        %dma_start3A_237 = arith.constant 0 : i32
        %dma_start3A_238 = tpu.memref_slice %arg8[%dma_start3A_235, %dma_start3A_236, %dma_start3A_237] : memref<8x128x64xf32, #tpu.memory_space<vmem>> -> memref<1x128x64xf32, #tpu.memory_space<vmem>>
        %dma_start3A_239 = tpu.memref_squeeze %dma_start3A_238 : memref<1x128x64xf32, #tpu.memory_space<vmem>> -> memref<128x64xf32, #tpu.memory_space<vmem>>
        %dma_start3A_240 = arith.constant 0 : i32
        %dma_start3A_241 = tpu.memref_slice %arg7[%add3A_188, %dma_start3A_240] : memref<79x128xi32, #tpu.memory_space<vmem>> -> memref<1x128xi32, #tpu.memory_space<vmem>>
        %dma_start3A_242 = tpu.memref_squeeze %dma_start3A_241 : memref<1x128xi32, #tpu.memory_space<vmem>> -> memref<128xi32, #tpu.memory_space<vmem>>
        %dma_start3A_243 = arith.constant 0 : i32
        %dma_start3A_244 = arith.constant 0 : i32
        %dma_start3A_245 = tpu.memref_slice %arg10[%dma_start3A_243, %dma_start3A_244] : memref<10000x64xf32, #tpu.memory_space<vmem_shared>> -> memref<10000x64xf32, #tpu.memory_space<vmem_shared>>
        tpu.enqueue_indirect_dma source(%dma_start3A_239 : memref<128x64xf32, #tpu.memory_space<vmem>>) target(%dma_start3A_245 : memref<10000x64xf32, #tpu.memory_space<vmem_shared>>) offsets(%dma_start3A_242 : memref<128xi32, #tpu.memory_space<vmem>>) semaphore(%arg12 : memref<!tpu.dma_semaphore, #tpu.memory_space<semaphore_mem>>) {add = true}
        %ge3A = arith.constant 4 : i32
        %ge3A_246 = arith.cmpi sge, %add3A_188, %ge3A : i32
        %convert_element_type3A_247 = arith.extui %ge3A_246 : i1 to i32
        %cond3A_248 = arith.constant 0 : i32
        %cond3A_249 = arith.cmpi ne, %convert_element_type3A_247, %cond3A_248 : i32
        scf.if %cond3A_249 {
          %dma_wait3A_257 = arith.constant 0 : i32
          %dma_wait3A_258 = arith.constant 0 : i32
          %dma_wait3A_259 = arith.constant 0 : i32
          %dma_wait3A_260 = arith.constant 0 : i32
          %dma_wait3A_261 = tpu.memref_slice %arg8[%dma_wait3A_257, %dma_wait3A_259, %dma_wait3A_260] : memref<8x128x64xf32, #tpu.memory_space<vmem>> -> memref<1x128x64xf32, #tpu.memory_space<vmem>>
          %dma_wait3A_262 = tpu.memref_squeeze %dma_wait3A_261 : memref<1x128x64xf32, #tpu.memory_space<vmem>> -> memref<128x64xf32, #tpu.memory_space<vmem>>
          %dma_wait3A_263 = arith.constant 0 : i32
          %dma_wait3A_264 = tpu.memref_slice %arg7[%dma_wait3A_258, %dma_wait3A_263] : memref<79x128xi32, #tpu.memory_space<vmem>> -> memref<1x128xi32, #tpu.memory_space<vmem>>
          %dma_wait3A_265 = tpu.memref_squeeze %dma_wait3A_264 : memref<1x128xi32, #tpu.memory_space<vmem>> -> memref<128xi32, #tpu.memory_space<vmem>>
          %dma_wait3A_266 = arith.constant 0 : i32
          %dma_wait3A_267 = arith.constant 0 : i32
          %dma_wait3A_268 = tpu.memref_slice %arg10[%dma_wait3A_266, %dma_wait3A_267] : memref<10000x64xf32, #tpu.memory_space<vmem_shared>> -> memref<10000x64xf32, #tpu.memory_space<vmem_shared>>
          tpu.wait_indirect_dma semaphore(%arg12 : memref<!tpu.dma_semaphore, #tpu.memory_space<semaphore_mem>>) src(%dma_wait3A_262 : memref<128x64xf32, #tpu.memory_space<vmem>>) dst(%dma_wait3A_268 : memref<10000x64xf32, #tpu.memory_space<vmem_shared>>)
        } else {
        }
        %add3A_250 = arith.constant 4 : i32
        %add3A_251 = arith.addi %add3A_188, %add3A_250 : i32
        %lt3A_252 = arith.constant 78 : i32
        %lt3A_253 = arith.cmpi slt, %add3A_251, %lt3A_252 : i32
        %convert_element_type3A_254 = arith.extui %lt3A_253 : i1 to i32
        %cond3A_255 = arith.constant 0 : i32
        %cond3A_256 = arith.cmpi ne, %convert_element_type3A_254, %cond3A_255 : i32
        scf.if %cond3A_256 {
          %add3A_257 = arith.constant 4 : i32
          %add3A_258 = arith.addi %add3A_188, %add3A_257 : i32
          %dma_start3A_259 = arith.constant 7 : i32
          %dma_start3A_260 = arith.constant 0 : i32
          %dma_start3A_261 = arith.constant 0 : i32
          %dma_start3A_262 = tpu.memref_slice %arg8[%dma_start3A_259, %dma_start3A_260, %dma_start3A_261] : memref<8x128x64xf32, #tpu.memory_space<vmem>> -> memref<1x128x64xf32, #tpu.memory_space<vmem>>
          %dma_start3A_263 = tpu.memref_squeeze %dma_start3A_262 : memref<1x128x64xf32, #tpu.memory_space<vmem>> -> memref<128x64xf32, #tpu.memory_space<vmem>>
          %dma_start3A_264 = arith.constant 0 : i32
          %dma_start3A_265 = tpu.memref_slice %arg6[%add3A_258, %dma_start3A_264] : memref<79x128xi32, #tpu.memory_space<vmem>> -> memref<1x128xi32, #tpu.memory_space<vmem>>
          %dma_start3A_266 = tpu.memref_squeeze %dma_start3A_265 : memref<1x128xi32, #tpu.memory_space<vmem>> -> memref<128xi32, #tpu.memory_space<vmem>>
          %dma_start3A_267 = arith.constant 0 : i32
          %dma_start3A_268 = arith.constant 0 : i32
          %dma_start3A_269 = tpu.memref_slice %arg2[%dma_start3A_267, %dma_start3A_268] : memref<10000x64xf32, #tpu.memory_space<hbm>> -> memref<10000x64xf32, #tpu.memory_space<hbm>>
          tpu.enqueue_indirect_dma source(%dma_start3A_269 : memref<10000x64xf32, #tpu.memory_space<hbm>>) target(%dma_start3A_263 : memref<128x64xf32, #tpu.memory_space<vmem>>) offsets(%dma_start3A_266 : memref<128xi32, #tpu.memory_space<vmem>>) semaphore(%arg11 : memref<!tpu.dma_semaphore, #tpu.memory_space<semaphore_mem>>)
        } else {
        }
      } else {
      }
      %add3A_194 = arith.constant 4 : i32
      %add3A_195 = arith.addi %mul3A_165, %add3A_194 : i32
      %lt3A_196 = arith.constant 78 : i32
      %lt3A_197 = arith.cmpi slt, %add3A_195, %lt3A_196 : i32
      %convert_element_type3A_198 = arith.extui %lt3A_197 : i1 to i32
      %cond3A_199 = arith.constant 0 : i32
      %cond3A_200 = arith.cmpi ne, %convert_element_type3A_198, %cond3A_199 : i32
      scf.if %cond3A_200 {
        %dma_wait3A_223 = arith.constant 0 : i32
        %dma_wait3A_224 = arith.constant 4 : i32
        %dma_wait3A_225 = arith.constant 0 : i32
        %dma_wait3A_226 = arith.constant 0 : i32
        %dma_wait3A_227 = tpu.memref_slice %arg8[%dma_wait3A_224, %dma_wait3A_225, %dma_wait3A_226] : memref<8x128x64xf32, #tpu.memory_space<vmem>> -> memref<1x128x64xf32, #tpu.memory_space<vmem>>
        %dma_wait3A_228 = tpu.memref_squeeze %dma_wait3A_227 : memref<1x128x64xf32, #tpu.memory_space<vmem>> -> memref<128x64xf32, #tpu.memory_space<vmem>>
        %dma_wait3A_229 = arith.constant 0 : i32
        %dma_wait3A_230 = tpu.memref_slice %arg6[%dma_wait3A_223, %dma_wait3A_229] : memref<79x128xi32, #tpu.memory_space<vmem>> -> memref<1x128xi32, #tpu.memory_space<vmem>>
        %dma_wait3A_231 = tpu.memref_squeeze %dma_wait3A_230 : memref<1x128xi32, #tpu.memory_space<vmem>> -> memref<128xi32, #tpu.memory_space<vmem>>
        %dma_wait3A_232 = arith.constant 0 : i32
        %dma_wait3A_233 = arith.constant 0 : i32
        %dma_wait3A_234 = tpu.memref_slice %arg2[%dma_wait3A_232, %dma_wait3A_233] : memref<10000x64xf32, #tpu.memory_space<hbm>> -> memref<10000x64xf32, #tpu.memory_space<hbm>>
        tpu.wait_indirect_dma semaphore(%arg11 : memref<!tpu.dma_semaphore, #tpu.memory_space<semaphore_mem>>) src(%dma_wait3A_234 : memref<10000x64xf32, #tpu.memory_space<hbm>>) dst(%dma_wait3A_228 : memref<128x64xf32, #tpu.memory_space<vmem>>)
        %dma_start3A_235 = arith.constant 4 : i32
        %dma_start3A_236 = arith.constant 0 : i32
        %dma_start3A_237 = arith.constant 0 : i32
        %dma_start3A_238 = tpu.memref_slice %arg8[%dma_start3A_235, %dma_start3A_236, %dma_start3A_237] : memref<8x128x64xf32, #tpu.memory_space<vmem>> -> memref<1x128x64xf32, #tpu.memory_space<vmem>>
        %dma_start3A_239 = tpu.memref_squeeze %dma_start3A_238 : memref<1x128x64xf32, #tpu.memory_space<vmem>> -> memref<128x64xf32, #tpu.memory_space<vmem>>
        %dma_start3A_240 = arith.constant 0 : i32
        %dma_start3A_241 = tpu.memref_slice %arg7[%add3A_195, %dma_start3A_240] : memref<79x128xi32, #tpu.memory_space<vmem>> -> memref<1x128xi32, #tpu.memory_space<vmem>>
        %dma_start3A_242 = tpu.memref_squeeze %dma_start3A_241 : memref<1x128xi32, #tpu.memory_space<vmem>> -> memref<128xi32, #tpu.memory_space<vmem>>
        %dma_start3A_243 = arith.constant 0 : i32
        %dma_start3A_244 = arith.constant 0 : i32
        %dma_start3A_245 = tpu.memref_slice %arg10[%dma_start3A_243, %dma_start3A_244] : memref<10000x64xf32, #tpu.memory_space<vmem_shared>> -> memref<10000x64xf32, #tpu.memory_space<vmem_shared>>
        tpu.enqueue_indirect_dma source(%dma_start3A_239 : memref<128x64xf32, #tpu.memory_space<vmem>>) target(%dma_start3A_245 : memref<10000x64xf32, #tpu.memory_space<vmem_shared>>) offsets(%dma_start3A_242 : memref<128xi32, #tpu.memory_space<vmem>>) semaphore(%arg12 : memref<!tpu.dma_semaphore, #tpu.memory_space<semaphore_mem>>) {add = true}
        %ge3A = arith.constant 4 : i32
        %ge3A_246 = arith.cmpi sge, %add3A_195, %ge3A : i32
        %convert_element_type3A_247 = arith.extui %ge3A_246 : i1 to i32
        %cond3A_248 = arith.constant 0 : i32
        %cond3A_249 = arith.cmpi ne, %convert_element_type3A_247, %cond3A_248 : i32
        scf.if %cond3A_249 {
          %dma_wait3A_257 = arith.constant 0 : i32
          %dma_wait3A_258 = arith.constant 0 : i32
          %dma_wait3A_259 = arith.constant 0 : i32
          %dma_wait3A_260 = arith.constant 0 : i32
          %dma_wait3A_261 = tpu.memref_slice %arg8[%dma_wait3A_257, %dma_wait3A_259, %dma_wait3A_260] : memref<8x128x64xf32, #tpu.memory_space<vmem>> -> memref<1x128x64xf32, #tpu.memory_space<vmem>>
          %dma_wait3A_262 = tpu.memref_squeeze %dma_wait3A_261 : memref<1x128x64xf32, #tpu.memory_space<vmem>> -> memref<128x64xf32, #tpu.memory_space<vmem>>
          %dma_wait3A_263 = arith.constant 0 : i32
          %dma_wait3A_264 = tpu.memref_slice %arg7[%dma_wait3A_258, %dma_wait3A_263] : memref<79x128xi32, #tpu.memory_space<vmem>> -> memref<1x128xi32, #tpu.memory_space<vmem>>
          %dma_wait3A_265 = tpu.memref_squeeze %dma_wait3A_264 : memref<1x128xi32, #tpu.memory_space<vmem>> -> memref<128xi32, #tpu.memory_space<vmem>>
          %dma_wait3A_266 = arith.constant 0 : i32
          %dma_wait3A_267 = arith.constant 0 : i32
          %dma_wait3A_268 = tpu.memref_slice %arg10[%dma_wait3A_266, %dma_wait3A_267] : memref<10000x64xf32, #tpu.memory_space<vmem_shared>> -> memref<10000x64xf32, #tpu.memory_space<vmem_shared>>
          tpu.wait_indirect_dma semaphore(%arg12 : memref<!tpu.dma_semaphore, #tpu.memory_space<semaphore_mem>>) src(%dma_wait3A_262 : memref<128x64xf32, #tpu.memory_space<vmem>>) dst(%dma_wait3A_268 : memref<10000x64xf32, #tpu.memory_space<vmem_shared>>)
        } else {
        }
        %add3A_250 = arith.constant 4 : i32
        %add3A_251 = arith.addi %add3A_195, %add3A_250 : i32
        %lt3A_252 = arith.constant 78 : i32
        %lt3A_253 = arith.cmpi slt, %add3A_251, %lt3A_252 : i32
        %convert_element_type3A_254 = arith.extui %lt3A_253 : i1 to i32
        %cond3A_255 = arith.constant 0 : i32
        %cond3A_256 = arith.cmpi ne, %convert_element_type3A_254, %cond3A_255 : i32
        scf.if %cond3A_256 {
          %add3A_257 = arith.constant 4 : i32
          %add3A_258 = arith.addi %add3A_195, %add3A_257 : i32
          %dma_start3A_259 = arith.constant 0 : i32
          %dma_start3A_260 = arith.constant 0 : i32
          %dma_start3A_261 = arith.constant 0 : i32
          %dma_start3A_262 = tpu.memref_slice %arg8[%dma_start3A_259, %dma_start3A_260, %dma_start3A_261] : memref<8x128x64xf32, #tpu.memory_space<vmem>> -> memref<1x128x64xf32, #tpu.memory_space<vmem>>
          %dma_start3A_263 = tpu.memref_squeeze %dma_start3A_262 : memref<1x128x64xf32, #tpu.memory_space<vmem>> -> memref<128x64xf32, #tpu.memory_space<vmem>>
          %dma_start3A_264 = arith.constant 0 : i32
          %dma_start3A_265 = tpu.memref_slice %arg6[%add3A_258, %dma_start3A_264] : memref<79x128xi32, #tpu.memory_space<vmem>> -> memref<1x128xi32, #tpu.memory_space<vmem>>
          %dma_start3A_266 = tpu.memref_squeeze %dma_start3A_265 : memref<1x128xi32, #tpu.memory_space<vmem>> -> memref<128xi32, #tpu.memory_space<vmem>>
          %dma_start3A_267 = arith.constant 0 : i32
          %dma_start3A_268 = arith.constant 0 : i32
          %dma_start3A_269 = tpu.memref_slice %arg2[%dma_start3A_267, %dma_start3A_268] : memref<10000x64xf32, #tpu.memory_space<hbm>> -> memref<10000x64xf32, #tpu.memory_space<hbm>>
          tpu.enqueue_indirect_dma source(%dma_start3A_269 : memref<10000x64xf32, #tpu.memory_space<hbm>>) target(%dma_start3A_263 : memref<128x64xf32, #tpu.memory_space<vmem>>) offsets(%dma_start3A_266 : memref<128xi32, #tpu.memory_space<vmem>>) semaphore(%arg11 : memref<!tpu.dma_semaphore, #tpu.memory_space<semaphore_mem>>)
        } else {
        }
      } else {
      }
      %add3A_201 = arith.constant 5 : i32
      %add3A_202 = arith.addi %mul3A_165, %add3A_201 : i32
      %lt3A_203 = arith.constant 78 : i32
      %lt3A_204 = arith.cmpi slt, %add3A_202, %lt3A_203 : i32
      %convert_element_type3A_205 = arith.extui %lt3A_204 : i1 to i32
      %cond3A_206 = arith.constant 0 : i32
      %cond3A_207 = arith.cmpi ne, %convert_element_type3A_205, %cond3A_206 : i32
      scf.if %cond3A_207 {
        %dma_wait3A_223 = arith.constant 0 : i32
        %dma_wait3A_224 = arith.constant 5 : i32
        %dma_wait3A_225 = arith.constant 0 : i32
        %dma_wait3A_226 = arith.constant 0 : i32
        %dma_wait3A_227 = tpu.memref_slice %arg8[%dma_wait3A_224, %dma_wait3A_225, %dma_wait3A_226] : memref<8x128x64xf32, #tpu.memory_space<vmem>> -> memref<1x128x64xf32, #tpu.memory_space<vmem>>
        %dma_wait3A_228 = tpu.memref_squeeze %dma_wait3A_227 : memref<1x128x64xf32, #tpu.memory_space<vmem>> -> memref<128x64xf32, #tpu.memory_space<vmem>>
        %dma_wait3A_229 = arith.constant 0 : i32
        %dma_wait3A_230 = tpu.memref_slice %arg6[%dma_wait3A_223, %dma_wait3A_229] : memref<79x128xi32, #tpu.memory_space<vmem>> -> memref<1x128xi32, #tpu.memory_space<vmem>>
        %dma_wait3A_231 = tpu.memref_squeeze %dma_wait3A_230 : memref<1x128xi32, #tpu.memory_space<vmem>> -> memref<128xi32, #tpu.memory_space<vmem>>
        %dma_wait3A_232 = arith.constant 0 : i32
        %dma_wait3A_233 = arith.constant 0 : i32
        %dma_wait3A_234 = tpu.memref_slice %arg2[%dma_wait3A_232, %dma_wait3A_233] : memref<10000x64xf32, #tpu.memory_space<hbm>> -> memref<10000x64xf32, #tpu.memory_space<hbm>>
        tpu.wait_indirect_dma semaphore(%arg11 : memref<!tpu.dma_semaphore, #tpu.memory_space<semaphore_mem>>) src(%dma_wait3A_234 : memref<10000x64xf32, #tpu.memory_space<hbm>>) dst(%dma_wait3A_228 : memref<128x64xf32, #tpu.memory_space<vmem>>)
        %dma_start3A_235 = arith.constant 5 : i32
        %dma_start3A_236 = arith.constant 0 : i32
        %dma_start3A_237 = arith.constant 0 : i32
        %dma_start3A_238 = tpu.memref_slice %arg8[%dma_start3A_235, %dma_start3A_236, %dma_start3A_237] : memref<8x128x64xf32, #tpu.memory_space<vmem>> -> memref<1x128x64xf32, #tpu.memory_space<vmem>>
        %dma_start3A_239 = tpu.memref_squeeze %dma_start3A_238 : memref<1x128x64xf32, #tpu.memory_space<vmem>> -> memref<128x64xf32, #tpu.memory_space<vmem>>
        %dma_start3A_240 = arith.constant 0 : i32
        %dma_start3A_241 = tpu.memref_slice %arg7[%add3A_202, %dma_start3A_240] : memref<79x128xi32, #tpu.memory_space<vmem>> -> memref<1x128xi32, #tpu.memory_space<vmem>>
        %dma_start3A_242 = tpu.memref_squeeze %dma_start3A_241 : memref<1x128xi32, #tpu.memory_space<vmem>> -> memref<128xi32, #tpu.memory_space<vmem>>
        %dma_start3A_243 = arith.constant 0 : i32
        %dma_start3A_244 = arith.constant 0 : i32
        %dma_start3A_245 = tpu.memref_slice %arg10[%dma_start3A_243, %dma_start3A_244] : memref<10000x64xf32, #tpu.memory_space<vmem_shared>> -> memref<10000x64xf32, #tpu.memory_space<vmem_shared>>
        tpu.enqueue_indirect_dma source(%dma_start3A_239 : memref<128x64xf32, #tpu.memory_space<vmem>>) target(%dma_start3A_245 : memref<10000x64xf32, #tpu.memory_space<vmem_shared>>) offsets(%dma_start3A_242 : memref<128xi32, #tpu.memory_space<vmem>>) semaphore(%arg12 : memref<!tpu.dma_semaphore, #tpu.memory_space<semaphore_mem>>) {add = true}
        %ge3A = arith.constant 4 : i32
        %ge3A_246 = arith.cmpi sge, %add3A_202, %ge3A : i32
        %convert_element_type3A_247 = arith.extui %ge3A_246 : i1 to i32
        %cond3A_248 = arith.constant 0 : i32
        %cond3A_249 = arith.cmpi ne, %convert_element_type3A_247, %cond3A_248 : i32
        scf.if %cond3A_249 {
          %dma_wait3A_257 = arith.constant 0 : i32
          %dma_wait3A_258 = arith.constant 0 : i32
          %dma_wait3A_259 = arith.constant 0 : i32
          %dma_wait3A_260 = arith.constant 0 : i32
          %dma_wait3A_261 = tpu.memref_slice %arg8[%dma_wait3A_257, %dma_wait3A_259, %dma_wait3A_260] : memref<8x128x64xf32, #tpu.memory_space<vmem>> -> memref<1x128x64xf32, #tpu.memory_space<vmem>>
          %dma_wait3A_262 = tpu.memref_squeeze %dma_wait3A_261 : memref<1x128x64xf32, #tpu.memory_space<vmem>> -> memref<128x64xf32, #tpu.memory_space<vmem>>
          %dma_wait3A_263 = arith.constant 0 : i32
          %dma_wait3A_264 = tpu.memref_slice %arg7[%dma_wait3A_258, %dma_wait3A_263] : memref<79x128xi32, #tpu.memory_space<vmem>> -> memref<1x128xi32, #tpu.memory_space<vmem>>
          %dma_wait3A_265 = tpu.memref_squeeze %dma_wait3A_264 : memref<1x128xi32, #tpu.memory_space<vmem>> -> memref<128xi32, #tpu.memory_space<vmem>>
          %dma_wait3A_266 = arith.constant 0 : i32
          %dma_wait3A_267 = arith.constant 0 : i32
          %dma_wait3A_268 = tpu.memref_slice %arg10[%dma_wait3A_266, %dma_wait3A_267] : memref<10000x64xf32, #tpu.memory_space<vmem_shared>> -> memref<10000x64xf32, #tpu.memory_space<vmem_shared>>
          tpu.wait_indirect_dma semaphore(%arg12 : memref<!tpu.dma_semaphore, #tpu.memory_space<semaphore_mem>>) src(%dma_wait3A_262 : memref<128x64xf32, #tpu.memory_space<vmem>>) dst(%dma_wait3A_268 : memref<10000x64xf32, #tpu.memory_space<vmem_shared>>)
        } else {
        }
        %add3A_250 = arith.constant 4 : i32
        %add3A_251 = arith.addi %add3A_202, %add3A_250 : i32
        %lt3A_252 = arith.constant 78 : i32
        %lt3A_253 = arith.cmpi slt, %add3A_251, %lt3A_252 : i32
        %convert_element_type3A_254 = arith.extui %lt3A_253 : i1 to i32
        %cond3A_255 = arith.constant 0 : i32
        %cond3A_256 = arith.cmpi ne, %convert_element_type3A_254, %cond3A_255 : i32
        scf.if %cond3A_256 {
          %add3A_257 = arith.constant 4 : i32
          %add3A_258 = arith.addi %add3A_202, %add3A_257 : i32
          %dma_start3A_259 = arith.constant 1 : i32
          %dma_start3A_260 = arith.constant 0 : i32
          %dma_start3A_261 = arith.constant 0 : i32
          %dma_start3A_262 = tpu.memref_slice %arg8[%dma_start3A_259, %dma_start3A_260, %dma_start3A_261] : memref<8x128x64xf32, #tpu.memory_space<vmem>> -> memref<1x128x64xf32, #tpu.memory_space<vmem>>
          %dma_start3A_263 = tpu.memref_squeeze %dma_start3A_262 : memref<1x128x64xf32, #tpu.memory_space<vmem>> -> memref<128x64xf32, #tpu.memory_space<vmem>>
          %dma_start3A_264 = arith.constant 0 : i32
          %dma_start3A_265 = tpu.memref_slice %arg6[%add3A_258, %dma_start3A_264] : memref<79x128xi32, #tpu.memory_space<vmem>> -> memref<1x128xi32, #tpu.memory_space<vmem>>
          %dma_start3A_266 = tpu.memref_squeeze %dma_start3A_265 : memref<1x128xi32, #tpu.memory_space<vmem>> -> memref<128xi32, #tpu.memory_space<vmem>>
          %dma_start3A_267 = arith.constant 0 : i32
          %dma_start3A_268 = arith.constant 0 : i32
          %dma_start3A_269 = tpu.memref_slice %arg2[%dma_start3A_267, %dma_start3A_268] : memref<10000x64xf32, #tpu.memory_space<hbm>> -> memref<10000x64xf32, #tpu.memory_space<hbm>>
          tpu.enqueue_indirect_dma source(%dma_start3A_269 : memref<10000x64xf32, #tpu.memory_space<hbm>>) target(%dma_start3A_263 : memref<128x64xf32, #tpu.memory_space<vmem>>) offsets(%dma_start3A_266 : memref<128xi32, #tpu.memory_space<vmem>>) semaphore(%arg11 : memref<!tpu.dma_semaphore, #tpu.memory_space<semaphore_mem>>)
        } else {
        }
      } else {
      }
      %add3A_208 = arith.constant 6 : i32
      %add3A_209 = arith.addi %mul3A_165, %add3A_208 : i32
      %lt3A_210 = arith.constant 78 : i32
      %lt3A_211 = arith.cmpi slt, %add3A_209, %lt3A_210 : i32
      %convert_element_type3A_212 = arith.extui %lt3A_211 : i1 to i32
      %cond3A_213 = arith.constant 0 : i32
      %cond3A_214 = arith.cmpi ne, %convert_element_type3A_212, %cond3A_213 : i32
      scf.if %cond3A_214 {
        %dma_wait3A_223 = arith.constant 0 : i32
        %dma_wait3A_224 = arith.constant 6 : i32
        %dma_wait3A_225 = arith.constant 0 : i32
        %dma_wait3A_226 = arith.constant 0 : i32
        %dma_wait3A_227 = tpu.memref_slice %arg8[%dma_wait3A_224, %dma_wait3A_225, %dma_wait3A_226] : memref<8x128x64xf32, #tpu.memory_space<vmem>> -> memref<1x128x64xf32, #tpu.memory_space<vmem>>
        %dma_wait3A_228 = tpu.memref_squeeze %dma_wait3A_227 : memref<1x128x64xf32, #tpu.memory_space<vmem>> -> memref<128x64xf32, #tpu.memory_space<vmem>>
        %dma_wait3A_229 = arith.constant 0 : i32
        %dma_wait3A_230 = tpu.memref_slice %arg6[%dma_wait3A_223, %dma_wait3A_229] : memref<79x128xi32, #tpu.memory_space<vmem>> -> memref<1x128xi32, #tpu.memory_space<vmem>>
        %dma_wait3A_231 = tpu.memref_squeeze %dma_wait3A_230 : memref<1x128xi32, #tpu.memory_space<vmem>> -> memref<128xi32, #tpu.memory_space<vmem>>
        %dma_wait3A_232 = arith.constant 0 : i32
        %dma_wait3A_233 = arith.constant 0 : i32
        %dma_wait3A_234 = tpu.memref_slice %arg2[%dma_wait3A_232, %dma_wait3A_233] : memref<10000x64xf32, #tpu.memory_space<hbm>> -> memref<10000x64xf32, #tpu.memory_space<hbm>>
        tpu.wait_indirect_dma semaphore(%arg11 : memref<!tpu.dma_semaphore, #tpu.memory_space<semaphore_mem>>) src(%dma_wait3A_234 : memref<10000x64xf32, #tpu.memory_space<hbm>>) dst(%dma_wait3A_228 : memref<128x64xf32, #tpu.memory_space<vmem>>)
        %dma_start3A_235 = arith.constant 6 : i32
        %dma_start3A_236 = arith.constant 0 : i32
        %dma_start3A_237 = arith.constant 0 : i32
        %dma_start3A_238 = tpu.memref_slice %arg8[%dma_start3A_235, %dma_start3A_236, %dma_start3A_237] : memref<8x128x64xf32, #tpu.memory_space<vmem>> -> memref<1x128x64xf32, #tpu.memory_space<vmem>>
        %dma_start3A_239 = tpu.memref_squeeze %dma_start3A_238 : memref<1x128x64xf32, #tpu.memory_space<vmem>> -> memref<128x64xf32, #tpu.memory_space<vmem>>
        %dma_start3A_240 = arith.constant 0 : i32
        %dma_start3A_241 = tpu.memref_slice %arg7[%add3A_209, %dma_start3A_240] : memref<79x128xi32, #tpu.memory_space<vmem>> -> memref<1x128xi32, #tpu.memory_space<vmem>>
        %dma_start3A_242 = tpu.memref_squeeze %dma_start3A_241 : memref<1x128xi32, #tpu.memory_space<vmem>> -> memref<128xi32, #tpu.memory_space<vmem>>
        %dma_start3A_243 = arith.constant 0 : i32
        %dma_start3A_244 = arith.constant 0 : i32
        %dma_start3A_245 = tpu.memref_slice %arg10[%dma_start3A_243, %dma_start3A_244] : memref<10000x64xf32, #tpu.memory_space<vmem_shared>> -> memref<10000x64xf32, #tpu.memory_space<vmem_shared>>
        tpu.enqueue_indirect_dma source(%dma_start3A_239 : memref<128x64xf32, #tpu.memory_space<vmem>>) target(%dma_start3A_245 : memref<10000x64xf32, #tpu.memory_space<vmem_shared>>) offsets(%dma_start3A_242 : memref<128xi32, #tpu.memory_space<vmem>>) semaphore(%arg12 : memref<!tpu.dma_semaphore, #tpu.memory_space<semaphore_mem>>) {add = true}
        %ge3A = arith.constant 4 : i32
        %ge3A_246 = arith.cmpi sge, %add3A_209, %ge3A : i32
        %convert_element_type3A_247 = arith.extui %ge3A_246 : i1 to i32
        %cond3A_248 = arith.constant 0 : i32
        %cond3A_249 = arith.cmpi ne, %convert_element_type3A_247, %cond3A_248 : i32
        scf.if %cond3A_249 {
          %dma_wait3A_257 = arith.constant 0 : i32
          %dma_wait3A_258 = arith.constant 0 : i32
          %dma_wait3A_259 = arith.constant 0 : i32
          %dma_wait3A_260 = arith.constant 0 : i32
          %dma_wait3A_261 = tpu.memref_slice %arg8[%dma_wait3A_257, %dma_wait3A_259, %dma_wait3A_260] : memref<8x128x64xf32, #tpu.memory_space<vmem>> -> memref<1x128x64xf32, #tpu.memory_space<vmem>>
          %dma_wait3A_262 = tpu.memref_squeeze %dma_wait3A_261 : memref<1x128x64xf32, #tpu.memory_space<vmem>> -> memref<128x64xf32, #tpu.memory_space<vmem>>
          %dma_wait3A_263 = arith.constant 0 : i32
          %dma_wait3A_264 = tpu.memref_slice %arg7[%dma_wait3A_258, %dma_wait3A_263] : memref<79x128xi32, #tpu.memory_space<vmem>> -> memref<1x128xi32, #tpu.memory_space<vmem>>
          %dma_wait3A_265 = tpu.memref_squeeze %dma_wait3A_264 : memref<1x128xi32, #tpu.memory_space<vmem>> -> memref<128xi32, #tpu.memory_space<vmem>>
          %dma_wait3A_266 = arith.constant 0 : i32
          %dma_wait3A_267 = arith.constant 0 : i32
          %dma_wait3A_268 = tpu.memref_slice %arg10[%dma_wait3A_266, %dma_wait3A_267] : memref<10000x64xf32, #tpu.memory_space<vmem_shared>> -> memref<10000x64xf32, #tpu.memory_space<vmem_shared>>
          tpu.wait_indirect_dma semaphore(%arg12 : memref<!tpu.dma_semaphore, #tpu.memory_space<semaphore_mem>>) src(%dma_wait3A_262 : memref<128x64xf32, #tpu.memory_space<vmem>>) dst(%dma_wait3A_268 : memref<10000x64xf32, #tpu.memory_space<vmem_shared>>)
        } else {
        }
        %add3A_250 = arith.constant 4 : i32
        %add3A_251 = arith.addi %add3A_209, %add3A_250 : i32
        %lt3A_252 = arith.constant 78 : i32
        %lt3A_253 = arith.cmpi slt, %add3A_251, %lt3A_252 : i32
        %convert_element_type3A_254 = arith.extui %lt3A_253 : i1 to i32
        %cond3A_255 = arith.constant 0 : i32
        %cond3A_256 = arith.cmpi ne, %convert_element_type3A_254, %cond3A_255 : i32
        scf.if %cond3A_256 {
          %add3A_257 = arith.constant 4 : i32
          %add3A_258 = arith.addi %add3A_209, %add3A_257 : i32
          %dma_start3A_259 = arith.constant 2 : i32
          %dma_start3A_260 = arith.constant 0 : i32
          %dma_start3A_261 = arith.constant 0 : i32
          %dma_start3A_262 = tpu.memref_slice %arg8[%dma_start3A_259, %dma_start3A_260, %dma_start3A_261] : memref<8x128x64xf32, #tpu.memory_space<vmem>> -> memref<1x128x64xf32, #tpu.memory_space<vmem>>
          %dma_start3A_263 = tpu.memref_squeeze %dma_start3A_262 : memref<1x128x64xf32, #tpu.memory_space<vmem>> -> memref<128x64xf32, #tpu.memory_space<vmem>>
          %dma_start3A_264 = arith.constant 0 : i32
          %dma_start3A_265 = tpu.memref_slice %arg6[%add3A_258, %dma_start3A_264] : memref<79x128xi32, #tpu.memory_space<vmem>> -> memref<1x128xi32, #tpu.memory_space<vmem>>
          %dma_start3A_266 = tpu.memref_squeeze %dma_start3A_265 : memref<1x128xi32, #tpu.memory_space<vmem>> -> memref<128xi32, #tpu.memory_space<vmem>>
          %dma_start3A_267 = arith.constant 0 : i32
          %dma_start3A_268 = arith.constant 0 : i32
          %dma_start3A_269 = tpu.memref_slice %arg2[%dma_start3A_267, %dma_start3A_268] : memref<10000x64xf32, #tpu.memory_space<hbm>> -> memref<10000x64xf32, #tpu.memory_space<hbm>>
          tpu.enqueue_indirect_dma source(%dma_start3A_269 : memref<10000x64xf32, #tpu.memory_space<hbm>>) target(%dma_start3A_263 : memref<128x64xf32, #tpu.memory_space<vmem>>) offsets(%dma_start3A_266 : memref<128xi32, #tpu.memory_space<vmem>>) semaphore(%arg11 : memref<!tpu.dma_semaphore, #tpu.memory_space<semaphore_mem>>)
        } else {
        }
      } else {
      }
      %add3A_215 = arith.constant 7 : i32
      %add3A_216 = arith.addi %mul3A_165, %add3A_215 : i32
      %lt3A_217 = arith.constant 78 : i32
      %lt3A_218 = arith.cmpi slt, %add3A_216, %lt3A_217 : i32
      %convert_element_type3A_219 = arith.extui %lt3A_218 : i1 to i32
      %cond3A_220 = arith.constant 0 : i32
      %cond3A_221 = arith.cmpi ne, %convert_element_type3A_219, %cond3A_220 : i32
      scf.if %cond3A_221 {
        %dma_wait3A_223 = arith.constant 0 : i32
        %dma_wait3A_224 = arith.constant 7 : i32
        %dma_wait3A_225 = arith.constant 0 : i32
        %dma_wait3A_226 = arith.constant 0 : i32
        %dma_wait3A_227 = tpu.memref_slice %arg8[%dma_wait3A_224, %dma_wait3A_225, %dma_wait3A_226] : memref<8x128x64xf32, #tpu.memory_space<vmem>> -> memref<1x128x64xf32, #tpu.memory_space<vmem>>
        %dma_wait3A_228 = tpu.memref_squeeze %dma_wait3A_227 : memref<1x128x64xf32, #tpu.memory_space<vmem>> -> memref<128x64xf32, #tpu.memory_space<vmem>>
        %dma_wait3A_229 = arith.constant 0 : i32
        %dma_wait3A_230 = tpu.memref_slice %arg6[%dma_wait3A_223, %dma_wait3A_229] : memref<79x128xi32, #tpu.memory_space<vmem>> -> memref<1x128xi32, #tpu.memory_space<vmem>>
        %dma_wait3A_231 = tpu.memref_squeeze %dma_wait3A_230 : memref<1x128xi32, #tpu.memory_space<vmem>> -> memref<128xi32, #tpu.memory_space<vmem>>
        %dma_wait3A_232 = arith.constant 0 : i32
        %dma_wait3A_233 = arith.constant 0 : i32
        %dma_wait3A_234 = tpu.memref_slice %arg2[%dma_wait3A_232, %dma_wait3A_233] : memref<10000x64xf32, #tpu.memory_space<hbm>> -> memref<10000x64xf32, #tpu.memory_space<hbm>>
        tpu.wait_indirect_dma semaphore(%arg11 : memref<!tpu.dma_semaphore, #tpu.memory_space<semaphore_mem>>) src(%dma_wait3A_234 : memref<10000x64xf32, #tpu.memory_space<hbm>>) dst(%dma_wait3A_228 : memref<128x64xf32, #tpu.memory_space<vmem>>)
        %dma_start3A_235 = arith.constant 7 : i32
        %dma_start3A_236 = arith.constant 0 : i32
        %dma_start3A_237 = arith.constant 0 : i32
        %dma_start3A_238 = tpu.memref_slice %arg8[%dma_start3A_235, %dma_start3A_236, %dma_start3A_237] : memref<8x128x64xf32, #tpu.memory_space<vmem>> -> memref<1x128x64xf32, #tpu.memory_space<vmem>>
        %dma_start3A_239 = tpu.memref_squeeze %dma_start3A_238 : memref<1x128x64xf32, #tpu.memory_space<vmem>> -> memref<128x64xf32, #tpu.memory_space<vmem>>
        %dma_start3A_240 = arith.constant 0 : i32
        %dma_start3A_241 = tpu.memref_slice %arg7[%add3A_216, %dma_start3A_240] : memref<79x128xi32, #tpu.memory_space<vmem>> -> memref<1x128xi32, #tpu.memory_space<vmem>>
        %dma_start3A_242 = tpu.memref_squeeze %dma_start3A_241 : memref<1x128xi32, #tpu.memory_space<vmem>> -> memref<128xi32, #tpu.memory_space<vmem>>
        %dma_start3A_243 = arith.constant 0 : i32
        %dma_start3A_244 = arith.constant 0 : i32
        %dma_start3A_245 = tpu.memref_slice %arg10[%dma_start3A_243, %dma_start3A_244] : memref<10000x64xf32, #tpu.memory_space<vmem_shared>> -> memref<10000x64xf32, #tpu.memory_space<vmem_shared>>
        tpu.enqueue_indirect_dma source(%dma_start3A_239 : memref<128x64xf32, #tpu.memory_space<vmem>>) target(%dma_start3A_245 : memref<10000x64xf32, #tpu.memory_space<vmem_shared>>) offsets(%dma_start3A_242 : memref<128xi32, #tpu.memory_space<vmem>>) semaphore(%arg12 : memref<!tpu.dma_semaphore, #tpu.memory_space<semaphore_mem>>) {add = true}
        %ge3A = arith.constant 4 : i32
        %ge3A_246 = arith.cmpi sge, %add3A_216, %ge3A : i32
        %convert_element_type3A_247 = arith.extui %ge3A_246 : i1 to i32
        %cond3A_248 = arith.constant 0 : i32
        %cond3A_249 = arith.cmpi ne, %convert_element_type3A_247, %cond3A_248 : i32
        scf.if %cond3A_249 {
          %dma_wait3A_257 = arith.constant 0 : i32
          %dma_wait3A_258 = arith.constant 0 : i32
          %dma_wait3A_259 = arith.constant 0 : i32
          %dma_wait3A_260 = arith.constant 0 : i32
          %dma_wait3A_261 = tpu.memref_slice %arg8[%dma_wait3A_257, %dma_wait3A_259, %dma_wait3A_260] : memref<8x128x64xf32, #tpu.memory_space<vmem>> -> memref<1x128x64xf32, #tpu.memory_space<vmem>>
          %dma_wait3A_262 = tpu.memref_squeeze %dma_wait3A_261 : memref<1x128x64xf32, #tpu.memory_space<vmem>> -> memref<128x64xf32, #tpu.memory_space<vmem>>
          %dma_wait3A_263 = arith.constant 0 : i32
          %dma_wait3A_264 = tpu.memref_slice %arg7[%dma_wait3A_258, %dma_wait3A_263] : memref<79x128xi32, #tpu.memory_space<vmem>> -> memref<1x128xi32, #tpu.memory_space<vmem>>
          %dma_wait3A_265 = tpu.memref_squeeze %dma_wait3A_264 : memref<1x128xi32, #tpu.memory_space<vmem>> -> memref<128xi32, #tpu.memory_space<vmem>>
          %dma_wait3A_266 = arith.constant 0 : i32
          %dma_wait3A_267 = arith.constant 0 : i32
          %dma_wait3A_268 = tpu.memref_slice %arg10[%dma_wait3A_266, %dma_wait3A_267] : memref<10000x64xf32, #tpu.memory_space<vmem_shared>> -> memref<10000x64xf32, #tpu.memory_space<vmem_shared>>
          tpu.wait_indirect_dma semaphore(%arg12 : memref<!tpu.dma_semaphore, #tpu.memory_space<semaphore_mem>>) src(%dma_wait3A_262 : memref<128x64xf32, #tpu.memory_space<vmem>>) dst(%dma_wait3A_268 : memref<10000x64xf32, #tpu.memory_space<vmem_shared>>)
        } else {
        }
        %add3A_250 = arith.constant 4 : i32
        %add3A_251 = arith.addi %add3A_216, %add3A_250 : i32
        %lt3A_252 = arith.constant 78 : i32
        %lt3A_253 = arith.cmpi slt, %add3A_251, %lt3A_252 : i32
        %convert_element_type3A_254 = arith.extui %lt3A_253 : i1 to i32
        %cond3A_255 = arith.constant 0 : i32
        %cond3A_256 = arith.cmpi ne, %convert_element_type3A_254, %cond3A_255 : i32
        scf.if %cond3A_256 {
          %add3A_257 = arith.constant 4 : i32
          %add3A_258 = arith.addi %add3A_216, %add3A_257 : i32
          %dma_start3A_259 = arith.constant 3 : i32
          %dma_start3A_260 = arith.constant 0 : i32
          %dma_start3A_261 = arith.constant 0 : i32
          %dma_start3A_262 = tpu.memref_slice %arg8[%dma_start3A_259, %dma_start3A_260, %dma_start3A_261] : memref<8x128x64xf32, #tpu.memory_space<vmem>> -> memref<1x128x64xf32, #tpu.memory_space<vmem>>
          %dma_start3A_263 = tpu.memref_squeeze %dma_start3A_262 : memref<1x128x64xf32, #tpu.memory_space<vmem>> -> memref<128x64xf32, #tpu.memory_space<vmem>>
          %dma_start3A_264 = arith.constant 0 : i32
          %dma_start3A_265 = tpu.memref_slice %arg6[%add3A_258, %dma_start3A_264] : memref<79x128xi32, #tpu.memory_space<vmem>> -> memref<1x128xi32, #tpu.memory_space<vmem>>
          %dma_start3A_266 = tpu.memref_squeeze %dma_start3A_265 : memref<1x128xi32, #tpu.memory_space<vmem>> -> memref<128xi32, #tpu.memory_space<vmem>>
          %dma_start3A_267 = arith.constant 0 : i32
          %dma_start3A_268 = arith.constant 0 : i32
          %dma_start3A_269 = tpu.memref_slice %arg2[%dma_start3A_267, %dma_start3A_268] : memref<10000x64xf32, #tpu.memory_space<hbm>> -> memref<10000x64xf32, #tpu.memory_space<hbm>>
          tpu.enqueue_indirect_dma source(%dma_start3A_269 : memref<10000x64xf32, #tpu.memory_space<hbm>>) target(%dma_start3A_263 : memref<128x64xf32, #tpu.memory_space<vmem>>) offsets(%dma_start3A_266 : memref<128xi32, #tpu.memory_space<vmem>>) semaphore(%arg11 : memref<!tpu.dma_semaphore, #tpu.memory_space<semaphore_mem>>)
        } else {
        }
      } else {
      }
      %scan3A_222 = arith.constant 0 : i32
      scf.yield %scan3A_222 : i32
    }
    %scan3A_98 = arith.constant 10 : i32
    %dma_wait3A = arith.constant 0 : i32
    %dma_wait3A_99 = arith.constant 0 : i32
    %dma_wait3A_100 = arith.constant 0 : i32
    %dma_wait3A_101 = arith.constant 0 : i32
    %dma_wait3A_102 = tpu.memref_slice %arg8[%dma_wait3A, %dma_wait3A_100, %dma_wait3A_101] : memref<8x128x64xf32, #tpu.memory_space<vmem>> -> memref<1x128x64xf32, #tpu.memory_space<vmem>>
    %dma_wait3A_103 = tpu.memref_squeeze %dma_wait3A_102 : memref<1x128x64xf32, #tpu.memory_space<vmem>> -> memref<128x64xf32, #tpu.memory_space<vmem>>
    %dma_wait3A_104 = arith.constant 0 : i32
    %dma_wait3A_105 = tpu.memref_slice %arg7[%dma_wait3A_99, %dma_wait3A_104] : memref<79x128xi32, #tpu.memory_space<vmem>> -> memref<1x128xi32, #tpu.memory_space<vmem>>
    %dma_wait3A_106 = tpu.memref_squeeze %dma_wait3A_105 : memref<1x128xi32, #tpu.memory_space<vmem>> -> memref<128xi32, #tpu.memory_space<vmem>>
    %dma_wait3A_107 = arith.constant 0 : i32
    %dma_wait3A_108 = arith.constant 0 : i32
    %dma_wait3A_109 = tpu.memref_slice %arg10[%dma_wait3A_107, %dma_wait3A_108] : memref<10000x64xf32, #tpu.memory_space<vmem_shared>> -> memref<10000x64xf32, #tpu.memory_space<vmem_shared>>
    tpu.wait_indirect_dma semaphore(%arg12 : memref<!tpu.dma_semaphore, #tpu.memory_space<semaphore_mem>>) src(%dma_wait3A_103 : memref<128x64xf32, #tpu.memory_space<vmem>>) dst(%dma_wait3A_109 : memref<10000x64xf32, #tpu.memory_space<vmem_shared>>)
    %dma_wait3A_110 = arith.constant 0 : i32
    %dma_wait3A_111 = arith.constant 0 : i32
    %dma_wait3A_112 = arith.constant 0 : i32
    %dma_wait3A_113 = arith.constant 0 : i32
    %dma_wait3A_114 = tpu.memref_slice %arg8[%dma_wait3A_110, %dma_wait3A_112, %dma_wait3A_113] : memref<8x128x64xf32, #tpu.memory_space<vmem>> -> memref<1x128x64xf32, #tpu.memory_space<vmem>>
    %dma_wait3A_115 = tpu.memref_squeeze %dma_wait3A_114 : memref<1x128x64xf32, #tpu.memory_space<vmem>> -> memref<128x64xf32, #tpu.memory_space<vmem>>
    %dma_wait3A_116 = arith.constant 0 : i32
    %dma_wait3A_117 = tpu.memref_slice %arg7[%dma_wait3A_111, %dma_wait3A_116] : memref<79x128xi32, #tpu.memory_space<vmem>> -> memref<1x128xi32, #tpu.memory_space<vmem>>
    %dma_wait3A_118 = tpu.memref_squeeze %dma_wait3A_117 : memref<1x128xi32, #tpu.memory_space<vmem>> -> memref<128xi32, #tpu.memory_space<vmem>>
    %dma_wait3A_119 = arith.constant 0 : i32
    %dma_wait3A_120 = arith.constant 0 : i32
    %dma_wait3A_121 = tpu.memref_slice %arg10[%dma_wait3A_119, %dma_wait3A_120] : memref<10000x64xf32, #tpu.memory_space<vmem_shared>> -> memref<10000x64xf32, #tpu.memory_space<vmem_shared>>
    tpu.wait_indirect_dma semaphore(%arg12 : memref<!tpu.dma_semaphore, #tpu.memory_space<semaphore_mem>>) src(%dma_wait3A_115 : memref<128x64xf32, #tpu.memory_space<vmem>>) dst(%dma_wait3A_121 : memref<10000x64xf32, #tpu.memory_space<vmem_shared>>)
    %dma_wait3A_122 = arith.constant 0 : i32
    %dma_wait3A_123 = arith.constant 0 : i32
    %dma_wait3A_124 = arith.constant 0 : i32
    %dma_wait3A_125 = arith.constant 0 : i32
    %dma_wait3A_126 = tpu.memref_slice %arg8[%dma_wait3A_122, %dma_wait3A_124, %dma_wait3A_125] : memref<8x128x64xf32, #tpu.memory_space<vmem>> -> memref<1x128x64xf32, #tpu.memory_space<vmem>>
    %dma_wait3A_127 = tpu.memref_squeeze %dma_wait3A_126 : memref<1x128x64xf32, #tpu.memory_space<vmem>> -> memref<128x64xf32, #tpu.memory_space<vmem>>
    %dma_wait3A_128 = arith.constant 0 : i32
    %dma_wait3A_129 = tpu.memref_slice %arg7[%dma_wait3A_123, %dma_wait3A_128] : memref<79x128xi32, #tpu.memory_space<vmem>> -> memref<1x128xi32, #tpu.memory_space<vmem>>
    %dma_wait3A_130 = tpu.memref_squeeze %dma_wait3A_129 : memref<1x128xi32, #tpu.memory_space<vmem>> -> memref<128xi32, #tpu.memory_space<vmem>>
    %dma_wait3A_131 = arith.constant 0 : i32
    %dma_wait3A_132 = arith.constant 0 : i32
    %dma_wait3A_133 = tpu.memref_slice %arg10[%dma_wait3A_131, %dma_wait3A_132] : memref<10000x64xf32, #tpu.memory_space<vmem_shared>> -> memref<10000x64xf32, #tpu.memory_space<vmem_shared>>
    tpu.wait_indirect_dma semaphore(%arg12 : memref<!tpu.dma_semaphore, #tpu.memory_space<semaphore_mem>>) src(%dma_wait3A_127 : memref<128x64xf32, #tpu.memory_space<vmem>>) dst(%dma_wait3A_133 : memref<10000x64xf32, #tpu.memory_space<vmem_shared>>)
    %dma_wait3A_134 = arith.constant 0 : i32
    %dma_wait3A_135 = arith.constant 0 : i32
    %dma_wait3A_136 = arith.constant 0 : i32
    %dma_wait3A_137 = arith.constant 0 : i32
    %dma_wait3A_138 = tpu.memref_slice %arg8[%dma_wait3A_134, %dma_wait3A_136, %dma_wait3A_137] : memref<8x128x64xf32, #tpu.memory_space<vmem>> -> memref<1x128x64xf32, #tpu.memory_space<vmem>>
    %dma_wait3A_139 = tpu.memref_squeeze %dma_wait3A_138 : memref<1x128x64xf32, #tpu.memory_space<vmem>> -> memref<128x64xf32, #tpu.memory_space<vmem>>
    %dma_wait3A_140 = arith.constant 0 : i32
    %dma_wait3A_141 = tpu.memref_slice %arg7[%dma_wait3A_135, %dma_wait3A_140] : memref<79x128xi32, #tpu.memory_space<vmem>> -> memref<1x128xi32, #tpu.memory_space<vmem>>
    %dma_wait3A_142 = tpu.memref_squeeze %dma_wait3A_141 : memref<1x128xi32, #tpu.memory_space<vmem>> -> memref<128xi32, #tpu.memory_space<vmem>>
    %dma_wait3A_143 = arith.constant 0 : i32
    %dma_wait3A_144 = arith.constant 0 : i32
    %dma_wait3A_145 = tpu.memref_slice %arg10[%dma_wait3A_143, %dma_wait3A_144] : memref<10000x64xf32, #tpu.memory_space<vmem_shared>> -> memref<10000x64xf32, #tpu.memory_space<vmem_shared>>
    tpu.wait_indirect_dma semaphore(%arg12 : memref<!tpu.dma_semaphore, #tpu.memory_space<semaphore_mem>>) src(%dma_wait3A_139 : memref<128x64xf32, #tpu.memory_space<vmem>>) dst(%dma_wait3A_145 : memref<10000x64xf32, #tpu.memory_space<vmem_shared>>)
    %lt3A_146 = arith.constant 4 : i32
    %lt3A_147 = arith.cmpi slt, %add3A, %lt3A_146 : i32
    %convert_element_type3A_148 = arith.extui %lt3A_147 : i1 to i32
    %cond3A_149 = arith.constant 0 : i32
    %cond3A_150 = arith.cmpi ne, %convert_element_type3A_148, %cond3A_149 : i32
    scf.if %cond3A_150 {
      %run_scoped3A = arith.constant 78 : i32
      %run_scoped3A_162 = arith.constant 0 : i32
      "tpu.region"() ({
        %run_scoped3A_165 = tpu.sem_alloc : memref<!tpu.dma_semaphore, #tpu.memory_space<semaphore_mem>>
        %dma_start3A_166 = arith.constant 0 : i32
        %dma_start3A_167 = arith.constant 0 : i32
        %dma_start3A_168 = tpu.memref_slice %arg8[%run_scoped3A_162, %dma_start3A_166, %dma_start3A_167] : memref<8x128x64xf32, #tpu.memory_space<vmem>> -> memref<1x128x64xf32, #tpu.memory_space<vmem>>
        %dma_start3A_169 = tpu.memref_squeeze %dma_start3A_168 : memref<1x128x64xf32, #tpu.memory_space<vmem>> -> memref<128x64xf32, #tpu.memory_space<vmem>>
        %dma_start3A_170 = arith.constant 0 : i32
        %dma_start3A_171 = tpu.memref_slice %arg6[%run_scoped3A, %dma_start3A_170] : memref<79x128xi32, #tpu.memory_space<vmem>> -> memref<1x128xi32, #tpu.memory_space<vmem>>
        %dma_start3A_172 = tpu.memref_squeeze %dma_start3A_171 : memref<1x128xi32, #tpu.memory_space<vmem>> -> memref<128xi32, #tpu.memory_space<vmem>>
        %dma_start3A_173 = arith.constant 0 : i32
        %dma_start3A_174 = arith.constant 0 : i32
        %dma_start3A_175 = tpu.memref_slice %arg2[%dma_start3A_173, %dma_start3A_174] : memref<10000x64xf32, #tpu.memory_space<hbm>> -> memref<10000x64xf32, #tpu.memory_space<hbm>>
        tpu.enqueue_indirect_dma source(%dma_start3A_175 : memref<10000x64xf32, #tpu.memory_space<hbm>>) target(%dma_start3A_169 : memref<128x64xf32, #tpu.memory_space<vmem>>) offsets(%dma_start3A_172 : memref<128xi32, #tpu.memory_space<vmem>>) semaphore(%run_scoped3A_165 : memref<!tpu.dma_semaphore, #tpu.memory_space<semaphore_mem>>)
        %dma_wait3A_176 = arith.constant 0 : i32
        %dma_wait3A_177 = arith.constant 0 : i32
        %dma_wait3A_178 = tpu.memref_slice %arg8[%run_scoped3A_162, %dma_wait3A_176, %dma_wait3A_177] : memref<8x128x64xf32, #tpu.memory_space<vmem>> -> memref<1x128x64xf32, #tpu.memory_space<vmem>>
        %dma_wait3A_179 = tpu.memref_squeeze %dma_wait3A_178 : memref<1x128x64xf32, #tpu.memory_space<vmem>> -> memref<128x64xf32, #tpu.memory_space<vmem>>
        %dma_wait3A_180 = arith.constant 0 : i32
        %dma_wait3A_181 = tpu.memref_slice %arg6[%run_scoped3A, %dma_wait3A_180] : memref<79x128xi32, #tpu.memory_space<vmem>> -> memref<1x128xi32, #tpu.memory_space<vmem>>
        %dma_wait3A_182 = tpu.memref_squeeze %dma_wait3A_181 : memref<1x128xi32, #tpu.memory_space<vmem>> -> memref<128xi32, #tpu.memory_space<vmem>>
        %dma_wait3A_183 = arith.constant 0 : i32
        %dma_wait3A_184 = arith.constant 0 : i32
        %dma_wait3A_185 = tpu.memref_slice %arg2[%dma_wait3A_183, %dma_wait3A_184] : memref<10000x64xf32, #tpu.memory_space<hbm>> -> memref<10000x64xf32, #tpu.memory_space<hbm>>
        tpu.wait_indirect_dma semaphore(%run_scoped3A_165 : memref<!tpu.dma_semaphore, #tpu.memory_space<semaphore_mem>>) src(%dma_wait3A_185 : memref<10000x64xf32, #tpu.memory_space<hbm>>) dst(%dma_wait3A_179 : memref<128x64xf32, #tpu.memory_space<vmem>>)
        tpu.yield
      }) : () -> ()
      %run_scoped3A_163 = arith.constant 0 : i32
      %run_scoped3A_164 = arith.constant 78 : i32
      "tpu.region"() ({
        %run_scoped3A_165 = tpu.sem_alloc : memref<!tpu.dma_semaphore, #tpu.memory_space<semaphore_mem>>
        %dma_start3A_166 = arith.constant 0 : i32
        %dma_start3A_167 = arith.constant 0 : i32
        %dma_start3A_168 = tpu.memref_slice %arg8[%run_scoped3A_163, %dma_start3A_166, %dma_start3A_167] : memref<8x128x64xf32, #tpu.memory_space<vmem>> -> memref<1x128x64xf32, #tpu.memory_space<vmem>>
        %dma_start3A_169 = tpu.memref_squeeze %dma_start3A_168 : memref<1x128x64xf32, #tpu.memory_space<vmem>> -> memref<128x64xf32, #tpu.memory_space<vmem>>
        %dma_start3A_170 = arith.constant 0 : i32
        %dma_start3A_171 = tpu.memref_slice %arg7[%run_scoped3A_164, %dma_start3A_170] : memref<79x128xi32, #tpu.memory_space<vmem>> -> memref<1x128xi32, #tpu.memory_space<vmem>>
        %dma_start3A_172 = tpu.memref_squeeze %dma_start3A_171 : memref<1x128xi32, #tpu.memory_space<vmem>> -> memref<128xi32, #tpu.memory_space<vmem>>
        %dma_start3A_173 = arith.constant 0 : i32
        %dma_start3A_174 = arith.constant 0 : i32
        %dma_start3A_175 = tpu.memref_slice %arg10[%dma_start3A_173, %dma_start3A_174] : memref<10000x64xf32, #tpu.memory_space<vmem_shared>> -> memref<10000x64xf32, #tpu.memory_space<vmem_shared>>
        tpu.enqueue_indirect_dma source(%dma_start3A_169 : memref<128x64xf32, #tpu.memory_space<vmem>>) target(%dma_start3A_175 : memref<10000x64xf32, #tpu.memory_space<vmem_shared>>) offsets(%dma_start3A_172 : memref<128xi32, #tpu.memory_space<vmem>>) semaphore(%run_scoped3A_165 : memref<!tpu.dma_semaphore, #tpu.memory_space<semaphore_mem>>) {add = true}
        %dma_wait3A_176 = arith.constant 0 : i32
        %dma_wait3A_177 = arith.constant 0 : i32
        %dma_wait3A_178 = tpu.memref_slice %arg8[%run_scoped3A_163, %dma_wait3A_176, %dma_wait3A_177] : memref<8x128x64xf32, #tpu.memory_space<vmem>> -> memref<1x128x64xf32, #tpu.memory_space<vmem>>
        %dma_wait3A_179 = tpu.memref_squeeze %dma_wait3A_178 : memref<1x128x64xf32, #tpu.memory_space<vmem>> -> memref<128x64xf32, #tpu.memory_space<vmem>>
        %dma_wait3A_180 = arith.constant 0 : i32
        %dma_wait3A_181 = tpu.memref_slice %arg7[%run_scoped3A_164, %dma_wait3A_180] : memref<79x128xi32, #tpu.memory_space<vmem>> -> memref<1x128xi32, #tpu.memory_space<vmem>>
        %dma_wait3A_182 = tpu.memref_squeeze %dma_wait3A_181 : memref<1x128xi32, #tpu.memory_space<vmem>> -> memref<128xi32, #tpu.memory_space<vmem>>
        %dma_wait3A_183 = arith.constant 0 : i32
        %dma_wait3A_184 = arith.constant 0 : i32
        %dma_wait3A_185 = tpu.memref_slice %arg10[%dma_wait3A_183, %dma_wait3A_184] : memref<10000x64xf32, #tpu.memory_space<vmem_shared>> -> memref<10000x64xf32, #tpu.memory_space<vmem_shared>>
        tpu.wait_indirect_dma semaphore(%run_scoped3A_165 : memref<!tpu.dma_semaphore, #tpu.memory_space<semaphore_mem>>) src(%dma_wait3A_179 : memref<128x64xf32, #tpu.memory_space<vmem>>) dst(%dma_wait3A_185 : memref<10000x64xf32, #tpu.memory_space<vmem_shared>>)
        tpu.yield
      }) : () -> ()
    } else {
    }
    %barrier3A_151 = arith.constant 0 : index
    tpu.barrier barrier_id(%barrier3A_151)
    %lt3A_152 = arith.constant 15 : i32
    %lt3A_153 = arith.cmpi slt, %arg1, %lt3A_152 : i32
    %convert_element_type3A_154 = arith.extui %lt3A_153 : i1 to i32
    %cond3A_155 = arith.constant 0 : i32
    %cond3A_156 = arith.cmpi ne, %convert_element_type3A_154, %cond3A_155 : i32
    scf.if %cond3A_156 {
      %multiple_of3A = tpu.assume_multiple %mul3A_8, 8 : i32
      "tpu.region"() ({
        %run_scoped3A = tpu.sem_alloc : memref<!tpu.dma_semaphore, #tpu.memory_space<semaphore_mem>>
        %dma_start3A_162 = arith.constant 0 : i32
        %dma_start3A_163 = arith.constant 0 : i32
        %dma_start3A_164 = tpu.memref_slice %arg5[%arg0, %dma_start3A_162, %dma_start3A_163] : memref<2x10000x64xf32, #tpu.memory_space<hbm>> -> memref<1x10000x64xf32, #tpu.memory_space<hbm>>
        %dma_start3A_165 = tpu.memref_squeeze %dma_start3A_164 : memref<1x10000x64xf32, #tpu.memory_space<hbm>> -> memref<10000x64xf32, #tpu.memory_space<hbm>>
        %dma_start3A_166 = arith.constant 0 : i32
        %dma_start3A_167 = tpu.memref_slice %dma_start3A_165[%multiple_of3A, %dma_start3A_166] : memref<10000x64xf32, #tpu.memory_space<hbm>> -> memref<640x64xf32, #tpu.memory_space<hbm>>
        %dma_start3A_168 = arith.constant 0 : i32
        %dma_start3A_169 = tpu.memref_slice %arg10[%multiple_of3A, %dma_start3A_168] : memref<10000x64xf32, #tpu.memory_space<vmem_shared>> -> memref<640x64xf32, #tpu.memory_space<vmem_shared>>
        tpu.enqueue_dma source(%dma_start3A_169 : memref<640x64xf32, #tpu.memory_space<vmem_shared>>) target(%dma_start3A_167 : memref<640x64xf32, #tpu.memory_space<hbm>>) target_semaphore(%run_scoped3A : memref<!tpu.dma_semaphore, #tpu.memory_space<semaphore_mem>>)
        %dma_wait3A_170 = arith.constant 0 : i32
        %dma_wait3A_171 = arith.constant 0 : i32
        %dma_wait3A_172 = tpu.memref_slice %arg5[%arg0, %dma_wait3A_170, %dma_wait3A_171] : memref<2x10000x64xf32, #tpu.memory_space<hbm>> -> memref<1x10000x64xf32, #tpu.memory_space<hbm>>
        %dma_wait3A_173 = tpu.memref_squeeze %dma_wait3A_172 : memref<1x10000x64xf32, #tpu.memory_space<hbm>> -> memref<10000x64xf32, #tpu.memory_space<hbm>>
        %dma_wait3A_174 = arith.constant 0 : i32
        %dma_wait3A_175 = tpu.memref_slice %dma_wait3A_173[%multiple_of3A, %dma_wait3A_174] : memref<10000x64xf32, #tpu.memory_space<hbm>> -> memref<640x64xf32, #tpu.memory_space<hbm>>
        %dma_wait3A_176 = arith.constant 0 : i32
        %dma_wait3A_177 = tpu.memref_slice %arg10[%multiple_of3A, %dma_wait3A_176] : memref<10000x64xf32, #tpu.memory_space<vmem_shared>> -> memref<640x64xf32, #tpu.memory_space<vmem_shared>>
        tpu.wait_dma2 semaphore(%run_scoped3A : memref<!tpu.dma_semaphore, #tpu.memory_space<semaphore_mem>>) src(%dma_wait3A_177 : memref<640x64xf32, #tpu.memory_space<vmem_shared>>) dst(%dma_wait3A_175 : memref<640x64xf32, #tpu.memory_space<hbm>>)
        tpu.yield
      }) : () -> ()
    } else {
    }
    %eq3A_157 = arith.constant 15 : i32
    %eq3A_158 = arith.cmpi eq, %arg1, %eq3A_157 : i32
    %convert_element_type3A_159 = arith.extui %eq3A_158 : i1 to i32
    %cond3A_160 = arith.constant 0 : i32
    %cond3A_161 = arith.cmpi ne, %convert_element_type3A_159, %cond3A_160 : i32
    scf.if %cond3A_161 {
      %multiple_of3A = tpu.assume_multiple %mul3A_8, 8 : i32
      "tpu.region"() ({
        %run_scoped3A = tpu.sem_alloc : memref<!tpu.dma_semaphore, #tpu.memory_space<semaphore_mem>>
        %dma_start3A_162 = arith.constant 0 : i32
        %dma_start3A_163 = arith.constant 0 : i32
        %dma_start3A_164 = tpu.memref_slice %arg5[%arg0, %dma_start3A_162, %dma_start3A_163] : memref<2x10000x64xf32, #tpu.memory_space<hbm>> -> memref<1x10000x64xf32, #tpu.memory_space<hbm>>
        %dma_start3A_165 = tpu.memref_squeeze %dma_start3A_164 : memref<1x10000x64xf32, #tpu.memory_space<hbm>> -> memref<10000x64xf32, #tpu.memory_space<hbm>>
        %dma_start3A_166 = arith.constant 0 : i32
        %dma_start3A_167 = tpu.memref_slice %dma_start3A_165[%multiple_of3A, %dma_start3A_166] : memref<10000x64xf32, #tpu.memory_space<hbm>> -> memref<400x64xf32, #tpu.memory_space<hbm>>
        %dma_start3A_168 = arith.constant 0 : i32
        %dma_start3A_169 = tpu.memref_slice %arg10[%multiple_of3A, %dma_start3A_168] : memref<10000x64xf32, #tpu.memory_space<vmem_shared>> -> memref<400x64xf32, #tpu.memory_space<vmem_shared>>
        tpu.enqueue_dma source(%dma_start3A_169 : memref<400x64xf32, #tpu.memory_space<vmem_shared>>) target(%dma_start3A_167 : memref<400x64xf32, #tpu.memory_space<hbm>>) target_semaphore(%run_scoped3A : memref<!tpu.dma_semaphore, #tpu.memory_space<semaphore_mem>>)
        %dma_wait3A_170 = arith.constant 0 : i32
        %dma_wait3A_171 = arith.constant 0 : i32
        %dma_wait3A_172 = tpu.memref_slice %arg5[%arg0, %dma_wait3A_170, %dma_wait3A_171] : memref<2x10000x64xf32, #tpu.memory_space<hbm>> -> memref<1x10000x64xf32, #tpu.memory_space<hbm>>
        %dma_wait3A_173 = tpu.memref_squeeze %dma_wait3A_172 : memref<1x10000x64xf32, #tpu.memory_space<hbm>> -> memref<10000x64xf32, #tpu.memory_space<hbm>>
        %dma_wait3A_174 = arith.constant 0 : i32
        %dma_wait3A_175 = tpu.memref_slice %dma_wait3A_173[%multiple_of3A, %dma_wait3A_174] : memref<10000x64xf32, #tpu.memory_space<hbm>> -> memref<400x64xf32, #tpu.memory_space<hbm>>
        %dma_wait3A_176 = arith.constant 0 : i32
        %dma_wait3A_177 = tpu.memref_slice %arg10[%multiple_of3A, %dma_wait3A_176] : memref<10000x64xf32, #tpu.memory_space<vmem_shared>> -> memref<400x64xf32, #tpu.memory_space<vmem_shared>>
        tpu.wait_dma2 semaphore(%run_scoped3A : memref<!tpu.dma_semaphore, #tpu.memory_space<semaphore_mem>>) src(%dma_wait3A_177 : memref<400x64xf32, #tpu.memory_space<vmem_shared>>) dst(%dma_wait3A_175 : memref<400x64xf32, #tpu.memory_space<hbm>>)
        tpu.yield
      }) : () -> ()
    } else {
    }
    return
  }
}

module attributes {stable_mosaic.version = 14 : i64} {
  func.func @_mm_scale_body(%arg0: memref<2x10000x16xf32, #tpu.memory_space<vmem>>, %arg1: memref<10000x128xf32, #tpu.memory_space<vmem>>, %arg2: memref<128x64xf32, #tpu.memory_space<vmem>>, %arg3: memref<10000x64xf32, #tpu.memory_space<vmem>>, %arg4: memref<10000x1xf32, #tpu.memory_space<vmem>>) attributes {dimension_semantics = [], scalar_prefetch = 0 : i64, scratch_operands = 0 : i64, tpu.core_type = #tpu.core_type<tc>} {
    %get3A = arith.constant 0 : index
    %get3A_0 = arith.constant 0 : index
    %get3A_1 = arith.constant 0 : index
    %get3A_2 = vector.load %arg0[%get3A, %get3A_0, %get3A_1] : memref<2x10000x16xf32, #tpu.memory_space<vmem>>, vector<2x10000x16xf32>
    %slice3A = vector.extract_strided_slice %get3A_2 {offsets = [0, 0, 0], sizes = [1, 10000, 1], strides = [1, 1, 1]} : vector<2x10000x16xf32> to vector<1x10000x1xf32>
    %squeeze3A = vector.shape_cast %slice3A : vector<1x10000x1xf32> to vector<10000xf32>
    %slice3A_3 = vector.extract_strided_slice %get3A_2 {offsets = [1, 0, 0], sizes = [1, 10000, 1], strides = [1, 1, 1]} : vector<2x10000x16xf32> to vector<1x10000x1xf32>
    %squeeze3A_4 = vector.shape_cast %slice3A_3 : vector<1x10000x1xf32> to vector<10000xf32>
    %add3A = arith.addf %squeeze3A, %squeeze3A_4 : vector<10000xf32>
    %add3A_5 = arith.constant 1.000000e+00 : f32
    %add3A_6 = vector.broadcast %add3A_5 : f32 to vector<10000xf32>
    %add3A_7 = arith.addf %add3A, %add3A_6 : vector<10000xf32>
    %rsqrt3A = math.rsqrt %add3A_7 : vector<10000xf32>
    %get3A_8 = arith.constant 0 : index
    %get3A_9 = arith.constant 0 : index
    %get3A_10 = vector.load %arg1[%get3A_8, %get3A_9] : memref<10000x128xf32, #tpu.memory_space<vmem>>, vector<10000x128xf32>
    %get3A_11 = arith.constant 0 : index
    %get3A_12 = arith.constant 0 : index
    %get3A_13 = vector.load %arg2[%get3A_11, %get3A_12] : memref<128x64xf32, #tpu.memory_space<vmem>>, vector<128x64xf32>
    %dot_general3A = arith.constant dense<0.000000e+00> : vector<10000x64xf32>
    %dot_general3A_14 = tpu.matmul %get3A_10, %get3A_13, %dot_general3A {dimension_numbers = #tpu.dot_dimension_numbers<[1], [0], [0], [1], [0, 0, 1, 1], [], []>, transpose_lhs_hint = false} : vector<10000x128xf32>, vector<128x64xf32>, vector<10000x64xf32> -> vector<10000x64xf32>
    %broadcast_in_dim3A = vector.shape_cast %rsqrt3A : vector<10000xf32> to vector<10000x1xf32>
    %mul3A = vector.broadcast %broadcast_in_dim3A : vector<10000x1xf32> to vector<10000x64xf32>
    %mul3A_15 = arith.mulf %dot_general3A_14, %mul3A : vector<10000x64xf32>
    %swap3A = arith.constant 0 : index
    %swap3A_16 = arith.constant 0 : index
    %swap3A_17 = vector.load %arg3[%swap3A, %swap3A_16] : memref<10000x64xf32, #tpu.memory_space<vmem>>, vector<10000x64xf32>
    tpu.vector_store %arg3[%swap3A, %swap3A_16], %mul3A_15 {strides = array<i32>} : memref<10000x64xf32, #tpu.memory_space<vmem>>, vector<10000x64xf32>,
    %broadcast_in_dim3A_18 = vector.shape_cast %rsqrt3A : vector<10000xf32> to vector<10000x1xf32>
    %swap3A_19 = arith.constant 0 : index
    %swap3A_20 = arith.constant 0 : index
    %swap3A_21 = vector.load %arg4[%swap3A_19, %swap3A_20] : memref<10000x1xf32, #tpu.memory_space<vmem>>, vector<10000x1xf32>
    tpu.vector_store %arg4[%swap3A_19, %swap3A_20], %broadcast_in_dim3A_18 {strides = array<i32>} : memref<10000x1xf32, #tpu.memory_space<vmem>>, vector<10000x1xf32>,
    return
  }
}

module attributes {stable_mosaic.version = 14 : i64} {
  func.func @_tc2_body(%arg0: memref<2x10000x64xf32, #tpu.memory_space<vmem>>, %arg1: memref<10000x64xf32, #tpu.memory_space<vmem>>, %arg2: memref<10000x1xf32, #tpu.memory_space<vmem>>, %arg3: memref<1x64xf32, #tpu.memory_space<vmem>>, %arg4: memref<64x64xf32, #tpu.memory_space<vmem>>, %arg5: memref<10000x64xf32, #tpu.memory_space<vmem>>) attributes {dimension_semantics = [], scalar_prefetch = 0 : i64, scratch_operands = 0 : i64, tpu.core_type = #tpu.core_type<tc>} {
    %get3A = arith.constant 0 : index
    %get3A_0 = arith.constant 0 : index
    %get3A_1 = arith.constant 0 : index
    %get3A_2 = vector.load %arg0[%get3A, %get3A_0, %get3A_1] : memref<2x10000x64xf32, #tpu.memory_space<vmem>>, vector<2x10000x64xf32>
    %slice3A = vector.extract_strided_slice %get3A_2 {offsets = [0, 0, 0], sizes = [1, 10000, 64], strides = [1, 1, 1]} : vector<2x10000x64xf32> to vector<1x10000x64xf32>
    %squeeze3A = vector.shape_cast %slice3A : vector<1x10000x64xf32> to vector<10000x64xf32>
    %slice3A_3 = vector.extract_strided_slice %get3A_2 {offsets = [1, 0, 0], sizes = [1, 10000, 64], strides = [1, 1, 1]} : vector<2x10000x64xf32> to vector<1x10000x64xf32>
    %squeeze3A_4 = vector.shape_cast %slice3A_3 : vector<1x10000x64xf32> to vector<10000x64xf32>
    %add3A = arith.addf %squeeze3A, %squeeze3A_4 : vector<10000x64xf32>
    %get3A_5 = arith.constant 0 : index
    %get3A_6 = arith.constant 0 : index
    %get3A_7 = vector.load %arg1[%get3A_5, %get3A_6] : memref<10000x64xf32, #tpu.memory_space<vmem>>, vector<10000x64xf32>
    %add3A_8 = arith.addf %add3A, %get3A_7 : vector<10000x64xf32>
    %get3A_9 = arith.constant 0 : index
    %get3A_10 = arith.constant 0 : index
    %get3A_11 = vector.load %arg2[%get3A_9, %get3A_10] : memref<10000x1xf32, #tpu.memory_space<vmem>>, vector<10000x1xf32>
    %mul3A = vector.broadcast %get3A_11 : vector<10000x1xf32> to vector<10000x64xf32>
    %mul3A_12 = arith.mulf %mul3A, %add3A_8 : vector<10000x64xf32>
    %get3A_13 = arith.constant 0 : index
    %get3A_14 = arith.constant 0 : index
    %get3A_15 = vector.load %arg3[%get3A_13, %get3A_14] : memref<1x64xf32, #tpu.memory_space<vmem>>, vector<1x64xf32>
    %add3A_16 = vector.broadcast %get3A_15 : vector<1x64xf32> to vector<10000x64xf32>
    %add3A_17 = arith.addf %mul3A_12, %add3A_16 : vector<10000x64xf32>
    %max3A = arith.constant 0.000000e+00 : f32
    %max3A_18 = vector.broadcast %max3A : f32 to vector<10000x64xf32>
    %max3A_19 = arith.maximumf %add3A_17, %max3A_18 : vector<10000x64xf32>
    %get3A_20 = arith.constant 0 : index
    %get3A_21 = arith.constant 0 : index
    %get3A_22 = vector.load %arg4[%get3A_20, %get3A_21] : memref<64x64xf32, #tpu.memory_space<vmem>>, vector<64x64xf32>
    %dot_general3A = arith.constant dense<0.000000e+00> : vector<10000x64xf32>
    %dot_general3A_23 = tpu.matmul %max3A_19, %get3A_22, %dot_general3A {dimension_numbers = #tpu.dot_dimension_numbers<[1], [0], [0], [1], [0, 0, 1, 1], [], []>, transpose_lhs_hint = false} : vector<10000x64xf32>, vector<64x64xf32>, vector<10000x64xf32> -> vector<10000x64xf32>
    %mul3A_24 = vector.broadcast %get3A_11 : vector<10000x1xf32> to vector<10000x64xf32>
    %mul3A_25 = arith.mulf %dot_general3A_23, %mul3A_24 : vector<10000x64xf32>
    %swap3A = arith.constant 0 : index
    %swap3A_26 = arith.constant 0 : index
    %swap3A_27 = vector.load %arg5[%swap3A, %swap3A_26] : memref<10000x64xf32, #tpu.memory_space<vmem>>, vector<10000x64xf32>
    tpu.vector_store %arg5[%swap3A, %swap3A_26], %mul3A_25 {strides = array<i32>} : memref<10000x64xf32, #tpu.memory_space<vmem>>, vector<10000x64xf32>,
    return
  }
}

module attributes {stable_mosaic.version = 14 : i64} {
  func.func @_tc3_body(%arg0: memref<2x10000x64xf32, #tpu.memory_space<vmem>>, %arg1: memref<10000x64xf32, #tpu.memory_space<vmem>>, %arg2: memref<10000x1xf32, #tpu.memory_space<vmem>>, %arg3: memref<1x64xf32, #tpu.memory_space<vmem>>, %arg4: memref<10000x64xf32, #tpu.memory_space<vmem>>) attributes {dimension_semantics = [], scalar_prefetch = 0 : i64, scratch_operands = 0 : i64, tpu.core_type = #tpu.core_type<tc>} {
    %get3A = arith.constant 0 : index
    %get3A_0 = arith.constant 0 : index
    %get3A_1 = arith.constant 0 : index
    %get3A_2 = vector.load %arg0[%get3A, %get3A_0, %get3A_1] : memref<2x10000x64xf32, #tpu.memory_space<vmem>>, vector<2x10000x64xf32>
    %slice3A = vector.extract_strided_slice %get3A_2 {offsets = [0, 0, 0], sizes = [1, 10000, 64], strides = [1, 1, 1]} : vector<2x10000x64xf32> to vector<1x10000x64xf32>
    %squeeze3A = vector.shape_cast %slice3A : vector<1x10000x64xf32> to vector<10000x64xf32>
    %slice3A_3 = vector.extract_strided_slice %get3A_2 {offsets = [1, 0, 0], sizes = [1, 10000, 64], strides = [1, 1, 1]} : vector<2x10000x64xf32> to vector<1x10000x64xf32>
    %squeeze3A_4 = vector.shape_cast %slice3A_3 : vector<1x10000x64xf32> to vector<10000x64xf32>
    %add3A = arith.addf %squeeze3A, %squeeze3A_4 : vector<10000x64xf32>
    %get3A_5 = arith.constant 0 : index
    %get3A_6 = arith.constant 0 : index
    %get3A_7 = vector.load %arg1[%get3A_5, %get3A_6] : memref<10000x64xf32, #tpu.memory_space<vmem>>, vector<10000x64xf32>
    %add3A_8 = arith.addf %add3A, %get3A_7 : vector<10000x64xf32>
    %get3A_9 = arith.constant 0 : index
    %get3A_10 = arith.constant 0 : index
    %get3A_11 = vector.load %arg2[%get3A_9, %get3A_10] : memref<10000x1xf32, #tpu.memory_space<vmem>>, vector<10000x1xf32>
    %mul3A = vector.broadcast %get3A_11 : vector<10000x1xf32> to vector<10000x64xf32>
    %mul3A_12 = arith.mulf %mul3A, %add3A_8 : vector<10000x64xf32>
    %get3A_13 = arith.constant 0 : index
    %get3A_14 = arith.constant 0 : index
    %get3A_15 = vector.load %arg3[%get3A_13, %get3A_14] : memref<1x64xf32, #tpu.memory_space<vmem>>, vector<1x64xf32>
    %add3A_16 = vector.broadcast %get3A_15 : vector<1x64xf32> to vector<10000x64xf32>
    %add3A_17 = arith.addf %mul3A_12, %add3A_16 : vector<10000x64xf32>
    %swap3A = arith.constant 0 : index
    %swap3A_18 = arith.constant 0 : index
    %swap3A_19 = vector.load %arg4[%swap3A, %swap3A_18] : memref<10000x64xf32, #tpu.memory_space<vmem>>, vector<10000x64xf32>
    tpu.vector_store %arg4[%swap3A, %swap3A_18], %add3A_17 {strides = array<i32>} : memref<10000x64xf32, #tpu.memory_space<vmem>>, vector<10000x64xf32>,
    return
  }
}

</mosaic_0001>

<sc_bundles>
// kernel: kernel.11.cloned.1.call-start
scs
__scs_entry_jumppad:
0x0: {  	(pc) =	sbr.rel $0x88, $3  }
0x1: {  	(tag) =	ssettag $0x0;
	lr =	simm.s32 $0x1  }
0x2: {  	[smem:$0x3F9B] =	sst lr;
	_ =	strace $0xD0000000  }
0x3: {  	_ = 	snop  }
0x4: {  	_ = 	snop  }
0x5: {  	_ = 	snop  }
0x6: {  	_ = 	snop  }
0x7: {  	_ = 	snop  }
__scs_overlays_trampoline_lowered:
0x8: {  	[smem:$0x3FAA] =	sst s0  }
0x9: {  	[smem:$0x3FAB] =	sst s1  }
0xa: {  	[smem:$0x3FAC] =	sst s2  }
0xb: {  	[smem:$0x3FAD] =	sst s3  }
0xc: {  	[smem:$0x3FAE] =	sst s4  }
0xd: {  	[smem:$0x3FAF] =	sst s5  }
0xe: {  	[smem:$0x3FB0] =	sst s6  }
0xf: {  	[smem:$0x3FB1] =	sst s7  }
0x10: {  	[smem:$0x3FB2] =	sst s8  }
0x11: {  	[smem:$0x3FB3] =	sst s9;
	s0 =	simm.s32 @!p0 $0x0  }
0x12: {  	s1 =	sld [smem:$0x3F99];
	s0 =	simm.s32 @p0 $0x1  }
0x13: {  	[smem:$0x3FB4] =	sst s0;
	s0 =	simm.s32 @!p1 $0x0  }
0x14: {  	s2 =	sld [smem:$0x3F98];
	s0 =	simm.s32 @p1 $0x1  }
0x15: {  	[smem:$0x3FB5] =	sst s0;
	s0 =	simm.s32 @!p2 $0x0  }
0x16: {  	s3 =	sld [smem:$0x3FDB];
	s0 =	simm.s32 @p2 $0x1  }
0x17: {  	s4 =	simm.s32 $0x1BF5;
	[smem:$0x3FB7] =	sst s0  }
0x18: {  	s0 =	sld [smem:$0x3F9A];
	_ =	swait.ge [sflag:s4], $0x0  }
0x19: {  	s7 =	sld [smem:$0x3F9B]  }
0x1a: {  	s8 =	sadd.s32 $0xFFFFE003, lr  }
0x1b: {  	s9 =	sadd.s32 $0xFFFFFEF7, lr;
	s5 =	simm.s32 $0xFFFFFFFF;
	p2 =	slt.u32 s8, $0xFFFFF086  }
0x1c: {  	p1 =	slt.u32 s9, $0xF7A;
	s5 =	simm.s32 @!p2 $0x0  }
0x1d: {  	s5 =	simm.s32 @p1 $0x1;
	p0 =	seq.s32 s7, s2  }
0x1e: {  	s7 =	smul.u32 @!p0 $0xF7A, s2;
	p2 =	seq.s32 @!p0 s5, $0x0  }
0x1f: {  	s9 =	smul.u32 $0xF7A, s1;
	s8 =	simm.s32 @!p0 $0x1BF5;
	p2 =	por !p2, p0  }
0x20: {  	[sflag:s8] =	ssyncset.s32 @!p0 $0xFFFFF086;
	s6 =	sadd.s32 @!p0 s3, s7;
	s7 =	simm.s32 @!p0 $0x108  }
0x21: {  	s3 =	sadd.s32 s3, s9;
	s6 =	sadd.s32 @!p0 $0x88, s6;
	s7 =	simm.s32 @p2 $0x1082  }
0x22: {  	[simem:s7], [sflag:s8] =	dma.local @!p0 [hbm:s6], $0xF7A  }
0x23: {  	s9 =	sor.u32 $0xD0000000, s2;
	s6 =	simm.s32 $0x108;
	_ =	swait.ge @!p0 [sflag:s8], $0x0  }
0x24: {  	s3 =	sadd.s32 $0x88, s3;
	s6 =	simm.s32 @!p1 $0x1082;
	[sflag:s4] =	ssyncset.s32 $0xFFFFF086  }
0x25: {  	[simem:s6], [sflag:s4] =	dma.local [hbm:s3], $0xF7A  }
0x26: {  	[smem:$0x3F9B] =	sst s1;
	(tag) =	ssettag s2;
	_ =	strace s9  }
0x27: {  	s1 =	sld [smem:$0x3FAB]  }
0x28: {  	s2 =	sld [smem:$0x3FAC]  }
0x29: {  	s4 =	sld [smem:$0x3FAE]  }
0x2a: {  	p0 =	seq.s32 s5, $0x0;
	s5 =	sld [smem:$0x3FAF]  }
0x2b: {  	s6 =	sld [smem:$0x3FB0]  }
0x2c: {  	s7 =	sld [smem:$0x3FB1]  }
0x2d: {  	s3 =	simm.s32 $0x108;
	s8 =	sld [smem:$0x3FB2]  }
0x2e: {  	s3 =	simm.s32 @!p0 $0x1082;
	s9 =	sld [smem:$0x3FB3]  }
0x2f: {  	lr =	sadd.s32 s0, s3;
	s0 =	sld [smem:$0x3FAA]  }
0x30: {  	s3 =	sld [smem:$0x3FAD]  }
0x31: {  	[smem:$0x3FB6] =	sst s10  }
0x32: {  	s10 =	sld [smem:$0x3FB4];
	_ =	sdelay $0x3  }
0x33: {  	p0 =	seq.s32 s10, $0x1;
	s10 =	sld [smem:$0x3FB6];
	_ =	sdelay $0x3  }
0x34: {  	[smem:$0x3FB6] =	sst s10  }
0x35: {  	s10 =	sld [smem:$0x3FB5];
	_ =	sdelay $0x3  }
0x36: {  	p1 =	seq.s32 s10, $0x1;
	s10 =	sld [smem:$0x3FB6];
	_ =	sdelay $0x3  }
0x37: {  	[smem:$0x3FB6] =	sst s10  }
0x38: {  	s10 =	sld [smem:$0x3FB7]  }
0x39: {  	_ = 	snop;
	(pc) =	sbr.ind lr, $3  }
0x3a: {  	_ = 	snop  }
0x3b: {  	_ = 	snop  }
0x3c: {  	p2 =	seq.s32 s10, $0x1;
	s10 =	sld [smem:$0x3FB6]  }
0x3d: {  	_ =	shalt  }
0x3e: {  	_ =	shalt  }
0x3f: {  	_ =	shalt  }
0x40: {  	_ =	shalt  }
0x41: {  	_ =	shalt  }
0x42: {  	_ =	shalt  }
0x43: {  	_ =	shalt  }
0x44: {  	_ =	shalt  }
0x45: {  	_ =	shalt  }
0x46: {  	_ =	shalt  }
0x47: {  	_ =	shalt  }
0x48: {  	_ =	shalt  }
0x49: {  	_ =	shalt  }
0x4a: {  	_ =	shalt  }
0x4b: {  	_ =	shalt  }
0x4c: {  	_ =	shalt  }
0x4d: {  	_ =	shalt  }
0x4e: {  	_ =	shalt  }
0x4f: {  	_ =	shalt  }
0x50: {  	_ =	shalt  }
0x51: {  	_ =	shalt  }
0x52: {  	_ =	shalt  }
0x53: {  	_ =	shalt  }
0x54: {  	_ =	shalt  }
0x55: {  	_ =	shalt  }
0x56: {  	_ =	shalt  }
0x57: {  	_ =	shalt  }
0x58: {  	_ =	shalt  }
0x59: {  	_ =	shalt  }
0x5a: {  	_ =	shalt  }
0x5b: {  	_ =	shalt  }
0x5c: {  	_ =	shalt  }
0x5d: {  	_ =	shalt  }
0x5e: {  	_ =	shalt  }
0x5f: {  	_ =	shalt  }
0x60: {  	_ =	shalt  }
0x61: {  	_ =	shalt  }
0x62: {  	_ =	shalt  }
0x63: {  	_ =	shalt  }
0x64: {  	_ =	shalt  }
0x65: {  	_ =	shalt  }
0x66: {  	_ =	shalt  }
0x67: {  	_ =	shalt  }
0x68: {  	_ =	shalt  }
0x69: {  	_ =	shalt  }
0x6a: {  	_ =	shalt  }
0x6b: {  	_ =	shalt  }
0x6c: {  	_ =	shalt  }
0x6d: {  	_ =	shalt  }
0x6e: {  	_ =	shalt  }
0x6f: {  	_ =	shalt  }
0x70: {  	_ =	shalt  }
0x71: {  	_ =	shalt  }
0x72: {  	_ =	shalt  }
0x73: {  	_ =	shalt  }
0x74: {  	_ =	shalt  }
0x75: {  	_ =	shalt  }
0x76: {  	_ =	shalt  }
0x77: {  	_ =	shalt  }
0x78: {  	_ =	shalt  }
0x79: {  	_ =	shalt  }
0x7a: {  	_ =	shalt  }
0x7b: {  	_ =	shalt  }
0x7c: {  	_ =	shalt  }
0x7d: {  	_ =	shalt  }
0x7e: {  	_ =	shalt  }
0x7f: {  	_ =	shalt  }
0x80: {  	_ =	shalt  }
0x81: {  	_ =	shalt  }
0x82: {  	_ =	shalt  }
0x83: {  	_ =	shalt  }
0x84: {  	_ =	shalt  }
0x85: {  	_ =	shalt  }
0x86: {  	_ =	shalt  }
0x87: {  	_ =	shalt  }
.Lfunc_end0:
.L_simem_size_0:
called_computation.1_lowered:
.L_overlay_start_0:
0x88: {  	s2 =	sld [smem:$0x3FD9]  }
0x89: {  	s3 =	sld [smem:$0x3FFE];
	_ =	sdelay $0x1  }
0x8a: {  	s1 =	srdreg.scid  }
0x8b: {  	s0 =	sand.u32 $0x1, s1  }
0x8c: {  	s17 =	sshll.u32 s0, $0xA;
	s2 =	sadd.s32 s3, s2  }
0x8d: {  	s2 =	sadd.s32 s2, s17  }
0x8e: {  	[smem:$0x3FC2] =	sst s2  }
0x8f: {  	_ = 	snop  }
0x90: {  	s2 =	sld [smem:$0x3FD0];
	(tm) =	ssettm $0x1  }
0x91: {  	s18 =	sld [smem:$0x3FFB];
	_ =	sdelay $0x3  }
0x92: {  	_ =	strace s18  }
0x93: {  	s3 =	sld [smem:$0x3FFC];
	_ =	sdelay $0x3  }
0x94: {  	_ =	strace s3  }
0x95: {  	s3 =	sld [smem:$0x3FFD];
	_ =	sdelay $0x3  }
0x96: {  	_ =	strace s3  }
0x97: {  	_ =	strace $0x8FFFFFFF  }
0x98: {  	s19 =	sld [smem:$0x3FDB];
	_ =	sdelay $0x1  }
0x99: {  	s4 =	simm.s32 $_scs_section_size  }
0x9a: {  	s5 =	simm.s32 $_size__tile_overlayer_lowered;
	s6 =	simm.s32 $_tile_overlayer_lowered  }
0x9b: {  	s22 =	simm.s32 $0x1BFF;
	s21 =	sshll.u32 s6, $0x1;
	s3 =	sadd.s32 s4, s19  }
0x9c: {  	s7 =	simm.s32 $0x0;
	s20 =	sshll.u32 s5, $0x1;
	s5 =	sadd.s32 s21, s3  }
0x9d: {  	[timem:s7], [sflag:s22] =	dma.local [hbm:s5], s20  }
0x9e: {  	_ =	swait.ge [sflag:s22], s20  }
0x9f: {  	s4 =	ssub.s32 $0x0, s20;
	[sflag:s22] =	ssyncset.done $0x0  }
0xa0: {  	[sflag:s22] =	ssyncadd.s32 s4;
	_ =	sdelay $0x1  }
0xa1: {  	s23 =	simm.s32 $0x1B8B  }
0xa2: {  	_ =	swait.ge [sflag:s23], $0x1  }
0xa3: {  	[sflag:s23] =	ssyncset.done $0x0  }
0xa4: {  	s25 =	simm.s32 $0x1B8E;
	s24 =	sld [smem:$0x3FFE];
	[sflag:s23] =	ssyncadd.s32 $0xFFFFFFFF  }
0xa5: {  	s26 =	simm.s32 $execute0_lowered;
	[smem:$0x3FD2] =	sst s25  }
0xa6: {  	s5 =	sshll.u32 s26, $0x1;
	_ =	strace $0x80000049;
	[dreg:$0x1] =	wrdreg $0xFFFFFFFF  }
0xa7: {  	s28 =	simm.s32 $_size_execute0_lowered;
	s3 =	sadd.s32 s3, s5;
	[dreg:$0x0] =	wrdreg $0x0  }
0xa8: {  	s5 =	sshll.u32 s28, $0x1;
	[dreg:$0x2] =	wrdreg s3  }
0xa9: {  	[dreg:$0x3] =	wrdreg s5  }
0xaa: {  	[dreg:$0x4] =	wrdreg $0xC0  }
0xab: {  	_ =	task [dreg:s7], $0x5FFFF  }
0xac: {  	[dreg:$0x1] =	wrdreg $0xFFFFFFFF  }
0xad: {  	[dreg:$0x0] =	wrdreg $0x60  }
0xae: {  	[dreg:$0x2] =	wrdreg s2  }
0xaf: {  	[dreg:$0x3] =	wrdreg s24  }
0xb0: {  	[dreg:$0x4] =	wrdreg $0x163000  }
0xb1: {  	[dreg:$0x5] =	wrdreg $0x9  }
0xb2: {  	_ =	task.clear_ibuf [dreg:s7], $0x6FFFF;
	_ =	strace $0x90000049  }
0xb3: {  	s29 =	simm.s32 $0x9;
	_ =	strace $0x8000004B  }
0xb4: {  	_ =	swait.ge [sflag:s29], $0x1  }
0xb5: {  	[sflag:s29] =	ssyncadd.s32 $0xFFFFFFFF  }
0xb6: {  	_ =	strace $0x9000004B  }
0xb7: {  	_ =	sfence  }
0xb8: {  	s30 =	sld [smem:$0x0];
	_ =	sdelay $0x2  }
0xb9: {  	s31 =	sshll.u32 s1, $0xD;
	s1 =	sshrl.u32 s1, $0x2  }
0xba: {  	s3 =	sand.u32 $0x4000, s31;
	s1 =	sadd.s32 s1, s30  }
0xbb: {  	s0 =	sor.u32 s3, s0;
	s1 =	sshll.u32 s1, $0x11  }
0xbc: {  	s0 =	sor.u32 s1, s0  }
0xbd: {  	s0 =	sadd.s32 $0x8F2B, s0  }
0xbe: {  	[sflag:s0] =	ssyncadd.remote.s32 $0x1  }
0xbf: {  	_ =	sfence.sel $0xFFFF  }
0xc0: {  	[dreg:$0x0] =	wrdreg $0xFFFFFFFF;
	(pc) =	sbr.abs _section_cstart, $3  }
0xc1: {  	[dreg:$0x1] =	wrdreg $0xFFFFFFFF  }
0xc2: {  	_ =	task.clear_ibuf [dreg:s7], $0x2FFFF;
	_ =	strace $0x9FFFFFFF  }
0xc3: {  	(tm) =	ssettm $0x7FFFFFFF  }
tec
execute0_lowered:
.L_overlay_start_1:
0x0: {  	(tag) =	ssettag $0x1  }
0x1: {  	s1 =	rddreg [dreg:$0x0]  }
0x2: {  	s0 =	rddreg [dreg:$0x1]  }
0x3: {  	s2 =	rddreg [dreg:$0x2]  }
0x4: {  	s3 =	simm.s32 $0x0;
	s20 =	srdreg.scid;
	s14 =	stileid.u32  }
0x5: {  	s13 =	simm.s32 $0x14F00;
	s15 =	simm.s32 $0x2;
	s16 =	simm.s32 $0x80  }
0x6: {  	s17 =	simm.s32 $0x4F00;
	s18 =	simm.s32 $0x6F00;
	s28 =	simm.s32 $0xCF00  }
0x7: {  	s29 =	simm.s32 $0xEF00;
	s30 =	simm.s32 $0x10F00;
	s31 =	simm.s32 $0x12F00  }
0x8: {  	[smem:$0x7FF] =	sst s3;
	s3 =	sand.u32 $0x1, s20;
	s4 =	sadd.s32 $0x1600, s0  }
0x9: {  	s6 =	sshll.u32 s14, $0x1;
	s9 =	sadd.s32 $0xB400, s0;
	s11 =	smul.u32 $0xA000, s14  }
0xa: {  	p0 =	seq.s32 s14, $0xF;
	s22 =	smul.u32 $0x28000, s14;
	s23 =	sadd.s32 $0x96000, s2  }
0xb: {  	p1 =	sgt.u32 s14, $0x1;
	s14 =	simm.s32 $0x3;
	s20 =	simm.s32 $0x8F00  }
0xc: {  	s5 =	smul.u32 $0x13880, s3;
	s7 =	ssub.s32 $0x2, s3;
	s3 =	sor.u32 s3, s6  }
0xd: {  	_ =	strace $0x8000004A;
	s21 =	sshrl.u32 s7, $0x1;
	s8 =	smul.u32 $0x4E0, s3  }
0xe: {  	s3 =	sshll.u32 s3, $0x4;
	s24 =	sshrl.u32 s11, $0x3;
	s19 =	sadd.s32 s11, s2  }
0xf: {  	s0 =	sadd.s32 s5, s0;
	s10 =	ssub.s32 s7, s21;
	s5 =	simm.s32 $0x5  }
0x10: {  	s3 =	sor.u32 $0x9C00, s3;
	s26 =	sshrl.u32 s19, $0x3;
	s5 =	simm.s32 @!p0 $0x8  }
0x11: {  	s6 =	sadd.s32 s4, s8;
	s7 =	sadd.s32 s9, s8;
	s8 =	sadd.s32 s4, s3  }
.Ltmp0:
0x12: {  	s9 =	sadd.s32 s9, s3;
	s21 =	sadd.s32 $0x15200, s0;
	(pc) =	sbr.rel .LBB2_1-.Ltmp0, $4  }
0x13: {  	s11 =	smax.u32 s10, $0x1;
	s3 =	sshrl.u32 s22, $0x2;
	[dreg:$0x6] =	wrdreg s26  }
0x14: {  	s22 =	simm.s32 $0xAF00;
	s0 =	sshrl.u32 s23, $0x3;
	[dreg:$0x4] =	wrdreg s21  }
0x15: {  	s26 =	simm.s32 $0x1;
	s25 =	sadd.s32 s24, s21;
	[dreg:$0x7] =	wrdreg s0  }
0x16: {  	v0 =	vimm.f32 $0.0e+00;
	s12 =	sadd.s32 s3, s2;
	s0 =	simm.s32 $0x0;
	[dreg:$0x5] =	wrdreg s25  }
.LBB2_18:
0x17: {  	s3 =	rddreg [dreg:$0x4]  }
0x18: {  	s4 =	rddreg [dreg:$0x7];
	s10 =	simm.s32 $0x1FC3;
	s3 =	sadd.s32 $0x12C00, s3  }
0x19: {  	[hbm:s3], [sflag:s10] =	dma.local [spmem:s4], $0xC80  }
0x1a: {  	_ =	swait.ge [sflag:s14], $0xC80  }
0x1b: {  	[sflag:s14] =	ssyncset.done $0x0  }
0x1c: {  	[sflag:s14] =	ssyncadd.s32 $0xFFFFF380  }
.LBB2_19:
0x1d: {  	s0 =	sadd.s32 $0x1, s0  }
0x1e: {  	p2 =	sne.s32 s0, s11  }
.Ltmp1:
0x1f: {  	_ = 	snop;
	(pc) =	sbr.rel @!p2 .LBB2_20-.Ltmp1, $1  }
0x20: {  	_ =	sdelay $0x3  }
.LBB2_1:
0x21: {  	s4 =	simm.s32 $0x100;
	s3 =	simm.s32 $0x0  }
.LBB2_2:
0x22: {  	p2 =	sne.s32 s4, $0x4F00;
	[tilespmem:s3+$0x14F30] =	vst v0;
	s10 =	smov.u32 s4;
	s4 =	sadd.s32 $0x100, s4  }
.Ltmp2:
0x23: {  	[tilespmem:s3+$0x14F20] =	vst v0;
	(pc) =	sbr.rel @p2 .LBB2_2-.Ltmp2, $3  }
0x24: {  	[tilespmem:s3+$0x14F00] =	vst v0  }
0x25: {  	[tilespmem:s3+$0x14F10] =	vst v0;
	_ =	sdelay $0x1  }
0x26: {  	s3 =	sshra.s32 s10, $0x2  }
0x27: {  	p2 =	sne.s32 s5, $0x1  }
.Ltmp3:
0x28: {  	[tilespmem:s3+$0x14F30] =	vst v0;
	(pc) =	sbr.rel @!p2 .LBB2_5-.Ltmp3, $4  }
0x29: {  	[tilespmem:s3+$0x14F20] =	vst v0  }
0x2a: {  	[tilespmem:s3+$0x14F00] =	vst v0  }
0x2b: {  	[tilespmem:s3+$0x14F10] =	vst v0;
	s3 =	sadd.s32 $0xFFFFFFFF, s5;
	s4 =	smov.u32 s12  }
0x2c: {  	[spmem:s12] =	stream.linear.scatter [tilespmem:s13], [sflag:$0x2], $0x1400, $0x38;
	[tilespmem:$0x1FF40] =	vst v63  }
.LBB2_4:
0x2d: {  	p3 =	sne.s32 s3, $0x1  }
.Ltmp4:
0x2e: {  	_ = 	snop;
	(pc) =	sbr.rel @p3 .LBB2_4-.Ltmp4, $3  }
0x2f: {  	_ = 	snop  }
0x30: {  	s3 =	sadd.s32 $0xFFFFFFFF, s3;
	s4 =	sadd.s32 $0x1400, s4;
	_ =	sdelay $0x1  }
0x31: {  	[spmem:s4] =	stream.linear.scatter [tilespmem:s13], [sflag:$0x2], $0x1400, $0x38;
	[tilespmem:$0x1FF40] =	vst v63  }
.LBB2_5:
0x32: {  	s3 =	simm.s32 $0x0  }
0x33: {  	[tilespmem:s3], [sflag:$0x3] =	stream.linear.gather [hbm4b:s6+s3], $0x2700, $0x38;
	[tilespmem:$0x1FF40] =	vst v63  }
0x34: {  	_ =	swait.ge [sflag:s14], $0x2700  }
0x35: {  	[sflag:s14] =	ssyncset.done $0x0  }
0x36: {  	s4 =	simm.s32 @p1 $0x2780;
	s3 =	simm.s32 @p1 $0x0;
	[sflag:s14] =	ssyncadd.s32 $0xFFFFD900  }
0x37: {  	[tilespmem:s4], [sflag:$0x3] =	stream.linear.gather @p1 [hbm4b:s7+s3], $0x2700, $0x38;
	[tilespmem:$0x1FF40] =	vst v63  }
0x38: {  	s3 =	simm.s32 @p1 $0x3  }
0x39: {  	_ =	swait.ge @p1 [sflag:s3], $0x2700  }
0x3a: {  	[sflag:s3] =	ssyncset.done @p1 $0x0  }
0x3b: {  	s4 =	simm.s32 @!p1 $0x2700;
	[sflag:s3] =	ssyncadd.s32 @p1 $0xFFFFD900;
	s3 =	simm.s32 @!p1 $0x0  }
0x3c: {  	[tilespmem:s4], [sflag:$0x3] =	stream.linear.gather @!p1 [hbm4b:s8+s3], $0x80, $0x38;
	[tilespmem:$0x1FF40] =	vst v63  }
0x3d: {  	s4 =	simm.s32 @!p1 $0x3  }
0x3e: {  	_ =	swait.ge @!p1 [sflag:s4], $0x80  }
0x3f: {  	[sflag:s4] =	ssyncset.done @!p1 $0x0  }
0x40: {  	s10 =	simm.s32 @!p1 $0x2780;
	[sflag:s4] =	ssyncadd.s32 @!p1 $0xFFFFFF80  }
0x41: {  	[tilespmem:s10], [sflag:$0x3] =	stream.linear.gather @!p1 [hbm4b:s7+s3], $0x2700, $0x38;
	[tilespmem:$0x1FF40] =	vst v63  }
0x42: {  	_ =	swait.ge @!p1 [sflag:s4], $0x2700  }
0x43: {  	[sflag:s4] =	ssyncset.done @!p1 $0x0  }
0x44: {  	s10 =	simm.s32 @!p1 $0x4E80;
	[sflag:s4] =	ssyncadd.s32 @!p1 $0xFFFFD900  }
0x45: {  	[tilespmem:s10], [sflag:$0x3] =	stream.linear.gather @!p1 [hbm4b:s9+s3], $0x80, $0x38;
	[tilespmem:$0x1FF40] =	vst v63  }
.Ltmp5:
0x46: {  	_ =	swait.ge @!p1 [sflag:s4], $0x80;
	(pc) =	sbr.rel @!p2 .LBB2_7-.Ltmp5, $4  }
0x47: {  	[sflag:s4] =	ssyncset.done @!p1 $0x0  }
0x48: {  	[sflag:s4] =	ssyncadd.s32 @!p1 $0xFFFFFF80  }
0x49: {  	_ =	swait.ge [sflag:s15], $0x1400  }
0x4a: {  	s3 =	sadd.s32 $0xFFFFFFFF, s5;
	[sflag:s15] =	ssyncset.done $0x0  }
.LBB2_6:
0x4b: {  	p2 =	sne.s32 s3, $0x1;
	s3 =	sadd.s32 $0xFFFFFFFF, s3;
	[sflag:s15] =	ssyncadd.s32 $0xFFFFEC00  }
.Ltmp6:
0x4c: {  	(pc) =	sbr.rel @p2 .LBB2_6-.Ltmp6, $3  }
0x4d: {  	_ =	sdelay $0x1  }
0x4e: {  	_ =	swait.ge [sflag:s15], $0x1400  }
0x4f: {  	[sflag:s15] =	ssyncset.done $0x0  }
.LBB2_7:
0x50: {  	[sflag:s15] =	ssyncadd.s32 $0xFFFFEC00  }
0x51: {  	s25 =	simm.s32 $0x0;
	[bflag:$0x0] =	sbarrier.arrive $0xFFFF  }
0x52: {  	[tilespmem:s17], [sflag:$0x1] =	stream.indirect.gather [hbm4b:s1+s16], $0x40, s25, s16, $0xb8;
	[tilespmem:$0x1FF40] =	vst v63  }
0x53: {  	_ = 	snop  }
0x54: {  	[tilespmem:s18], [sflag:$0x1] =	stream.indirect.gather [hbm4b:s1+s16], $0x40, s16, s16, $0xb8;
	[tilespmem:$0x1FF40] =	vst v63  }
0x55: {  	s3 =	simm.s32 $0x100  }
0x56: {  	[tilespmem:s20], [sflag:$0x1] =	stream.indirect.gather [hbm4b:s1+s16], $0x40, s3, s16, $0xb8;
	[tilespmem:$0x1FF40] =	vst v63  }
0x57: {  	s24 =	simm.s32 $0x180;
	s10 =	simm.s32 $0x7  }
0x58: {  	[tilespmem:s22], [sflag:$0x1] =	stream.indirect.gather [hbm4b:s1+s16], $0x40, s24, s16, $0xb8;
	[tilespmem:$0x1FF40] =	vst v63  }
.LBB2_8:
0x59: {  	_ =	swait.ge [sflag:s26], $0x2000  }
0x5a: {  	s4 =	sshra.s32 s25, $0x2;
	p2 =	seq.s32 s25, $0x0;
	[sflag:s26] =	ssyncset.done $0x0  }
0x5b: {  	s3 =	sadd.s32 $0x2780, s4;
	s21 =	simm.s32 @!p2 $0x2;
	[sflag:s26] =	ssyncadd.s32 $0xFFFFE000  }
0x5c: {  	[spmem:s2] =	stream.indirect.scatter.add.f32 [tilespmem:s17], [sflag:$0x2], $0x40, s3, s16, $0xb8;
	[tilespmem:$0x1FF40] =	vst v63  }
0x5d: {  	s3 =	sadd.s32 @!p2 $0x800, s25;
	_ =	swait.ge @!p2 [sflag:s21], $0x2000  }
0x5e: {  	s3 =	simm.s32 @p2 $0x800;
	[sflag:s21] =	ssyncset.done @!p2 $0x0  }
0x5f: {  	s3 =	sshra.s32 s3, $0x2;
	[sflag:s21] =	ssyncadd.s32 @!p2 $0xFFFFE000  }
0x60: {  	[tilespmem:s28], [sflag:$0x1] =	stream.indirect.gather [hbm4b:s1+s16], $0x40, s3, s16, $0xb8;
	[tilespmem:$0x1FF40] =	vst v63  }
0x61: {  	_ =	swait.ge [sflag:s26], $0x2000  }
0x62: {  	[sflag:s26] =	ssyncset.done $0x0  }
0x63: {  	s19 =	sadd.s32 $0x2800, s4;
	[sflag:s26] =	ssyncadd.s32 $0xFFFFE000  }
0x64: {  	[spmem:s2] =	stream.indirect.scatter.add.f32 [tilespmem:s18], [sflag:$0x2], $0x40, s19, s16, $0xb8;
	[tilespmem:$0x1FF40] =	vst v63  }
0x65: {  	s19 =	sadd.s32 @!p2 $0xA00, s25;
	_ =	swait.ge @!p2 [sflag:s21], $0x2000  }
0x66: {  	s19 =	simm.s32 @p2 $0xA00;
	[sflag:s21] =	ssyncset.done @!p2 $0x0  }
0x67: {  	s19 =	sshra.s32 s19, $0x2;
	[sflag:s21] =	ssyncadd.s32 @!p2 $0xFFFFE000  }
0x68: {  	[tilespmem:s29], [sflag:$0x1] =	stream.indirect.gather [hbm4b:s1+s16], $0x40, s19, s16, $0xb8;
	[tilespmem:$0x1FF40] =	vst v63  }
0x69: {  	_ =	swait.ge [sflag:s26], $0x2000  }
0x6a: {  	[sflag:s26] =	ssyncset.done $0x0  }
0x6b: {  	s23 =	sadd.s32 $0x2880, s4;
	[sflag:s26] =	ssyncadd.s32 $0xFFFFE000  }
0x6c: {  	[spmem:s2] =	stream.indirect.scatter.add.f32 [tilespmem:s20], [sflag:$0x2], $0x40, s23, s16, $0xb8;
	[tilespmem:$0x1FF40] =	vst v63  }
0x6d: {  	s23 =	sadd.s32 @!p2 $0xFFFFFFFF, s10  }
0x6e: {  	p3 =	sgt.u32 @!p2 s23, $0x4D  }
0x6f: {  	p3 =	por p2, !p3  }
.Ltmp7:
0x70: {  	_ = 	snop;
	(pc) =	sbr.rel @!p3 .LBB2_10-.Ltmp7, $4  }
0x71: {  	_ = 	snop  }
0x72: {  	_ =	swait.ge @!p2 [sflag:s21], $0x2000  }
0x73: {  	[sflag:s21] =	ssyncset.done @!p2 $0x0  }
0x74: {  	s24 =	simm.s32 @!p2 $0x9600;
	[sflag:s21] =	ssyncadd.s32 @!p2 $0xFFFFE000  }
0x75: {  	s23 =	simm.s32 @p2 $0x6  }
0x76: {  	s23 =	sshll.u32 s23, $0x7  }
0x77: {  	s24 =	sadd.s32 $0x600, s25;
	s23 =	sand.u32 $0x3FFFFF80, s23  }
0x78: {  	[tilespmem:s30], [sflag:$0x1] =	stream.indirect.gather [hbm4b:s1+s16], $0x40, s23, s16, $0xb8;
	[tilespmem:$0x1FF40] =	vst v63  }
.LBB2_10:
0x79: {  	_ =	swait.ge [sflag:s26], $0x2000;
	p3 =	sgt.u32 @!p2 s10, $0x4D  }
0x7a: {  	s23 =	sshra.s32 s24, $0x2;
	[sflag:s26] =	ssyncset.done $0x0;
	p3 =	por p2, !p3  }
.Ltmp8:
0x7b: {  	s23 =	sadd.s32 $0x2780, s23;
	[sflag:s26] =	ssyncadd.s32 $0xFFFFE000;
	(pc) =	sbr.rel @!p3 .LBB2_12-.Ltmp8, $4  }
0x7c: {  	[spmem:s2] =	stream.indirect.scatter.add.f32 [tilespmem:s22], [sflag:$0x2], $0x40, s23, s16, $0xb8;
	[tilespmem:$0x1FF40] =	vst v63  }
0x7d: {  	_ =	swait.ge @!p2 [sflag:s21], $0x2000  }
0x7e: {  	[sflag:s21] =	ssyncset.done @!p2 $0x0  }
0x7f: {  	[sflag:s21] =	ssyncadd.s32 @!p2 $0xFFFFE000  }
0x80: {  	s21 =	smov.u32 s10  }
0x81: {  	s21 =	simm.s32 @p2 $0x7  }
0x82: {  	s21 =	sshll.u32 s21, $0x7  }
0x83: {  	s21 =	sand.u32 $0x3FFFFF80, s21  }
0x84: {  	[tilespmem:s31], [sflag:$0x1] =	stream.indirect.gather [hbm4b:s1+s16], $0x40, s21, s16, $0xb8;
	[tilespmem:$0x1FF40] =	vst v63  }
.LBB2_12:
0x85: {  	_ =	swait.ge [sflag:s26], $0x2000  }
0x86: {  	p2 =	seq.s32 s25, $0x9000;
	[sflag:s26] =	ssyncset.done $0x0  }
.Ltmp9:
0x87: {  	s3 =	sadd.s32 $0x2780, s3;
	[sflag:s26] =	ssyncadd.s32 $0xFFFFE000;
	(pc) =	sbr.rel @p2 .LBB2_14-.Ltmp9, $4  }
0x88: {  	[spmem:s2] =	stream.indirect.scatter.add.f32 [tilespmem:s28], [sflag:$0x2], $0x40, s3, s16, $0xb8;
	[tilespmem:$0x1FF40] =	vst v63  }
0x89: {  	_ =	swait.ge [sflag:s15], $0x2000  }
0x8a: {  	[sflag:s15] =	ssyncset.done $0x0  }
0x8b: {  	s3 =	sadd.s32 $0x2780, s19;
	[sflag:s15] =	ssyncadd.s32 $0xFFFFE000  }
0x8c: {  	s19 =	sadd.s32 $0x400, s4  }
0x8d: {  	[tilespmem:s17], [sflag:$0x1] =	stream.indirect.gather [hbm4b:s1+s16], $0x40, s19, s16, $0xb8;
	[tilespmem:$0x1FF40] =	vst v63  }
0x8e: {  	_ =	swait.ge [sflag:s26], $0x2000  }
0x8f: {  	[sflag:s26] =	ssyncset.done $0x0  }
0x90: {  	[sflag:s26] =	ssyncadd.s32 $0xFFFFE000  }
0x91: {  	[spmem:s2] =	stream.indirect.scatter.add.f32 [tilespmem:s29], [sflag:$0x2], $0x40, s3, s16, $0xb8;
	[tilespmem:$0x1FF40] =	vst v63  }
0x92: {  	s24 =	sadd.s32 $0xFFFFFFFF, s10;
	_ =	swait.ge [sflag:s15], $0x2000  }
0x93: {  	p2 =	sgt.u32 s24, $0x4D;
	[sflag:s15] =	ssyncset.done $0x0  }
0x94: {  	s23 =	sadd.s32 $0x480, s4;
	s3 =	simm.s32 @!p2 $0x1;
	[sflag:s15] =	ssyncadd.s32 $0xFFFFE000  }
0x95: {  	[tilespmem:s18], [sflag:$0x1] =	stream.indirect.gather [hbm4b:s1+s16], $0x40, s23, s16, $0xb8;
	[tilespmem:$0x1FF40] =	vst v63  }
0x96: {  	_ =	swait.ge @!p2 [sflag:s3], $0x2000  }
0x97: {  	s4 =	sshra.s32 @!p2 s25, $0x2;
	s21 =	simm.s32 @!p2 $0x80;
	[sflag:s3] =	ssyncset.done @!p2 $0x0  }
0x98: {  	s19 =	sadd.s32 @!p2 $0x2A80, s4;
	s23 =	simm.s32 @!p2 $0x10F00;
	[sflag:s3] =	ssyncadd.s32 @!p2 $0xFFFFE000  }
0x99: {  	[spmem:s2] =	stream.indirect.scatter.add.f32 @!p2 [tilespmem:s23], [sflag:$0x2], $0x40, s19, s21, $0xb8;
	[tilespmem:$0x1FF40] =	vst v63  }
0x9a: {  	s19 =	simm.s32 @!p2 $0x2  }
0x9b: {  	_ =	swait.ge @!p2 [sflag:s19], $0x2000  }
0x9c: {  	[sflag:s19] =	ssyncset.done @!p2 $0x0  }
0x9d: {  	s24 =	simm.s32 @!p2 $0x8F00;
	s23 =	sadd.s32 @!p2 $0x500, s4;
	[sflag:s19] =	ssyncadd.s32 @!p2 $0xFFFFE000  }
0x9e: {  	[tilespmem:s24], [sflag:$0x1] =	stream.indirect.gather @!p2 [hbm4b:s1+s21], $0x40, s23, s21, $0xb8;
	[tilespmem:$0x1FF40] =	vst v63  }
0x9f: {  	_ =	swait.ge @!p2 [sflag:s3], $0x2000  }
0xa0: {  	[sflag:s3] =	ssyncset.done @!p2 $0x0  }
0xa1: {  	s23 =	simm.s32 @!p2 $0x12F00;
	[sflag:s3] =	ssyncadd.s32 @!p2 $0xFFFFE000;
	s3 =	sadd.s32 @!p2 $0x2B00, s4  }
0xa2: {  	[spmem:s2] =	stream.indirect.scatter.add.f32 @!p2 [tilespmem:s23], [sflag:$0x2], $0x40, s3, s21, $0xb8;
	[tilespmem:$0x1FF40] =	vst v63  }
.Ltmp10:
0xa3: {  	_ = 	snop;
	(pc) =	sbr.rel .LBB2_8-.Ltmp10, $4  }
0xa4: {  	_ =	swait.ge @!p2 [sflag:s19], $0x2000  }
0xa5: {  	s10 =	sadd.s32 $0x8, s10;
	s25 =	sadd.s32 $0x1000, s25;
	[sflag:s19] =	ssyncset.done @!p2 $0x0  }
0xa6: {  	s3 =	sadd.s32 @!p2 $0x580, s4;
	s4 =	simm.s32 @!p2 $0xAF00;
	[sflag:s19] =	ssyncadd.s32 @!p2 $0xFFFFE000  }
0xa7: {  	[tilespmem:s4], [sflag:$0x1] =	stream.indirect.gather @!p2 [hbm4b:s1+s21], $0x40, s3, s21, $0xb8;
	[tilespmem:$0x1FF40] =	vst v63  }
.LBB2_14:
0xa8: {  	_ =	swait.ge [sflag:s26], $0x2000  }
0xa9: {  	[sflag:s26] =	ssyncset.done $0x0  }
0xaa: {  	[sflag:s26] =	ssyncadd.s32 $0xFFFFE000  }
0xab: {  	[spmem:s2] =	stream.indirect.scatter.add.f32 [tilespmem:s29], [sflag:$0x2], $0x40, s3, s16, $0xb8;
	[tilespmem:$0x1FF40] =	vst v63  }
0xac: {  	_ =	swait.ge [sflag:s15], $0x2000  }
0xad: {  	[sflag:s15] =	ssyncset.done $0x0  }
0xae: {  	[sflag:s15] =	ssyncadd.s32 $0xFFFFE000  }
0xaf: {  	_ =	swait.ge [sflag:s15], $0x2000  }
0xb0: {  	[sflag:s15] =	ssyncset.done $0x0  }
0xb1: {  	[sflag:s15] =	ssyncadd.s32 $0xFFFFE000  }
0xb2: {  	_ =	swait.ge [sflag:s15], $0x2000  }
0xb3: {  	[sflag:s15] =	ssyncset.done $0x0  }
0xb4: {  	[sflag:s15] =	ssyncadd.s32 $0xFFFFE000  }
0xb5: {  	_ =	swait.ge [sflag:s15], $0x2000  }
.Ltmp11:
0xb6: {  	[sflag:s15] =	ssyncset.done $0x0;
	(pc) =	sbr.rel @p1 .LBB2_16-.Ltmp11, $4  }
0xb7: {  	[sflag:s15] =	ssyncadd.s32 $0xFFFFE000  }
0xb8: {  	_ =	swait.ge [sflag:s15], $0x2000  }
0xb9: {  	[sflag:s15] =	ssyncset.done $0x0  }
0xba: {  	[sflag:s15] =	ssyncadd.s32 $0xFFFFE000  }
0xbb: {  	s3 =	simm.s32 $0x2700  }
0xbc: {  	[tilespmem:s17], [sflag:$0x3] =	stream.indirect.gather [hbm4b:s1+s16], $0x40, s3, s16, $0xb8;
	[tilespmem:$0x1FF40] =	vst v63  }
0xbd: {  	_ =	swait.ge [sflag:s14], $0x2000  }
0xbe: {  	[sflag:s14] =	ssyncset.done $0x0  }
0xbf: {  	s25 =	simm.s32 $0x4E80;
	[sflag:s14] =	ssyncadd.s32 $0xFFFFE000  }
0xc0: {  	[spmem:s2] =	stream.indirect.scatter.add.f32 [tilespmem:s17], [sflag:$0x3], $0x40, s25, s16, $0xb8;
	[tilespmem:$0x1FF40] =	vst v63  }
.Ltmp12:
0xc1: {  	_ =	swait.ge [sflag:s14], $0x2000;
	(pc) =	sbr.rel .LBB2_17-.Ltmp12, $3  }
0xc2: {  	[sflag:s14] =	ssyncset.done $0x0  }
0xc3: {  	[sflag:s14] =	ssyncadd.s32 $0xFFFFE000  }
0xc4: {  	[bflag:$0x0] =	sbarrier.arrive $0xFFFF;
	_ =	sdelay $0x1  }
.LBB2_16:
.Ltmp13:
0xc5: {  	(pc) =	sbr.rel @p0 .LBB2_18-.Ltmp13, $2  }
0xc6: {  	_ =	sdelay $0x1  }
0xc7: {  	[bflag:$0x0] =	sbarrier.arrive $0xFFFF;
	_ =	sdelay $0x1  }
.LBB2_17:
0xc8: {  	s3 =	stileid.u32  }
0xc9: {  	s4 =	rddreg [dreg:$0x5];
	s3 =	sshll.u32 s3, $0x6  }
.Ltmp14:
0xca: {  	s10 =	rddreg [dreg:$0x6];
	s3 =	sor.u32 $0x1C03, s3;
	(pc) =	sbr.rel .LBB2_19-.Ltmp14, $4  }
0xcb: {  	[hbm:s4], [sflag:s3] =	dma.local [spmem:s10], $0x1400  }
0xcc: {  	_ =	swait.ge [sflag:s14], $0x1400  }
0xcd: {  	[sflag:s14] =	ssyncset.done $0x0  }
0xce: {  	[sflag:s14] =	ssyncadd.s32 $0xFFFFEC00  }
.LBB2_20:
0xcf: {  	_ =	sfence.sel $0x180000  }
0xd0: {  	[bflag:$0x0] =	sbarrier.arrive $0xFFFF  }
0xd1: {  	_ =	strace $0x9000004A  }
0xd2: {  	s0 =	stileid.u32;
	[bflag:$0x2] =	sbarrier.arrive $0xFFFF  }
0xd3: {  	p0 =	sne.s32 s0, $0x0;
	s0 =	rddreg [dreg:$0x3]  }
0xd4: {  	s0 =	sadd.s32 @!p0 $0x100000, s0  }
0xd5: {  	[sflag:s0] =	ssyncadd.tile.s32 @!p0 $0x1;
	_ =	shalt  }
.Lfunc_end2:
_tile_overlayer_lowered:
.L_overlay_start_2:
0xd6: {  	(tag) =	ssettag $0x2  }
0xd7: {  	s0 =	rddreg [dreg:$0x0];
	s2 =	stileid.u32  }
0xd8: {  	s1 =	rddreg [dreg:$0x1];
	p0 =	sne.s32 s2, $0x0  }
0xd9: {  	s3 =	rddreg [dreg:$0x2];
	[bflag:$0x3] =	sbarrier.arrive $0xFFFF;
	s2 =	simm.s32 @!p0 $0x1C03  }
0xda: {  	[timem:s3], [sflag:s2] =	dma.local @!p0 [hbm:s0], s1  }
0xdb: {  	s0 =	simm.s32 @!p0 $0x3  }
0xdc: {  	_ =	swait.ge @!p0 [sflag:s0], s1  }
0xdd: {  	s1 =	ssub.s32 @!p0 $0x0, s1;
	[sflag:s0] =	ssyncset.done @!p0 $0x0  }
0xde: {  	[sflag:s0] =	ssyncadd.s32 @!p0 s1  }
0xdf: {  	[bflag:$0x3] =	sbarrier.arrive $0xFFFF  }
0xe0: {  	_ =	shalt  }

// kernel: kernel.14.cloned.1.call-start
scs
__scs_entry_jumppad:
0x0: {  	(pc) =	sbr.rel $0x88, $3  }
0x1: {  	(tag) =	ssettag $0x0;
	lr =	simm.s32 $0x1  }
0x2: {  	[smem:$0x3F9B] =	sst lr;
	_ =	strace $0xD0000000  }
0x3: {  	_ = 	snop  }
0x4: {  	_ = 	snop  }
0x5: {  	_ = 	snop  }
0x6: {  	_ = 	snop  }
0x7: {  	_ = 	snop  }
__scs_overlays_trampoline_lowered:
0x8: {  	[smem:$0x3FAA] =	sst s0  }
0x9: {  	[smem:$0x3FAB] =	sst s1  }
0xa: {  	[smem:$0x3FAC] =	sst s2  }
0xb: {  	[smem:$0x3FAD] =	sst s3  }
0xc: {  	[smem:$0x3FAE] =	sst s4  }
0xd: {  	[smem:$0x3FAF] =	sst s5  }
0xe: {  	[smem:$0x3FB0] =	sst s6  }
0xf: {  	[smem:$0x3FB1] =	sst s7  }
0x10: {  	[smem:$0x3FB2] =	sst s8  }
0x11: {  	[smem:$0x3FB3] =	sst s9;
	s0 =	simm.s32 @!p0 $0x0  }
0x12: {  	s1 =	sld [smem:$0x3F99];
	s0 =	simm.s32 @p0 $0x1  }
0x13: {  	[smem:$0x3FB4] =	sst s0;
	s0 =	simm.s32 @!p1 $0x0  }
0x14: {  	s2 =	sld [smem:$0x3F98];
	s0 =	simm.s32 @p1 $0x1  }
0x15: {  	[smem:$0x3FB5] =	sst s0;
	s0 =	simm.s32 @!p2 $0x0  }
0x16: {  	s3 =	sld [smem:$0x3FDB];
	s0 =	simm.s32 @p2 $0x1  }
0x17: {  	s4 =	simm.s32 $0x1BF5;
	[smem:$0x3FB7] =	sst s0  }
0x18: {  	s0 =	sld [smem:$0x3F9A];
	_ =	swait.ge [sflag:s4], $0x0  }
0x19: {  	s7 =	sld [smem:$0x3F9B]  }
0x1a: {  	s8 =	sadd.s32 $0xFFFFE003, lr  }
0x1b: {  	s9 =	sadd.s32 $0xFFFFFEF7, lr;
	s5 =	simm.s32 $0xFFFFFFFF;
	p2 =	slt.u32 s8, $0xFFFFF086  }
0x1c: {  	p1 =	slt.u32 s9, $0xF7A;
	s5 =	simm.s32 @!p2 $0x0  }
0x1d: {  	s5 =	simm.s32 @p1 $0x1;
	p0 =	seq.s32 s7, s2  }
0x1e: {  	s7 =	smul.u32 @!p0 $0xF7A, s2;
	p2 =	seq.s32 @!p0 s5, $0x0  }
0x1f: {  	s9 =	smul.u32 $0xF7A, s1;
	s8 =	simm.s32 @!p0 $0x1BF5;
	p2 =	por !p2, p0  }
0x20: {  	[sflag:s8] =	ssyncset.s32 @!p0 $0xFFFFF086;
	s6 =	sadd.s32 @!p0 s3, s7;
	s7 =	simm.s32 @!p0 $0x108  }
0x21: {  	s3 =	sadd.s32 s3, s9;
	s6 =	sadd.s32 @!p0 $0x88, s6;
	s7 =	simm.s32 @p2 $0x1082  }
0x22: {  	[simem:s7], [sflag:s8] =	dma.local @!p0 [hbm:s6], $0xF7A  }
0x23: {  	s9 =	sor.u32 $0xD0000000, s2;
	s6 =	simm.s32 $0x108;
	_ =	swait.ge @!p0 [sflag:s8], $0x0  }
0x24: {  	s3 =	sadd.s32 $0x88, s3;
	s6 =	simm.s32 @!p1 $0x1082;
	[sflag:s4] =	ssyncset.s32 $0xFFFFF086  }
0x25: {  	[simem:s6], [sflag:s4] =	dma.local [hbm:s3], $0xF7A  }
0x26: {  	[smem:$0x3F9B] =	sst s1;
	(tag) =	ssettag s2;
	_ =	strace s9  }
0x27: {  	s1 =	sld [smem:$0x3FAB]  }
0x28: {  	s2 =	sld [smem:$0x3FAC]  }
0x29: {  	s4 =	sld [smem:$0x3FAE]  }
0x2a: {  	p0 =	seq.s32 s5, $0x0;
	s5 =	sld [smem:$0x3FAF]  }
0x2b: {  	s6 =	sld [smem:$0x3FB0]  }
0x2c: {  	s7 =	sld [smem:$0x3FB1]  }
0x2d: {  	s3 =	simm.s32 $0x108;
	s8 =	sld [smem:$0x3FB2]  }
0x2e: {  	s3 =	simm.s32 @!p0 $0x1082;
	s9 =	sld [smem:$0x3FB3]  }
0x2f: {  	lr =	sadd.s32 s0, s3;
	s0 =	sld [smem:$0x3FAA]  }
0x30: {  	s3 =	sld [smem:$0x3FAD]  }
0x31: {  	[smem:$0x3FB6] =	sst s10  }
0x32: {  	s10 =	sld [smem:$0x3FB4];
	_ =	sdelay $0x3  }
0x33: {  	p0 =	seq.s32 s10, $0x1;
	s10 =	sld [smem:$0x3FB6];
	_ =	sdelay $0x3  }
0x34: {  	[smem:$0x3FB6] =	sst s10  }
0x35: {  	s10 =	sld [smem:$0x3FB5];
	_ =	sdelay $0x3  }
0x36: {  	p1 =	seq.s32 s10, $0x1;
	s10 =	sld [smem:$0x3FB6];
	_ =	sdelay $0x3  }
0x37: {  	[smem:$0x3FB6] =	sst s10  }
0x38: {  	s10 =	sld [smem:$0x3FB7]  }
0x39: {  	_ = 	snop;
	(pc) =	sbr.ind lr, $3  }
0x3a: {  	_ = 	snop  }
0x3b: {  	_ = 	snop  }
0x3c: {  	p2 =	seq.s32 s10, $0x1;
	s10 =	sld [smem:$0x3FB6]  }
0x3d: {  	_ =	shalt  }
0x3e: {  	_ =	shalt  }
0x3f: {  	_ =	shalt  }
0x40: {  	_ =	shalt  }
0x41: {  	_ =	shalt  }
0x42: {  	_ =	shalt  }
0x43: {  	_ =	shalt  }
0x44: {  	_ =	shalt  }
0x45: {  	_ =	shalt  }
0x46: {  	_ =	shalt  }
0x47: {  	_ =	shalt  }
0x48: {  	_ =	shalt  }
0x49: {  	_ =	shalt  }
0x4a: {  	_ =	shalt  }
0x4b: {  	_ =	shalt  }
0x4c: {  	_ =	shalt  }
0x4d: {  	_ =	shalt  }
0x4e: {  	_ =	shalt  }
0x4f: {  	_ =	shalt  }
0x50: {  	_ =	shalt  }
0x51: {  	_ =	shalt  }
0x52: {  	_ =	shalt  }
0x53: {  	_ =	shalt  }
0x54: {  	_ =	shalt  }
0x55: {  	_ =	shalt  }
0x56: {  	_ =	shalt  }
0x57: {  	_ =	shalt  }
0x58: {  	_ =	shalt  }
0x59: {  	_ =	shalt  }
0x5a: {  	_ =	shalt  }
0x5b: {  	_ =	shalt  }
0x5c: {  	_ =	shalt  }
0x5d: {  	_ =	shalt  }
0x5e: {  	_ =	shalt  }
0x5f: {  	_ =	shalt  }
0x60: {  	_ =	shalt  }
0x61: {  	_ =	shalt  }
0x62: {  	_ =	shalt  }
0x63: {  	_ =	shalt  }
0x64: {  	_ =	shalt  }
0x65: {  	_ =	shalt  }
0x66: {  	_ =	shalt  }
0x67: {  	_ =	shalt  }
0x68: {  	_ =	shalt  }
0x69: {  	_ =	shalt  }
0x6a: {  	_ =	shalt  }
0x6b: {  	_ =	shalt  }
0x6c: {  	_ =	shalt  }
0x6d: {  	_ =	shalt  }
0x6e: {  	_ =	shalt  }
0x6f: {  	_ =	shalt  }
0x70: {  	_ =	shalt  }
0x71: {  	_ =	shalt  }
0x72: {  	_ =	shalt  }
0x73: {  	_ =	shalt  }
0x74: {  	_ =	shalt  }
0x75: {  	_ =	shalt  }
0x76: {  	_ =	shalt  }
0x77: {  	_ =	shalt  }
0x78: {  	_ =	shalt  }
0x79: {  	_ =	shalt  }
0x7a: {  	_ =	shalt  }
0x7b: {  	_ =	shalt  }
0x7c: {  	_ =	shalt  }
0x7d: {  	_ =	shalt  }
0x7e: {  	_ =	shalt  }
0x7f: {  	_ =	shalt  }
0x80: {  	_ =	shalt  }
0x81: {  	_ =	shalt  }
0x82: {  	_ =	shalt  }
0x83: {  	_ =	shalt  }
0x84: {  	_ =	shalt  }
0x85: {  	_ =	shalt  }
0x86: {  	_ =	shalt  }
0x87: {  	_ =	shalt  }
.Lfunc_end0:
.L_simem_size_0:
called_computation.2_lowered:
.L_overlay_start_0:
0x88: {  	s2 =	sld [smem:$0x3FD9]  }
0x89: {  	s3 =	sld [smem:$0x3FFE];
	_ =	sdelay $0x1  }
0x8a: {  	s1 =	srdreg.scid  }
0x8b: {  	s0 =	sand.u32 $0x1, s1  }
0x8c: {  	s17 =	sshll.u32 s0, $0xA;
	s2 =	sadd.s32 s3, s2  }
0x8d: {  	s2 =	sadd.s32 s2, s17  }
0x8e: {  	[smem:$0x3FC2] =	sst s2  }
0x8f: {  	_ = 	snop  }
0x90: {  	s2 =	sld [smem:$0x3FD0];
	(tm) =	ssettm $0x1  }
0x91: {  	s18 =	sld [smem:$0x3FFB];
	_ =	sdelay $0x3  }
0x92: {  	_ =	strace s18  }
0x93: {  	s3 =	sld [smem:$0x3FFC];
	_ =	sdelay $0x3  }
0x94: {  	_ =	strace s3  }
0x95: {  	s3 =	sld [smem:$0x3FFD];
	_ =	sdelay $0x3  }
0x96: {  	_ =	strace s3  }
0x97: {  	_ =	strace $0x8FFFFFFF  }
0x98: {  	s19 =	sld [smem:$0x3FDB];
	_ =	sdelay $0x1  }
0x99: {  	s4 =	simm.s32 $_scs_section_size  }
0x9a: {  	s5 =	simm.s32 $_size__tile_overlayer_lowered;
	s6 =	simm.s32 $_tile_overlayer_lowered  }
0x9b: {  	s22 =	simm.s32 $0x1BFF;
	s21 =	sshll.u32 s6, $0x1;
	s3 =	sadd.s32 s4, s19  }
0x9c: {  	s7 =	simm.s32 $0x0;
	s20 =	sshll.u32 s5, $0x1;
	s5 =	sadd.s32 s21, s3  }
0x9d: {  	[timem:s7], [sflag:s22] =	dma.local [hbm:s5], s20  }
0x9e: {  	_ =	swait.ge [sflag:s22], s20  }
0x9f: {  	s4 =	ssub.s32 $0x0, s20;
	[sflag:s22] =	ssyncset.done $0x0  }
0xa0: {  	[sflag:s22] =	ssyncadd.s32 s4;
	_ =	sdelay $0x1  }
0xa1: {  	s23 =	simm.s32 $0x1B8B  }
0xa2: {  	_ =	swait.ge [sflag:s23], $0x1  }
0xa3: {  	[sflag:s23] =	ssyncset.done $0x0  }
0xa4: {  	s25 =	simm.s32 $0x1B8E;
	s24 =	sld [smem:$0x3FFE];
	[sflag:s23] =	ssyncadd.s32 $0xFFFFFFFF  }
0xa5: {  	s26 =	simm.s32 $execute0_lowered;
	[smem:$0x3FD2] =	sst s25  }
0xa6: {  	s5 =	sshll.u32 s26, $0x1;
	_ =	strace $0x8000004C;
	[dreg:$0x1] =	wrdreg $0xFFFFFFFF  }
0xa7: {  	s28 =	simm.s32 $_size_execute0_lowered;
	s3 =	sadd.s32 s3, s5;
	[dreg:$0x0] =	wrdreg $0x0  }
0xa8: {  	s5 =	sshll.u32 s28, $0x1;
	[dreg:$0x2] =	wrdreg s3  }
0xa9: {  	[dreg:$0x3] =	wrdreg s5  }
0xaa: {  	[dreg:$0x4] =	wrdreg $0xC0  }
0xab: {  	_ =	task [dreg:s7], $0x5FFFF  }
0xac: {  	[dreg:$0x1] =	wrdreg $0xFFFFFFFF  }
0xad: {  	[dreg:$0x0] =	wrdreg $0x60  }
0xae: {  	[dreg:$0x2] =	wrdreg s2  }
0xaf: {  	[dreg:$0x3] =	wrdreg s24  }
0xb0: {  	[dreg:$0x4] =	wrdreg $0x163000  }
0xb1: {  	[dreg:$0x5] =	wrdreg $0x9  }
0xb2: {  	_ =	task.clear_ibuf [dreg:s7], $0x6FFFF;
	_ =	strace $0x9000004C  }
0xb3: {  	s29 =	simm.s32 $0x9;
	_ =	strace $0x8000004E  }
0xb4: {  	_ =	swait.ge [sflag:s29], $0x1  }
0xb5: {  	[sflag:s29] =	ssyncadd.s32 $0xFFFFFFFF  }
0xb6: {  	_ =	strace $0x9000004E  }
0xb7: {  	_ =	sfence  }
0xb8: {  	s30 =	sld [smem:$0x0];
	_ =	sdelay $0x2  }
0xb9: {  	s31 =	sshll.u32 s1, $0xD;
	s1 =	sshrl.u32 s1, $0x2  }
0xba: {  	s3 =	sand.u32 $0x4000, s31;
	s1 =	sadd.s32 s1, s30  }
0xbb: {  	s0 =	sor.u32 s3, s0;
	s1 =	sshll.u32 s1, $0x11  }
0xbc: {  	s0 =	sor.u32 s1, s0  }
0xbd: {  	s0 =	sadd.s32 $0x8F2B, s0  }
0xbe: {  	[sflag:s0] =	ssyncadd.remote.s32 $0x1  }
0xbf: {  	_ =	sfence.sel $0xFFFF  }
0xc0: {  	[dreg:$0x0] =	wrdreg $0xFFFFFFFF;
	(pc) =	sbr.abs _section_cstart, $3  }
0xc1: {  	[dreg:$0x1] =	wrdreg $0xFFFFFFFF  }
0xc2: {  	_ =	task.clear_ibuf [dreg:s7], $0x2FFFF;
	_ =	strace $0x9FFFFFFF  }
0xc3: {  	(tm) =	ssettm $0x7FFFFFFF  }
tec
execute0_lowered:
.L_overlay_start_1:
0x0: {  	(tag) =	ssettag $0x1  }
0x1: {  	s1 =	rddreg [dreg:$0x0]  }
0x2: {  	s0 =	rddreg [dreg:$0x1]  }
0x3: {  	s2 =	rddreg [dreg:$0x2]  }
0x4: {  	s3 =	simm.s32 $0x0;
	s20 =	srdreg.scid;
	s14 =	stileid.u32  }
0x5: {  	s13 =	simm.s32 $0x14F00;
	s15 =	simm.s32 $0x2;
	s16 =	simm.s32 $0x80  }
0x6: {  	s17 =	simm.s32 $0x4F00;
	s18 =	simm.s32 $0x6F00;
	s28 =	simm.s32 $0xCF00  }
0x7: {  	s29 =	simm.s32 $0xEF00;
	s30 =	simm.s32 $0x10F00;
	s31 =	simm.s32 $0x12F00  }
0x8: {  	[smem:$0x7FF] =	sst s3;
	s3 =	sand.u32 $0x1, s20;
	s4 =	sadd.s32 $0x1600, s0  }
0x9: {  	s6 =	sshll.u32 s14, $0x1;
	s9 =	sadd.s32 $0xB400, s0;
	s11 =	smul.u32 $0xA000, s14  }
0xa: {  	p0 =	seq.s32 s14, $0xF;
	s22 =	smul.u32 $0x28000, s14;
	s23 =	sadd.s32 $0x96000, s2  }
0xb: {  	p1 =	sgt.u32 s14, $0x1;
	s14 =	simm.s32 $0x3;
	s20 =	simm.s32 $0x8F00  }
0xc: {  	s5 =	smul.u32 $0x13880, s3;
	s7 =	ssub.s32 $0x2, s3;
	s3 =	sor.u32 s3, s6  }
0xd: {  	_ =	strace $0x8000004D;
	s21 =	sshrl.u32 s7, $0x1;
	s8 =	smul.u32 $0x4E0, s3  }
0xe: {  	s3 =	sshll.u32 s3, $0x4;
	s24 =	sshrl.u32 s11, $0x3;
	s19 =	sadd.s32 s11, s2  }
0xf: {  	s0 =	sadd.s32 s5, s0;
	s10 =	ssub.s32 s7, s21;
	s5 =	simm.s32 $0x5  }
0x10: {  	s3 =	sor.u32 $0x9C00, s3;
	s26 =	sshrl.u32 s19, $0x3;
	s5 =	simm.s32 @!p0 $0x8  }
0x11: {  	s6 =	sadd.s32 s4, s8;
	s7 =	sadd.s32 s9, s8;
	s8 =	sadd.s32 s4, s3  }
.Ltmp0:
0x12: {  	s9 =	sadd.s32 s9, s3;
	s21 =	sadd.s32 $0x15200, s0;
	(pc) =	sbr.rel .LBB2_1-.Ltmp0, $4  }
0x13: {  	s11 =	smax.u32 s10, $0x1;
	s3 =	sshrl.u32 s22, $0x2;
	[dreg:$0x6] =	wrdreg s26  }
0x14: {  	s22 =	simm.s32 $0xAF00;
	s0 =	sshrl.u32 s23, $0x3;
	[dreg:$0x4] =	wrdreg s21  }
0x15: {  	s26 =	simm.s32 $0x1;
	s25 =	sadd.s32 s24, s21;
	[dreg:$0x7] =	wrdreg s0  }
0x16: {  	v0 =	vimm.f32 $0.0e+00;
	s12 =	sadd.s32 s3, s2;
	s0 =	simm.s32 $0x0;
	[dreg:$0x5] =	wrdreg s25  }
.LBB2_18:
0x17: {  	s3 =	rddreg [dreg:$0x4]  }
0x18: {  	s4 =	rddreg [dreg:$0x7];
	s10 =	simm.s32 $0x1FC3;
	s3 =	sadd.s32 $0x12C00, s3  }
0x19: {  	[hbm:s3], [sflag:s10] =	dma.local [spmem:s4], $0xC80  }
0x1a: {  	_ =	swait.ge [sflag:s14], $0xC80  }
0x1b: {  	[sflag:s14] =	ssyncset.done $0x0  }
0x1c: {  	[sflag:s14] =	ssyncadd.s32 $0xFFFFF380  }
.LBB2_19:
0x1d: {  	s0 =	sadd.s32 $0x1, s0  }
0x1e: {  	p2 =	sne.s32 s0, s11  }
.Ltmp1:
0x1f: {  	_ = 	snop;
	(pc) =	sbr.rel @!p2 .LBB2_20-.Ltmp1, $1  }
0x20: {  	_ =	sdelay $0x3  }
.LBB2_1:
0x21: {  	s4 =	simm.s32 $0x100;
	s3 =	simm.s32 $0x0  }
.LBB2_2:
0x22: {  	p2 =	sne.s32 s4, $0x4F00;
	[tilespmem:s3+$0x14F30] =	vst v0;
	s10 =	smov.u32 s4;
	s4 =	sadd.s32 $0x100, s4  }
.Ltmp2:
0x23: {  	[tilespmem:s3+$0x14F20] =	vst v0;
	(pc) =	sbr.rel @p2 .LBB2_2-.Ltmp2, $3  }
0x24: {  	[tilespmem:s3+$0x14F00] =	vst v0  }
0x25: {  	[tilespmem:s3+$0x14F10] =	vst v0;
	_ =	sdelay $0x1  }
0x26: {  	s3 =	sshra.s32 s10, $0x2  }
0x27: {  	p2 =	sne.s32 s5, $0x1  }
.Ltmp3:
0x28: {  	[tilespmem:s3+$0x14F30] =	vst v0;
	(pc) =	sbr.rel @!p2 .LBB2_5-.Ltmp3, $4  }
0x29: {  	[tilespmem:s3+$0x14F20] =	vst v0  }
0x2a: {  	[tilespmem:s3+$0x14F00] =	vst v0  }
0x2b: {  	[tilespmem:s3+$0x14F10] =	vst v0;
	s3 =	sadd.s32 $0xFFFFFFFF, s5;
	s4 =	smov.u32 s12  }
0x2c: {  	[spmem:s12] =	stream.linear.scatter [tilespmem:s13], [sflag:$0x2], $0x1400, $0x38;
	[tilespmem:$0x1FF40] =	vst v63  }
.LBB2_4:
0x2d: {  	p3 =	sne.s32 s3, $0x1  }
.Ltmp4:
0x2e: {  	_ = 	snop;
	(pc) =	sbr.rel @p3 .LBB2_4-.Ltmp4, $3  }
0x2f: {  	_ = 	snop  }
0x30: {  	s3 =	sadd.s32 $0xFFFFFFFF, s3;
	s4 =	sadd.s32 $0x1400, s4;
	_ =	sdelay $0x1  }
0x31: {  	[spmem:s4] =	stream.linear.scatter [tilespmem:s13], [sflag:$0x2], $0x1400, $0x38;
	[tilespmem:$0x1FF40] =	vst v63  }
.LBB2_5:
0x32: {  	s3 =	simm.s32 $0x0  }
0x33: {  	[tilespmem:s3], [sflag:$0x3] =	stream.linear.gather [hbm4b:s6+s3], $0x2700, $0x38;
	[tilespmem:$0x1FF40] =	vst v63  }
0x34: {  	_ =	swait.ge [sflag:s14], $0x2700  }
0x35: {  	[sflag:s14] =	ssyncset.done $0x0  }
0x36: {  	s4 =	simm.s32 @p1 $0x2780;
	s3 =	simm.s32 @p1 $0x0;
	[sflag:s14] =	ssyncadd.s32 $0xFFFFD900  }
0x37: {  	[tilespmem:s4], [sflag:$0x3] =	stream.linear.gather @p1 [hbm4b:s7+s3], $0x2700, $0x38;
	[tilespmem:$0x1FF40] =	vst v63  }
0x38: {  	s3 =	simm.s32 @p1 $0x3  }
0x39: {  	_ =	swait.ge @p1 [sflag:s3], $0x2700  }
0x3a: {  	[sflag:s3] =	ssyncset.done @p1 $0x0  }
0x3b: {  	s4 =	simm.s32 @!p1 $0x2700;
	[sflag:s3] =	ssyncadd.s32 @p1 $0xFFFFD900;
	s3 =	simm.s32 @!p1 $0x0  }
0x3c: {  	[tilespmem:s4], [sflag:$0x3] =	stream.linear.gather @!p1 [hbm4b:s8+s3], $0x80, $0x38;
	[tilespmem:$0x1FF40] =	vst v63  }
0x3d: {  	s4 =	simm.s32 @!p1 $0x3  }
0x3e: {  	_ =	swait.ge @!p1 [sflag:s4], $0x80  }
0x3f: {  	[sflag:s4] =	ssyncset.done @!p1 $0x0  }
0x40: {  	s10 =	simm.s32 @!p1 $0x2780;
	[sflag:s4] =	ssyncadd.s32 @!p1 $0xFFFFFF80  }
0x41: {  	[tilespmem:s10], [sflag:$0x3] =	stream.linear.gather @!p1 [hbm4b:s7+s3], $0x2700, $0x38;
	[tilespmem:$0x1FF40] =	vst v63  }
0x42: {  	_ =	swait.ge @!p1 [sflag:s4], $0x2700  }
0x43: {  	[sflag:s4] =	ssyncset.done @!p1 $0x0  }
0x44: {  	s10 =	simm.s32 @!p1 $0x4E80;
	[sflag:s4] =	ssyncadd.s32 @!p1 $0xFFFFD900  }
0x45: {  	[tilespmem:s10], [sflag:$0x3] =	stream.linear.gather @!p1 [hbm4b:s9+s3], $0x80, $0x38;
	[tilespmem:$0x1FF40] =	vst v63  }
.Ltmp5:
0x46: {  	_ =	swait.ge @!p1 [sflag:s4], $0x80;
	(pc) =	sbr.rel @!p2 .LBB2_7-.Ltmp5, $4  }
0x47: {  	[sflag:s4] =	ssyncset.done @!p1 $0x0  }
0x48: {  	[sflag:s4] =	ssyncadd.s32 @!p1 $0xFFFFFF80  }
0x49: {  	_ =	swait.ge [sflag:s15], $0x1400  }
0x4a: {  	s3 =	sadd.s32 $0xFFFFFFFF, s5;
	[sflag:s15] =	ssyncset.done $0x0  }
.LBB2_6:
0x4b: {  	p2 =	sne.s32 s3, $0x1;
	s3 =	sadd.s32 $0xFFFFFFFF, s3;
	[sflag:s15] =	ssyncadd.s32 $0xFFFFEC00  }
.Ltmp6:
0x4c: {  	(pc) =	sbr.rel @p2 .LBB2_6-.Ltmp6, $3  }
0x4d: {  	_ =	sdelay $0x1  }
0x4e: {  	_ =	swait.ge [sflag:s15], $0x1400  }
0x4f: {  	[sflag:s15] =	ssyncset.done $0x0  }
.LBB2_7:
0x50: {  	[sflag:s15] =	ssyncadd.s32 $0xFFFFEC00  }
0x51: {  	s25 =	simm.s32 $0x0;
	[bflag:$0x0] =	sbarrier.arrive $0xFFFF  }
0x52: {  	[tilespmem:s17], [sflag:$0x1] =	stream.indirect.gather [hbm4b:s1+s16], $0x40, s25, s16, $0xb8;
	[tilespmem:$0x1FF40] =	vst v63  }
0x53: {  	_ = 	snop  }
0x54: {  	[tilespmem:s18], [sflag:$0x1] =	stream.indirect.gather [hbm4b:s1+s16], $0x40, s16, s16, $0xb8;
	[tilespmem:$0x1FF40] =	vst v63  }
0x55: {  	s3 =	simm.s32 $0x100  }
0x56: {  	[tilespmem:s20], [sflag:$0x1] =	stream.indirect.gather [hbm4b:s1+s16], $0x40, s3, s16, $0xb8;
	[tilespmem:$0x1FF40] =	vst v63  }
0x57: {  	s24 =	simm.s32 $0x180;
	s10 =	simm.s32 $0x7  }
0x58: {  	[tilespmem:s22], [sflag:$0x1] =	stream.indirect.gather [hbm4b:s1+s16], $0x40, s24, s16, $0xb8;
	[tilespmem:$0x1FF40] =	vst v63  }
.LBB2_8:
0x59: {  	_ =	swait.ge [sflag:s26], $0x2000  }
0x5a: {  	s4 =	sshra.s32 s25, $0x2;
	p2 =	seq.s32 s25, $0x0;
	[sflag:s26] =	ssyncset.done $0x0  }
0x5b: {  	s3 =	sadd.s32 $0x2780, s4;
	s21 =	simm.s32 @!p2 $0x2;
	[sflag:s26] =	ssyncadd.s32 $0xFFFFE000  }
0x5c: {  	[spmem:s2] =	stream.indirect.scatter.add.f32 [tilespmem:s17], [sflag:$0x2], $0x40, s3, s16, $0xb8;
	[tilespmem:$0x1FF40] =	vst v63  }
0x5d: {  	s3 =	sadd.s32 @!p2 $0x800, s25;
	_ =	swait.ge @!p2 [sflag:s21], $0x2000  }
0x5e: {  	s3 =	simm.s32 @p2 $0x800;
	[sflag:s21] =	ssyncset.done @!p2 $0x0  }
0x5f: {  	s3 =	sshra.s32 s3, $0x2;
	[sflag:s21] =	ssyncadd.s32 @!p2 $0xFFFFE000  }
0x60: {  	[tilespmem:s28], [sflag:$0x1] =	stream.indirect.gather [hbm4b:s1+s16], $0x40, s3, s16, $0xb8;
	[tilespmem:$0x1FF40] =	vst v63  }
0x61: {  	_ =	swait.ge [sflag:s26], $0x2000  }
0x62: {  	[sflag:s26] =	ssyncset.done $0x0  }
0x63: {  	s19 =	sadd.s32 $0x2800, s4;
	[sflag:s26] =	ssyncadd.s32 $0xFFFFE000  }
0x64: {  	[spmem:s2] =	stream.indirect.scatter.add.f32 [tilespmem:s18], [sflag:$0x2], $0x40, s19, s16, $0xb8;
	[tilespmem:$0x1FF40] =	vst v63  }
0x65: {  	s19 =	sadd.s32 @!p2 $0xA00, s25;
	_ =	swait.ge @!p2 [sflag:s21], $0x2000  }
0x66: {  	s19 =	simm.s32 @p2 $0xA00;
	[sflag:s21] =	ssyncset.done @!p2 $0x0  }
0x67: {  	s19 =	sshra.s32 s19, $0x2;
	[sflag:s21] =	ssyncadd.s32 @!p2 $0xFFFFE000  }
0x68: {  	[tilespmem:s29], [sflag:$0x1] =	stream.indirect.gather [hbm4b:s1+s16], $0x40, s19, s16, $0xb8;
	[tilespmem:$0x1FF40] =	vst v63  }
0x69: {  	_ =	swait.ge [sflag:s26], $0x2000  }
0x6a: {  	[sflag:s26] =	ssyncset.done $0x0  }
0x6b: {  	s23 =	sadd.s32 $0x2880, s4;
	[sflag:s26] =	ssyncadd.s32 $0xFFFFE000  }
0x6c: {  	[spmem:s2] =	stream.indirect.scatter.add.f32 [tilespmem:s20], [sflag:$0x2], $0x40, s23, s16, $0xb8;
	[tilespmem:$0x1FF40] =	vst v63  }
0x6d: {  	s23 =	sadd.s32 @!p2 $0xFFFFFFFF, s10  }
0x6e: {  	p3 =	sgt.u32 @!p2 s23, $0x4D  }
0x6f: {  	p3 =	por p2, !p3  }
.Ltmp7:
0x70: {  	_ = 	snop;
	(pc) =	sbr.rel @!p3 .LBB2_10-.Ltmp7, $4  }
0x71: {  	_ = 	snop  }
0x72: {  	_ =	swait.ge @!p2 [sflag:s21], $0x2000  }
0x73: {  	[sflag:s21] =	ssyncset.done @!p2 $0x0  }
0x74: {  	s24 =	simm.s32 @!p2 $0x9600;
	[sflag:s21] =	ssyncadd.s32 @!p2 $0xFFFFE000  }
0x75: {  	s23 =	simm.s32 @p2 $0x6  }
0x76: {  	s23 =	sshll.u32 s23, $0x7  }
0x77: {  	s24 =	sadd.s32 $0x600, s25;
	s23 =	sand.u32 $0x3FFFFF80, s23  }
0x78: {  	[tilespmem:s30], [sflag:$0x1] =	stream.indirect.gather [hbm4b:s1+s16], $0x40, s23, s16, $0xb8;
	[tilespmem:$0x1FF40] =	vst v63  }
.LBB2_10:
0x79: {  	_ =	swait.ge [sflag:s26], $0x2000;
	p3 =	sgt.u32 @!p2 s10, $0x4D  }
0x7a: {  	s23 =	sshra.s32 s24, $0x2;
	[sflag:s26] =	ssyncset.done $0x0;
	p3 =	por p2, !p3  }
.Ltmp8:
0x7b: {  	s23 =	sadd.s32 $0x2780, s23;
	[sflag:s26] =	ssyncadd.s32 $0xFFFFE000;
	(pc) =	sbr.rel @!p3 .LBB2_12-.Ltmp8, $4  }
0x7c: {  	[spmem:s2] =	stream.indirect.scatter.add.f32 [tilespmem:s22], [sflag:$0x2], $0x40, s23, s16, $0xb8;
	[tilespmem:$0x1FF40] =	vst v63  }
0x7d: {  	_ =	swait.ge @!p2 [sflag:s21], $0x2000  }
0x7e: {  	[sflag:s21] =	ssyncset.done @!p2 $0x0  }
0x7f: {  	[sflag:s21] =	ssyncadd.s32 @!p2 $0xFFFFE000  }
0x80: {  	s21 =	smov.u32 s10  }
0x81: {  	s21 =	simm.s32 @p2 $0x7  }
0x82: {  	s21 =	sshll.u32 s21, $0x7  }
0x83: {  	s21 =	sand.u32 $0x3FFFFF80, s21  }
0x84: {  	[tilespmem:s31], [sflag:$0x1] =	stream.indirect.gather [hbm4b:s1+s16], $0x40, s21, s16, $0xb8;
	[tilespmem:$0x1FF40] =	vst v63  }
.LBB2_12:
0x85: {  	_ =	swait.ge [sflag:s26], $0x2000  }
0x86: {  	p2 =	seq.s32 s25, $0x9000;
	[sflag:s26] =	ssyncset.done $0x0  }
.Ltmp9:
0x87: {  	s3 =	sadd.s32 $0x2780, s3;
	[sflag:s26] =	ssyncadd.s32 $0xFFFFE000;
	(pc) =	sbr.rel @p2 .LBB2_14-.Ltmp9, $4  }
0x88: {  	[spmem:s2] =	stream.indirect.scatter.add.f32 [tilespmem:s28], [sflag:$0x2], $0x40, s3, s16, $0xb8;
	[tilespmem:$0x1FF40] =	vst v63  }
0x89: {  	_ =	swait.ge [sflag:s15], $0x2000  }
0x8a: {  	[sflag:s15] =	ssyncset.done $0x0  }
0x8b: {  	s3 =	sadd.s32 $0x2780, s19;
	[sflag:s15] =	ssyncadd.s32 $0xFFFFE000  }
0x8c: {  	s19 =	sadd.s32 $0x400, s4  }
0x8d: {  	[tilespmem:s17], [sflag:$0x1] =	stream.indirect.gather [hbm4b:s1+s16], $0x40, s19, s16, $0xb8;
	[tilespmem:$0x1FF40] =	vst v63  }
0x8e: {  	_ =	swait.ge [sflag:s26], $0x2000  }
0x8f: {  	[sflag:s26] =	ssyncset.done $0x0  }
0x90: {  	[sflag:s26] =	ssyncadd.s32 $0xFFFFE000  }
0x91: {  	[spmem:s2] =	stream.indirect.scatter.add.f32 [tilespmem:s29], [sflag:$0x2], $0x40, s3, s16, $0xb8;
	[tilespmem:$0x1FF40] =	vst v63  }
0x92: {  	s24 =	sadd.s32 $0xFFFFFFFF, s10;
	_ =	swait.ge [sflag:s15], $0x2000  }
0x93: {  	p2 =	sgt.u32 s24, $0x4D;
	[sflag:s15] =	ssyncset.done $0x0  }
0x94: {  	s23 =	sadd.s32 $0x480, s4;
	s3 =	simm.s32 @!p2 $0x1;
	[sflag:s15] =	ssyncadd.s32 $0xFFFFE000  }
0x95: {  	[tilespmem:s18], [sflag:$0x1] =	stream.indirect.gather [hbm4b:s1+s16], $0x40, s23, s16, $0xb8;
	[tilespmem:$0x1FF40] =	vst v63  }
0x96: {  	_ =	swait.ge @!p2 [sflag:s3], $0x2000  }
0x97: {  	s4 =	sshra.s32 @!p2 s25, $0x2;
	s21 =	simm.s32 @!p2 $0x80;
	[sflag:s3] =	ssyncset.done @!p2 $0x0  }
0x98: {  	s19 =	sadd.s32 @!p2 $0x2A80, s4;
	s23 =	simm.s32 @!p2 $0x10F00;
	[sflag:s3] =	ssyncadd.s32 @!p2 $0xFFFFE000  }
0x99: {  	[spmem:s2] =	stream.indirect.scatter.add.f32 @!p2 [tilespmem:s23], [sflag:$0x2], $0x40, s19, s21, $0xb8;
	[tilespmem:$0x1FF40] =	vst v63  }
0x9a: {  	s19 =	simm.s32 @!p2 $0x2  }
0x9b: {  	_ =	swait.ge @!p2 [sflag:s19], $0x2000  }
0x9c: {  	[sflag:s19] =	ssyncset.done @!p2 $0x0  }
0x9d: {  	s24 =	simm.s32 @!p2 $0x8F00;
	s23 =	sadd.s32 @!p2 $0x500, s4;
	[sflag:s19] =	ssyncadd.s32 @!p2 $0xFFFFE000  }
0x9e: {  	[tilespmem:s24], [sflag:$0x1] =	stream.indirect.gather @!p2 [hbm4b:s1+s21], $0x40, s23, s21, $0xb8;
	[tilespmem:$0x1FF40] =	vst v63  }
0x9f: {  	_ =	swait.ge @!p2 [sflag:s3], $0x2000  }
0xa0: {  	[sflag:s3] =	ssyncset.done @!p2 $0x0  }
0xa1: {  	s23 =	simm.s32 @!p2 $0x12F00;
	[sflag:s3] =	ssyncadd.s32 @!p2 $0xFFFFE000;
	s3 =	sadd.s32 @!p2 $0x2B00, s4  }
0xa2: {  	[spmem:s2] =	stream.indirect.scatter.add.f32 @!p2 [tilespmem:s23], [sflag:$0x2], $0x40, s3, s21, $0xb8;
	[tilespmem:$0x1FF40] =	vst v63  }
.Ltmp10:
0xa3: {  	_ = 	snop;
	(pc) =	sbr.rel .LBB2_8-.Ltmp10, $4  }
0xa4: {  	_ =	swait.ge @!p2 [sflag:s19], $0x2000  }
0xa5: {  	s10 =	sadd.s32 $0x8, s10;
	s25 =	sadd.s32 $0x1000, s25;
	[sflag:s19] =	ssyncset.done @!p2 $0x0  }
0xa6: {  	s3 =	sadd.s32 @!p2 $0x580, s4;
	s4 =	simm.s32 @!p2 $0xAF00;
	[sflag:s19] =	ssyncadd.s32 @!p2 $0xFFFFE000  }
0xa7: {  	[tilespmem:s4], [sflag:$0x1] =	stream.indirect.gather @!p2 [hbm4b:s1+s21], $0x40, s3, s21, $0xb8;
	[tilespmem:$0x1FF40] =	vst v63  }
.LBB2_14:
0xa8: {  	_ =	swait.ge [sflag:s26], $0x2000  }
0xa9: {  	[sflag:s26] =	ssyncset.done $0x0  }
0xaa: {  	[sflag:s26] =	ssyncadd.s32 $0xFFFFE000  }
0xab: {  	[spmem:s2] =	stream.indirect.scatter.add.f32 [tilespmem:s29], [sflag:$0x2], $0x40, s3, s16, $0xb8;
	[tilespmem:$0x1FF40] =	vst v63  }
0xac: {  	_ =	swait.ge [sflag:s15], $0x2000  }
0xad: {  	[sflag:s15] =	ssyncset.done $0x0  }
0xae: {  	[sflag:s15] =	ssyncadd.s32 $0xFFFFE000  }
0xaf: {  	_ =	swait.ge [sflag:s15], $0x2000  }
0xb0: {  	[sflag:s15] =	ssyncset.done $0x0  }
0xb1: {  	[sflag:s15] =	ssyncadd.s32 $0xFFFFE000  }
0xb2: {  	_ =	swait.ge [sflag:s15], $0x2000  }
0xb3: {  	[sflag:s15] =	ssyncset.done $0x0  }
0xb4: {  	[sflag:s15] =	ssyncadd.s32 $0xFFFFE000  }
0xb5: {  	_ =	swait.ge [sflag:s15], $0x2000  }
.Ltmp11:
0xb6: {  	[sflag:s15] =	ssyncset.done $0x0;
	(pc) =	sbr.rel @p1 .LBB2_16-.Ltmp11, $4  }
0xb7: {  	[sflag:s15] =	ssyncadd.s32 $0xFFFFE000  }
0xb8: {  	_ =	swait.ge [sflag:s15], $0x2000  }
0xb9: {  	[sflag:s15] =	ssyncset.done $0x0  }
0xba: {  	[sflag:s15] =	ssyncadd.s32 $0xFFFFE000  }
0xbb: {  	s3 =	simm.s32 $0x2700  }
0xbc: {  	[tilespmem:s17], [sflag:$0x3] =	stream.indirect.gather [hbm4b:s1+s16], $0x40, s3, s16, $0xb8;
	[tilespmem:$0x1FF40] =	vst v63  }
0xbd: {  	_ =	swait.ge [sflag:s14], $0x2000  }
0xbe: {  	[sflag:s14] =	ssyncset.done $0x0  }
0xbf: {  	s25 =	simm.s32 $0x4E80;
	[sflag:s14] =	ssyncadd.s32 $0xFFFFE000  }
0xc0: {  	[spmem:s2] =	stream.indirect.scatter.add.f32 [tilespmem:s17], [sflag:$0x3], $0x40, s25, s16, $0xb8;
	[tilespmem:$0x1FF40] =	vst v63  }
.Ltmp12:
0xc1: {  	_ =	swait.ge [sflag:s14], $0x2000;
	(pc) =	sbr.rel .LBB2_17-.Ltmp12, $3  }
0xc2: {  	[sflag:s14] =	ssyncset.done $0x0  }
0xc3: {  	[sflag:s14] =	ssyncadd.s32 $0xFFFFE000  }
0xc4: {  	[bflag:$0x0] =	sbarrier.arrive $0xFFFF;
	_ =	sdelay $0x1  }
.LBB2_16:
.Ltmp13:
0xc5: {  	(pc) =	sbr.rel @p0 .LBB2_18-.Ltmp13, $2  }
0xc6: {  	_ =	sdelay $0x1  }
0xc7: {  	[bflag:$0x0] =	sbarrier.arrive $0xFFFF;
	_ =	sdelay $0x1  }
.LBB2_17:
0xc8: {  	s3 =	stileid.u32  }
0xc9: {  	s4 =	rddreg [dreg:$0x5];
	s3 =	sshll.u32 s3, $0x6  }
.Ltmp14:
0xca: {  	s10 =	rddreg [dreg:$0x6];
	s3 =	sor.u32 $0x1C03, s3;
	(pc) =	sbr.rel .LBB2_19-.Ltmp14, $4  }
0xcb: {  	[hbm:s4], [sflag:s3] =	dma.local [spmem:s10], $0x1400  }
0xcc: {  	_ =	swait.ge [sflag:s14], $0x1400  }
0xcd: {  	[sflag:s14] =	ssyncset.done $0x0  }
0xce: {  	[sflag:s14] =	ssyncadd.s32 $0xFFFFEC00  }
.LBB2_20:
0xcf: {  	_ =	sfence.sel $0x180000  }
0xd0: {  	[bflag:$0x0] =	sbarrier.arrive $0xFFFF  }
0xd1: {  	_ =	strace $0x9000004D  }
0xd2: {  	s0 =	stileid.u32;
	[bflag:$0x2] =	sbarrier.arrive $0xFFFF  }
0xd3: {  	p0 =	sne.s32 s0, $0x0;
	s0 =	rddreg [dreg:$0x3]  }
0xd4: {  	s0 =	sadd.s32 @!p0 $0x100000, s0  }
0xd5: {  	[sflag:s0] =	ssyncadd.tile.s32 @!p0 $0x1;
	_ =	shalt  }
.Lfunc_end2:
_tile_overlayer_lowered:
.L_overlay_start_2:
0xd6: {  	(tag) =	ssettag $0x2  }
0xd7: {  	s0 =	rddreg [dreg:$0x0];
	s2 =	stileid.u32  }
0xd8: {  	s1 =	rddreg [dreg:$0x1];
	p0 =	sne.s32 s2, $0x0  }
0xd9: {  	s3 =	rddreg [dreg:$0x2];
	[bflag:$0x3] =	sbarrier.arrive $0xFFFF;
	s2 =	simm.s32 @!p0 $0x1C03  }
0xda: {  	[timem:s3], [sflag:s2] =	dma.local @!p0 [hbm:s0], s1  }
0xdb: {  	s0 =	simm.s32 @!p0 $0x3  }
0xdc: {  	_ =	swait.ge @!p0 [sflag:s0], s1  }
0xdd: {  	s1 =	ssub.s32 @!p0 $0x0, s1;
	[sflag:s0] =	ssyncset.done @!p0 $0x0  }
0xde: {  	[sflag:s0] =	ssyncadd.s32 @!p0 s1  }
0xdf: {  	[bflag:$0x3] =	sbarrier.arrive $0xFFFF  }
0xe0: {  	_ =	shalt  }

// kernel: kernel.8.cloned.1.call-start
scs
__scs_entry_jumppad:
0x0: {  	(pc) =	sbr.rel $0x88, $3  }
0x1: {  	(tag) =	ssettag $0x0;
	lr =	simm.s32 $0x1  }
0x2: {  	[smem:$0x3F9B] =	sst lr;
	_ =	strace $0xD0000000  }
0x3: {  	_ = 	snop  }
0x4: {  	_ = 	snop  }
0x5: {  	_ = 	snop  }
0x6: {  	_ = 	snop  }
0x7: {  	_ = 	snop  }
__scs_overlays_trampoline_lowered:
0x8: {  	[smem:$0x3FAA] =	sst s0  }
0x9: {  	[smem:$0x3FAB] =	sst s1  }
0xa: {  	[smem:$0x3FAC] =	sst s2  }
0xb: {  	[smem:$0x3FAD] =	sst s3  }
0xc: {  	[smem:$0x3FAE] =	sst s4  }
0xd: {  	[smem:$0x3FAF] =	sst s5  }
0xe: {  	[smem:$0x3FB0] =	sst s6  }
0xf: {  	[smem:$0x3FB1] =	sst s7  }
0x10: {  	[smem:$0x3FB2] =	sst s8  }
0x11: {  	[smem:$0x3FB3] =	sst s9;
	s0 =	simm.s32 @!p0 $0x0  }
0x12: {  	s1 =	sld [smem:$0x3F99];
	s0 =	simm.s32 @p0 $0x1  }
0x13: {  	[smem:$0x3FB4] =	sst s0;
	s0 =	simm.s32 @!p1 $0x0  }
0x14: {  	s2 =	sld [smem:$0x3F98];
	s0 =	simm.s32 @p1 $0x1  }
0x15: {  	[smem:$0x3FB5] =	sst s0;
	s0 =	simm.s32 @!p2 $0x0  }
0x16: {  	s3 =	sld [smem:$0x3FDB];
	s0 =	simm.s32 @p2 $0x1  }
0x17: {  	s4 =	simm.s32 $0x1BF5;
	[smem:$0x3FB7] =	sst s0  }
0x18: {  	s0 =	sld [smem:$0x3F9A];
	_ =	swait.ge [sflag:s4], $0x0  }
0x19: {  	s7 =	sld [smem:$0x3F9B]  }
0x1a: {  	s8 =	sadd.s32 $0xFFFFE003, lr  }
0x1b: {  	s9 =	sadd.s32 $0xFFFFFEF7, lr;
	s5 =	simm.s32 $0xFFFFFFFF;
	p2 =	slt.u32 s8, $0xFFFFF086  }
0x1c: {  	p1 =	slt.u32 s9, $0xF7A;
	s5 =	simm.s32 @!p2 $0x0  }
0x1d: {  	s5 =	simm.s32 @p1 $0x1;
	p0 =	seq.s32 s7, s2  }
0x1e: {  	s7 =	smul.u32 @!p0 $0xF7A, s2;
	p2 =	seq.s32 @!p0 s5, $0x0  }
0x1f: {  	s9 =	smul.u32 $0xF7A, s1;
	s8 =	simm.s32 @!p0 $0x1BF5;
	p2 =	por !p2, p0  }
0x20: {  	[sflag:s8] =	ssyncset.s32 @!p0 $0xFFFFF086;
	s6 =	sadd.s32 @!p0 s3, s7;
	s7 =	simm.s32 @!p0 $0x108  }
0x21: {  	s3 =	sadd.s32 s3, s9;
	s6 =	sadd.s32 @!p0 $0x88, s6;
	s7 =	simm.s32 @p2 $0x1082  }
0x22: {  	[simem:s7], [sflag:s8] =	dma.local @!p0 [hbm:s6], $0xF7A  }
0x23: {  	s9 =	sor.u32 $0xD0000000, s2;
	s6 =	simm.s32 $0x108;
	_ =	swait.ge @!p0 [sflag:s8], $0x0  }
0x24: {  	s3 =	sadd.s32 $0x88, s3;
	s6 =	simm.s32 @!p1 $0x1082;
	[sflag:s4] =	ssyncset.s32 $0xFFFFF086  }
0x25: {  	[simem:s6], [sflag:s4] =	dma.local [hbm:s3], $0xF7A  }
0x26: {  	[smem:$0x3F9B] =	sst s1;
	(tag) =	ssettag s2;
	_ =	strace s9  }
0x27: {  	s1 =	sld [smem:$0x3FAB]  }
0x28: {  	s2 =	sld [smem:$0x3FAC]  }
0x29: {  	s4 =	sld [smem:$0x3FAE]  }
0x2a: {  	p0 =	seq.s32 s5, $0x0;
	s5 =	sld [smem:$0x3FAF]  }
0x2b: {  	s6 =	sld [smem:$0x3FB0]  }
0x2c: {  	s7 =	sld [smem:$0x3FB1]  }
0x2d: {  	s3 =	simm.s32 $0x108;
	s8 =	sld [smem:$0x3FB2]  }
0x2e: {  	s3 =	simm.s32 @!p0 $0x1082;
	s9 =	sld [smem:$0x3FB3]  }
0x2f: {  	lr =	sadd.s32 s0, s3;
	s0 =	sld [smem:$0x3FAA]  }
0x30: {  	s3 =	sld [smem:$0x3FAD]  }
0x31: {  	[smem:$0x3FB6] =	sst s10  }
0x32: {  	s10 =	sld [smem:$0x3FB4];
	_ =	sdelay $0x3  }
0x33: {  	p0 =	seq.s32 s10, $0x1;
	s10 =	sld [smem:$0x3FB6];
	_ =	sdelay $0x3  }
0x34: {  	[smem:$0x3FB6] =	sst s10  }
0x35: {  	s10 =	sld [smem:$0x3FB5];
	_ =	sdelay $0x3  }
0x36: {  	p1 =	seq.s32 s10, $0x1;
	s10 =	sld [smem:$0x3FB6];
	_ =	sdelay $0x3  }
0x37: {  	[smem:$0x3FB6] =	sst s10  }
0x38: {  	s10 =	sld [smem:$0x3FB7]  }
0x39: {  	_ = 	snop;
	(pc) =	sbr.ind lr, $3  }
0x3a: {  	_ = 	snop  }
0x3b: {  	_ = 	snop  }
0x3c: {  	p2 =	seq.s32 s10, $0x1;
	s10 =	sld [smem:$0x3FB6]  }
0x3d: {  	_ =	shalt  }
0x3e: {  	_ =	shalt  }
0x3f: {  	_ =	shalt  }
0x40: {  	_ =	shalt  }
0x41: {  	_ =	shalt  }
0x42: {  	_ =	shalt  }
0x43: {  	_ =	shalt  }
0x44: {  	_ =	shalt  }
0x45: {  	_ =	shalt  }
0x46: {  	_ =	shalt  }
0x47: {  	_ =	shalt  }
0x48: {  	_ =	shalt  }
0x49: {  	_ =	shalt  }
0x4a: {  	_ =	shalt  }
0x4b: {  	_ =	shalt  }
0x4c: {  	_ =	shalt  }
0x4d: {  	_ =	shalt  }
0x4e: {  	_ =	shalt  }
0x4f: {  	_ =	shalt  }
0x50: {  	_ =	shalt  }
0x51: {  	_ =	shalt  }
0x52: {  	_ =	shalt  }
0x53: {  	_ =	shalt  }
0x54: {  	_ =	shalt  }
0x55: {  	_ =	shalt  }
0x56: {  	_ =	shalt  }
0x57: {  	_ =	shalt  }
0x58: {  	_ =	shalt  }
0x59: {  	_ =	shalt  }
0x5a: {  	_ =	shalt  }
0x5b: {  	_ =	shalt  }
0x5c: {  	_ =	shalt  }
0x5d: {  	_ =	shalt  }
0x5e: {  	_ =	shalt  }
0x5f: {  	_ =	shalt  }
0x60: {  	_ =	shalt  }
0x61: {  	_ =	shalt  }
0x62: {  	_ =	shalt  }
0x63: {  	_ =	shalt  }
0x64: {  	_ =	shalt  }
0x65: {  	_ =	shalt  }
0x66: {  	_ =	shalt  }
0x67: {  	_ =	shalt  }
0x68: {  	_ =	shalt  }
0x69: {  	_ =	shalt  }
0x6a: {  	_ =	shalt  }
0x6b: {  	_ =	shalt  }
0x6c: {  	_ =	shalt  }
0x6d: {  	_ =	shalt  }
0x6e: {  	_ =	shalt  }
0x6f: {  	_ =	shalt  }
0x70: {  	_ =	shalt  }
0x71: {  	_ =	shalt  }
0x72: {  	_ =	shalt  }
0x73: {  	_ =	shalt  }
0x74: {  	_ =	shalt  }
0x75: {  	_ =	shalt  }
0x76: {  	_ =	shalt  }
0x77: {  	_ =	shalt  }
0x78: {  	_ =	shalt  }
0x79: {  	_ =	shalt  }
0x7a: {  	_ =	shalt  }
0x7b: {  	_ =	shalt  }
0x7c: {  	_ =	shalt  }
0x7d: {  	_ =	shalt  }
0x7e: {  	_ =	shalt  }
0x7f: {  	_ =	shalt  }
0x80: {  	_ =	shalt  }
0x81: {  	_ =	shalt  }
0x82: {  	_ =	shalt  }
0x83: {  	_ =	shalt  }
0x84: {  	_ =	shalt  }
0x85: {  	_ =	shalt  }
0x86: {  	_ =	shalt  }
0x87: {  	_ =	shalt  }
.Lfunc_end0:
.L_simem_size_0:
called_computation_lowered:
.L_overlay_start_0:
0x88: {  	s2 =	sld [smem:$0x3FD9]  }
0x89: {  	s3 =	sld [smem:$0x3FFE];
	_ =	sdelay $0x1  }
0x8a: {  	s1 =	srdreg.scid  }
0x8b: {  	s0 =	sand.u32 $0x1, s1  }
0x8c: {  	s17 =	sshll.u32 s0, $0xA;
	s2 =	sadd.s32 s3, s2  }
0x8d: {  	s2 =	sadd.s32 s2, s17  }
0x8e: {  	[smem:$0x3FC2] =	sst s2  }
0x8f: {  	_ = 	snop  }
0x90: {  	s2 =	sld [smem:$0x3FD0];
	(tm) =	ssettm $0x1  }
0x91: {  	s18 =	sld [smem:$0x3FFB];
	_ =	sdelay $0x3  }
0x92: {  	_ =	strace s18  }
0x93: {  	s3 =	sld [smem:$0x3FFC];
	_ =	sdelay $0x3  }
0x94: {  	_ =	strace s3  }
0x95: {  	s3 =	sld [smem:$0x3FFD];
	_ =	sdelay $0x3  }
0x96: {  	_ =	strace s3  }
0x97: {  	_ =	strace $0x8FFFFFFF  }
0x98: {  	s19 =	sld [smem:$0x3FDB];
	_ =	sdelay $0x1  }
0x99: {  	s4 =	simm.s32 $_scs_section_size  }
0x9a: {  	s5 =	simm.s32 $_size__tile_overlayer_lowered;
	s6 =	simm.s32 $_tile_overlayer_lowered  }
0x9b: {  	s22 =	simm.s32 $0x1BFF;
	s21 =	sshll.u32 s6, $0x1;
	s3 =	sadd.s32 s4, s19  }
0x9c: {  	s7 =	simm.s32 $0x0;
	s20 =	sshll.u32 s5, $0x1;
	s5 =	sadd.s32 s21, s3  }
0x9d: {  	[timem:s7], [sflag:s22] =	dma.local [hbm:s5], s20  }
0x9e: {  	_ =	swait.ge [sflag:s22], s20  }
0x9f: {  	s4 =	ssub.s32 $0x0, s20;
	[sflag:s22] =	ssyncset.done $0x0  }
0xa0: {  	[sflag:s22] =	ssyncadd.s32 s4;
	_ =	sdelay $0x1  }
0xa1: {  	s23 =	simm.s32 $0x1B8B  }
0xa2: {  	_ =	swait.ge [sflag:s23], $0x1  }
0xa3: {  	[sflag:s23] =	ssyncset.done $0x0  }
0xa4: {  	s25 =	simm.s32 $0x1B8E;
	s24 =	sld [smem:$0x3FFE];
	[sflag:s23] =	ssyncadd.s32 $0xFFFFFFFF  }
0xa5: {  	s26 =	simm.s32 $execute0_lowered;
	[smem:$0x3FD2] =	sst s25  }
0xa6: {  	s5 =	sshll.u32 s26, $0x1;
	_ =	strace $0x80000046;
	[dreg:$0x1] =	wrdreg $0xFFFFFFFF  }
0xa7: {  	s28 =	simm.s32 $_size_execute0_lowered;
	s3 =	sadd.s32 s3, s5;
	[dreg:$0x0] =	wrdreg $0x0  }
0xa8: {  	s5 =	sshll.u32 s28, $0x1;
	[dreg:$0x2] =	wrdreg s3  }
0xa9: {  	[dreg:$0x3] =	wrdreg s5  }
0xaa: {  	[dreg:$0x4] =	wrdreg $0xC0  }
0xab: {  	_ =	task [dreg:s7], $0x5FFFF  }
0xac: {  	[dreg:$0x1] =	wrdreg $0xFFFFFFFF  }
0xad: {  	[dreg:$0x0] =	wrdreg $0x60  }
0xae: {  	[dreg:$0x2] =	wrdreg s24  }
0xaf: {  	[dreg:$0x3] =	wrdreg s2  }
0xb0: {  	[dreg:$0x4] =	wrdreg $0x34800  }
0xb1: {  	[dreg:$0x5] =	wrdreg $0x9  }
0xb2: {  	_ =	task.clear_ibuf [dreg:s7], $0x6FFFF;
	_ =	strace $0x90000046  }
0xb3: {  	s29 =	simm.s32 $0x9;
	_ =	strace $0x80000048  }
0xb4: {  	_ =	swait.ge [sflag:s29], $0x1  }
0xb5: {  	[sflag:s29] =	ssyncadd.s32 $0xFFFFFFFF  }
0xb6: {  	_ =	strace $0x90000048  }
0xb7: {  	_ =	sfence  }
0xb8: {  	s30 =	sld [smem:$0x0];
	_ =	sdelay $0x2  }
0xb9: {  	s31 =	sshll.u32 s1, $0xD;
	s1 =	sshrl.u32 s1, $0x2  }
0xba: {  	s3 =	sand.u32 $0x4000, s31;
	s1 =	sadd.s32 s1, s30  }
0xbb: {  	s0 =	sor.u32 s3, s0;
	s1 =	sshll.u32 s1, $0x11  }
0xbc: {  	s0 =	sor.u32 s1, s0  }
0xbd: {  	s0 =	sadd.s32 $0x8F2B, s0  }
0xbe: {  	[sflag:s0] =	ssyncadd.remote.s32 $0x1  }
0xbf: {  	_ =	sfence.sel $0xFFFF  }
0xc0: {  	[dreg:$0x0] =	wrdreg $0xFFFFFFFF;
	(pc) =	sbr.abs _section_cstart, $3  }
0xc1: {  	[dreg:$0x1] =	wrdreg $0xFFFFFFFF  }
0xc2: {  	_ =	task.clear_ibuf [dreg:s7], $0x2FFFF;
	_ =	strace $0x9FFFFFFF  }
0xc3: {  	(tm) =	ssettm $0x7FFFFFFF  }
tec
execute0_lowered:
.L_overlay_start_1:
0x0: {  	(tag) =	ssettag $0x1  }
0x1: {  	s4 =	rddreg [dreg:$0x0]  }
0x2: {  	s8 =	rddreg [dreg:$0x1]  }
0x3: {  	s1 =	rddreg [dreg:$0x2]  }
0x4: {  	s0 =	rddreg [dreg:$0x3]  }
0x5: {  	s3 =	simm.s32 $0x0;
	s5 =	srdreg.scid;
	s2 =	stileid.u32  }
0x6: {  	s13 =	simm.s32 $0x1;
	s14 =	simm.s32 $0x80;
	s15 =	simm.s32 $0x2780  }
0x7: {  	s18 =	simm.s32 $0x1FC2;
	s19 =	simm.s32 $0x0;
	[smem:$0x7FF] =	sst s3  }
0x8: {  	s5 =	sand.u32 $0x1, s5;
	s7 =	sshll.u32 s2, $0x1;
	s9 =	sadd.s32 $0xB400, s4  }
0x9: {  	p0 =	seq.s32 s2, $0xF;
	s4 =	simm.s32 $0x5;
	s12 =	smul.u32 $0x2800, s2  }
0xa: {  	s31 =	smul.u32 $0xA000, s2;
	s17 =	sadd.s32 $0x25800, s1;
	p1 =	sgt.u32 s2, $0x1  }
0xb: {  	_ =	strace $0x80000047;
	s6 =	ssub.s32 $0x2, s5;
	s7 =	sor.u32 s5, s7  }
0xc: {  	s11 =	smul.u32 $0x27100, s5;
	s4 =	simm.s32 @!p0 $0x8;
	s17 =	sshrl.u32 s17, $0x3  }
0xd: {  	s26 =	sshrl.u32 s6, $0x1;
	s28 =	smul.u32 $0x4E0, s7;
	s7 =	sshll.u32 s7, $0x4  }
0xe: {  	s16 =	sadd.s32 s12, s1;
	s10 =	ssub.s32 s6, s26;
	s7 =	sadd.s32 s7, s9  }
.Ltmp0:
0xf: {  	s29 =	sshrl.u32 s11, $0x3;
	s30 =	sadd.s32 s12, s11;
	(pc) =	sbr.rel .LBB2_1-.Ltmp0, $4  }
0x10: {  	s11 =	sshrl.u32 s31, $0x2;
	s12 =	simm.s32 $0x2;
	s5 =	sadd.s32 s9, s28  }
0x11: {  	s6 =	sadd.s32 $0x9C00, s7;
	s7 =	sadd.s32 s8, s29;
	s9 =	sshrl.u32 s30, $0x3  }
0x12: {  	s16 =	sshrl.u32 s16, $0x3;
	s7 =	sadd.s32 $0x4B00, s7;
	s8 =	sadd.s32 s8, s9  }
0x13: {  	v0 =	vimm.f32 $1.000000000e+00;
	v1 =	vimm.f32 $0.0e+00;
	s9 =	smax.u32 s10, $0x1;
	s10 =	sadd.s32 s11, s1;
	s11 =	simm.s32 $0x2F80  }
.LBB2_15:
0x14: {  	[hbm:s7], [sflag:s18] =	dma.local [spmem:s17], $0x320  }
0x15: {  	_ =	swait.ge [sflag:s12], $0x320  }
0x16: {  	[sflag:s12] =	ssyncset.done $0x0  }
0x17: {  	[sflag:s12] =	ssyncadd.s32 $0xFFFFFCE0  }
.LBB2_16:
0x18: {  	s19 =	sadd.s32 $0x1, s19  }
0x19: {  	p2 =	sne.s32 s19, s9  }
.Ltmp1:
0x1a: {  	_ = 	snop;
	(pc) =	sbr.rel @!p2 .LBB2_17-.Ltmp1, $1  }
0x1b: {  	_ =	sdelay $0x3  }
.LBB2_1:
0x1c: {  	s20 =	simm.s32 $0x0  }
.LBB2_2:
0x1d: {  	p2 =	sne.s32 s20, $0x1FC0  }
.Ltmp2:
0x1e: {  	_ = 	snop;
	(pc) =	sbr.rel @p2 .LBB2_2-.Ltmp2, $3  }
0x1f: {  	_ =	sdelay $0x1  }
0x20: {  	s21 =	sshra.s32 s20, $0x2  }
0x21: {  	s20 =	sadd.s32 $0x40, s20;
	[tilespmem:s21+$0x2780] =	vst v0  }
0x22: {  	s20 =	simm.s32 $0x40;
	s21 =	simm.s32 $0x0  }
.LBB2_4:
0x23: {  	p2 =	sne.s32 s20, $0x13C0;
	[tilespmem:s21+$0x2F80] =	vst v1;
	s21 =	smov.u32 s20;
	s20 =	sadd.s32 $0x40, s20  }
.Ltmp3:
0x24: {  	(pc) =	sbr.rel @p2 .LBB2_4-.Ltmp3, $2  }
0x25: {  	_ =	sdelay $0x2  }
0x26: {  	s21 =	sshra.s32 s21, $0x2  }
0x27: {  	p2 =	sne.s32 s4, $0x1  }
.Ltmp4:
0x28: {  	_ = 	snop;
	(pc) =	sbr.rel @!p2 .LBB2_7-.Ltmp4, $3  }
0x29: {  	_ =	sdelay $0x1  }
0x2a: {  	[tilespmem:s21+$0x2F80] =	vst v1;
	s20 =	sadd.s32 $0xFFFFFFFF, s4;
	s21 =	smov.u32 s10  }
0x2b: {  	[spmem:s10] =	stream.linear.scatter [tilespmem:s11], [sflag:$0x1], $0x500, $0x38;
	[tilespmem:$0x5B90] =	vst v63  }
.LBB2_6:
0x2c: {  	p3 =	sne.s32 s20, $0x1  }
.Ltmp5:
0x2d: {  	_ = 	snop;
	(pc) =	sbr.rel @p3 .LBB2_6-.Ltmp5, $3  }
0x2e: {  	_ = 	snop  }
0x2f: {  	s20 =	sadd.s32 $0xFFFFFFFF, s20;
	s21 =	sadd.s32 $0x500, s21;
	_ =	sdelay $0x1  }
0x30: {  	[spmem:s21] =	stream.linear.scatter [tilespmem:s11], [sflag:$0x1], $0x500, $0x38;
	[tilespmem:$0x5B90] =	vst v63  }
.LBB2_7:
0x31: {  	[tilespmem:s3], [sflag:$0x2] =	stream.linear.gather [hbm4b:s5+s3], $0x2700, $0x38;
	[tilespmem:$0x5B90] =	vst v63  }
0x32: {  	_ =	swait.ge [sflag:s12], $0x2700  }
0x33: {  	[sflag:s12] =	ssyncset.done $0x0  }
0x34: {  	s20 =	simm.s32 @!p1 $0x0;
	s21 =	simm.s32 @!p1 $0x2700;
	[sflag:s12] =	ssyncadd.s32 $0xFFFFD900  }
0x35: {  	[tilespmem:s21], [sflag:$0x2] =	stream.linear.gather @!p1 [hbm4b:s6+s20], $0x80, $0x38;
	[tilespmem:$0x5B90] =	vst v63  }
0x36: {  	s20 =	simm.s32 @!p1 $0x2  }
.Ltmp6:
0x37: {  	_ =	swait.ge @!p1 [sflag:s20], $0x80;
	(pc) =	sbr.rel @!p2 .LBB2_9-.Ltmp6, $4  }
0x38: {  	[sflag:s20] =	ssyncset.done @!p1 $0x0  }
0x39: {  	[sflag:s20] =	ssyncadd.s32 @!p1 $0xFFFFFF80  }
0x3a: {  	_ =	swait.ge [sflag:s13], $0x500  }
0x3b: {  	s20 =	sadd.s32 $0xFFFFFFFF, s4;
	[sflag:s13] =	ssyncset.done $0x0  }
.LBB2_8:
0x3c: {  	p2 =	sne.s32 s20, $0x1;
	s20 =	sadd.s32 $0xFFFFFFFF, s20;
	[sflag:s13] =	ssyncadd.s32 $0xFFFFFB00  }
.Ltmp7:
0x3d: {  	(pc) =	sbr.rel @p2 .LBB2_8-.Ltmp7, $3  }
0x3e: {  	_ =	sdelay $0x1  }
0x3f: {  	_ =	swait.ge [sflag:s13], $0x500  }
0x40: {  	[sflag:s13] =	ssyncset.done $0x0  }
.LBB2_9:
0x41: {  	[sflag:s13] =	ssyncadd.s32 $0xFFFFFB00;
	p2 =	por $0x1, $0x1  }
0x42: {  	s20 =	simm.s32 $0x0;
	[bflag:$0x0] =	sbarrier.arrive $0xFFFF;
	s22 =	simm.s32 @!p2 $0x1  }
0x43: {  	[spmem:s1] =	stream.indirect.scatter.add.f32 [tilespmem:s15], [sflag:$0x1], $0x10, s20, s14, $0xb8;
	[tilespmem:$0x5B90] =	vst v63  }
0x44: {  	_ =	swait.ge @!p2 [sflag:s22], $0x800  }
0x45: {  	s21 =	simm.s32 $0x1;
	[sflag:s22] =	ssyncset.done @!p2 $0x0  }
.LBB2_10:
0x46: {  	[sflag:s22] =	ssyncadd.s32 @!p2 $0xFFFFF800  }
0x47: {  	s20 =	sadd.s32 $0x80, s20;
	s22 =	smov.u32 s21;
	s21 =	sadd.s32 $0x1, s21  }
0x48: {  	p3 =	sne.s32 s21, $0x4E  }
0x49: {  	[spmem:s1] =	stream.indirect.scatter.add.f32 [tilespmem:s15], [sflag:$0x1], $0x10, s20, s14, $0xb8;
	[tilespmem:$0x5B90] =	vst v63  }
.Ltmp8:
0x4a: {  	_ = 	snop;
	(pc) =	sbr.rel @p3 .LBB2_10-.Ltmp8, $4  }
0x4b: {  	p2 =	slt.u32 s22, $0x10  }
0x4c: {  	s22 =	simm.s32 @!p2 $0x1  }
0x4d: {  	_ =	swait.ge @!p2 [sflag:s22], $0x800  }
0x4e: {  	[sflag:s22] =	ssyncset.done @!p2 $0x0  }
0x4f: {  	[sflag:s22] =	ssyncadd.s32 @!p2 $0xFFFFF800  }
0x50: {  	s20 =	simm.s32 @!p1 $0x80;
	s21 =	simm.s32 @!p1 $0x2700;
	s22 =	simm.s32 @!p1 $0x2780  }
0x51: {  	[spmem:s1] =	stream.indirect.scatter.add.f32 @!p1 [tilespmem:s22], [sflag:$0x1], $0x10, s21, s20, $0xb8;
	[tilespmem:$0x5B90] =	vst v63  }
0x52: {  	_ =	swait.ge [sflag:s13], $0x800  }
0x53: {  	[sflag:s13] =	ssyncset.done $0x0  }
0x54: {  	[sflag:s13] =	ssyncadd.s32 $0xFFFFF800  }
0x55: {  	_ =	swait.ge [sflag:s13], $0x800  }
0x56: {  	[sflag:s13] =	ssyncset.done $0x0  }
0x57: {  	[sflag:s13] =	ssyncadd.s32 $0xFFFFF800  }
0x58: {  	_ =	swait.ge [sflag:s13], $0x800  }
0x59: {  	[sflag:s13] =	ssyncset.done $0x0  }
0x5a: {  	[sflag:s13] =	ssyncadd.s32 $0xFFFFF800  }
0x5b: {  	_ =	swait.ge [sflag:s13], $0x800  }
0x5c: {  	[sflag:s13] =	ssyncset.done $0x0  }
0x5d: {  	[sflag:s13] =	ssyncadd.s32 $0xFFFFF800  }
0x5e: {  	_ =	swait.ge [sflag:s13], $0x800  }
0x5f: {  	[sflag:s13] =	ssyncset.done $0x0  }
0x60: {  	[sflag:s13] =	ssyncadd.s32 $0xFFFFF800  }
0x61: {  	_ =	swait.ge [sflag:s13], $0x800  }
0x62: {  	[sflag:s13] =	ssyncset.done $0x0  }
0x63: {  	[sflag:s13] =	ssyncadd.s32 $0xFFFFF800  }
0x64: {  	_ =	swait.ge [sflag:s13], $0x800  }
0x65: {  	[sflag:s13] =	ssyncset.done $0x0  }
0x66: {  	[sflag:s13] =	ssyncadd.s32 $0xFFFFF800  }
0x67: {  	_ =	swait.ge [sflag:s13], $0x800  }
0x68: {  	[sflag:s13] =	ssyncset.done $0x0  }
0x69: {  	[sflag:s13] =	ssyncadd.s32 $0xFFFFF800  }
0x6a: {  	_ =	swait.ge [sflag:s13], $0x800  }
0x6b: {  	[sflag:s13] =	ssyncset.done $0x0  }
0x6c: {  	[sflag:s13] =	ssyncadd.s32 $0xFFFFF800  }
0x6d: {  	_ =	swait.ge [sflag:s13], $0x800  }
0x6e: {  	[sflag:s13] =	ssyncset.done $0x0  }
0x6f: {  	[sflag:s13] =	ssyncadd.s32 $0xFFFFF800  }
0x70: {  	_ =	swait.ge [sflag:s13], $0x800  }
0x71: {  	[sflag:s13] =	ssyncset.done $0x0  }
0x72: {  	[sflag:s13] =	ssyncadd.s32 $0xFFFFF800  }
0x73: {  	_ =	swait.ge [sflag:s13], $0x800  }
0x74: {  	[sflag:s13] =	ssyncset.done $0x0  }
0x75: {  	[sflag:s13] =	ssyncadd.s32 $0xFFFFF800  }
0x76: {  	_ =	swait.ge [sflag:s13], $0x800  }
0x77: {  	[sflag:s13] =	ssyncset.done $0x0  }
0x78: {  	[sflag:s13] =	ssyncadd.s32 $0xFFFFF800  }
0x79: {  	_ =	swait.ge [sflag:s13], $0x800  }
0x7a: {  	[sflag:s13] =	ssyncset.done $0x0  }
0x7b: {  	[sflag:s13] =	ssyncadd.s32 $0xFFFFF800  }
0x7c: {  	_ =	swait.ge [sflag:s13], $0x800  }
.Ltmp9:
0x7d: {  	[sflag:s13] =	ssyncset.done $0x0;
	(pc) =	sbr.rel @p1 .LBB2_13-.Ltmp9, $4  }
0x7e: {  	[sflag:s13] =	ssyncadd.s32 $0xFFFFF800  }
0x7f: {  	_ =	swait.ge [sflag:s13], $0x800  }
0x80: {  	[sflag:s13] =	ssyncset.done $0x0  }
0x81: {  	[sflag:s13] =	ssyncadd.s32 $0xFFFFF800  }
.Ltmp10:
0x82: {  	_ =	swait.ge [sflag:s13], $0x800;
	(pc) =	sbr.rel .LBB2_14-.Ltmp10, $3  }
0x83: {  	[sflag:s13] =	ssyncset.done $0x0  }
0x84: {  	[sflag:s13] =	ssyncadd.s32 $0xFFFFF800  }
0x85: {  	[bflag:$0x0] =	sbarrier.arrive $0xFFFF;
	_ =	sdelay $0x1  }
.LBB2_13:
.Ltmp11:
0x86: {  	(pc) =	sbr.rel @p0 .LBB2_15-.Ltmp11, $2  }
0x87: {  	_ =	sdelay $0x1  }
0x88: {  	[bflag:$0x0] =	sbarrier.arrive $0xFFFF;
	_ =	sdelay $0x1  }
.LBB2_14:
0x89: {  	s20 =	sshll.u32 s2, $0x6  }
.Ltmp12:
0x8a: {  	s20 =	sor.u32 $0x1C02, s20;
	(pc) =	sbr.rel .LBB2_16-.Ltmp12, $4  }
0x8b: {  	[hbm:s8], [sflag:s20] =	dma.local [spmem:s16], $0x500  }
0x8c: {  	_ =	swait.ge [sflag:s12], $0x500  }
0x8d: {  	[sflag:s12] =	ssyncset.done $0x0  }
0x8e: {  	[sflag:s12] =	ssyncadd.s32 $0xFFFFFB00  }
.LBB2_17:
0x8f: {  	_ =	sfence.sel $0x180000  }
0x90: {  	[bflag:$0x0] =	sbarrier.arrive $0xFFFF  }
0x91: {  	p0 =	sne.s32 s2, $0x0;
	_ =	strace $0x90000047  }
0x92: {  	s0 =	sadd.s32 @!p0 $0x100000, s0;
	[bflag:$0x2] =	sbarrier.arrive $0xFFFF  }
0x93: {  	[sflag:s0] =	ssyncadd.tile.s32 @!p0 $0x1;
	_ =	shalt  }
.Lfunc_end2:
_tile_overlayer_lowered:
.L_overlay_start_2:
0x94: {  	(tag) =	ssettag $0x2  }
0x95: {  	s0 =	rddreg [dreg:$0x0];
	s2 =	stileid.u32  }
0x96: {  	s1 =	rddreg [dreg:$0x1];
	p0 =	sne.s32 s2, $0x0  }
0x97: {  	s3 =	rddreg [dreg:$0x2];
	[bflag:$0x3] =	sbarrier.arrive $0xFFFF;
	s2 =	simm.s32 @!p0 $0x1C02  }
0x98: {  	[timem:s3], [sflag:s2] =	dma.local @!p0 [hbm:s0], s1  }
0x99: {  	s0 =	simm.s32 @!p0 $0x2  }
0x9a: {  	_ =	swait.ge @!p0 [sflag:s0], s1  }
0x9b: {  	s1 =	ssub.s32 @!p0 $0x0, s1;
	[sflag:s0] =	ssyncset.done @!p0 $0x0  }
0x9c: {  	[sflag:s0] =	ssyncadd.s32 @!p0 s1  }
0x9d: {  	[bflag:$0x3] =	sbarrier.arrive $0xFFFF  }
0x9e: {  	_ =	shalt  }

</sc_bundles>
